<compile_context>
chip_gen: v7x
topology: tpu7x:2x2x1
jax: 0.10.2.dev20260603
libtpu: 0.0.44.dev20260713+nightly
codegen_flags: <defaults>
</compile_context>

<pallas_src>
import functools
import math

import jax
import jax.numpy as jnp
from jax import lax
from jax.experimental import pallas as pl
from jax.experimental.pallas import tpu as pltpu
from jax.experimental.pallas import tpu_sc as plsc

_NC, _NS = 2, 16
_N_CLS = 40
_CP = 48
_R = 1000
_CH = 128
_CE = 112


def _mesh():
    return plsc.VectorSubcoreMesh(core_axis_name="c", subcore_axis_name="s")


def _make_deg(n_rows_pad, n_chunks, rows_per_tile):

    @functools.partial(
        pl.kernel,
        out_type=jax.ShapeDtypeStruct((_NC, n_rows_pad, 16), jnp.float32),
        mesh=_mesh(),
        scratch_types=[
            pltpu.VMEM((n_chunks, _CH), jnp.int32),
            pltpu.VMEM((_CH, 16), jnp.float32),
            pltpu.VMEM((128, 16), jnp.float32),
            pltpu.VMEM_SHARED((n_rows_pad, 16), jnp.float32),
        ],
        compiler_params=pltpu.CompilerParams(use_tc_tiling_on_sc=False),
    )
    def k(dst_hbm, ones_hbm, zeros_hbm, out_hbm, dst_v, ones_v, zbuf, acc):
        c = lax.axis_index("c")
        s = lax.axis_index("s")
        wid = c * _NS + s
        pltpu.sync_copy(dst_hbm.at[wid], dst_v)
        pltpu.sync_copy(ones_hbm, ones_v)
        pltpu.sync_copy(zeros_hbm, zbuf)
        base = s * rows_per_tile
        for kk in range(rows_per_tile // 128):
            pltpu.sync_copy(zbuf, acc.at[pl.ds(base + kk * 128, 128)])
        plsc.subcore_barrier()

        def body(j, carry):
            pltpu.sync_copy(ones_v, acc.at[dst_v.at[j]], add=True)
            return carry

        lax.fori_loop(0, n_chunks, body, 0)
        plsc.subcore_barrier()
        for kk in range(rows_per_tile // 128):
            pltpu.sync_copy(acc.at[pl.ds(base + kk * 128, 128)], zbuf)
            pltpu.sync_copy(zbuf, out_hbm.at[c, pl.ds(base + kk * 128, 128)])

    return k


def _make_edge_scatter(n_rows_pad, width, n_chunks, rows_per_tile):
    win = 8
    nwin = n_chunks // win

    @functools.partial(
        pl.kernel,
        out_type=jax.ShapeDtypeStruct((_NC, n_rows_pad, width), jnp.float32),
        mesh=_mesh(),
        scratch_types=[
            pltpu.VMEM((win, 128), jnp.int32),
            pltpu.VMEM((win, 128), jnp.int32),
            pltpu.VMEM((_CE, width), jnp.float32),
            pltpu.VMEM((_CE, width), jnp.float32),
            pltpu.VMEM((_CE, width), jnp.float32),
            pltpu.VMEM_SHARED((n_rows_pad, width), jnp.float32),
            pltpu.SemaphoreType.DMA,
            pltpu.SemaphoreType.DMA,
            pltpu.SemaphoreType.DMA,
            pltpu.SemaphoreType.DMA,
            pltpu.SemaphoreType.DMA,
            pltpu.SemaphoreType.DMA,
        ],
        compiler_params=pltpu.CompilerParams(use_tc_tiling_on_sc=False),
    )
    def k(y_hbm, src_hbm, dst_hbm, zeros_hbm, out_hbm, src_v, dst_v,
          buf0, buf1, buf2, acc, g0, g1, g2, s0, s1, s2):
        c = lax.axis_index("c")
        s = lax.axis_index("s")
        wid = c * _NS + s
        bufs = (buf0, buf1, buf2)
        gsem = (g0, g1, g2)
        ssem = (s0, s1, s2)
        pltpu.sync_copy(zeros_hbm, buf0.at[pl.ds(0, 64)])
        base = s * rows_per_tile
        for kk in range(rows_per_tile // 64):
            pltpu.sync_copy(buf0.at[pl.ds(0, 64)], acc.at[pl.ds(base + kk * 64, 64)])
        plsc.subcore_barrier()

        def wbody(w, carry):
            pltpu.sync_copy(src_hbm.at[wid, pl.ds(w * win, win)], src_v)
            pltpu.sync_copy(dst_hbm.at[wid, pl.ds(w * win, win)], dst_v)
            g = [None, None, None]
            sc = [None, None, None]
            g[0] = pltpu.async_copy(
                y_hbm.at[src_v.at[0, pl.ds(0, _CE)]], bufs[0], gsem[0])
            g[1] = pltpu.async_copy(
                y_hbm.at[src_v.at[1, pl.ds(0, _CE)]], bufs[1], gsem[1])
            for t in range(win):
                b = t % 3
                if t + 2 < win:
                    nb = (t + 2) % 3
                    if sc[nb] is not None:
                        sc[nb].wait()
                        sc[nb] = None
                    g[nb] = pltpu.async_copy(
                        y_hbm.at[src_v.at[t + 2, pl.ds(0, _CE)]], bufs[nb],
                        gsem[nb])
                g[b].wait()
                pb = (t + 2) % 3
                if sc[pb] is not None:
                    sc[pb].wait()
                    sc[pb] = None
                sc[b] = pltpu.async_copy(
                    bufs[b], acc.at[dst_v.at[t, pl.ds(0, _CE)]], ssem[b],
                    add=True)
            for b in range(3):
                if sc[b] is not None:
                    sc[b].wait()
            return carry

        lax.fori_loop(0, nwin, wbody, 0)
        plsc.subcore_barrier()
        for kk in range(rows_per_tile // 64):
            pltpu.sync_copy(acc.at[pl.ds(base + kk * 64, 64)], buf0.at[pl.ds(0, 64)])
            pltpu.sync_copy(buf0.at[pl.ds(0, 64)], out_hbm.at[c, pl.ds(base + kk * 64, 64)])

    return k


def _tc1_body(x_ref, w1t_ref, b1_ref, phi1t_ref, deg_ref, h_ref, y_ref):
    h = jnp.maximum(
        jnp.dot(x_ref[...], w1t_ref[...], preferred_element_type=jnp.float32)
        + b1_ref[...], 0.0)
    d = deg_ref[...]
    dis = lax.rsqrt(d[0] + d[1] + 1.0)
    y_ref[...] = jnp.dot(h, phi1t_ref[...], preferred_element_type=jnp.float32) * dis
    h_ref[...] = h


def _tc1(x, w1t, b1, phi1t, degp):
    n, dd = x.shape
    npad = degp.shape[1]
    return pl.pallas_call(
        _tc1_body,
        grid=(n // _R,),
        in_specs=[
            pl.BlockSpec((_R, dd), lambda i: (i, 0)),
            pl.BlockSpec((dd, dd), lambda i: (0, 0)),
            pl.BlockSpec((1, dd), lambda i: (0, 0)),
            pl.BlockSpec((dd, dd), lambda i: (0, 0)),
            pl.BlockSpec((_NC, _R, 1), lambda i: (0, i, 0)),
        ],
        out_specs=[pl.BlockSpec((_R, dd), lambda i: (i, 0))] * 2,
        out_shape=[jax.ShapeDtypeStruct((n, dd), jnp.float32),
                   jax.ShapeDtypeStruct((npad, dd), jnp.float32)],
    )(x, w1t, b1, phi1t, degp)


def _tc2_body(h_ref, y1_ref, z_ref, deg_ref, aw1t_ref, cb1_ref, w2t_ref,
              b2_ref, phi2t_ref, g_ref, y2_ref):
    d = deg_ref[...]
    dis = lax.rsqrt(d[0] + d[1] + 1.0)
    z = z_ref[...]
    h = h_ref[...]
    gcn = (z[0] + z[1] + y1_ref[...]) * dis
    h2 = h + 0.1 * jnp.tanh(
        jnp.dot(h, aw1t_ref[...], preferred_element_type=jnp.float32)
        + gcn + cb1_ref[...])
    g = jnp.dot(h2, w2t_ref[...], preferred_element_type=jnp.float32) + b2_ref[...]
    y2_ref[...] = jnp.dot(g, phi2t_ref[...], preferred_element_type=jnp.float32) * dis
    g_ref[...] = g


def _tc2(h, y1, z1, degp, aw1t, cb1, w2t, b2, phi2t):
    n, dd = h.shape
    npad = degp.shape[1]
    return pl.pallas_call(
        _tc2_body,
        grid=(n // _R,),
        in_specs=[
            pl.BlockSpec((_R, dd), lambda i: (i, 0)),
            pl.BlockSpec((_R, dd), lambda i: (i, 0)),
            pl.BlockSpec((_NC, _R, dd), lambda i: (0, i, 0)),
            pl.BlockSpec((_NC, _R, 1), lambda i: (0, i, 0)),
            pl.BlockSpec((dd, dd), lambda i: (0, 0)),
            pl.BlockSpec((1, dd), lambda i: (0, 0)),
            pl.BlockSpec((dd, _CP), lambda i: (0, 0)),
            pl.BlockSpec((1, _CP), lambda i: (0, 0)),
            pl.BlockSpec((_CP, _CP), lambda i: (0, 0)),
        ],
        out_specs=[pl.BlockSpec((_R, _CP), lambda i: (i, 0))] * 2,
        out_shape=[jax.ShapeDtypeStruct((n, _CP), jnp.float32),
                   jax.ShapeDtypeStruct((npad, _CP), jnp.float32)],
    )(h, y1, z1, degp, aw1t, cb1, w2t, b2, phi2t)


def _tc3_body(g_ref, y2_ref, z_ref, deg_ref, aw2t_ref, cb2_ref, o_ref):
    d = deg_ref[...]
    dis = lax.rsqrt(d[0] + d[1] + 1.0)
    z = z_ref[...]
    g = g_ref[...]
    gcn = (z[0] + z[1] + y2_ref[...]) * dis
    g2 = g + 0.1 * jnp.tanh(
        jnp.dot(g, aw2t_ref[...], preferred_element_type=jnp.float32)
        + gcn + cb2_ref[...])
    col = lax.broadcasted_iota(jnp.int32, g2.shape, 1)
    valid = col < _N_CLS
    m = jnp.max(jnp.where(valid, g2, -jnp.inf), axis=1, keepdims=True)
    e = jnp.where(valid, jnp.exp(g2 - m), 0.0)
    lse = m + jnp.log(jnp.sum(e, axis=1, keepdims=True))
    o_ref[...] = (g2 - lse)[:, :_N_CLS]


def _tc3(g, y2, z2, degp, aw2t, cb2):
    n = g.shape[0]
    return pl.pallas_call(
        _tc3_body,
        grid=(n // _R,),
        in_specs=[
            pl.BlockSpec((_R, _CP), lambda i: (i, 0)),
            pl.BlockSpec((_R, _CP), lambda i: (i, 0)),
            pl.BlockSpec((_NC, _R, _CP), lambda i: (0, i, 0)),
            pl.BlockSpec((_NC, _R, 1), lambda i: (0, i, 0)),
            pl.BlockSpec((_CP, _CP), lambda i: (0, 0)),
            pl.BlockSpec((1, _CP), lambda i: (0, 0)),
        ],
        out_specs=pl.BlockSpec((_R, _N_CLS), lambda i: (i, 0)),
        out_shape=jax.ShapeDtypeStruct((n, _N_CLS), jnp.float32),
    )(g, y2, z2, degp, aw2t, cb2)


def kernel(x, edge_index, lin1_W, lin1_b, conv1_W, conv1_phiW, conv1_b,
           lin2_W, lin2_b, conv2_W, conv2_phiW, conv2_b):
    n, dd = x.shape
    e = edge_index.shape[1]
    nw = _NC * _NS
    cpt = 16 * math.ceil(e / (nw * _CH * 16))
    ep = nw * _CH * cpt
    rpt = 128 * math.ceil((n + 1) / (_NS * 128))
    npad = _NS * rpt

    src = edge_index[0].astype(jnp.int32)
    dst = edge_index[1].astype(jnp.int32)
    pad = ep - e
    srcp = jnp.concatenate([src, jnp.zeros((pad,), jnp.int32)]).reshape(nw, cpt, _CH)
    dstp = jnp.concatenate([dst, jnp.full((pad,), n, jnp.int32)]).reshape(nw, cpt, _CH)

    w1t = lin1_W.T
    b1 = lin1_b.reshape(1, dd)
    phi1t = conv1_phiW.T
    aw1t = conv1_W.T - conv1_W - 0.1 * jnp.eye(dd, dtype=jnp.float32)
    cb1 = conv1_b.reshape(1, dd)
    w2t = jnp.zeros((dd, _CP), jnp.float32).at[:, :_N_CLS].set(lin2_W.T)
    b2 = jnp.zeros((1, _CP), jnp.float32).at[0, :_N_CLS].set(lin2_b)
    phi2t = jnp.zeros((_CP, _CP), jnp.float32).at[:_N_CLS, :_N_CLS].set(conv2_phiW.T)
    aw2t = jnp.zeros((_CP, _CP), jnp.float32).at[:_N_CLS, :_N_CLS].set(
        conv2_W.T - conv2_W - 0.1 * jnp.eye(_N_CLS, dtype=jnp.float32))
    cb2 = jnp.zeros((1, _CP), jnp.float32).at[0, :_N_CLS].set(conv2_b)

    ones1 = jnp.ones((_CH, 16), jnp.float32)
    zeros1 = jnp.zeros((128, 16), jnp.float32)
    zerosD = jnp.zeros((64, dd), jnp.float32)
    zerosC = jnp.zeros((64, _CP), jnp.float32)

    degp = _make_deg(npad, cpt, rpt)(dstp, ones1, zeros1)[:, :, :1]
    h, y1 = _tc1(x, w1t, b1, phi1t, degp)
    z1 = _make_edge_scatter(npad, dd, cpt, rpt)(y1, srcp, dstp, zerosD)
    g, y2 = _tc2(h, y1, z1, degp, aw1t, cb1, w2t, b2, phi2t)
    z2 = _make_edge_scatter(npad, _CP, cpt, rpt)(y2, srcp, dstp, zerosC)
    return _tc3(g, y2, z2, degp, aw2t, cb2)

# --- scband reference (transcript-rebuilt; emitter-appended) ---
"""Pipeline reference for scband-anti-symmetric-net-4320737100478 (READ-ONLY COPY).

The authoritative reference and input builder live on the scoring server;
editing this copy changes nothing except your own understanding.
"""

import jax, jax.numpy as jnp
import numpy as np

N_NODES = 10000
N_EDGES = 320000
D_FEAT = 128
HIDDEN = 128
N_CLASSES = 40


def setup_inputs(seed: int = 0) -> dict:
    key = jax.random.key(seed)
    ks = jax.random.split(key, 12)
    inp = {}
    inp['x'] = jax.random.normal(ks[0], (N_NODES, D_FEAT), dtype=jnp.float32)
    inp['edge_index'] = jax.random.randint(ks[1], (2, N_EDGES), 0, N_NODES)
    s = 0.05
    inp['lin1_W'] = jax.random.normal(ks[2], (HIDDEN, D_FEAT), dtype=jnp.float32) * s
    inp['lin1_b'] = jnp.zeros((HIDDEN,), dtype=jnp.float32)
    inp['conv1_W'] = jax.random.normal(ks[3], (HIDDEN, HIDDEN), dtype=jnp.float32) * s
    inp['conv1_phiW'] = jax.random.normal(ks[4], (HIDDEN, HIDDEN), dtype=jnp.float32) * s
    inp['conv1_b'] = jnp.zeros((HIDDEN,), dtype=jnp.float32)
    inp['lin2_W'] = jax.random.normal(ks[5], (N_CLASSES, HIDDEN), dtype=jnp.float32) * s
    inp['lin2_b'] = jnp.zeros((N_CLASSES,), dtype=jnp.float32)
    inp['conv2_W'] = jax.random.normal(ks[6], (N_CLASSES, N_CLASSES), dtype=jnp.float32) * s
    inp['conv2_phiW'] = jax.random.normal(ks[7], (N_CLASSES, N_CLASSES), dtype=jnp.float32) * s
    inp['conv2_b'] = jnp.zeros((N_CLASSES,), dtype=jnp.float32)
    return inp


def _gcn_conv(x, src, dst, phiW, n):
    # GCNConv (bias=False) with self loops and symmetric normalization
    loop = jnp.arange(n)
    s = jnp.concatenate([src, loop])
    d = jnp.concatenate([dst, loop])
    deg = jnp.zeros((n,), dtype=x.dtype).at[d].add(1.0)
    dis = jnp.where(deg > 0, 1.0 / jnp.sqrt(deg), 0.0)
    norm = dis[s] * dis[d]
    xw = x @ phiW.T
    out = jnp.zeros_like(xw).at[d].add(xw[s] * norm[:, None])
    return out


def _anti_symmetric_conv(x, src, dst, W, phiW, b, gamma=0.1, epsilon=0.1, num_iters=1):
    n, ch = x.shape
    aW = W - W.T - gamma * jnp.eye(ch, dtype=x.dtype)
    for _ in range(num_iters):
        h = _gcn_conv(x, src, dst, phiW, n)
        h = x @ aW.T + h + b
        h = jnp.tanh(h)
        x = x + epsilon * h
    return x


def reference(x, edge_index, lin1_W, lin1_b, conv1_W, conv1_phiW, conv1_b, lin2_W, lin2_b, conv2_W, conv2_phiW, conv2_b):
    # eval mode: dropout is identity
    src = edge_index[0]
    dst = edge_index[1]
    h = jax.nn.relu(x @ lin1_W.T + lin1_b)
    h = _anti_symmetric_conv(h, src, dst, conv1_W, conv1_phiW, conv1_b)
    h = h @ lin2_W.T + lin2_b
    h = _anti_symmetric_conv(h, src, dst, conv2_W, conv2_phiW, conv2_b)
    return jax.nn.log_softmax(h, axis=1)

if __name__ == "__main__":
    import jax
    _d = setup_inputs()
    print(jax.jit(kernel)(*tuple(_d.values())))

</pallas_src>

<mosaic_0001>
#map = affine_map<(d0, d1) -> (0, 0, 0)>
#map1 = affine_map<(d0, d1) -> (0, 0)>
module attributes {stable_mosaic.version = 14 : i64} {
  func.func @k(%arg0: i32, %arg1: i32, %arg2: memref<32x80x128xi32, #tpu.memory_space<hbm>>, %arg3: memref<128x16xf32, #tpu.memory_space<hbm>>, %arg4: memref<128x16xf32, #tpu.memory_space<hbm>>, %arg5: memref<2x10240x16xf32, #tpu.memory_space<hbm>>, %arg6: memref<80x128xi32, #tpu.memory_space<vmem>>, %arg7: memref<128x16xf32, #tpu.memory_space<vmem>>, %arg8: memref<128x16xf32, #tpu.memory_space<vmem>>, %arg9: memref<10240x16xf32, #tpu.memory_space<vmem_shared>>) attributes {dimension_semantics = [#tpu.dimension_semantics<core_parallel>, #tpu.dimension_semantics<subcore_parallel>], iteration_bounds = array<i64: 2, 16>, scalar_prefetch = 0 : i64, scratch_operands = 4 : i64, tpu.core_type = #tpu.core_type<sc_vector_subcore>, window_params = [{transform_indices = #map}, {transform_indices = #map1}, {transform_indices = #map1}, {transform_indices = #map}]} {
    %mul3A = arith.constant 16 : i32
    %mul3A_0 = arith.muli %arg0, %mul3A : i32
    %add3A = arith.addi %mul3A_0, %arg1 : i32
    "tpu.region"() ({
      %run_scoped3A = tpu.sem_alloc : memref<!tpu.dma_semaphore, #tpu.memory_space<semaphore_mem>>
      %dma_start3A = arith.constant 0 : i32
      %dma_start3A_39 = arith.constant 0 : i32
      %dma_start3A_40 = tpu.memref_slice %arg2[%add3A, %dma_start3A, %dma_start3A_39] : memref<32x80x128xi32, #tpu.memory_space<hbm>> -> memref<1x80x128xi32, #tpu.memory_space<hbm>>
      %dma_start3A_41 = tpu.memref_squeeze %dma_start3A_40 : memref<1x80x128xi32, #tpu.memory_space<hbm>> -> memref<80x128xi32, #tpu.memory_space<hbm>>
      %dma_start3A_42 = arith.constant 0 : i32
      %dma_start3A_43 = arith.constant 0 : i32
      %dma_start3A_44 = tpu.memref_slice %arg2[%add3A, %dma_start3A_42, %dma_start3A_43] : memref<32x80x128xi32, #tpu.memory_space<hbm>> -> memref<1x80x128xi32, #tpu.memory_space<hbm>>
      %dma_start3A_45 = tpu.memref_squeeze %dma_start3A_44 : memref<1x80x128xi32, #tpu.memory_space<hbm>> -> memref<80x128xi32, #tpu.memory_space<hbm>>
      tpu.enqueue_dma source(%dma_start3A_45 : memref<80x128xi32, #tpu.memory_space<hbm>>) target(%arg6 : memref<80x128xi32, #tpu.memory_space<vmem>>) target_semaphore(%run_scoped3A : memref<!tpu.dma_semaphore, #tpu.memory_space<semaphore_mem>>)
      %dma_wait3A = arith.constant 0 : i32
      %dma_wait3A_46 = arith.constant 0 : i32
      %dma_wait3A_47 = tpu.memref_slice %arg2[%add3A, %dma_wait3A, %dma_wait3A_46] : memref<32x80x128xi32, #tpu.memory_space<hbm>> -> memref<1x80x128xi32, #tpu.memory_space<hbm>>
      %dma_wait3A_48 = tpu.memref_squeeze %dma_wait3A_47 : memref<1x80x128xi32, #tpu.memory_space<hbm>> -> memref<80x128xi32, #tpu.memory_space<hbm>>
      %dma_wait3A_49 = arith.constant 0 : i32
      %dma_wait3A_50 = arith.constant 0 : i32
      %dma_wait3A_51 = tpu.memref_slice %arg2[%add3A, %dma_wait3A_49, %dma_wait3A_50] : memref<32x80x128xi32, #tpu.memory_space<hbm>> -> memref<1x80x128xi32, #tpu.memory_space<hbm>>
      %dma_wait3A_52 = tpu.memref_squeeze %dma_wait3A_51 : memref<1x80x128xi32, #tpu.memory_space<hbm>> -> memref<80x128xi32, #tpu.memory_space<hbm>>
      tpu.wait_dma2 semaphore(%run_scoped3A : memref<!tpu.dma_semaphore, #tpu.memory_space<semaphore_mem>>) src(%dma_wait3A_52 : memref<80x128xi32, #tpu.memory_space<hbm>>) dst(%arg6 : memref<80x128xi32, #tpu.memory_space<vmem>>)
      tpu.yield
    }) : () -> ()
    "tpu.region"() ({
      %run_scoped3A = tpu.sem_alloc : memref<!tpu.dma_semaphore, #tpu.memory_space<semaphore_mem>>
      tpu.enqueue_dma source(%arg3 : memref<128x16xf32, #tpu.memory_space<hbm>>) target(%arg7 : memref<128x16xf32, #tpu.memory_space<vmem>>) target_semaphore(%run_scoped3A : memref<!tpu.dma_semaphore, #tpu.memory_space<semaphore_mem>>)
      tpu.wait_dma2 semaphore(%run_scoped3A : memref<!tpu.dma_semaphore, #tpu.memory_space<semaphore_mem>>) src(%arg3 : memref<128x16xf32, #tpu.memory_space<hbm>>) dst(%arg7 : memref<128x16xf32, #tpu.memory_space<vmem>>)
      tpu.yield
    }) : () -> ()
    "tpu.region"() ({
      %run_scoped3A = tpu.sem_alloc : memref<!tpu.dma_semaphore, #tpu.memory_space<semaphore_mem>>
      tpu.enqueue_dma source(%arg4 : memref<128x16xf32, #tpu.memory_space<hbm>>) target(%arg8 : memref<128x16xf32, #tpu.memory_space<vmem>>) target_semaphore(%run_scoped3A : memref<!tpu.dma_semaphore, #tpu.memory_space<semaphore_mem>>)
      tpu.wait_dma2 semaphore(%run_scoped3A : memref<!tpu.dma_semaphore, #tpu.memory_space<semaphore_mem>>) src(%arg4 : memref<128x16xf32, #tpu.memory_space<hbm>>) dst(%arg8 : memref<128x16xf32, #tpu.memory_space<vmem>>)
      tpu.yield
    }) : () -> ()
    %mul3A_1 = arith.constant 640 : i32
    %mul3A_2 = arith.muli %arg1, %mul3A_1 : i32
    %add3A_3 = arith.constant 0 : i32
    %add3A_4 = arith.addi %mul3A_2, %add3A_3 : i32
    "tpu.region"() ({
      %run_scoped3A = tpu.sem_alloc : memref<!tpu.dma_semaphore, #tpu.memory_space<semaphore_mem>>
      %dma_start3A = arith.constant 0 : i32
      %dma_start3A_39 = tpu.memref_slice %arg9[%add3A_4, %dma_start3A] : memref<10240x16xf32, #tpu.memory_space<vmem_shared>> -> memref<128x16xf32, #tpu.memory_space<vmem_shared>>
      %dma_start3A_40 = arith.constant 0 : i32
      %dma_start3A_41 = tpu.memref_slice %arg9[%add3A_4, %dma_start3A_40] : memref<10240x16xf32, #tpu.memory_space<vmem_shared>> -> memref<128x16xf32, #tpu.memory_space<vmem_shared>>
      tpu.enqueue_dma source(%arg8 : memref<128x16xf32, #tpu.memory_space<vmem>>) target(%dma_start3A_41 : memref<128x16xf32, #tpu.memory_space<vmem_shared>>) target_semaphore(%run_scoped3A : memref<!tpu.dma_semaphore, #tpu.memory_space<semaphore_mem>>)
      %dma_wait3A = arith.constant 0 : i32
      %dma_wait3A_42 = tpu.memref_slice %arg9[%add3A_4, %dma_wait3A] : memref<10240x16xf32, #tpu.memory_space<vmem_shared>> -> memref<128x16xf32, #tpu.memory_space<vmem_shared>>
      %dma_wait3A_43 = arith.constant 0 : i32
      %dma_wait3A_44 = tpu.memref_slice %arg9[%add3A_4, %dma_wait3A_43] : memref<10240x16xf32, #tpu.memory_space<vmem_shared>> -> memref<128x16xf32, #tpu.memory_space<vmem_shared>>
      tpu.wait_dma2 semaphore(%run_scoped3A : memref<!tpu.dma_semaphore, #tpu.memory_space<semaphore_mem>>) src(%arg8 : memref<128x16xf32, #tpu.memory_space<vmem>>) dst(%dma_wait3A_44 : memref<128x16xf32, #tpu.memory_space<vmem_shared>>)
      tpu.yield
    }) : () -> ()
    %add3A_5 = arith.constant 128 : i32
    %add3A_6 = arith.addi %mul3A_2, %add3A_5 : i32
    "tpu.region"() ({
      %run_scoped3A = tpu.sem_alloc : memref<!tpu.dma_semaphore, #tpu.memory_space<semaphore_mem>>
      %dma_start3A = arith.constant 0 : i32
      %dma_start3A_39 = tpu.memref_slice %arg9[%add3A_6, %dma_start3A] : memref<10240x16xf32, #tpu.memory_space<vmem_shared>> -> memref<128x16xf32, #tpu.memory_space<vmem_shared>>
      %dma_start3A_40 = arith.constant 0 : i32
      %dma_start3A_41 = tpu.memref_slice %arg9[%add3A_6, %dma_start3A_40] : memref<10240x16xf32, #tpu.memory_space<vmem_shared>> -> memref<128x16xf32, #tpu.memory_space<vmem_shared>>
      tpu.enqueue_dma source(%arg8 : memref<128x16xf32, #tpu.memory_space<vmem>>) target(%dma_start3A_41 : memref<128x16xf32, #tpu.memory_space<vmem_shared>>) target_semaphore(%run_scoped3A : memref<!tpu.dma_semaphore, #tpu.memory_space<semaphore_mem>>)
      %dma_wait3A = arith.constant 0 : i32
      %dma_wait3A_42 = tpu.memref_slice %arg9[%add3A_6, %dma_wait3A] : memref<10240x16xf32, #tpu.memory_space<vmem_shared>> -> memref<128x16xf32, #tpu.memory_space<vmem_shared>>
      %dma_wait3A_43 = arith.constant 0 : i32
      %dma_wait3A_44 = tpu.memref_slice %arg9[%add3A_6, %dma_wait3A_43] : memref<10240x16xf32, #tpu.memory_space<vmem_shared>> -> memref<128x16xf32, #tpu.memory_space<vmem_shared>>
      tpu.wait_dma2 semaphore(%run_scoped3A : memref<!tpu.dma_semaphore, #tpu.memory_space<semaphore_mem>>) src(%arg8 : memref<128x16xf32, #tpu.memory_space<vmem>>) dst(%dma_wait3A_44 : memref<128x16xf32, #tpu.memory_space<vmem_shared>>)
      tpu.yield
    }) : () -> ()
    %add3A_7 = arith.constant 256 : i32
    %add3A_8 = arith.addi %mul3A_2, %add3A_7 : i32
    "tpu.region"() ({
      %run_scoped3A = tpu.sem_alloc : memref<!tpu.dma_semaphore, #tpu.memory_space<semaphore_mem>>
      %dma_start3A = arith.constant 0 : i32
      %dma_start3A_39 = tpu.memref_slice %arg9[%add3A_8, %dma_start3A] : memref<10240x16xf32, #tpu.memory_space<vmem_shared>> -> memref<128x16xf32, #tpu.memory_space<vmem_shared>>
      %dma_start3A_40 = arith.constant 0 : i32
      %dma_start3A_41 = tpu.memref_slice %arg9[%add3A_8, %dma_start3A_40] : memref<10240x16xf32, #tpu.memory_space<vmem_shared>> -> memref<128x16xf32, #tpu.memory_space<vmem_shared>>
      tpu.enqueue_dma source(%arg8 : memref<128x16xf32, #tpu.memory_space<vmem>>) target(%dma_start3A_41 : memref<128x16xf32, #tpu.memory_space<vmem_shared>>) target_semaphore(%run_scoped3A : memref<!tpu.dma_semaphore, #tpu.memory_space<semaphore_mem>>)
      %dma_wait3A = arith.constant 0 : i32
      %dma_wait3A_42 = tpu.memref_slice %arg9[%add3A_8, %dma_wait3A] : memref<10240x16xf32, #tpu.memory_space<vmem_shared>> -> memref<128x16xf32, #tpu.memory_space<vmem_shared>>
      %dma_wait3A_43 = arith.constant 0 : i32
      %dma_wait3A_44 = tpu.memref_slice %arg9[%add3A_8, %dma_wait3A_43] : memref<10240x16xf32, #tpu.memory_space<vmem_shared>> -> memref<128x16xf32, #tpu.memory_space<vmem_shared>>
      tpu.wait_dma2 semaphore(%run_scoped3A : memref<!tpu.dma_semaphore, #tpu.memory_space<semaphore_mem>>) src(%arg8 : memref<128x16xf32, #tpu.memory_space<vmem>>) dst(%dma_wait3A_44 : memref<128x16xf32, #tpu.memory_space<vmem_shared>>)
      tpu.yield
    }) : () -> ()
    %add3A_9 = arith.constant 384 : i32
    %add3A_10 = arith.addi %mul3A_2, %add3A_9 : i32
    "tpu.region"() ({
      %run_scoped3A = tpu.sem_alloc : memref<!tpu.dma_semaphore, #tpu.memory_space<semaphore_mem>>
      %dma_start3A = arith.constant 0 : i32
      %dma_start3A_39 = tpu.memref_slice %arg9[%add3A_10, %dma_start3A] : memref<10240x16xf32, #tpu.memory_space<vmem_shared>> -> memref<128x16xf32, #tpu.memory_space<vmem_shared>>
      %dma_start3A_40 = arith.constant 0 : i32
      %dma_start3A_41 = tpu.memref_slice %arg9[%add3A_10, %dma_start3A_40] : memref<10240x16xf32, #tpu.memory_space<vmem_shared>> -> memref<128x16xf32, #tpu.memory_space<vmem_shared>>
      tpu.enqueue_dma source(%arg8 : memref<128x16xf32, #tpu.memory_space<vmem>>) target(%dma_start3A_41 : memref<128x16xf32, #tpu.memory_space<vmem_shared>>) target_semaphore(%run_scoped3A : memref<!tpu.dma_semaphore, #tpu.memory_space<semaphore_mem>>)
      %dma_wait3A = arith.constant 0 : i32
      %dma_wait3A_42 = tpu.memref_slice %arg9[%add3A_10, %dma_wait3A] : memref<10240x16xf32, #tpu.memory_space<vmem_shared>> -> memref<128x16xf32, #tpu.memory_space<vmem_shared>>
      %dma_wait3A_43 = arith.constant 0 : i32
      %dma_wait3A_44 = tpu.memref_slice %arg9[%add3A_10, %dma_wait3A_43] : memref<10240x16xf32, #tpu.memory_space<vmem_shared>> -> memref<128x16xf32, #tpu.memory_space<vmem_shared>>
      tpu.wait_dma2 semaphore(%run_scoped3A : memref<!tpu.dma_semaphore, #tpu.memory_space<semaphore_mem>>) src(%arg8 : memref<128x16xf32, #tpu.memory_space<vmem>>) dst(%dma_wait3A_44 : memref<128x16xf32, #tpu.memory_space<vmem_shared>>)
      tpu.yield
    }) : () -> ()
    %add3A_11 = arith.constant 512 : i32
    %add3A_12 = arith.addi %mul3A_2, %add3A_11 : i32
    "tpu.region"() ({
      %run_scoped3A = tpu.sem_alloc : memref<!tpu.dma_semaphore, #tpu.memory_space<semaphore_mem>>
      %dma_start3A = arith.constant 0 : i32
      %dma_start3A_39 = tpu.memref_slice %arg9[%add3A_12, %dma_start3A] : memref<10240x16xf32, #tpu.memory_space<vmem_shared>> -> memref<128x16xf32, #tpu.memory_space<vmem_shared>>
      %dma_start3A_40 = arith.constant 0 : i32
      %dma_start3A_41 = tpu.memref_slice %arg9[%add3A_12, %dma_start3A_40] : memref<10240x16xf32, #tpu.memory_space<vmem_shared>> -> memref<128x16xf32, #tpu.memory_space<vmem_shared>>
      tpu.enqueue_dma source(%arg8 : memref<128x16xf32, #tpu.memory_space<vmem>>) target(%dma_start3A_41 : memref<128x16xf32, #tpu.memory_space<vmem_shared>>) target_semaphore(%run_scoped3A : memref<!tpu.dma_semaphore, #tpu.memory_space<semaphore_mem>>)
      %dma_wait3A = arith.constant 0 : i32
      %dma_wait3A_42 = tpu.memref_slice %arg9[%add3A_12, %dma_wait3A] : memref<10240x16xf32, #tpu.memory_space<vmem_shared>> -> memref<128x16xf32, #tpu.memory_space<vmem_shared>>
      %dma_wait3A_43 = arith.constant 0 : i32
      %dma_wait3A_44 = tpu.memref_slice %arg9[%add3A_12, %dma_wait3A_43] : memref<10240x16xf32, #tpu.memory_space<vmem_shared>> -> memref<128x16xf32, #tpu.memory_space<vmem_shared>>
      tpu.wait_dma2 semaphore(%run_scoped3A : memref<!tpu.dma_semaphore, #tpu.memory_space<semaphore_mem>>) src(%arg8 : memref<128x16xf32, #tpu.memory_space<vmem>>) dst(%dma_wait3A_44 : memref<128x16xf32, #tpu.memory_space<vmem_shared>>)
      tpu.yield
    }) : () -> ()
    %barrier3A = arith.constant 0 : index
    tpu.barrier barrier_id(%barrier3A)
    %scan3A = arith.constant 0 : i32
    %scan3A_13 = arith.constant 0 : i32
    %scan3A_14 = arith.constant 80 : i32
    %scan3A_15 = arith.addi %scan3A_13, %scan3A_14 : i32
    %scan3A_16 = arith.constant 1 : i32
    scf.for %scan3A_39 = %scan3A_13 to %scan3A_15 step %scan3A_16  : i32 {
      "tpu.region"() ({
        %run_scoped3A = tpu.sem_alloc : memref<!tpu.dma_semaphore, #tpu.memory_space<semaphore_mem>>
        %dma_start3A = arith.constant 0 : i32
        %dma_start3A_40 = tpu.memref_slice %arg6[%scan3A_39, %dma_start3A] : memref<80x128xi32, #tpu.memory_space<vmem>> -> memref<1x128xi32, #tpu.memory_space<vmem>>
        %dma_start3A_41 = tpu.memref_squeeze %dma_start3A_40 : memref<1x128xi32, #tpu.memory_space<vmem>> -> memref<128xi32, #tpu.memory_space<vmem>>
        %dma_start3A_42 = arith.constant 0 : i32
        %dma_start3A_43 = arith.constant 0 : i32
        %dma_start3A_44 = tpu.memref_slice %arg9[%dma_start3A_42, %dma_start3A_43] : memref<10240x16xf32, #tpu.memory_space<vmem_shared>> -> memref<10240x16xf32, #tpu.memory_space<vmem_shared>>
        tpu.enqueue_indirect_dma source(%arg7 : memref<128x16xf32, #tpu.memory_space<vmem>>) target(%dma_start3A_44 : memref<10240x16xf32, #tpu.memory_space<vmem_shared>>) offsets(%dma_start3A_41 : memref<128xi32, #tpu.memory_space<vmem>>) semaphore(%run_scoped3A : memref<!tpu.dma_semaphore, #tpu.memory_space<semaphore_mem>>) {add = true}
        %dma_wait3A = arith.constant 0 : i32
        %dma_wait3A_45 = tpu.memref_slice %arg6[%scan3A_39, %dma_wait3A] : memref<80x128xi32, #tpu.memory_space<vmem>> -> memref<1x128xi32, #tpu.memory_space<vmem>>
        %dma_wait3A_46 = tpu.memref_squeeze %dma_wait3A_45 : memref<1x128xi32, #tpu.memory_space<vmem>> -> memref<128xi32, #tpu.memory_space<vmem>>
        %dma_wait3A_47 = arith.constant 0 : i32
        %dma_wait3A_48 = arith.constant 0 : i32
        %dma_wait3A_49 = tpu.memref_slice %arg9[%dma_wait3A_47, %dma_wait3A_48] : memref<10240x16xf32, #tpu.memory_space<vmem_shared>> -> memref<10240x16xf32, #tpu.memory_space<vmem_shared>>
        tpu.wait_indirect_dma semaphore(%run_scoped3A : memref<!tpu.dma_semaphore, #tpu.memory_space<semaphore_mem>>) src(%arg7 : memref<128x16xf32, #tpu.memory_space<vmem>>) dst(%dma_wait3A_49 : memref<10240x16xf32, #tpu.memory_space<vmem_shared>>)
        tpu.yield
      }) : () -> ()
    }
    %scan3A_17 = arith.constant 80 : i32
    %barrier3A_18 = arith.constant 0 : index
    tpu.barrier barrier_id(%barrier3A_18)
    %add3A_19 = arith.constant 0 : i32
    %add3A_20 = arith.addi %mul3A_2, %add3A_19 : i32
    "tpu.region"() ({
      %run_scoped3A = tpu.sem_alloc : memref<!tpu.dma_semaphore, #tpu.memory_space<semaphore_mem>>
      %dma_start3A = arith.constant 0 : i32
      %dma_start3A_39 = tpu.memref_slice %arg9[%add3A_20, %dma_start3A] : memref<10240x16xf32, #tpu.memory_space<vmem_shared>> -> memref<128x16xf32, #tpu.memory_space<vmem_shared>>
      %dma_start3A_40 = arith.constant 0 : i32
      %dma_start3A_41 = tpu.memref_slice %arg9[%add3A_20, %dma_start3A_40] : memref<10240x16xf32, #tpu.memory_space<vmem_shared>> -> memref<128x16xf32, #tpu.memory_space<vmem_shared>>
      tpu.enqueue_dma source(%dma_start3A_41 : memref<128x16xf32, #tpu.memory_space<vmem_shared>>) target(%arg8 : memref<128x16xf32, #tpu.memory_space<vmem>>) target_semaphore(%run_scoped3A : memref<!tpu.dma_semaphore, #tpu.memory_space<semaphore_mem>>)
      %dma_wait3A = arith.constant 0 : i32
      %dma_wait3A_42 = tpu.memref_slice %arg9[%add3A_20, %dma_wait3A] : memref<10240x16xf32, #tpu.memory_space<vmem_shared>> -> memref<128x16xf32, #tpu.memory_space<vmem_shared>>
      %dma_wait3A_43 = arith.constant 0 : i32
      %dma_wait3A_44 = tpu.memref_slice %arg9[%add3A_20, %dma_wait3A_43] : memref<10240x16xf32, #tpu.memory_space<vmem_shared>> -> memref<128x16xf32, #tpu.memory_space<vmem_shared>>
      tpu.wait_dma2 semaphore(%run_scoped3A : memref<!tpu.dma_semaphore, #tpu.memory_space<semaphore_mem>>) src(%dma_wait3A_44 : memref<128x16xf32, #tpu.memory_space<vmem_shared>>) dst(%arg8 : memref<128x16xf32, #tpu.memory_space<vmem>>)
      tpu.yield
    }) : () -> ()
    %add3A_21 = arith.constant 0 : i32
    %add3A_22 = arith.addi %mul3A_2, %add3A_21 : i32
    "tpu.region"() ({
      %run_scoped3A = tpu.sem_alloc : memref<!tpu.dma_semaphore, #tpu.memory_space<semaphore_mem>>
      %dma_start3A = arith.constant 0 : i32
      %dma_start3A_39 = tpu.memref_slice %arg5[%arg0, %add3A_22, %dma_start3A] : memref<2x10240x16xf32, #tpu.memory_space<hbm>> -> memref<1x128x16xf32, #tpu.memory_space<hbm>>
      %dma_start3A_40 = tpu.memref_squeeze %dma_start3A_39 : memref<1x128x16xf32, #tpu.memory_space<hbm>> -> memref<128x16xf32, #tpu.memory_space<hbm>>
      %dma_start3A_41 = arith.constant 0 : i32
      %dma_start3A_42 = tpu.memref_slice %arg5[%arg0, %add3A_22, %dma_start3A_41] : memref<2x10240x16xf32, #tpu.memory_space<hbm>> -> memref<1x128x16xf32, #tpu.memory_space<hbm>>
      %dma_start3A_43 = tpu.memref_squeeze %dma_start3A_42 : memref<1x128x16xf32, #tpu.memory_space<hbm>> -> memref<128x16xf32, #tpu.memory_space<hbm>>
      tpu.enqueue_dma source(%arg8 : memref<128x16xf32, #tpu.memory_space<vmem>>) target(%dma_start3A_43 : memref<128x16xf32, #tpu.memory_space<hbm>>) target_semaphore(%run_scoped3A : memref<!tpu.dma_semaphore, #tpu.memory_space<semaphore_mem>>)
      %dma_wait3A = arith.constant 0 : i32
      %dma_wait3A_44 = tpu.memref_slice %arg5[%arg0, %add3A_22, %dma_wait3A] : memref<2x10240x16xf32, #tpu.memory_space<hbm>> -> memref<1x128x16xf32, #tpu.memory_space<hbm>>
      %dma_wait3A_45 = tpu.memref_squeeze %dma_wait3A_44 : memref<1x128x16xf32, #tpu.memory_space<hbm>> -> memref<128x16xf32, #tpu.memory_space<hbm>>
      %dma_wait3A_46 = arith.constant 0 : i32
      %dma_wait3A_47 = tpu.memref_slice %arg5[%arg0, %add3A_22, %dma_wait3A_46] : memref<2x10240x16xf32, #tpu.memory_space<hbm>> -> memref<1x128x16xf32, #tpu.memory_space<hbm>>
      %dma_wait3A_48 = tpu.memref_squeeze %dma_wait3A_47 : memref<1x128x16xf32, #tpu.memory_space<hbm>> -> memref<128x16xf32, #tpu.memory_space<hbm>>
      tpu.wait_dma2 semaphore(%run_scoped3A : memref<!tpu.dma_semaphore, #tpu.memory_space<semaphore_mem>>) src(%arg8 : memref<128x16xf32, #tpu.memory_space<vmem>>) dst(%dma_wait3A_48 : memref<128x16xf32, #tpu.memory_space<hbm>>)
      tpu.yield
    }) : () -> ()
    %add3A_23 = arith.constant 128 : i32
    %add3A_24 = arith.addi %mul3A_2, %add3A_23 : i32
    "tpu.region"() ({
      %run_scoped3A = tpu.sem_alloc : memref<!tpu.dma_semaphore, #tpu.memory_space<semaphore_mem>>
      %dma_start3A = arith.constant 0 : i32
      %dma_start3A_39 = tpu.memref_slice %arg9[%add3A_24, %dma_start3A] : memref<10240x16xf32, #tpu.memory_space<vmem_shared>> -> memref<128x16xf32, #tpu.memory_space<vmem_shared>>
      %dma_start3A_40 = arith.constant 0 : i32
      %dma_start3A_41 = tpu.memref_slice %arg9[%add3A_24, %dma_start3A_40] : memref<10240x16xf32, #tpu.memory_space<vmem_shared>> -> memref<128x16xf32, #tpu.memory_space<vmem_shared>>
      tpu.enqueue_dma source(%dma_start3A_41 : memref<128x16xf32, #tpu.memory_space<vmem_shared>>) target(%arg8 : memref<128x16xf32, #tpu.memory_space<vmem>>) target_semaphore(%run_scoped3A : memref<!tpu.dma_semaphore, #tpu.memory_space<semaphore_mem>>)
      %dma_wait3A = arith.constant 0 : i32
      %dma_wait3A_42 = tpu.memref_slice %arg9[%add3A_24, %dma_wait3A] : memref<10240x16xf32, #tpu.memory_space<vmem_shared>> -> memref<128x16xf32, #tpu.memory_space<vmem_shared>>
      %dma_wait3A_43 = arith.constant 0 : i32
      %dma_wait3A_44 = tpu.memref_slice %arg9[%add3A_24, %dma_wait3A_43] : memref<10240x16xf32, #tpu.memory_space<vmem_shared>> -> memref<128x16xf32, #tpu.memory_space<vmem_shared>>
      tpu.wait_dma2 semaphore(%run_scoped3A : memref<!tpu.dma_semaphore, #tpu.memory_space<semaphore_mem>>) src(%dma_wait3A_44 : memref<128x16xf32, #tpu.memory_space<vmem_shared>>) dst(%arg8 : memref<128x16xf32, #tpu.memory_space<vmem>>)
      tpu.yield
    }) : () -> ()
    %add3A_25 = arith.constant 128 : i32
    %add3A_26 = arith.addi %mul3A_2, %add3A_25 : i32
    "tpu.region"() ({
      %run_scoped3A = tpu.sem_alloc : memref<!tpu.dma_semaphore, #tpu.memory_space<semaphore_mem>>
      %dma_start3A = arith.constant 0 : i32
      %dma_start3A_39 = tpu.memref_slice %arg5[%arg0, %add3A_26, %dma_start3A] : memref<2x10240x16xf32, #tpu.memory_space<hbm>> -> memref<1x128x16xf32, #tpu.memory_space<hbm>>
      %dma_start3A_40 = tpu.memref_squeeze %dma_start3A_39 : memref<1x128x16xf32, #tpu.memory_space<hbm>> -> memref<128x16xf32, #tpu.memory_space<hbm>>
      %dma_start3A_41 = arith.constant 0 : i32
      %dma_start3A_42 = tpu.memref_slice %arg5[%arg0, %add3A_26, %dma_start3A_41] : memref<2x10240x16xf32, #tpu.memory_space<hbm>> -> memref<1x128x16xf32, #tpu.memory_space<hbm>>
      %dma_start3A_43 = tpu.memref_squeeze %dma_start3A_42 : memref<1x128x16xf32, #tpu.memory_space<hbm>> -> memref<128x16xf32, #tpu.memory_space<hbm>>
      tpu.enqueue_dma source(%arg8 : memref<128x16xf32, #tpu.memory_space<vmem>>) target(%dma_start3A_43 : memref<128x16xf32, #tpu.memory_space<hbm>>) target_semaphore(%run_scoped3A : memref<!tpu.dma_semaphore, #tpu.memory_space<semaphore_mem>>)
      %dma_wait3A = arith.constant 0 : i32
      %dma_wait3A_44 = tpu.memref_slice %arg5[%arg0, %add3A_26, %dma_wait3A] : memref<2x10240x16xf32, #tpu.memory_space<hbm>> -> memref<1x128x16xf32, #tpu.memory_space<hbm>>
      %dma_wait3A_45 = tpu.memref_squeeze %dma_wait3A_44 : memref<1x128x16xf32, #tpu.memory_space<hbm>> -> memref<128x16xf32, #tpu.memory_space<hbm>>
      %dma_wait3A_46 = arith.constant 0 : i32
      %dma_wait3A_47 = tpu.memref_slice %arg5[%arg0, %add3A_26, %dma_wait3A_46] : memref<2x10240x16xf32, #tpu.memory_space<hbm>> -> memref<1x128x16xf32, #tpu.memory_space<hbm>>
      %dma_wait3A_48 = tpu.memref_squeeze %dma_wait3A_47 : memref<1x128x16xf32, #tpu.memory_space<hbm>> -> memref<128x16xf32, #tpu.memory_space<hbm>>
      tpu.wait_dma2 semaphore(%run_scoped3A : memref<!tpu.dma_semaphore, #tpu.memory_space<semaphore_mem>>) src(%arg8 : memref<128x16xf32, #tpu.memory_space<vmem>>) dst(%dma_wait3A_48 : memref<128x16xf32, #tpu.memory_space<hbm>>)
      tpu.yield
    }) : () -> ()
    %add3A_27 = arith.constant 256 : i32
    %add3A_28 = arith.addi %mul3A_2, %add3A_27 : i32
    "tpu.region"() ({
      %run_scoped3A = tpu.sem_alloc : memref<!tpu.dma_semaphore, #tpu.memory_space<semaphore_mem>>
      %dma_start3A = arith.constant 0 : i32
      %dma_start3A_39 = tpu.memref_slice %arg9[%add3A_28, %dma_start3A] : memref<10240x16xf32, #tpu.memory_space<vmem_shared>> -> memref<128x16xf32, #tpu.memory_space<vmem_shared>>
      %dma_start3A_40 = arith.constant 0 : i32
      %dma_start3A_41 = tpu.memref_slice %arg9[%add3A_28, %dma_start3A_40] : memref<10240x16xf32, #tpu.memory_space<vmem_shared>> -> memref<128x16xf32, #tpu.memory_space<vmem_shared>>
      tpu.enqueue_dma source(%dma_start3A_41 : memref<128x16xf32, #tpu.memory_space<vmem_shared>>) target(%arg8 : memref<128x16xf32, #tpu.memory_space<vmem>>) target_semaphore(%run_scoped3A : memref<!tpu.dma_semaphore, #tpu.memory_space<semaphore_mem>>)
      %dma_wait3A = arith.constant 0 : i32
      %dma_wait3A_42 = tpu.memref_slice %arg9[%add3A_28, %dma_wait3A] : memref<10240x16xf32, #tpu.memory_space<vmem_shared>> -> memref<128x16xf32, #tpu.memory_space<vmem_shared>>
      %dma_wait3A_43 = arith.constant 0 : i32
      %dma_wait3A_44 = tpu.memref_slice %arg9[%add3A_28, %dma_wait3A_43] : memref<10240x16xf32, #tpu.memory_space<vmem_shared>> -> memref<128x16xf32, #tpu.memory_space<vmem_shared>>
      tpu.wait_dma2 semaphore(%run_scoped3A : memref<!tpu.dma_semaphore, #tpu.memory_space<semaphore_mem>>) src(%dma_wait3A_44 : memref<128x16xf32, #tpu.memory_space<vmem_shared>>) dst(%arg8 : memref<128x16xf32, #tpu.memory_space<vmem>>)
      tpu.yield
    }) : () -> ()
    %add3A_29 = arith.constant 256 : i32
    %add3A_30 = arith.addi %mul3A_2, %add3A_29 : i32
    "tpu.region"() ({
      %run_scoped3A = tpu.sem_alloc : memref<!tpu.dma_semaphore, #tpu.memory_space<semaphore_mem>>
      %dma_start3A = arith.constant 0 : i32
      %dma_start3A_39 = tpu.memref_slice %arg5[%arg0, %add3A_30, %dma_start3A] : memref<2x10240x16xf32, #tpu.memory_space<hbm>> -> memref<1x128x16xf32, #tpu.memory_space<hbm>>
      %dma_start3A_40 = tpu.memref_squeeze %dma_start3A_39 : memref<1x128x16xf32, #tpu.memory_space<hbm>> -> memref<128x16xf32, #tpu.memory_space<hbm>>
      %dma_start3A_41 = arith.constant 0 : i32
      %dma_start3A_42 = tpu.memref_slice %arg5[%arg0, %add3A_30, %dma_start3A_41] : memref<2x10240x16xf32, #tpu.memory_space<hbm>> -> memref<1x128x16xf32, #tpu.memory_space<hbm>>
      %dma_start3A_43 = tpu.memref_squeeze %dma_start3A_42 : memref<1x128x16xf32, #tpu.memory_space<hbm>> -> memref<128x16xf32, #tpu.memory_space<hbm>>
      tpu.enqueue_dma source(%arg8 : memref<128x16xf32, #tpu.memory_space<vmem>>) target(%dma_start3A_43 : memref<128x16xf32, #tpu.memory_space<hbm>>) target_semaphore(%run_scoped3A : memref<!tpu.dma_semaphore, #tpu.memory_space<semaphore_mem>>)
      %dma_wait3A = arith.constant 0 : i32
      %dma_wait3A_44 = tpu.memref_slice %arg5[%arg0, %add3A_30, %dma_wait3A] : memref<2x10240x16xf32, #tpu.memory_space<hbm>> -> memref<1x128x16xf32, #tpu.memory_space<hbm>>
      %dma_wait3A_45 = tpu.memref_squeeze %dma_wait3A_44 : memref<1x128x16xf32, #tpu.memory_space<hbm>> -> memref<128x16xf32, #tpu.memory_space<hbm>>
      %dma_wait3A_46 = arith.constant 0 : i32
      %dma_wait3A_47 = tpu.memref_slice %arg5[%arg0, %add3A_30, %dma_wait3A_46] : memref<2x10240x16xf32, #tpu.memory_space<hbm>> -> memref<1x128x16xf32, #tpu.memory_space<hbm>>
      %dma_wait3A_48 = tpu.memref_squeeze %dma_wait3A_47 : memref<1x128x16xf32, #tpu.memory_space<hbm>> -> memref<128x16xf32, #tpu.memory_space<hbm>>
      tpu.wait_dma2 semaphore(%run_scoped3A : memref<!tpu.dma_semaphore, #tpu.memory_space<semaphore_mem>>) src(%arg8 : memref<128x16xf32, #tpu.memory_space<vmem>>) dst(%dma_wait3A_48 : memref<128x16xf32, #tpu.memory_space<hbm>>)
      tpu.yield
    }) : () -> ()
    %add3A_31 = arith.constant 384 : i32
    %add3A_32 = arith.addi %mul3A_2, %add3A_31 : i32
    "tpu.region"() ({
      %run_scoped3A = tpu.sem_alloc : memref<!tpu.dma_semaphore, #tpu.memory_space<semaphore_mem>>
      %dma_start3A = arith.constant 0 : i32
      %dma_start3A_39 = tpu.memref_slice %arg9[%add3A_32, %dma_start3A] : memref<10240x16xf32, #tpu.memory_space<vmem_shared>> -> memref<128x16xf32, #tpu.memory_space<vmem_shared>>
      %dma_start3A_40 = arith.constant 0 : i32
      %dma_start3A_41 = tpu.memref_slice %arg9[%add3A_32, %dma_start3A_40] : memref<10240x16xf32, #tpu.memory_space<vmem_shared>> -> memref<128x16xf32, #tpu.memory_space<vmem_shared>>
      tpu.enqueue_dma source(%dma_start3A_41 : memref<128x16xf32, #tpu.memory_space<vmem_shared>>) target(%arg8 : memref<128x16xf32, #tpu.memory_space<vmem>>) target_semaphore(%run_scoped3A : memref<!tpu.dma_semaphore, #tpu.memory_space<semaphore_mem>>)
      %dma_wait3A = arith.constant 0 : i32
      %dma_wait3A_42 = tpu.memref_slice %arg9[%add3A_32, %dma_wait3A] : memref<10240x16xf32, #tpu.memory_space<vmem_shared>> -> memref<128x16xf32, #tpu.memory_space<vmem_shared>>
      %dma_wait3A_43 = arith.constant 0 : i32
      %dma_wait3A_44 = tpu.memref_slice %arg9[%add3A_32, %dma_wait3A_43] : memref<10240x16xf32, #tpu.memory_space<vmem_shared>> -> memref<128x16xf32, #tpu.memory_space<vmem_shared>>
      tpu.wait_dma2 semaphore(%run_scoped3A : memref<!tpu.dma_semaphore, #tpu.memory_space<semaphore_mem>>) src(%dma_wait3A_44 : memref<128x16xf32, #tpu.memory_space<vmem_shared>>) dst(%arg8 : memref<128x16xf32, #tpu.memory_space<vmem>>)
      tpu.yield
    }) : () -> ()
    %add3A_33 = arith.constant 384 : i32
    %add3A_34 = arith.addi %mul3A_2, %add3A_33 : i32
    "tpu.region"() ({
      %run_scoped3A = tpu.sem_alloc : memref<!tpu.dma_semaphore, #tpu.memory_space<semaphore_mem>>
      %dma_start3A = arith.constant 0 : i32
      %dma_start3A_39 = tpu.memref_slice %arg5[%arg0, %add3A_34, %dma_start3A] : memref<2x10240x16xf32, #tpu.memory_space<hbm>> -> memref<1x128x16xf32, #tpu.memory_space<hbm>>
      %dma_start3A_40 = tpu.memref_squeeze %dma_start3A_39 : memref<1x128x16xf32, #tpu.memory_space<hbm>> -> memref<128x16xf32, #tpu.memory_space<hbm>>
      %dma_start3A_41 = arith.constant 0 : i32
      %dma_start3A_42 = tpu.memref_slice %arg5[%arg0, %add3A_34, %dma_start3A_41] : memref<2x10240x16xf32, #tpu.memory_space<hbm>> -> memref<1x128x16xf32, #tpu.memory_space<hbm>>
      %dma_start3A_43 = tpu.memref_squeeze %dma_start3A_42 : memref<1x128x16xf32, #tpu.memory_space<hbm>> -> memref<128x16xf32, #tpu.memory_space<hbm>>
      tpu.enqueue_dma source(%arg8 : memref<128x16xf32, #tpu.memory_space<vmem>>) target(%dma_start3A_43 : memref<128x16xf32, #tpu.memory_space<hbm>>) target_semaphore(%run_scoped3A : memref<!tpu.dma_semaphore, #tpu.memory_space<semaphore_mem>>)
      %dma_wait3A = arith.constant 0 : i32
      %dma_wait3A_44 = tpu.memref_slice %arg5[%arg0, %add3A_34, %dma_wait3A] : memref<2x10240x16xf32, #tpu.memory_space<hbm>> -> memref<1x128x16xf32, #tpu.memory_space<hbm>>
      %dma_wait3A_45 = tpu.memref_squeeze %dma_wait3A_44 : memref<1x128x16xf32, #tpu.memory_space<hbm>> -> memref<128x16xf32, #tpu.memory_space<hbm>>
      %dma_wait3A_46 = arith.constant 0 : i32
      %dma_wait3A_47 = tpu.memref_slice %arg5[%arg0, %add3A_34, %dma_wait3A_46] : memref<2x10240x16xf32, #tpu.memory_space<hbm>> -> memref<1x128x16xf32, #tpu.memory_space<hbm>>
      %dma_wait3A_48 = tpu.memref_squeeze %dma_wait3A_47 : memref<1x128x16xf32, #tpu.memory_space<hbm>> -> memref<128x16xf32, #tpu.memory_space<hbm>>
      tpu.wait_dma2 semaphore(%run_scoped3A : memref<!tpu.dma_semaphore, #tpu.memory_space<semaphore_mem>>) src(%arg8 : memref<128x16xf32, #tpu.memory_space<vmem>>) dst(%dma_wait3A_48 : memref<128x16xf32, #tpu.memory_space<hbm>>)
      tpu.yield
    }) : () -> ()
    %add3A_35 = arith.constant 512 : i32
    %add3A_36 = arith.addi %mul3A_2, %add3A_35 : i32
    "tpu.region"() ({
      %run_scoped3A = tpu.sem_alloc : memref<!tpu.dma_semaphore, #tpu.memory_space<semaphore_mem>>
      %dma_start3A = arith.constant 0 : i32
      %dma_start3A_39 = tpu.memref_slice %arg9[%add3A_36, %dma_start3A] : memref<10240x16xf32, #tpu.memory_space<vmem_shared>> -> memref<128x16xf32, #tpu.memory_space<vmem_shared>>
      %dma_start3A_40 = arith.constant 0 : i32
      %dma_start3A_41 = tpu.memref_slice %arg9[%add3A_36, %dma_start3A_40] : memref<10240x16xf32, #tpu.memory_space<vmem_shared>> -> memref<128x16xf32, #tpu.memory_space<vmem_shared>>
      tpu.enqueue_dma source(%dma_start3A_41 : memref<128x16xf32, #tpu.memory_space<vmem_shared>>) target(%arg8 : memref<128x16xf32, #tpu.memory_space<vmem>>) target_semaphore(%run_scoped3A : memref<!tpu.dma_semaphore, #tpu.memory_space<semaphore_mem>>)
      %dma_wait3A = arith.constant 0 : i32
      %dma_wait3A_42 = tpu.memref_slice %arg9[%add3A_36, %dma_wait3A] : memref<10240x16xf32, #tpu.memory_space<vmem_shared>> -> memref<128x16xf32, #tpu.memory_space<vmem_shared>>
      %dma_wait3A_43 = arith.constant 0 : i32
      %dma_wait3A_44 = tpu.memref_slice %arg9[%add3A_36, %dma_wait3A_43] : memref<10240x16xf32, #tpu.memory_space<vmem_shared>> -> memref<128x16xf32, #tpu.memory_space<vmem_shared>>
      tpu.wait_dma2 semaphore(%run_scoped3A : memref<!tpu.dma_semaphore, #tpu.memory_space<semaphore_mem>>) src(%dma_wait3A_44 : memref<128x16xf32, #tpu.memory_space<vmem_shared>>) dst(%arg8 : memref<128x16xf32, #tpu.memory_space<vmem>>)
      tpu.yield
    }) : () -> ()
    %add3A_37 = arith.constant 512 : i32
    %add3A_38 = arith.addi %mul3A_2, %add3A_37 : i32
    "tpu.region"() ({
      %run_scoped3A = tpu.sem_alloc : memref<!tpu.dma_semaphore, #tpu.memory_space<semaphore_mem>>
      %dma_start3A = arith.constant 0 : i32
      %dma_start3A_39 = tpu.memref_slice %arg5[%arg0, %add3A_38, %dma_start3A] : memref<2x10240x16xf32, #tpu.memory_space<hbm>> -> memref<1x128x16xf32, #tpu.memory_space<hbm>>
      %dma_start3A_40 = tpu.memref_squeeze %dma_start3A_39 : memref<1x128x16xf32, #tpu.memory_space<hbm>> -> memref<128x16xf32, #tpu.memory_space<hbm>>
      %dma_start3A_41 = arith.constant 0 : i32
      %dma_start3A_42 = tpu.memref_slice %arg5[%arg0, %add3A_38, %dma_start3A_41] : memref<2x10240x16xf32, #tpu.memory_space<hbm>> -> memref<1x128x16xf32, #tpu.memory_space<hbm>>
      %dma_start3A_43 = tpu.memref_squeeze %dma_start3A_42 : memref<1x128x16xf32, #tpu.memory_space<hbm>> -> memref<128x16xf32, #tpu.memory_space<hbm>>
      tpu.enqueue_dma source(%arg8 : memref<128x16xf32, #tpu.memory_space<vmem>>) target(%dma_start3A_43 : memref<128x16xf32, #tpu.memory_space<hbm>>) target_semaphore(%run_scoped3A : memref<!tpu.dma_semaphore, #tpu.memory_space<semaphore_mem>>)
      %dma_wait3A = arith.constant 0 : i32
      %dma_wait3A_44 = tpu.memref_slice %arg5[%arg0, %add3A_38, %dma_wait3A] : memref<2x10240x16xf32, #tpu.memory_space<hbm>> -> memref<1x128x16xf32, #tpu.memory_space<hbm>>
      %dma_wait3A_45 = tpu.memref_squeeze %dma_wait3A_44 : memref<1x128x16xf32, #tpu.memory_space<hbm>> -> memref<128x16xf32, #tpu.memory_space<hbm>>
      %dma_wait3A_46 = arith.constant 0 : i32
      %dma_wait3A_47 = tpu.memref_slice %arg5[%arg0, %add3A_38, %dma_wait3A_46] : memref<2x10240x16xf32, #tpu.memory_space<hbm>> -> memref<1x128x16xf32, #tpu.memory_space<hbm>>
      %dma_wait3A_48 = tpu.memref_squeeze %dma_wait3A_47 : memref<1x128x16xf32, #tpu.memory_space<hbm>> -> memref<128x16xf32, #tpu.memory_space<hbm>>
      tpu.wait_dma2 semaphore(%run_scoped3A : memref<!tpu.dma_semaphore, #tpu.memory_space<semaphore_mem>>) src(%arg8 : memref<128x16xf32, #tpu.memory_space<vmem>>) dst(%dma_wait3A_48 : memref<128x16xf32, #tpu.memory_space<hbm>>)
      tpu.yield
    }) : () -> ()
    return
  }
}

#map = affine_map<(d0, d1) -> (0, 0)>
#map1 = affine_map<(d0, d1) -> (0, 0, 0)>
module attributes {stable_mosaic.version = 14 : i64} {
  func.func @k(%arg0: i32, %arg1: i32, %arg2: memref<10240x128xf32, #tpu.memory_space<hbm>>, %arg3: memref<32x80x128xi32, #tpu.memory_space<hbm>>, %arg4: memref<32x80x128xi32, #tpu.memory_space<hbm>>, %arg5: memref<64x128xf32, #tpu.memory_space<hbm>>, %arg6: memref<2x10240x128xf32, #tpu.memory_space<hbm>>, %arg7: memref<8x128xi32, #tpu.memory_space<vmem>>, %arg8: memref<8x128xi32, #tpu.memory_space<vmem>>, %arg9: memref<112x128xf32, #tpu.memory_space<vmem>>, %arg10: memref<112x128xf32, #tpu.memory_space<vmem>>, %arg11: memref<112x128xf32, #tpu.memory_space<vmem>>, %arg12: memref<10240x128xf32, #tpu.memory_space<vmem_shared>>, %arg13: memref<!tpu.dma_semaphore, #tpu.memory_space<semaphore_mem>>, %arg14: memref<!tpu.dma_semaphore, #tpu.memory_space<semaphore_mem>>, %arg15: memref<!tpu.dma_semaphore, #tpu.memory_space<semaphore_mem>>, %arg16: memref<!tpu.dma_semaphore, #tpu.memory_space<semaphore_mem>>, %arg17: memref<!tpu.dma_semaphore, #tpu.memory_space<semaphore_mem>>, %arg18: memref<!tpu.dma_semaphore, #tpu.memory_space<semaphore_mem>>) attributes {dimension_semantics = [#tpu.dimension_semantics<core_parallel>, #tpu.dimension_semantics<subcore_parallel>], iteration_bounds = array<i64: 2, 16>, scalar_prefetch = 0 : i64, scratch_operands = 12 : i64, tpu.core_type = #tpu.core_type<sc_vector_subcore>, window_params = [{transform_indices = #map}, {transform_indices = #map1}, {transform_indices = #map1}, {transform_indices = #map}, {transform_indices = #map1}]} {
    %mul3A = arith.constant 16 : i32
    %mul3A_0 = arith.muli %arg0, %mul3A : i32
    %add3A = arith.addi %mul3A_0, %arg1 : i32
    "tpu.region"() ({
      %run_scoped3A = tpu.sem_alloc : memref<!tpu.dma_semaphore, #tpu.memory_space<semaphore_mem>>
      %dma_start3A = arith.constant 0 : i32
      %dma_start3A_69 = arith.constant 0 : i32
      %dma_start3A_70 = tpu.memref_slice %arg9[%dma_start3A, %dma_start3A_69] : memref<112x128xf32, #tpu.memory_space<vmem>> -> memref<64x128xf32, #tpu.memory_space<vmem>>
      %dma_start3A_71 = arith.constant 0 : i32
      %dma_start3A_72 = arith.constant 0 : i32
      %dma_start3A_73 = tpu.memref_slice %arg9[%dma_start3A_71, %dma_start3A_72] : memref<112x128xf32, #tpu.memory_space<vmem>> -> memref<64x128xf32, #tpu.memory_space<vmem>>
      tpu.enqueue_dma source(%arg5 : memref<64x128xf32, #tpu.memory_space<hbm>>) target(%dma_start3A_73 : memref<64x128xf32, #tpu.memory_space<vmem>>) target_semaphore(%run_scoped3A : memref<!tpu.dma_semaphore, #tpu.memory_space<semaphore_mem>>)
      %dma_wait3A = arith.constant 0 : i32
      %dma_wait3A_74 = arith.constant 0 : i32
      %dma_wait3A_75 = tpu.memref_slice %arg9[%dma_wait3A, %dma_wait3A_74] : memref<112x128xf32, #tpu.memory_space<vmem>> -> memref<64x128xf32, #tpu.memory_space<vmem>>
      %dma_wait3A_76 = arith.constant 0 : i32
      %dma_wait3A_77 = arith.constant 0 : i32
      %dma_wait3A_78 = tpu.memref_slice %arg9[%dma_wait3A_76, %dma_wait3A_77] : memref<112x128xf32, #tpu.memory_space<vmem>> -> memref<64x128xf32, #tpu.memory_space<vmem>>
      tpu.wait_dma2 semaphore(%run_scoped3A : memref<!tpu.dma_semaphore, #tpu.memory_space<semaphore_mem>>) src(%arg5 : memref<64x128xf32, #tpu.memory_space<hbm>>) dst(%dma_wait3A_78 : memref<64x128xf32, #tpu.memory_space<vmem>>)
      tpu.yield
    }) : () -> ()
    %mul3A_1 = arith.constant 640 : i32
    %mul3A_2 = arith.muli %arg1, %mul3A_1 : i32
    %add3A_3 = arith.constant 0 : i32
    %add3A_4 = arith.addi %mul3A_2, %add3A_3 : i32
    "tpu.region"() ({
      %run_scoped3A = tpu.sem_alloc : memref<!tpu.dma_semaphore, #tpu.memory_space<semaphore_mem>>
      %dma_start3A = arith.constant 0 : i32
      %dma_start3A_69 = arith.constant 0 : i32
      %dma_start3A_70 = tpu.memref_slice %arg9[%dma_start3A, %dma_start3A_69] : memref<112x128xf32, #tpu.memory_space<vmem>> -> memref<64x128xf32, #tpu.memory_space<vmem>>
      %dma_start3A_71 = arith.constant 0 : i32
      %dma_start3A_72 = tpu.memref_slice %arg12[%add3A_4, %dma_start3A_71] : memref<10240x128xf32, #tpu.memory_space<vmem_shared>> -> memref<64x128xf32, #tpu.memory_space<vmem_shared>>
      %dma_start3A_73 = arith.constant 0 : i32
      %dma_start3A_74 = tpu.memref_slice %arg12[%add3A_4, %dma_start3A_73] : memref<10240x128xf32, #tpu.memory_space<vmem_shared>> -> memref<64x128xf32, #tpu.memory_space<vmem_shared>>
      %dma_start3A_75 = arith.constant 0 : i32
      %dma_start3A_76 = arith.constant 0 : i32
      %dma_start3A_77 = tpu.memref_slice %arg9[%dma_start3A_75, %dma_start3A_76] : memref<112x128xf32, #tpu.memory_space<vmem>> -> memref<64x128xf32, #tpu.memory_space<vmem>>
      tpu.enqueue_dma source(%dma_start3A_77 : memref<64x128xf32, #tpu.memory_space<vmem>>) target(%dma_start3A_74 : memref<64x128xf32, #tpu.memory_space<vmem_shared>>) target_semaphore(%run_scoped3A : memref<!tpu.dma_semaphore, #tpu.memory_space<semaphore_mem>>)
      %dma_wait3A = arith.constant 0 : i32
      %dma_wait3A_78 = arith.constant 0 : i32
      %dma_wait3A_79 = tpu.memref_slice %arg9[%dma_wait3A, %dma_wait3A_78] : memref<112x128xf32, #tpu.memory_space<vmem>> -> memref<64x128xf32, #tpu.memory_space<vmem>>
      %dma_wait3A_80 = arith.constant 0 : i32
      %dma_wait3A_81 = tpu.memref_slice %arg12[%add3A_4, %dma_wait3A_80] : memref<10240x128xf32, #tpu.memory_space<vmem_shared>> -> memref<64x128xf32, #tpu.memory_space<vmem_shared>>
      %dma_wait3A_82 = arith.constant 0 : i32
      %dma_wait3A_83 = tpu.memref_slice %arg12[%add3A_4, %dma_wait3A_82] : memref<10240x128xf32, #tpu.memory_space<vmem_shared>> -> memref<64x128xf32, #tpu.memory_space<vmem_shared>>
      %dma_wait3A_84 = arith.constant 0 : i32
      %dma_wait3A_85 = arith.constant 0 : i32
      %dma_wait3A_86 = tpu.memref_slice %arg9[%dma_wait3A_84, %dma_wait3A_85] : memref<112x128xf32, #tpu.memory_space<vmem>> -> memref<64x128xf32, #tpu.memory_space<vmem>>
      tpu.wait_dma2 semaphore(%run_scoped3A : memref<!tpu.dma_semaphore, #tpu.memory_space<semaphore_mem>>) src(%dma_wait3A_86 : memref<64x128xf32, #tpu.memory_space<vmem>>) dst(%dma_wait3A_83 : memref<64x128xf32, #tpu.memory_space<vmem_shared>>)
      tpu.yield
    }) : () -> ()
    %add3A_5 = arith.constant 64 : i32
    %add3A_6 = arith.addi %mul3A_2, %add3A_5 : i32
    "tpu.region"() ({
      %run_scoped3A = tpu.sem_alloc : memref<!tpu.dma_semaphore, #tpu.memory_space<semaphore_mem>>
      %dma_start3A = arith.constant 0 : i32
      %dma_start3A_69 = arith.constant 0 : i32
      %dma_start3A_70 = tpu.memref_slice %arg9[%dma_start3A, %dma_start3A_69] : memref<112x128xf32, #tpu.memory_space<vmem>> -> memref<64x128xf32, #tpu.memory_space<vmem>>
      %dma_start3A_71 = arith.constant 0 : i32
      %dma_start3A_72 = tpu.memref_slice %arg12[%add3A_6, %dma_start3A_71] : memref<10240x128xf32, #tpu.memory_space<vmem_shared>> -> memref<64x128xf32, #tpu.memory_space<vmem_shared>>
      %dma_start3A_73 = arith.constant 0 : i32
      %dma_start3A_74 = tpu.memref_slice %arg12[%add3A_6, %dma_start3A_73] : memref<10240x128xf32, #tpu.memory_space<vmem_shared>> -> memref<64x128xf32, #tpu.memory_space<vmem_shared>>
      %dma_start3A_75 = arith.constant 0 : i32
      %dma_start3A_76 = arith.constant 0 : i32
      %dma_start3A_77 = tpu.memref_slice %arg9[%dma_start3A_75, %dma_start3A_76] : memref<112x128xf32, #tpu.memory_space<vmem>> -> memref<64x128xf32, #tpu.memory_space<vmem>>
      tpu.enqueue_dma source(%dma_start3A_77 : memref<64x128xf32, #tpu.memory_space<vmem>>) target(%dma_start3A_74 : memref<64x128xf32, #tpu.memory_space<vmem_shared>>) target_semaphore(%run_scoped3A : memref<!tpu.dma_semaphore, #tpu.memory_space<semaphore_mem>>)
      %dma_wait3A = arith.constant 0 : i32
      %dma_wait3A_78 = arith.constant 0 : i32
      %dma_wait3A_79 = tpu.memref_slice %arg9[%dma_wait3A, %dma_wait3A_78] : memref<112x128xf32, #tpu.memory_space<vmem>> -> memref<64x128xf32, #tpu.memory_space<vmem>>
      %dma_wait3A_80 = arith.constant 0 : i32
      %dma_wait3A_81 = tpu.memref_slice %arg12[%add3A_6, %dma_wait3A_80] : memref<10240x128xf32, #tpu.memory_space<vmem_shared>> -> memref<64x128xf32, #tpu.memory_space<vmem_shared>>
      %dma_wait3A_82 = arith.constant 0 : i32
      %dma_wait3A_83 = tpu.memref_slice %arg12[%add3A_6, %dma_wait3A_82] : memref<10240x128xf32, #tpu.memory_space<vmem_shared>> -> memref<64x128xf32, #tpu.memory_space<vmem_shared>>
      %dma_wait3A_84 = arith.constant 0 : i32
      %dma_wait3A_85 = arith.constant 0 : i32
      %dma_wait3A_86 = tpu.memref_slice %arg9[%dma_wait3A_84, %dma_wait3A_85] : memref<112x128xf32, #tpu.memory_space<vmem>> -> memref<64x128xf32, #tpu.memory_space<vmem>>
      tpu.wait_dma2 semaphore(%run_scoped3A : memref<!tpu.dma_semaphore, #tpu.memory_space<semaphore_mem>>) src(%dma_wait3A_86 : memref<64x128xf32, #tpu.memory_space<vmem>>) dst(%dma_wait3A_83 : memref<64x128xf32, #tpu.memory_space<vmem_shared>>)
      tpu.yield
    }) : () -> ()
    %add3A_7 = arith.constant 128 : i32
    %add3A_8 = arith.addi %mul3A_2, %add3A_7 : i32
    "tpu.region"() ({
      %run_scoped3A = tpu.sem_alloc : memref<!tpu.dma_semaphore, #tpu.memory_space<semaphore_mem>>
      %dma_start3A = arith.constant 0 : i32
      %dma_start3A_69 = arith.constant 0 : i32
      %dma_start3A_70 = tpu.memref_slice %arg9[%dma_start3A, %dma_start3A_69] : memref<112x128xf32, #tpu.memory_space<vmem>> -> memref<64x128xf32, #tpu.memory_space<vmem>>
      %dma_start3A_71 = arith.constant 0 : i32
      %dma_start3A_72 = tpu.memref_slice %arg12[%add3A_8, %dma_start3A_71] : memref<10240x128xf32, #tpu.memory_space<vmem_shared>> -> memref<64x128xf32, #tpu.memory_space<vmem_shared>>
      %dma_start3A_73 = arith.constant 0 : i32
      %dma_start3A_74 = tpu.memref_slice %arg12[%add3A_8, %dma_start3A_73] : memref<10240x128xf32, #tpu.memory_space<vmem_shared>> -> memref<64x128xf32, #tpu.memory_space<vmem_shared>>
      %dma_start3A_75 = arith.constant 0 : i32
      %dma_start3A_76 = arith.constant 0 : i32
      %dma_start3A_77 = tpu.memref_slice %arg9[%dma_start3A_75, %dma_start3A_76] : memref<112x128xf32, #tpu.memory_space<vmem>> -> memref<64x128xf32, #tpu.memory_space<vmem>>
      tpu.enqueue_dma source(%dma_start3A_77 : memref<64x128xf32, #tpu.memory_space<vmem>>) target(%dma_start3A_74 : memref<64x128xf32, #tpu.memory_space<vmem_shared>>) target_semaphore(%run_scoped3A : memref<!tpu.dma_semaphore, #tpu.memory_space<semaphore_mem>>)
      %dma_wait3A = arith.constant 0 : i32
      %dma_wait3A_78 = arith.constant 0 : i32
      %dma_wait3A_79 = tpu.memref_slice %arg9[%dma_wait3A, %dma_wait3A_78] : memref<112x128xf32, #tpu.memory_space<vmem>> -> memref<64x128xf32, #tpu.memory_space<vmem>>
      %dma_wait3A_80 = arith.constant 0 : i32
      %dma_wait3A_81 = tpu.memref_slice %arg12[%add3A_8, %dma_wait3A_80] : memref<10240x128xf32, #tpu.memory_space<vmem_shared>> -> memref<64x128xf32, #tpu.memory_space<vmem_shared>>
      %dma_wait3A_82 = arith.constant 0 : i32
      %dma_wait3A_83 = tpu.memref_slice %arg12[%add3A_8, %dma_wait3A_82] : memref<10240x128xf32, #tpu.memory_space<vmem_shared>> -> memref<64x128xf32, #tpu.memory_space<vmem_shared>>
      %dma_wait3A_84 = arith.constant 0 : i32
      %dma_wait3A_85 = arith.constant 0 : i32
      %dma_wait3A_86 = tpu.memref_slice %arg9[%dma_wait3A_84, %dma_wait3A_85] : memref<112x128xf32, #tpu.memory_space<vmem>> -> memref<64x128xf32, #tpu.memory_space<vmem>>
      tpu.wait_dma2 semaphore(%run_scoped3A : memref<!tpu.dma_semaphore, #tpu.memory_space<semaphore_mem>>) src(%dma_wait3A_86 : memref<64x128xf32, #tpu.memory_space<vmem>>) dst(%dma_wait3A_83 : memref<64x128xf32, #tpu.memory_space<vmem_shared>>)
      tpu.yield
    }) : () -> ()
    %add3A_9 = arith.constant 192 : i32
    %add3A_10 = arith.addi %mul3A_2, %add3A_9 : i32
    "tpu.region"() ({
      %run_scoped3A = tpu.sem_alloc : memref<!tpu.dma_semaphore, #tpu.memory_space<semaphore_mem>>
      %dma_start3A = arith.constant 0 : i32
      %dma_start3A_69 = arith.constant 0 : i32
      %dma_start3A_70 = tpu.memref_slice %arg9[%dma_start3A, %dma_start3A_69] : memref<112x128xf32, #tpu.memory_space<vmem>> -> memref<64x128xf32, #tpu.memory_space<vmem>>
      %dma_start3A_71 = arith.constant 0 : i32
      %dma_start3A_72 = tpu.memref_slice %arg12[%add3A_10, %dma_start3A_71] : memref<10240x128xf32, #tpu.memory_space<vmem_shared>> -> memref<64x128xf32, #tpu.memory_space<vmem_shared>>
      %dma_start3A_73 = arith.constant 0 : i32
      %dma_start3A_74 = tpu.memref_slice %arg12[%add3A_10, %dma_start3A_73] : memref<10240x128xf32, #tpu.memory_space<vmem_shared>> -> memref<64x128xf32, #tpu.memory_space<vmem_shared>>
      %dma_start3A_75 = arith.constant 0 : i32
      %dma_start3A_76 = arith.constant 0 : i32
      %dma_start3A_77 = tpu.memref_slice %arg9[%dma_start3A_75, %dma_start3A_76] : memref<112x128xf32, #tpu.memory_space<vmem>> -> memref<64x128xf32, #tpu.memory_space<vmem>>
      tpu.enqueue_dma source(%dma_start3A_77 : memref<64x128xf32, #tpu.memory_space<vmem>>) target(%dma_start3A_74 : memref<64x128xf32, #tpu.memory_space<vmem_shared>>) target_semaphore(%run_scoped3A : memref<!tpu.dma_semaphore, #tpu.memory_space<semaphore_mem>>)
      %dma_wait3A = arith.constant 0 : i32
      %dma_wait3A_78 = arith.constant 0 : i32
      %dma_wait3A_79 = tpu.memref_slice %arg9[%dma_wait3A, %dma_wait3A_78] : memref<112x128xf32, #tpu.memory_space<vmem>> -> memref<64x128xf32, #tpu.memory_space<vmem>>
      %dma_wait3A_80 = arith.constant 0 : i32
      %dma_wait3A_81 = tpu.memref_slice %arg12[%add3A_10, %dma_wait3A_80] : memref<10240x128xf32, #tpu.memory_space<vmem_shared>> -> memref<64x128xf32, #tpu.memory_space<vmem_shared>>
      %dma_wait3A_82 = arith.constant 0 : i32
      %dma_wait3A_83 = tpu.memref_slice %arg12[%add3A_10, %dma_wait3A_82] : memref<10240x128xf32, #tpu.memory_space<vmem_shared>> -> memref<64x128xf32, #tpu.memory_space<vmem_shared>>
      %dma_wait3A_84 = arith.constant 0 : i32
      %dma_wait3A_85 = arith.constant 0 : i32
      %dma_wait3A_86 = tpu.memref_slice %arg9[%dma_wait3A_84, %dma_wait3A_85] : memref<112x128xf32, #tpu.memory_space<vmem>> -> memref<64x128xf32, #tpu.memory_space<vmem>>
      tpu.wait_dma2 semaphore(%run_scoped3A : memref<!tpu.dma_semaphore, #tpu.memory_space<semaphore_mem>>) src(%dma_wait3A_86 : memref<64x128xf32, #tpu.memory_space<vmem>>) dst(%dma_wait3A_83 : memref<64x128xf32, #tpu.memory_space<vmem_shared>>)
      tpu.yield
    }) : () -> ()
    %add3A_11 = arith.constant 256 : i32
    %add3A_12 = arith.addi %mul3A_2, %add3A_11 : i32
    "tpu.region"() ({
      %run_scoped3A = tpu.sem_alloc : memref<!tpu.dma_semaphore, #tpu.memory_space<semaphore_mem>>
      %dma_start3A = arith.constant 0 : i32
      %dma_start3A_69 = arith.constant 0 : i32
      %dma_start3A_70 = tpu.memref_slice %arg9[%dma_start3A, %dma_start3A_69] : memref<112x128xf32, #tpu.memory_space<vmem>> -> memref<64x128xf32, #tpu.memory_space<vmem>>
      %dma_start3A_71 = arith.constant 0 : i32
      %dma_start3A_72 = tpu.memref_slice %arg12[%add3A_12, %dma_start3A_71] : memref<10240x128xf32, #tpu.memory_space<vmem_shared>> -> memref<64x128xf32, #tpu.memory_space<vmem_shared>>
      %dma_start3A_73 = arith.constant 0 : i32
      %dma_start3A_74 = tpu.memref_slice %arg12[%add3A_12, %dma_start3A_73] : memref<10240x128xf32, #tpu.memory_space<vmem_shared>> -> memref<64x128xf32, #tpu.memory_space<vmem_shared>>
      %dma_start3A_75 = arith.constant 0 : i32
      %dma_start3A_76 = arith.constant 0 : i32
      %dma_start3A_77 = tpu.memref_slice %arg9[%dma_start3A_75, %dma_start3A_76] : memref<112x128xf32, #tpu.memory_space<vmem>> -> memref<64x128xf32, #tpu.memory_space<vmem>>
      tpu.enqueue_dma source(%dma_start3A_77 : memref<64x128xf32, #tpu.memory_space<vmem>>) target(%dma_start3A_74 : memref<64x128xf32, #tpu.memory_space<vmem_shared>>) target_semaphore(%run_scoped3A : memref<!tpu.dma_semaphore, #tpu.memory_space<semaphore_mem>>)
      %dma_wait3A = arith.constant 0 : i32
      %dma_wait3A_78 = arith.constant 0 : i32
      %dma_wait3A_79 = tpu.memref_slice %arg9[%dma_wait3A, %dma_wait3A_78] : memref<112x128xf32, #tpu.memory_space<vmem>> -> memref<64x128xf32, #tpu.memory_space<vmem>>
      %dma_wait3A_80 = arith.constant 0 : i32
      %dma_wait3A_81 = tpu.memref_slice %arg12[%add3A_12, %dma_wait3A_80] : memref<10240x128xf32, #tpu.memory_space<vmem_shared>> -> memref<64x128xf32, #tpu.memory_space<vmem_shared>>
      %dma_wait3A_82 = arith.constant 0 : i32
      %dma_wait3A_83 = tpu.memref_slice %arg12[%add3A_12, %dma_wait3A_82] : memref<10240x128xf32, #tpu.memory_space<vmem_shared>> -> memref<64x128xf32, #tpu.memory_space<vmem_shared>>
      %dma_wait3A_84 = arith.constant 0 : i32
      %dma_wait3A_85 = arith.constant 0 : i32
      %dma_wait3A_86 = tpu.memref_slice %arg9[%dma_wait3A_84, %dma_wait3A_85] : memref<112x128xf32, #tpu.memory_space<vmem>> -> memref<64x128xf32, #tpu.memory_space<vmem>>
      tpu.wait_dma2 semaphore(%run_scoped3A : memref<!tpu.dma_semaphore, #tpu.memory_space<semaphore_mem>>) src(%dma_wait3A_86 : memref<64x128xf32, #tpu.memory_space<vmem>>) dst(%dma_wait3A_83 : memref<64x128xf32, #tpu.memory_space<vmem_shared>>)
      tpu.yield
    }) : () -> ()
    %add3A_13 = arith.constant 320 : i32
    %add3A_14 = arith.addi %mul3A_2, %add3A_13 : i32
    "tpu.region"() ({
      %run_scoped3A = tpu.sem_alloc : memref<!tpu.dma_semaphore, #tpu.memory_space<semaphore_mem>>
      %dma_start3A = arith.constant 0 : i32
      %dma_start3A_69 = arith.constant 0 : i32
      %dma_start3A_70 = tpu.memref_slice %arg9[%dma_start3A, %dma_start3A_69] : memref<112x128xf32, #tpu.memory_space<vmem>> -> memref<64x128xf32, #tpu.memory_space<vmem>>
      %dma_start3A_71 = arith.constant 0 : i32
      %dma_start3A_72 = tpu.memref_slice %arg12[%add3A_14, %dma_start3A_71] : memref<10240x128xf32, #tpu.memory_space<vmem_shared>> -> memref<64x128xf32, #tpu.memory_space<vmem_shared>>
      %dma_start3A_73 = arith.constant 0 : i32
      %dma_start3A_74 = tpu.memref_slice %arg12[%add3A_14, %dma_start3A_73] : memref<10240x128xf32, #tpu.memory_space<vmem_shared>> -> memref<64x128xf32, #tpu.memory_space<vmem_shared>>
      %dma_start3A_75 = arith.constant 0 : i32
      %dma_start3A_76 = arith.constant 0 : i32
      %dma_start3A_77 = tpu.memref_slice %arg9[%dma_start3A_75, %dma_start3A_76] : memref<112x128xf32, #tpu.memory_space<vmem>> -> memref<64x128xf32, #tpu.memory_space<vmem>>
      tpu.enqueue_dma source(%dma_start3A_77 : memref<64x128xf32, #tpu.memory_space<vmem>>) target(%dma_start3A_74 : memref<64x128xf32, #tpu.memory_space<vmem_shared>>) target_semaphore(%run_scoped3A : memref<!tpu.dma_semaphore, #tpu.memory_space<semaphore_mem>>)
      %dma_wait3A = arith.constant 0 : i32
      %dma_wait3A_78 = arith.constant 0 : i32
      %dma_wait3A_79 = tpu.memref_slice %arg9[%dma_wait3A, %dma_wait3A_78] : memref<112x128xf32, #tpu.memory_space<vmem>> -> memref<64x128xf32, #tpu.memory_space<vmem>>
      %dma_wait3A_80 = arith.constant 0 : i32
      %dma_wait3A_81 = tpu.memref_slice %arg12[%add3A_14, %dma_wait3A_80] : memref<10240x128xf32, #tpu.memory_space<vmem_shared>> -> memref<64x128xf32, #tpu.memory_space<vmem_shared>>
      %dma_wait3A_82 = arith.constant 0 : i32
      %dma_wait3A_83 = tpu.memref_slice %arg12[%add3A_14, %dma_wait3A_82] : memref<10240x128xf32, #tpu.memory_space<vmem_shared>> -> memref<64x128xf32, #tpu.memory_space<vmem_shared>>
      %dma_wait3A_84 = arith.constant 0 : i32
      %dma_wait3A_85 = arith.constant 0 : i32
      %dma_wait3A_86 = tpu.memref_slice %arg9[%dma_wait3A_84, %dma_wait3A_85] : memref<112x128xf32, #tpu.memory_space<vmem>> -> memref<64x128xf32, #tpu.memory_space<vmem>>
      tpu.wait_dma2 semaphore(%run_scoped3A : memref<!tpu.dma_semaphore, #tpu.memory_space<semaphore_mem>>) src(%dma_wait3A_86 : memref<64x128xf32, #tpu.memory_space<vmem>>) dst(%dma_wait3A_83 : memref<64x128xf32, #tpu.memory_space<vmem_shared>>)
      tpu.yield
    }) : () -> ()
    %add3A_15 = arith.constant 384 : i32
    %add3A_16 = arith.addi %mul3A_2, %add3A_15 : i32
    "tpu.region"() ({
      %run_scoped3A = tpu.sem_alloc : memref<!tpu.dma_semaphore, #tpu.memory_space<semaphore_mem>>
      %dma_start3A = arith.constant 0 : i32
      %dma_start3A_69 = arith.constant 0 : i32
      %dma_start3A_70 = tpu.memref_slice %arg9[%dma_start3A, %dma_start3A_69] : memref<112x128xf32, #tpu.memory_space<vmem>> -> memref<64x128xf32, #tpu.memory_space<vmem>>
      %dma_start3A_71 = arith.constant 0 : i32
      %dma_start3A_72 = tpu.memref_slice %arg12[%add3A_16, %dma_start3A_71] : memref<10240x128xf32, #tpu.memory_space<vmem_shared>> -> memref<64x128xf32, #tpu.memory_space<vmem_shared>>
      %dma_start3A_73 = arith.constant 0 : i32
      %dma_start3A_74 = tpu.memref_slice %arg12[%add3A_16, %dma_start3A_73] : memref<10240x128xf32, #tpu.memory_space<vmem_shared>> -> memref<64x128xf32, #tpu.memory_space<vmem_shared>>
      %dma_start3A_75 = arith.constant 0 : i32
      %dma_start3A_76 = arith.constant 0 : i32
      %dma_start3A_77 = tpu.memref_slice %arg9[%dma_start3A_75, %dma_start3A_76] : memref<112x128xf32, #tpu.memory_space<vmem>> -> memref<64x128xf32, #tpu.memory_space<vmem>>
      tpu.enqueue_dma source(%dma_start3A_77 : memref<64x128xf32, #tpu.memory_space<vmem>>) target(%dma_start3A_74 : memref<64x128xf32, #tpu.memory_space<vmem_shared>>) target_semaphore(%run_scoped3A : memref<!tpu.dma_semaphore, #tpu.memory_space<semaphore_mem>>)
      %dma_wait3A = arith.constant 0 : i32
      %dma_wait3A_78 = arith.constant 0 : i32
      %dma_wait3A_79 = tpu.memref_slice %arg9[%dma_wait3A, %dma_wait3A_78] : memref<112x128xf32, #tpu.memory_space<vmem>> -> memref<64x128xf32, #tpu.memory_space<vmem>>
      %dma_wait3A_80 = arith.constant 0 : i32
      %dma_wait3A_81 = tpu.memref_slice %arg12[%add3A_16, %dma_wait3A_80] : memref<10240x128xf32, #tpu.memory_space<vmem_shared>> -> memref<64x128xf32, #tpu.memory_space<vmem_shared>>
      %dma_wait3A_82 = arith.constant 0 : i32
      %dma_wait3A_83 = tpu.memref_slice %arg12[%add3A_16, %dma_wait3A_82] : memref<10240x128xf32, #tpu.memory_space<vmem_shared>> -> memref<64x128xf32, #tpu.memory_space<vmem_shared>>
      %dma_wait3A_84 = arith.constant 0 : i32
      %dma_wait3A_85 = arith.constant 0 : i32
      %dma_wait3A_86 = tpu.memref_slice %arg9[%dma_wait3A_84, %dma_wait3A_85] : memref<112x128xf32, #tpu.memory_space<vmem>> -> memref<64x128xf32, #tpu.memory_space<vmem>>
      tpu.wait_dma2 semaphore(%run_scoped3A : memref<!tpu.dma_semaphore, #tpu.memory_space<semaphore_mem>>) src(%dma_wait3A_86 : memref<64x128xf32, #tpu.memory_space<vmem>>) dst(%dma_wait3A_83 : memref<64x128xf32, #tpu.memory_space<vmem_shared>>)
      tpu.yield
    }) : () -> ()
    %add3A_17 = arith.constant 448 : i32
    %add3A_18 = arith.addi %mul3A_2, %add3A_17 : i32
    "tpu.region"() ({
      %run_scoped3A = tpu.sem_alloc : memref<!tpu.dma_semaphore, #tpu.memory_space<semaphore_mem>>
      %dma_start3A = arith.constant 0 : i32
      %dma_start3A_69 = arith.constant 0 : i32
      %dma_start3A_70 = tpu.memref_slice %arg9[%dma_start3A, %dma_start3A_69] : memref<112x128xf32, #tpu.memory_space<vmem>> -> memref<64x128xf32, #tpu.memory_space<vmem>>
      %dma_start3A_71 = arith.constant 0 : i32
      %dma_start3A_72 = tpu.memref_slice %arg12[%add3A_18, %dma_start3A_71] : memref<10240x128xf32, #tpu.memory_space<vmem_shared>> -> memref<64x128xf32, #tpu.memory_space<vmem_shared>>
      %dma_start3A_73 = arith.constant 0 : i32
      %dma_start3A_74 = tpu.memref_slice %arg12[%add3A_18, %dma_start3A_73] : memref<10240x128xf32, #tpu.memory_space<vmem_shared>> -> memref<64x128xf32, #tpu.memory_space<vmem_shared>>
      %dma_start3A_75 = arith.constant 0 : i32
      %dma_start3A_76 = arith.constant 0 : i32
      %dma_start3A_77 = tpu.memref_slice %arg9[%dma_start3A_75, %dma_start3A_76] : memref<112x128xf32, #tpu.memory_space<vmem>> -> memref<64x128xf32, #tpu.memory_space<vmem>>
      tpu.enqueue_dma source(%dma_start3A_77 : memref<64x128xf32, #tpu.memory_space<vmem>>) target(%dma_start3A_74 : memref<64x128xf32, #tpu.memory_space<vmem_shared>>) target_semaphore(%run_scoped3A : memref<!tpu.dma_semaphore, #tpu.memory_space<semaphore_mem>>)
      %dma_wait3A = arith.constant 0 : i32
      %dma_wait3A_78 = arith.constant 0 : i32
      %dma_wait3A_79 = tpu.memref_slice %arg9[%dma_wait3A, %dma_wait3A_78] : memref<112x128xf32, #tpu.memory_space<vmem>> -> memref<64x128xf32, #tpu.memory_space<vmem>>
      %dma_wait3A_80 = arith.constant 0 : i32
      %dma_wait3A_81 = tpu.memref_slice %arg12[%add3A_18, %dma_wait3A_80] : memref<10240x128xf32, #tpu.memory_space<vmem_shared>> -> memref<64x128xf32, #tpu.memory_space<vmem_shared>>
      %dma_wait3A_82 = arith.constant 0 : i32
      %dma_wait3A_83 = tpu.memref_slice %arg12[%add3A_18, %dma_wait3A_82] : memref<10240x128xf32, #tpu.memory_space<vmem_shared>> -> memref<64x128xf32, #tpu.memory_space<vmem_shared>>
      %dma_wait3A_84 = arith.constant 0 : i32
      %dma_wait3A_85 = arith.constant 0 : i32
      %dma_wait3A_86 = tpu.memref_slice %arg9[%dma_wait3A_84, %dma_wait3A_85] : memref<112x128xf32, #tpu.memory_space<vmem>> -> memref<64x128xf32, #tpu.memory_space<vmem>>
      tpu.wait_dma2 semaphore(%run_scoped3A : memref<!tpu.dma_semaphore, #tpu.memory_space<semaphore_mem>>) src(%dma_wait3A_86 : memref<64x128xf32, #tpu.memory_space<vmem>>) dst(%dma_wait3A_83 : memref<64x128xf32, #tpu.memory_space<vmem_shared>>)
      tpu.yield
    }) : () -> ()
    %add3A_19 = arith.constant 512 : i32
    %add3A_20 = arith.addi %mul3A_2, %add3A_19 : i32
    "tpu.region"() ({
      %run_scoped3A = tpu.sem_alloc : memref<!tpu.dma_semaphore, #tpu.memory_space<semaphore_mem>>
      %dma_start3A = arith.constant 0 : i32
      %dma_start3A_69 = arith.constant 0 : i32
      %dma_start3A_70 = tpu.memref_slice %arg9[%dma_start3A, %dma_start3A_69] : memref<112x128xf32, #tpu.memory_space<vmem>> -> memref<64x128xf32, #tpu.memory_space<vmem>>
      %dma_start3A_71 = arith.constant 0 : i32
      %dma_start3A_72 = tpu.memref_slice %arg12[%add3A_20, %dma_start3A_71] : memref<10240x128xf32, #tpu.memory_space<vmem_shared>> -> memref<64x128xf32, #tpu.memory_space<vmem_shared>>
      %dma_start3A_73 = arith.constant 0 : i32
      %dma_start3A_74 = tpu.memref_slice %arg12[%add3A_20, %dma_start3A_73] : memref<10240x128xf32, #tpu.memory_space<vmem_shared>> -> memref<64x128xf32, #tpu.memory_space<vmem_shared>>
      %dma_start3A_75 = arith.constant 0 : i32
      %dma_start3A_76 = arith.constant 0 : i32
      %dma_start3A_77 = tpu.memref_slice %arg9[%dma_start3A_75, %dma_start3A_76] : memref<112x128xf32, #tpu.memory_space<vmem>> -> memref<64x128xf32, #tpu.memory_space<vmem>>
      tpu.enqueue_dma source(%dma_start3A_77 : memref<64x128xf32, #tpu.memory_space<vmem>>) target(%dma_start3A_74 : memref<64x128xf32, #tpu.memory_space<vmem_shared>>) target_semaphore(%run_scoped3A : memref<!tpu.dma_semaphore, #tpu.memory_space<semaphore_mem>>)
      %dma_wait3A = arith.constant 0 : i32
      %dma_wait3A_78 = arith.constant 0 : i32
      %dma_wait3A_79 = tpu.memref_slice %arg9[%dma_wait3A, %dma_wait3A_78] : memref<112x128xf32, #tpu.memory_space<vmem>> -> memref<64x128xf32, #tpu.memory_space<vmem>>
      %dma_wait3A_80 = arith.constant 0 : i32
      %dma_wait3A_81 = tpu.memref_slice %arg12[%add3A_20, %dma_wait3A_80] : memref<10240x128xf32, #tpu.memory_space<vmem_shared>> -> memref<64x128xf32, #tpu.memory_space<vmem_shared>>
      %dma_wait3A_82 = arith.constant 0 : i32
      %dma_wait3A_83 = tpu.memref_slice %arg12[%add3A_20, %dma_wait3A_82] : memref<10240x128xf32, #tpu.memory_space<vmem_shared>> -> memref<64x128xf32, #tpu.memory_space<vmem_shared>>
      %dma_wait3A_84 = arith.constant 0 : i32
      %dma_wait3A_85 = arith.constant 0 : i32
      %dma_wait3A_86 = tpu.memref_slice %arg9[%dma_wait3A_84, %dma_wait3A_85] : memref<112x128xf32, #tpu.memory_space<vmem>> -> memref<64x128xf32, #tpu.memory_space<vmem>>
      tpu.wait_dma2 semaphore(%run_scoped3A : memref<!tpu.dma_semaphore, #tpu.memory_space<semaphore_mem>>) src(%dma_wait3A_86 : memref<64x128xf32, #tpu.memory_space<vmem>>) dst(%dma_wait3A_83 : memref<64x128xf32, #tpu.memory_space<vmem_shared>>)
      tpu.yield
    }) : () -> ()
    %add3A_21 = arith.constant 576 : i32
    %add3A_22 = arith.addi %mul3A_2, %add3A_21 : i32
    "tpu.region"() ({
      %run_scoped3A = tpu.sem_alloc : memref<!tpu.dma_semaphore, #tpu.memory_space<semaphore_mem>>
      %dma_start3A = arith.constant 0 : i32
      %dma_start3A_69 = arith.constant 0 : i32
      %dma_start3A_70 = tpu.memref_slice %arg9[%dma_start3A, %dma_start3A_69] : memref<112x128xf32, #tpu.memory_space<vmem>> -> memref<64x128xf32, #tpu.memory_space<vmem>>
      %dma_start3A_71 = arith.constant 0 : i32
      %dma_start3A_72 = tpu.memref_slice %arg12[%add3A_22, %dma_start3A_71] : memref<10240x128xf32, #tpu.memory_space<vmem_shared>> -> memref<64x128xf32, #tpu.memory_space<vmem_shared>>
      %dma_start3A_73 = arith.constant 0 : i32
      %dma_start3A_74 = tpu.memref_slice %arg12[%add3A_22, %dma_start3A_73] : memref<10240x128xf32, #tpu.memory_space<vmem_shared>> -> memref<64x128xf32, #tpu.memory_space<vmem_shared>>
      %dma_start3A_75 = arith.constant 0 : i32
      %dma_start3A_76 = arith.constant 0 : i32
      %dma_start3A_77 = tpu.memref_slice %arg9[%dma_start3A_75, %dma_start3A_76] : memref<112x128xf32, #tpu.memory_space<vmem>> -> memref<64x128xf32, #tpu.memory_space<vmem>>
      tpu.enqueue_dma source(%dma_start3A_77 : memref<64x128xf32, #tpu.memory_space<vmem>>) target(%dma_start3A_74 : memref<64x128xf32, #tpu.memory_space<vmem_shared>>) target_semaphore(%run_scoped3A : memref<!tpu.dma_semaphore, #tpu.memory_space<semaphore_mem>>)
      %dma_wait3A = arith.constant 0 : i32
      %dma_wait3A_78 = arith.constant 0 : i32
      %dma_wait3A_79 = tpu.memref_slice %arg9[%dma_wait3A, %dma_wait3A_78] : memref<112x128xf32, #tpu.memory_space<vmem>> -> memref<64x128xf32, #tpu.memory_space<vmem>>
      %dma_wait3A_80 = arith.constant 0 : i32
      %dma_wait3A_81 = tpu.memref_slice %arg12[%add3A_22, %dma_wait3A_80] : memref<10240x128xf32, #tpu.memory_space<vmem_shared>> -> memref<64x128xf32, #tpu.memory_space<vmem_shared>>
      %dma_wait3A_82 = arith.constant 0 : i32
      %dma_wait3A_83 = tpu.memref_slice %arg12[%add3A_22, %dma_wait3A_82] : memref<10240x128xf32, #tpu.memory_space<vmem_shared>> -> memref<64x128xf32, #tpu.memory_space<vmem_shared>>
      %dma_wait3A_84 = arith.constant 0 : i32
      %dma_wait3A_85 = arith.constant 0 : i32
      %dma_wait3A_86 = tpu.memref_slice %arg9[%dma_wait3A_84, %dma_wait3A_85] : memref<112x128xf32, #tpu.memory_space<vmem>> -> memref<64x128xf32, #tpu.memory_space<vmem>>
      tpu.wait_dma2 semaphore(%run_scoped3A : memref<!tpu.dma_semaphore, #tpu.memory_space<semaphore_mem>>) src(%dma_wait3A_86 : memref<64x128xf32, #tpu.memory_space<vmem>>) dst(%dma_wait3A_83 : memref<64x128xf32, #tpu.memory_space<vmem_shared>>)
      tpu.yield
    }) : () -> ()
    %barrier3A = arith.constant 0 : index
    tpu.barrier barrier_id(%barrier3A)
    %scan3A = arith.constant 0 : i32
    %scan3A_23 = arith.constant 0 : i32
    %scan3A_24 = arith.constant 10 : i32
    %scan3A_25 = arith.addi %scan3A_23, %scan3A_24 : i32
    %scan3A_26 = arith.constant 1 : i32
    scf.for %scan3A_69 = %scan3A_23 to %scan3A_25 step %scan3A_26  : i32 {
      %mul3A_70 = arith.constant 8 : i32
      %mul3A_71 = arith.muli %scan3A_69, %mul3A_70 : i32
      "tpu.region"() ({
        %run_scoped3A = tpu.sem_alloc : memref<!tpu.dma_semaphore, #tpu.memory_space<semaphore_mem>>
        %dma_start3A_296 = arith.constant 0 : i32
        %dma_start3A_297 = tpu.memref_slice %arg3[%add3A, %mul3A_71, %dma_start3A_296] : memref<32x80x128xi32, #tpu.memory_space<hbm>> -> memref<1x8x128xi32, #tpu.memory_space<hbm>>
        %dma_start3A_298 = tpu.memref_squeeze %dma_start3A_297 : memref<1x8x128xi32, #tpu.memory_space<hbm>> -> memref<8x128xi32, #tpu.memory_space<hbm>>
        %dma_start3A_299 = arith.constant 0 : i32
        %dma_start3A_300 = tpu.memref_slice %arg3[%add3A, %mul3A_71, %dma_start3A_299] : memref<32x80x128xi32, #tpu.memory_space<hbm>> -> memref<1x8x128xi32, #tpu.memory_space<hbm>>
        %dma_start3A_301 = tpu.memref_squeeze %dma_start3A_300 : memref<1x8x128xi32, #tpu.memory_space<hbm>> -> memref<8x128xi32, #tpu.memory_space<hbm>>
        tpu.enqueue_dma source(%dma_start3A_301 : memref<8x128xi32, #tpu.memory_space<hbm>>) target(%arg7 : memref<8x128xi32, #tpu.memory_space<vmem>>) target_semaphore(%run_scoped3A : memref<!tpu.dma_semaphore, #tpu.memory_space<semaphore_mem>>)
        %dma_wait3A_302 = arith.constant 0 : i32
        %dma_wait3A_303 = tpu.memref_slice %arg3[%add3A, %mul3A_71, %dma_wait3A_302] : memref<32x80x128xi32, #tpu.memory_space<hbm>> -> memref<1x8x128xi32, #tpu.memory_space<hbm>>
        %dma_wait3A_304 = tpu.memref_squeeze %dma_wait3A_303 : memref<1x8x128xi32, #tpu.memory_space<hbm>> -> memref<8x128xi32, #tpu.memory_space<hbm>>
        %dma_wait3A_305 = arith.constant 0 : i32
        %dma_wait3A_306 = tpu.memref_slice %arg3[%add3A, %mul3A_71, %dma_wait3A_305] : memref<32x80x128xi32, #tpu.memory_space<hbm>> -> memref<1x8x128xi32, #tpu.memory_space<hbm>>
        %dma_wait3A_307 = tpu.memref_squeeze %dma_wait3A_306 : memref<1x8x128xi32, #tpu.memory_space<hbm>> -> memref<8x128xi32, #tpu.memory_space<hbm>>
        tpu.wait_dma2 semaphore(%run_scoped3A : memref<!tpu.dma_semaphore, #tpu.memory_space<semaphore_mem>>) src(%dma_wait3A_307 : memref<8x128xi32, #tpu.memory_space<hbm>>) dst(%arg7 : memref<8x128xi32, #tpu.memory_space<vmem>>)
        tpu.yield
      }) : () -> ()
      %mul3A_72 = arith.constant 8 : i32
      %mul3A_73 = arith.muli %scan3A_69, %mul3A_72 : i32
      "tpu.region"() ({
        %run_scoped3A = tpu.sem_alloc : memref<!tpu.dma_semaphore, #tpu.memory_space<semaphore_mem>>
        %dma_start3A_296 = arith.constant 0 : i32
        %dma_start3A_297 = tpu.memref_slice %arg4[%add3A, %mul3A_73, %dma_start3A_296] : memref<32x80x128xi32, #tpu.memory_space<hbm>> -> memref<1x8x128xi32, #tpu.memory_space<hbm>>
        %dma_start3A_298 = tpu.memref_squeeze %dma_start3A_297 : memref<1x8x128xi32, #tpu.memory_space<hbm>> -> memref<8x128xi32, #tpu.memory_space<hbm>>
        %dma_start3A_299 = arith.constant 0 : i32
        %dma_start3A_300 = tpu.memref_slice %arg4[%add3A, %mul3A_73, %dma_start3A_299] : memref<32x80x128xi32, #tpu.memory_space<hbm>> -> memref<1x8x128xi32, #tpu.memory_space<hbm>>
        %dma_start3A_301 = tpu.memref_squeeze %dma_start3A_300 : memref<1x8x128xi32, #tpu.memory_space<hbm>> -> memref<8x128xi32, #tpu.memory_space<hbm>>
        tpu.enqueue_dma source(%dma_start3A_301 : memref<8x128xi32, #tpu.memory_space<hbm>>) target(%arg8 : memref<8x128xi32, #tpu.memory_space<vmem>>) target_semaphore(%run_scoped3A : memref<!tpu.dma_semaphore, #tpu.memory_space<semaphore_mem>>)
        %dma_wait3A_302 = arith.constant 0 : i32
        %dma_wait3A_303 = tpu.memref_slice %arg4[%add3A, %mul3A_73, %dma_wait3A_302] : memref<32x80x128xi32, #tpu.memory_space<hbm>> -> memref<1x8x128xi32, #tpu.memory_space<hbm>>
        %dma_wait3A_304 = tpu.memref_squeeze %dma_wait3A_303 : memref<1x8x128xi32, #tpu.memory_space<hbm>> -> memref<8x128xi32, #tpu.memory_space<hbm>>
        %dma_wait3A_305 = arith.constant 0 : i32
        %dma_wait3A_306 = tpu.memref_slice %arg4[%add3A, %mul3A_73, %dma_wait3A_305] : memref<32x80x128xi32, #tpu.memory_space<hbm>> -> memref<1x8x128xi32, #tpu.memory_space<hbm>>
        %dma_wait3A_307 = tpu.memref_squeeze %dma_wait3A_306 : memref<1x8x128xi32, #tpu.memory_space<hbm>> -> memref<8x128xi32, #tpu.memory_space<hbm>>
        tpu.wait_dma2 semaphore(%run_scoped3A : memref<!tpu.dma_semaphore, #tpu.memory_space<semaphore_mem>>) src(%dma_wait3A_307 : memref<8x128xi32, #tpu.memory_space<hbm>>) dst(%arg8 : memref<8x128xi32, #tpu.memory_space<vmem>>)
        tpu.yield
      }) : () -> ()
      %dma_start3A = arith.constant 0 : i32
      %dma_start3A_74 = arith.constant 0 : i32
      %dma_start3A_75 = tpu.memref_slice %arg7[%dma_start3A, %dma_start3A_74] : memref<8x128xi32, #tpu.memory_space<vmem>> -> memref<1x112xi32, #tpu.memory_space<vmem>>
      %dma_start3A_76 = tpu.memref_squeeze %dma_start3A_75 : memref<1x112xi32, #tpu.memory_space<vmem>> -> memref<112xi32, #tpu.memory_space<vmem>>
      %dma_start3A_77 = arith.constant 0 : i32
      %dma_start3A_78 = arith.constant 0 : i32
      %dma_start3A_79 = tpu.memref_slice %arg2[%dma_start3A_77, %dma_start3A_78] : memref<10240x128xf32, #tpu.memory_space<hbm>> -> memref<10240x128xf32, #tpu.memory_space<hbm>>
      tpu.enqueue_indirect_dma source(%dma_start3A_79 : memref<10240x128xf32, #tpu.memory_space<hbm>>) target(%arg9 : memref<112x128xf32, #tpu.memory_space<vmem>>) offsets(%dma_start3A_76 : memref<112xi32, #tpu.memory_space<vmem>>) semaphore(%arg13 : memref<!tpu.dma_semaphore, #tpu.memory_space<semaphore_mem>>)
      %dma_start3A_80 = arith.constant 1 : i32
      %dma_start3A_81 = arith.constant 0 : i32
      %dma_start3A_82 = tpu.memref_slice %arg7[%dma_start3A_80, %dma_start3A_81] : memref<8x128xi32, #tpu.memory_space<vmem>> -> memref<1x112xi32, #tpu.memory_space<vmem>>
      %dma_start3A_83 = tpu.memref_squeeze %dma_start3A_82 : memref<1x112xi32, #tpu.memory_space<vmem>> -> memref<112xi32, #tpu.memory_space<vmem>>
      %dma_start3A_84 = arith.constant 0 : i32
      %dma_start3A_85 = arith.constant 0 : i32
      %dma_start3A_86 = tpu.memref_slice %arg2[%dma_start3A_84, %dma_start3A_85] : memref<10240x128xf32, #tpu.memory_space<hbm>> -> memref<10240x128xf32, #tpu.memory_space<hbm>>
      tpu.enqueue_indirect_dma source(%dma_start3A_86 : memref<10240x128xf32, #tpu.memory_space<hbm>>) target(%arg10 : memref<112x128xf32, #tpu.memory_space<vmem>>) offsets(%dma_start3A_83 : memref<112xi32, #tpu.memory_space<vmem>>) semaphore(%arg14 : memref<!tpu.dma_semaphore, #tpu.memory_space<semaphore_mem>>)
      %dma_start3A_87 = arith.constant 2 : i32
      %dma_start3A_88 = arith.constant 0 : i32
      %dma_start3A_89 = tpu.memref_slice %arg7[%dma_start3A_87, %dma_start3A_88] : memref<8x128xi32, #tpu.memory_space<vmem>> -> memref<1x112xi32, #tpu.memory_space<vmem>>
      %dma_start3A_90 = tpu.memref_squeeze %dma_start3A_89 : memref<1x112xi32, #tpu.memory_space<vmem>> -> memref<112xi32, #tpu.memory_space<vmem>>
      %dma_start3A_91 = arith.constant 0 : i32
      %dma_start3A_92 = arith.constant 0 : i32
      %dma_start3A_93 = tpu.memref_slice %arg2[%dma_start3A_91, %dma_start3A_92] : memref<10240x128xf32, #tpu.memory_space<hbm>> -> memref<10240x128xf32, #tpu.memory_space<hbm>>
      tpu.enqueue_indirect_dma source(%dma_start3A_93 : memref<10240x128xf32, #tpu.memory_space<hbm>>) target(%arg11 : memref<112x128xf32, #tpu.memory_space<vmem>>) offsets(%dma_start3A_90 : memref<112xi32, #tpu.memory_space<vmem>>) semaphore(%arg15 : memref<!tpu.dma_semaphore, #tpu.memory_space<semaphore_mem>>)
      %dma_wait3A = arith.constant 0 : i32
      %dma_wait3A_94 = arith.constant 0 : i32
      %dma_wait3A_95 = tpu.memref_slice %arg7[%dma_wait3A, %dma_wait3A_94] : memref<8x128xi32, #tpu.memory_space<vmem>> -> memref<1x112xi32, #tpu.memory_space<vmem>>
      %dma_wait3A_96 = tpu.memref_squeeze %dma_wait3A_95 : memref<1x112xi32, #tpu.memory_space<vmem>> -> memref<112xi32, #tpu.memory_space<vmem>>
      %dma_wait3A_97 = arith.constant 0 : i32
      %dma_wait3A_98 = arith.constant 0 : i32
      %dma_wait3A_99 = tpu.memref_slice %arg2[%dma_wait3A_97, %dma_wait3A_98] : memref<10240x128xf32, #tpu.memory_space<hbm>> -> memref<10240x128xf32, #tpu.memory_space<hbm>>
      tpu.wait_indirect_dma semaphore(%arg13 : memref<!tpu.dma_semaphore, #tpu.memory_space<semaphore_mem>>) src(%dma_wait3A_99 : memref<10240x128xf32, #tpu.memory_space<hbm>>) dst(%arg9 : memref<112x128xf32, #tpu.memory_space<vmem>>)
      %dma_start3A_100 = arith.constant 0 : i32
      %dma_start3A_101 = arith.constant 0 : i32
      %dma_start3A_102 = tpu.memref_slice %arg8[%dma_start3A_100, %dma_start3A_101] : memref<8x128xi32, #tpu.memory_space<vmem>> -> memref<1x112xi32, #tpu.memory_space<vmem>>
      %dma_start3A_103 = tpu.memref_squeeze %dma_start3A_102 : memref<1x112xi32, #tpu.memory_space<vmem>> -> memref<112xi32, #tpu.memory_space<vmem>>
      %dma_start3A_104 = arith.constant 0 : i32
      %dma_start3A_105 = arith.constant 0 : i32
      %dma_start3A_106 = tpu.memref_slice %arg12[%dma_start3A_104, %dma_start3A_105] : memref<10240x128xf32, #tpu.memory_space<vmem_shared>> -> memref<10240x128xf32, #tpu.memory_space<vmem_shared>>
      tpu.enqueue_indirect_dma source(%arg9 : memref<112x128xf32, #tpu.memory_space<vmem>>) target(%dma_start3A_106 : memref<10240x128xf32, #tpu.memory_space<vmem_shared>>) offsets(%dma_start3A_103 : memref<112xi32, #tpu.memory_space<vmem>>) semaphore(%arg16 : memref<!tpu.dma_semaphore, #tpu.memory_space<semaphore_mem>>) {add = true}
      %dma_wait3A_107 = arith.constant 0 : i32
      %dma_wait3A_108 = arith.constant 0 : i32
      %dma_wait3A_109 = tpu.memref_slice %arg8[%dma_wait3A_107, %dma_wait3A_108] : memref<8x128xi32, #tpu.memory_space<vmem>> -> memref<1x112xi32, #tpu.memory_space<vmem>>
      %dma_wait3A_110 = tpu.memref_squeeze %dma_wait3A_109 : memref<1x112xi32, #tpu.memory_space<vmem>> -> memref<112xi32, #tpu.memory_space<vmem>>
      %dma_wait3A_111 = arith.constant 0 : i32
      %dma_wait3A_112 = arith.constant 0 : i32
      %dma_wait3A_113 = tpu.memref_slice %arg12[%dma_wait3A_111, %dma_wait3A_112] : memref<10240x128xf32, #tpu.memory_space<vmem_shared>> -> memref<10240x128xf32, #tpu.memory_space<vmem_shared>>
      tpu.wait_indirect_dma semaphore(%arg16 : memref<!tpu.dma_semaphore, #tpu.memory_space<semaphore_mem>>) src(%arg9 : memref<112x128xf32, #tpu.memory_space<vmem>>) dst(%dma_wait3A_113 : memref<10240x128xf32, #tpu.memory_space<vmem_shared>>)
      %dma_start3A_114 = arith.constant 3 : i32
      %dma_start3A_115 = arith.constant 0 : i32
      %dma_start3A_116 = tpu.memref_slice %arg7[%dma_start3A_114, %dma_start3A_115] : memref<8x128xi32, #tpu.memory_space<vmem>> -> memref<1x112xi32, #tpu.memory_space<vmem>>
      %dma_start3A_117 = tpu.memref_squeeze %dma_start3A_116 : memref<1x112xi32, #tpu.memory_space<vmem>> -> memref<112xi32, #tpu.memory_space<vmem>>
      %dma_start3A_118 = arith.constant 0 : i32
      %dma_start3A_119 = arith.constant 0 : i32
      %dma_start3A_120 = tpu.memref_slice %arg2[%dma_start3A_118, %dma_start3A_119] : memref<10240x128xf32, #tpu.memory_space<hbm>> -> memref<10240x128xf32, #tpu.memory_space<hbm>>
      tpu.enqueue_indirect_dma source(%dma_start3A_120 : memref<10240x128xf32, #tpu.memory_space<hbm>>) target(%arg9 : memref<112x128xf32, #tpu.memory_space<vmem>>) offsets(%dma_start3A_117 : memref<112xi32, #tpu.memory_space<vmem>>) semaphore(%arg13 : memref<!tpu.dma_semaphore, #tpu.memory_space<semaphore_mem>>)
      %dma_wait3A_121 = arith.constant 1 : i32
      %dma_wait3A_122 = arith.constant 0 : i32
      %dma_wait3A_123 = tpu.memref_slice %arg7[%dma_wait3A_121, %dma_wait3A_122] : memref<8x128xi32, #tpu.memory_space<vmem>> -> memref<1x112xi32, #tpu.memory_space<vmem>>
      %dma_wait3A_124 = tpu.memref_squeeze %dma_wait3A_123 : memref<1x112xi32, #tpu.memory_space<vmem>> -> memref<112xi32, #tpu.memory_space<vmem>>
      %dma_wait3A_125 = arith.constant 0 : i32
      %dma_wait3A_126 = arith.constant 0 : i32
      %dma_wait3A_127 = tpu.memref_slice %arg2[%dma_wait3A_125, %dma_wait3A_126] : memref<10240x128xf32, #tpu.memory_space<hbm>> -> memref<10240x128xf32, #tpu.memory_space<hbm>>
      tpu.wait_indirect_dma semaphore(%arg14 : memref<!tpu.dma_semaphore, #tpu.memory_space<semaphore_mem>>) src(%dma_wait3A_127 : memref<10240x128xf32, #tpu.memory_space<hbm>>) dst(%arg10 : memref<112x128xf32, #tpu.memory_space<vmem>>)
      %dma_start3A_128 = arith.constant 1 : i32
      %dma_start3A_129 = arith.constant 0 : i32
      %dma_start3A_130 = tpu.memref_slice %arg8[%dma_start3A_128, %dma_start3A_129] : memref<8x128xi32, #tpu.memory_space<vmem>> -> memref<1x112xi32, #tpu.memory_space<vmem>>
      %dma_start3A_131 = tpu.memref_squeeze %dma_start3A_130 : memref<1x112xi32, #tpu.memory_space<vmem>> -> memref<112xi32, #tpu.memory_space<vmem>>
      %dma_start3A_132 = arith.constant 0 : i32
      %dma_start3A_133 = arith.constant 0 : i32
      %dma_start3A_134 = tpu.memref_slice %arg12[%dma_start3A_132, %dma_start3A_133] : memref<10240x128xf32, #tpu.memory_space<vmem_shared>> -> memref<10240x128xf32, #tpu.memory_space<vmem_shared>>
      tpu.enqueue_indirect_dma source(%arg10 : memref<112x128xf32, #tpu.memory_space<vmem>>) target(%dma_start3A_134 : memref<10240x128xf32, #tpu.memory_space<vmem_shared>>) offsets(%dma_start3A_131 : memref<112xi32, #tpu.memory_space<vmem>>) semaphore(%arg17 : memref<!tpu.dma_semaphore, #tpu.memory_space<semaphore_mem>>) {add = true}
      %dma_wait3A_135 = arith.constant 1 : i32
      %dma_wait3A_136 = arith.constant 0 : i32
      %dma_wait3A_137 = tpu.memref_slice %arg8[%dma_wait3A_135, %dma_wait3A_136] : memref<8x128xi32, #tpu.memory_space<vmem>> -> memref<1x112xi32, #tpu.memory_space<vmem>>
      %dma_wait3A_138 = tpu.memref_squeeze %dma_wait3A_137 : memref<1x112xi32, #tpu.memory_space<vmem>> -> memref<112xi32, #tpu.memory_space<vmem>>
      %dma_wait3A_139 = arith.constant 0 : i32
      %dma_wait3A_140 = arith.constant 0 : i32
      %dma_wait3A_141 = tpu.memref_slice %arg12[%dma_wait3A_139, %dma_wait3A_140] : memref<10240x128xf32, #tpu.memory_space<vmem_shared>> -> memref<10240x128xf32, #tpu.memory_space<vmem_shared>>
      tpu.wait_indirect_dma semaphore(%arg17 : memref<!tpu.dma_semaphore, #tpu.memory_space<semaphore_mem>>) src(%arg10 : memref<112x128xf32, #tpu.memory_space<vmem>>) dst(%dma_wait3A_141 : memref<10240x128xf32, #tpu.memory_space<vmem_shared>>)
      %dma_start3A_142 = arith.constant 4 : i32
      %dma_start3A_143 = arith.constant 0 : i32
      %dma_start3A_144 = tpu.memref_slice %arg7[%dma_start3A_142, %dma_start3A_143] : memref<8x128xi32, #tpu.memory_space<vmem>> -> memref<1x112xi32, #tpu.memory_space<vmem>>
      %dma_start3A_145 = tpu.memref_squeeze %dma_start3A_144 : memref<1x112xi32, #tpu.memory_space<vmem>> -> memref<112xi32, #tpu.memory_space<vmem>>
      %dma_start3A_146 = arith.constant 0 : i32
      %dma_start3A_147 = arith.constant 0 : i32
      %dma_start3A_148 = tpu.memref_slice %arg2[%dma_start3A_146, %dma_start3A_147] : memref<10240x128xf32, #tpu.memory_space<hbm>> -> memref<10240x128xf32, #tpu.memory_space<hbm>>
      tpu.enqueue_indirect_dma source(%dma_start3A_148 : memref<10240x128xf32, #tpu.memory_space<hbm>>) target(%arg10 : memref<112x128xf32, #tpu.memory_space<vmem>>) offsets(%dma_start3A_145 : memref<112xi32, #tpu.memory_space<vmem>>) semaphore(%arg14 : memref<!tpu.dma_semaphore, #tpu.memory_space<semaphore_mem>>)
      %dma_wait3A_149 = arith.constant 2 : i32
      %dma_wait3A_150 = arith.constant 0 : i32
      %dma_wait3A_151 = tpu.memref_slice %arg7[%dma_wait3A_149, %dma_wait3A_150] : memref<8x128xi32, #tpu.memory_space<vmem>> -> memref<1x112xi32, #tpu.memory_space<vmem>>
      %dma_wait3A_152 = tpu.memref_squeeze %dma_wait3A_151 : memref<1x112xi32, #tpu.memory_space<vmem>> -> memref<112xi32, #tpu.memory_space<vmem>>
      %dma_wait3A_153 = arith.constant 0 : i32
      %dma_wait3A_154 = arith.constant 0 : i32
      %dma_wait3A_155 = tpu.memref_slice %arg2[%dma_wait3A_153, %dma_wait3A_154] : memref<10240x128xf32, #tpu.memory_space<hbm>> -> memref<10240x128xf32, #tpu.memory_space<hbm>>
      tpu.wait_indirect_dma semaphore(%arg15 : memref<!tpu.dma_semaphore, #tpu.memory_space<semaphore_mem>>) src(%dma_wait3A_155 : memref<10240x128xf32, #tpu.memory_space<hbm>>) dst(%arg11 : memref<112x128xf32, #tpu.memory_space<vmem>>)
      %dma_start3A_156 = arith.constant 2 : i32
      %dma_start3A_157 = arith.constant 0 : i32
      %dma_start3A_158 = tpu.memref_slice %arg8[%dma_start3A_156, %dma_start3A_157] : memref<8x128xi32, #tpu.memory_space<vmem>> -> memref<1x112xi32, #tpu.memory_space<vmem>>
      %dma_start3A_159 = tpu.memref_squeeze %dma_start3A_158 : memref<1x112xi32, #tpu.memory_space<vmem>> -> memref<112xi32, #tpu.memory_space<vmem>>
      %dma_start3A_160 = arith.constant 0 : i32
      %dma_start3A_161 = arith.constant 0 : i32
      %dma_start3A_162 = tpu.memref_slice %arg12[%dma_start3A_160, %dma_start3A_161] : memref<10240x128xf32, #tpu.memory_space<vmem_shared>> -> memref<10240x128xf32, #tpu.memory_space<vmem_shared>>
      tpu.enqueue_indirect_dma source(%arg11 : memref<112x128xf32, #tpu.memory_space<vmem>>) target(%dma_start3A_162 : memref<10240x128xf32, #tpu.memory_space<vmem_shared>>) offsets(%dma_start3A_159 : memref<112xi32, #tpu.memory_space<vmem>>) semaphore(%arg18 : memref<!tpu.dma_semaphore, #tpu.memory_space<semaphore_mem>>) {add = true}
      %dma_wait3A_163 = arith.constant 2 : i32
      %dma_wait3A_164 = arith.constant 0 : i32
      %dma_wait3A_165 = tpu.memref_slice %arg8[%dma_wait3A_163, %dma_wait3A_164] : memref<8x128xi32, #tpu.memory_space<vmem>> -> memref<1x112xi32, #tpu.memory_space<vmem>>
      %dma_wait3A_166 = tpu.memref_squeeze %dma_wait3A_165 : memref<1x112xi32, #tpu.memory_space<vmem>> -> memref<112xi32, #tpu.memory_space<vmem>>
      %dma_wait3A_167 = arith.constant 0 : i32
      %dma_wait3A_168 = arith.constant 0 : i32
      %dma_wait3A_169 = tpu.memref_slice %arg12[%dma_wait3A_167, %dma_wait3A_168] : memref<10240x128xf32, #tpu.memory_space<vmem_shared>> -> memref<10240x128xf32, #tpu.memory_space<vmem_shared>>
      tpu.wait_indirect_dma semaphore(%arg18 : memref<!tpu.dma_semaphore, #tpu.memory_space<semaphore_mem>>) src(%arg11 : memref<112x128xf32, #tpu.memory_space<vmem>>) dst(%dma_wait3A_169 : memref<10240x128xf32, #tpu.memory_space<vmem_shared>>)
      %dma_start3A_170 = arith.constant 5 : i32
      %dma_start3A_171 = arith.constant 0 : i32
      %dma_start3A_172 = tpu.memref_slice %arg7[%dma_start3A_170, %dma_start3A_171] : memref<8x128xi32, #tpu.memory_space<vmem>> -> memref<1x112xi32, #tpu.memory_space<vmem>>
      %dma_start3A_173 = tpu.memref_squeeze %dma_start3A_172 : memref<1x112xi32, #tpu.memory_space<vmem>> -> memref<112xi32, #tpu.memory_space<vmem>>
      %dma_start3A_174 = arith.constant 0 : i32
      %dma_start3A_175 = arith.constant 0 : i32
      %dma_start3A_176 = tpu.memref_slice %arg2[%dma_start3A_174, %dma_start3A_175] : memref<10240x128xf32, #tpu.memory_space<hbm>> -> memref<10240x128xf32, #tpu.memory_space<hbm>>
      tpu.enqueue_indirect_dma source(%dma_start3A_176 : memref<10240x128xf32, #tpu.memory_space<hbm>>) target(%arg11 : memref<112x128xf32, #tpu.memory_space<vmem>>) offsets(%dma_start3A_173 : memref<112xi32, #tpu.memory_space<vmem>>) semaphore(%arg15 : memref<!tpu.dma_semaphore, #tpu.memory_space<semaphore_mem>>)
      %dma_wait3A_177 = arith.constant 3 : i32
      %dma_wait3A_178 = arith.constant 0 : i32
      %dma_wait3A_179 = tpu.memref_slice %arg7[%dma_wait3A_177, %dma_wait3A_178] : memref<8x128xi32, #tpu.memory_space<vmem>> -> memref<1x112xi32, #tpu.memory_space<vmem>>
      %dma_wait3A_180 = tpu.memref_squeeze %dma_wait3A_179 : memref<1x112xi32, #tpu.memory_space<vmem>> -> memref<112xi32, #tpu.memory_space<vmem>>
      %dma_wait3A_181 = arith.constant 0 : i32
      %dma_wait3A_182 = arith.constant 0 : i32
      %dma_wait3A_183 = tpu.memref_slice %arg2[%dma_wait3A_181, %dma_wait3A_182] : memref<10240x128xf32, #tpu.memory_space<hbm>> -> memref<10240x128xf32, #tpu.memory_space<hbm>>
      tpu.wait_indirect_dma semaphore(%arg13 : memref<!tpu.dma_semaphore, #tpu.memory_space<semaphore_mem>>) src(%dma_wait3A_183 : memref<10240x128xf32, #tpu.memory_space<hbm>>) dst(%arg9 : memref<112x128xf32, #tpu.memory_space<vmem>>)
      %dma_start3A_184 = arith.constant 3 : i32
      %dma_start3A_185 = arith.constant 0 : i32
      %dma_start3A_186 = tpu.memref_slice %arg8[%dma_start3A_184, %dma_start3A_185] : memref<8x128xi32, #tpu.memory_space<vmem>> -> memref<1x112xi32, #tpu.memory_space<vmem>>
      %dma_start3A_187 = tpu.memref_squeeze %dma_start3A_186 : memref<1x112xi32, #tpu.memory_space<vmem>> -> memref<112xi32, #tpu.memory_space<vmem>>
      %dma_start3A_188 = arith.constant 0 : i32
      %dma_start3A_189 = arith.constant 0 : i32
      %dma_start3A_190 = tpu.memref_slice %arg12[%dma_start3A_188, %dma_start3A_189] : memref<10240x128xf32, #tpu.memory_space<vmem_shared>> -> memref<10240x128xf32, #tpu.memory_space<vmem_shared>>
      tpu.enqueue_indirect_dma source(%arg9 : memref<112x128xf32, #tpu.memory_space<vmem>>) target(%dma_start3A_190 : memref<10240x128xf32, #tpu.memory_space<vmem_shared>>) offsets(%dma_start3A_187 : memref<112xi32, #tpu.memory_space<vmem>>) semaphore(%arg16 : memref<!tpu.dma_semaphore, #tpu.memory_space<semaphore_mem>>) {add = true}
      %dma_wait3A_191 = arith.constant 3 : i32
      %dma_wait3A_192 = arith.constant 0 : i32
      %dma_wait3A_193 = tpu.memref_slice %arg8[%dma_wait3A_191, %dma_wait3A_192] : memref<8x128xi32, #tpu.memory_space<vmem>> -> memref<1x112xi32, #tpu.memory_space<vmem>>
      %dma_wait3A_194 = tpu.memref_squeeze %dma_wait3A_193 : memref<1x112xi32, #tpu.memory_space<vmem>> -> memref<112xi32, #tpu.memory_space<vmem>>
      %dma_wait3A_195 = arith.constant 0 : i32
      %dma_wait3A_196 = arith.constant 0 : i32
      %dma_wait3A_197 = tpu.memref_slice %arg12[%dma_wait3A_195, %dma_wait3A_196] : memref<10240x128xf32, #tpu.memory_space<vmem_shared>> -> memref<10240x128xf32, #tpu.memory_space<vmem_shared>>
      tpu.wait_indirect_dma semaphore(%arg16 : memref<!tpu.dma_semaphore, #tpu.memory_space<semaphore_mem>>) src(%arg9 : memref<112x128xf32, #tpu.memory_space<vmem>>) dst(%dma_wait3A_197 : memref<10240x128xf32, #tpu.memory_space<vmem_shared>>)
      %dma_start3A_198 = arith.constant 6 : i32
      %dma_start3A_199 = arith.constant 0 : i32
      %dma_start3A_200 = tpu.memref_slice %arg7[%dma_start3A_198, %dma_start3A_199] : memref<8x128xi32, #tpu.memory_space<vmem>> -> memref<1x112xi32, #tpu.memory_space<vmem>>
      %dma_start3A_201 = tpu.memref_squeeze %dma_start3A_200 : memref<1x112xi32, #tpu.memory_space<vmem>> -> memref<112xi32, #tpu.memory_space<vmem>>
      %dma_start3A_202 = arith.constant 0 : i32
      %dma_start3A_203 = arith.constant 0 : i32
      %dma_start3A_204 = tpu.memref_slice %arg2[%dma_start3A_202, %dma_start3A_203] : memref<10240x128xf32, #tpu.memory_space<hbm>> -> memref<10240x128xf32, #tpu.memory_space<hbm>>
      tpu.enqueue_indirect_dma source(%dma_start3A_204 : memref<10240x128xf32, #tpu.memory_space<hbm>>) target(%arg9 : memref<112x128xf32, #tpu.memory_space<vmem>>) offsets(%dma_start3A_201 : memref<112xi32, #tpu.memory_space<vmem>>) semaphore(%arg13 : memref<!tpu.dma_semaphore, #tpu.memory_space<semaphore_mem>>)
      %dma_wait3A_205 = arith.constant 4 : i32
      %dma_wait3A_206 = arith.constant 0 : i32
      %dma_wait3A_207 = tpu.memref_slice %arg7[%dma_wait3A_205, %dma_wait3A_206] : memref<8x128xi32, #tpu.memory_space<vmem>> -> memref<1x112xi32, #tpu.memory_space<vmem>>
      %dma_wait3A_208 = tpu.memref_squeeze %dma_wait3A_207 : memref<1x112xi32, #tpu.memory_space<vmem>> -> memref<112xi32, #tpu.memory_space<vmem>>
      %dma_wait3A_209 = arith.constant 0 : i32
      %dma_wait3A_210 = arith.constant 0 : i32
      %dma_wait3A_211 = tpu.memref_slice %arg2[%dma_wait3A_209, %dma_wait3A_210] : memref<10240x128xf32, #tpu.memory_space<hbm>> -> memref<10240x128xf32, #tpu.memory_space<hbm>>
      tpu.wait_indirect_dma semaphore(%arg14 : memref<!tpu.dma_semaphore, #tpu.memory_space<semaphore_mem>>) src(%dma_wait3A_211 : memref<10240x128xf32, #tpu.memory_space<hbm>>) dst(%arg10 : memref<112x128xf32, #tpu.memory_space<vmem>>)
      %dma_start3A_212 = arith.constant 4 : i32
      %dma_start3A_213 = arith.constant 0 : i32
      %dma_start3A_214 = tpu.memref_slice %arg8[%dma_start3A_212, %dma_start3A_213] : memref<8x128xi32, #tpu.memory_space<vmem>> -> memref<1x112xi32, #tpu.memory_space<vmem>>
      %dma_start3A_215 = tpu.memref_squeeze %dma_start3A_214 : memref<1x112xi32, #tpu.memory_space<vmem>> -> memref<112xi32, #tpu.memory_space<vmem>>
      %dma_start3A_216 = arith.constant 0 : i32
      %dma_start3A_217 = arith.constant 0 : i32
      %dma_start3A_218 = tpu.memref_slice %arg12[%dma_start3A_216, %dma_start3A_217] : memref<10240x128xf32, #tpu.memory_space<vmem_shared>> -> memref<10240x128xf32, #tpu.memory_space<vmem_shared>>
      tpu.enqueue_indirect_dma source(%arg10 : memref<112x128xf32, #tpu.memory_space<vmem>>) target(%dma_start3A_218 : memref<10240x128xf32, #tpu.memory_space<vmem_shared>>) offsets(%dma_start3A_215 : memref<112xi32, #tpu.memory_space<vmem>>) semaphore(%arg17 : memref<!tpu.dma_semaphore, #tpu.memory_space<semaphore_mem>>) {add = true}
      %dma_wait3A_219 = arith.constant 4 : i32
      %dma_wait3A_220 = arith.constant 0 : i32
      %dma_wait3A_221 = tpu.memref_slice %arg8[%dma_wait3A_219, %dma_wait3A_220] : memref<8x128xi32, #tpu.memory_space<vmem>> -> memref<1x112xi32, #tpu.memory_space<vmem>>
      %dma_wait3A_222 = tpu.memref_squeeze %dma_wait3A_221 : memref<1x112xi32, #tpu.memory_space<vmem>> -> memref<112xi32, #tpu.memory_space<vmem>>
      %dma_wait3A_223 = arith.constant 0 : i32
      %dma_wait3A_224 = arith.constant 0 : i32
      %dma_wait3A_225 = tpu.memref_slice %arg12[%dma_wait3A_223, %dma_wait3A_224] : memref<10240x128xf32, #tpu.memory_space<vmem_shared>> -> memref<10240x128xf32, #tpu.memory_space<vmem_shared>>
      tpu.wait_indirect_dma semaphore(%arg17 : memref<!tpu.dma_semaphore, #tpu.memory_space<semaphore_mem>>) src(%arg10 : memref<112x128xf32, #tpu.memory_space<vmem>>) dst(%dma_wait3A_225 : memref<10240x128xf32, #tpu.memory_space<vmem_shared>>)
      %dma_start3A_226 = arith.constant 7 : i32
      %dma_start3A_227 = arith.constant 0 : i32
      %dma_start3A_228 = tpu.memref_slice %arg7[%dma_start3A_226, %dma_start3A_227] : memref<8x128xi32, #tpu.memory_space<vmem>> -> memref<1x112xi32, #tpu.memory_space<vmem>>
      %dma_start3A_229 = tpu.memref_squeeze %dma_start3A_228 : memref<1x112xi32, #tpu.memory_space<vmem>> -> memref<112xi32, #tpu.memory_space<vmem>>
      %dma_start3A_230 = arith.constant 0 : i32
      %dma_start3A_231 = arith.constant 0 : i32
      %dma_start3A_232 = tpu.memref_slice %arg2[%dma_start3A_230, %dma_start3A_231] : memref<10240x128xf32, #tpu.memory_space<hbm>> -> memref<10240x128xf32, #tpu.memory_space<hbm>>
      tpu.enqueue_indirect_dma source(%dma_start3A_232 : memref<10240x128xf32, #tpu.memory_space<hbm>>) target(%arg10 : memref<112x128xf32, #tpu.memory_space<vmem>>) offsets(%dma_start3A_229 : memref<112xi32, #tpu.memory_space<vmem>>) semaphore(%arg14 : memref<!tpu.dma_semaphore, #tpu.memory_space<semaphore_mem>>)
      %dma_wait3A_233 = arith.constant 5 : i32
      %dma_wait3A_234 = arith.constant 0 : i32
      %dma_wait3A_235 = tpu.memref_slice %arg7[%dma_wait3A_233, %dma_wait3A_234] : memref<8x128xi32, #tpu.memory_space<vmem>> -> memref<1x112xi32, #tpu.memory_space<vmem>>
      %dma_wait3A_236 = tpu.memref_squeeze %dma_wait3A_235 : memref<1x112xi32, #tpu.memory_space<vmem>> -> memref<112xi32, #tpu.memory_space<vmem>>
      %dma_wait3A_237 = arith.constant 0 : i32
      %dma_wait3A_238 = arith.constant 0 : i32
      %dma_wait3A_239 = tpu.memref_slice %arg2[%dma_wait3A_237, %dma_wait3A_238] : memref<10240x128xf32, #tpu.memory_space<hbm>> -> memref<10240x128xf32, #tpu.memory_space<hbm>>
      tpu.wait_indirect_dma semaphore(%arg15 : memref<!tpu.dma_semaphore, #tpu.memory_space<semaphore_mem>>) src(%dma_wait3A_239 : memref<10240x128xf32, #tpu.memory_space<hbm>>) dst(%arg11 : memref<112x128xf32, #tpu.memory_space<vmem>>)
      %dma_start3A_240 = arith.constant 5 : i32
      %dma_start3A_241 = arith.constant 0 : i32
      %dma_start3A_242 = tpu.memref_slice %arg8[%dma_start3A_240, %dma_start3A_241] : memref<8x128xi32, #tpu.memory_space<vmem>> -> memref<1x112xi32, #tpu.memory_space<vmem>>
      %dma_start3A_243 = tpu.memref_squeeze %dma_start3A_242 : memref<1x112xi32, #tpu.memory_space<vmem>> -> memref<112xi32, #tpu.memory_space<vmem>>
      %dma_start3A_244 = arith.constant 0 : i32
      %dma_start3A_245 = arith.constant 0 : i32
      %dma_start3A_246 = tpu.memref_slice %arg12[%dma_start3A_244, %dma_start3A_245] : memref<10240x128xf32, #tpu.memory_space<vmem_shared>> -> memref<10240x128xf32, #tpu.memory_space<vmem_shared>>
      tpu.enqueue_indirect_dma source(%arg11 : memref<112x128xf32, #tpu.memory_space<vmem>>) target(%dma_start3A_246 : memref<10240x128xf32, #tpu.memory_space<vmem_shared>>) offsets(%dma_start3A_243 : memref<112xi32, #tpu.memory_space<vmem>>) semaphore(%arg18 : memref<!tpu.dma_semaphore, #tpu.memory_space<semaphore_mem>>) {add = true}
      %dma_wait3A_247 = arith.constant 6 : i32
      %dma_wait3A_248 = arith.constant 0 : i32
      %dma_wait3A_249 = tpu.memref_slice %arg7[%dma_wait3A_247, %dma_wait3A_248] : memref<8x128xi32, #tpu.memory_space<vmem>> -> memref<1x112xi32, #tpu.memory_space<vmem>>
      %dma_wait3A_250 = tpu.memref_squeeze %dma_wait3A_249 : memref<1x112xi32, #tpu.memory_space<vmem>> -> memref<112xi32, #tpu.memory_space<vmem>>
      %dma_wait3A_251 = arith.constant 0 : i32
      %dma_wait3A_252 = arith.constant 0 : i32
      %dma_wait3A_253 = tpu.memref_slice %arg2[%dma_wait3A_251, %dma_wait3A_252] : memref<10240x128xf32, #tpu.memory_space<hbm>> -> memref<10240x128xf32, #tpu.memory_space<hbm>>
      tpu.wait_indirect_dma semaphore(%arg13 : memref<!tpu.dma_semaphore, #tpu.memory_space<semaphore_mem>>) src(%dma_wait3A_253 : memref<10240x128xf32, #tpu.memory_space<hbm>>) dst(%arg9 : memref<112x128xf32, #tpu.memory_space<vmem>>)
      %dma_wait3A_254 = arith.constant 5 : i32
      %dma_wait3A_255 = arith.constant 0 : i32
      %dma_wait3A_256 = tpu.memref_slice %arg8[%dma_wait3A_254, %dma_wait3A_255] : memref<8x128xi32, #tpu.memory_space<vmem>> -> memref<1x112xi32, #tpu.memory_space<vmem>>
      %dma_wait3A_257 = tpu.memref_squeeze %dma_wait3A_256 : memref<1x112xi32, #tpu.memory_space<vmem>> -> memref<112xi32, #tpu.memory_space<vmem>>
      %dma_wait3A_258 = arith.constant 0 : i32
      %dma_wait3A_259 = arith.constant 0 : i32
      %dma_wait3A_260 = tpu.memref_slice %arg12[%dma_wait3A_258, %dma_wait3A_259] : memref<10240x128xf32, #tpu.memory_space<vmem_shared>> -> memref<10240x128xf32, #tpu.memory_space<vmem_shared>>
      tpu.wait_indirect_dma semaphore(%arg18 : memref<!tpu.dma_semaphore, #tpu.memory_space<semaphore_mem>>) src(%arg11 : memref<112x128xf32, #tpu.memory_space<vmem>>) dst(%dma_wait3A_260 : memref<10240x128xf32, #tpu.memory_space<vmem_shared>>)
      %dma_start3A_261 = arith.constant 6 : i32
      %dma_start3A_262 = arith.constant 0 : i32
      %dma_start3A_263 = tpu.memref_slice %arg8[%dma_start3A_261, %dma_start3A_262] : memref<8x128xi32, #tpu.memory_space<vmem>> -> memref<1x112xi32, #tpu.memory_space<vmem>>
      %dma_start3A_264 = tpu.memref_squeeze %dma_start3A_263 : memref<1x112xi32, #tpu.memory_space<vmem>> -> memref<112xi32, #tpu.memory_space<vmem>>
      %dma_start3A_265 = arith.constant 0 : i32
      %dma_start3A_266 = arith.constant 0 : i32
      %dma_start3A_267 = tpu.memref_slice %arg12[%dma_start3A_265, %dma_start3A_266] : memref<10240x128xf32, #tpu.memory_space<vmem_shared>> -> memref<10240x128xf32, #tpu.memory_space<vmem_shared>>
      tpu.enqueue_indirect_dma source(%arg9 : memref<112x128xf32, #tpu.memory_space<vmem>>) target(%dma_start3A_267 : memref<10240x128xf32, #tpu.memory_space<vmem_shared>>) offsets(%dma_start3A_264 : memref<112xi32, #tpu.memory_space<vmem>>) semaphore(%arg16 : memref<!tpu.dma_semaphore, #tpu.memory_space<semaphore_mem>>) {add = true}
      %dma_wait3A_268 = arith.constant 7 : i32
      %dma_wait3A_269 = arith.constant 0 : i32
      %dma_wait3A_270 = tpu.memref_slice %arg7[%dma_wait3A_268, %dma_wait3A_269] : memref<8x128xi32, #tpu.memory_space<vmem>> -> memref<1x112xi32, #tpu.memory_space<vmem>>
      %dma_wait3A_271 = tpu.memref_squeeze %dma_wait3A_270 : memref<1x112xi32, #tpu.memory_space<vmem>> -> memref<112xi32, #tpu.memory_space<vmem>>
      %dma_wait3A_272 = arith.constant 0 : i32
      %dma_wait3A_273 = arith.constant 0 : i32
      %dma_wait3A_274 = tpu.memref_slice %arg2[%dma_wait3A_272, %dma_wait3A_273] : memref<10240x128xf32, #tpu.memory_space<hbm>> -> memref<10240x128xf32, #tpu.memory_space<hbm>>
      tpu.wait_indirect_dma semaphore(%arg14 : memref<!tpu.dma_semaphore, #tpu.memory_space<semaphore_mem>>) src(%dma_wait3A_274 : memref<10240x128xf32, #tpu.memory_space<hbm>>) dst(%arg10 : memref<112x128xf32, #tpu.memory_space<vmem>>)
      %dma_wait3A_275 = arith.constant 6 : i32
      %dma_wait3A_276 = arith.constant 0 : i32
      %dma_wait3A_277 = tpu.memref_slice %arg8[%dma_wait3A_275, %dma_wait3A_276] : memref<8x128xi32, #tpu.memory_space<vmem>> -> memref<1x112xi32, #tpu.memory_space<vmem>>
      %dma_wait3A_278 = tpu.memref_squeeze %dma_wait3A_277 : memref<1x112xi32, #tpu.memory_space<vmem>> -> memref<112xi32, #tpu.memory_space<vmem>>
      %dma_wait3A_279 = arith.constant 0 : i32
      %dma_wait3A_280 = arith.constant 0 : i32
      %dma_wait3A_281 = tpu.memref_slice %arg12[%dma_wait3A_279, %dma_wait3A_280] : memref<10240x128xf32, #tpu.memory_space<vmem_shared>> -> memref<10240x128xf32, #tpu.memory_space<vmem_shared>>
      tpu.wait_indirect_dma semaphore(%arg16 : memref<!tpu.dma_semaphore, #tpu.memory_space<semaphore_mem>>) src(%arg9 : memref<112x128xf32, #tpu.memory_space<vmem>>) dst(%dma_wait3A_281 : memref<10240x128xf32, #tpu.memory_space<vmem_shared>>)
      %dma_start3A_282 = arith.constant 7 : i32
      %dma_start3A_283 = arith.constant 0 : i32
      %dma_start3A_284 = tpu.memref_slice %arg8[%dma_start3A_282, %dma_start3A_283] : memref<8x128xi32, #tpu.memory_space<vmem>> -> memref<1x112xi32, #tpu.memory_space<vmem>>
      %dma_start3A_285 = tpu.memref_squeeze %dma_start3A_284 : memref<1x112xi32, #tpu.memory_space<vmem>> -> memref<112xi32, #tpu.memory_space<vmem>>
      %dma_start3A_286 = arith.constant 0 : i32
      %dma_start3A_287 = arith.constant 0 : i32
      %dma_start3A_288 = tpu.memref_slice %arg12[%dma_start3A_286, %dma_start3A_287] : memref<10240x128xf32, #tpu.memory_space<vmem_shared>> -> memref<10240x128xf32, #tpu.memory_space<vmem_shared>>
      tpu.enqueue_indirect_dma source(%arg10 : memref<112x128xf32, #tpu.memory_space<vmem>>) target(%dma_start3A_288 : memref<10240x128xf32, #tpu.memory_space<vmem_shared>>) offsets(%dma_start3A_285 : memref<112xi32, #tpu.memory_space<vmem>>) semaphore(%arg17 : memref<!tpu.dma_semaphore, #tpu.memory_space<semaphore_mem>>) {add = true}
      %dma_wait3A_289 = arith.constant 7 : i32
      %dma_wait3A_290 = arith.constant 0 : i32
      %dma_wait3A_291 = tpu.memref_slice %arg8[%dma_wait3A_289, %dma_wait3A_290] : memref<8x128xi32, #tpu.memory_space<vmem>> -> memref<1x112xi32, #tpu.memory_space<vmem>>
      %dma_wait3A_292 = tpu.memref_squeeze %dma_wait3A_291 : memref<1x112xi32, #tpu.memory_space<vmem>> -> memref<112xi32, #tpu.memory_space<vmem>>
      %dma_wait3A_293 = arith.constant 0 : i32
      %dma_wait3A_294 = arith.constant 0 : i32
      %dma_wait3A_295 = tpu.memref_slice %arg12[%dma_wait3A_293, %dma_wait3A_294] : memref<10240x128xf32, #tpu.memory_space<vmem_shared>> -> memref<10240x128xf32, #tpu.memory_space<vmem_shared>>
      tpu.wait_indirect_dma semaphore(%arg17 : memref<!tpu.dma_semaphore, #tpu.memory_space<semaphore_mem>>) src(%arg10 : memref<112x128xf32, #tpu.memory_space<vmem>>) dst(%dma_wait3A_295 : memref<10240x128xf32, #tpu.memory_space<vmem_shared>>)
    }
    %scan3A_27 = arith.constant 10 : i32
    %barrier3A_28 = arith.constant 0 : index
    tpu.barrier barrier_id(%barrier3A_28)
    %add3A_29 = arith.constant 0 : i32
    %add3A_30 = arith.addi %mul3A_2, %add3A_29 : i32
    "tpu.region"() ({
      %run_scoped3A = tpu.sem_alloc : memref<!tpu.dma_semaphore, #tpu.memory_space<semaphore_mem>>
      %dma_start3A = arith.constant 0 : i32
      %dma_start3A_69 = arith.constant 0 : i32
      %dma_start3A_70 = tpu.memref_slice %arg9[%dma_start3A, %dma_start3A_69] : memref<112x128xf32, #tpu.memory_space<vmem>> -> memref<64x128xf32, #tpu.memory_space<vmem>>
      %dma_start3A_71 = arith.constant 0 : i32
      %dma_start3A_72 = tpu.memref_slice %arg12[%add3A_30, %dma_start3A_71] : memref<10240x128xf32, #tpu.memory_space<vmem_shared>> -> memref<64x128xf32, #tpu.memory_space<vmem_shared>>
      %dma_start3A_73 = arith.constant 0 : i32
      %dma_start3A_74 = arith.constant 0 : i32
      %dma_start3A_75 = tpu.memref_slice %arg9[%dma_start3A_73, %dma_start3A_74] : memref<112x128xf32, #tpu.memory_space<vmem>> -> memref<64x128xf32, #tpu.memory_space<vmem>>
      %dma_start3A_76 = arith.constant 0 : i32
      %dma_start3A_77 = tpu.memref_slice %arg12[%add3A_30, %dma_start3A_76] : memref<10240x128xf32, #tpu.memory_space<vmem_shared>> -> memref<64x128xf32, #tpu.memory_space<vmem_shared>>
      tpu.enqueue_dma source(%dma_start3A_77 : memref<64x128xf32, #tpu.memory_space<vmem_shared>>) target(%dma_start3A_75 : memref<64x128xf32, #tpu.memory_space<vmem>>) target_semaphore(%run_scoped3A : memref<!tpu.dma_semaphore, #tpu.memory_space<semaphore_mem>>)
      %dma_wait3A = arith.constant 0 : i32
      %dma_wait3A_78 = arith.constant 0 : i32
      %dma_wait3A_79 = tpu.memref_slice %arg9[%dma_wait3A, %dma_wait3A_78] : memref<112x128xf32, #tpu.memory_space<vmem>> -> memref<64x128xf32, #tpu.memory_space<vmem>>
      %dma_wait3A_80 = arith.constant 0 : i32
      %dma_wait3A_81 = tpu.memref_slice %arg12[%add3A_30, %dma_wait3A_80] : memref<10240x128xf32, #tpu.memory_space<vmem_shared>> -> memref<64x128xf32, #tpu.memory_space<vmem_shared>>
      %dma_wait3A_82 = arith.constant 0 : i32
      %dma_wait3A_83 = arith.constant 0 : i32
      %dma_wait3A_84 = tpu.memref_slice %arg9[%dma_wait3A_82, %dma_wait3A_83] : memref<112x128xf32, #tpu.memory_space<vmem>> -> memref<64x128xf32, #tpu.memory_space<vmem>>
      %dma_wait3A_85 = arith.constant 0 : i32
      %dma_wait3A_86 = tpu.memref_slice %arg12[%add3A_30, %dma_wait3A_85] : memref<10240x128xf32, #tpu.memory_space<vmem_shared>> -> memref<64x128xf32, #tpu.memory_space<vmem_shared>>
      tpu.wait_dma2 semaphore(%run_scoped3A : memref<!tpu.dma_semaphore, #tpu.memory_space<semaphore_mem>>) src(%dma_wait3A_86 : memref<64x128xf32, #tpu.memory_space<vmem_shared>>) dst(%dma_wait3A_84 : memref<64x128xf32, #tpu.memory_space<vmem>>)
      tpu.yield
    }) : () -> ()
    %add3A_31 = arith.constant 0 : i32
    %add3A_32 = arith.addi %mul3A_2, %add3A_31 : i32
    "tpu.region"() ({
      %run_scoped3A = tpu.sem_alloc : memref<!tpu.dma_semaphore, #tpu.memory_space<semaphore_mem>>
      %dma_start3A = arith.constant 0 : i32
      %dma_start3A_69 = arith.constant 0 : i32
      %dma_start3A_70 = tpu.memref_slice %arg9[%dma_start3A, %dma_start3A_69] : memref<112x128xf32, #tpu.memory_space<vmem>> -> memref<64x128xf32, #tpu.memory_space<vmem>>
      %dma_start3A_71 = arith.constant 0 : i32
      %dma_start3A_72 = tpu.memref_slice %arg6[%arg0, %add3A_32, %dma_start3A_71] : memref<2x10240x128xf32, #tpu.memory_space<hbm>> -> memref<1x64x128xf32, #tpu.memory_space<hbm>>
      %dma_start3A_73 = tpu.memref_squeeze %dma_start3A_72 : memref<1x64x128xf32, #tpu.memory_space<hbm>> -> memref<64x128xf32, #tpu.memory_space<hbm>>
      %dma_start3A_74 = arith.constant 0 : i32
      %dma_start3A_75 = tpu.memref_slice %arg6[%arg0, %add3A_32, %dma_start3A_74] : memref<2x10240x128xf32, #tpu.memory_space<hbm>> -> memref<1x64x128xf32, #tpu.memory_space<hbm>>
      %dma_start3A_76 = tpu.memref_squeeze %dma_start3A_75 : memref<1x64x128xf32, #tpu.memory_space<hbm>> -> memref<64x128xf32, #tpu.memory_space<hbm>>
      %dma_start3A_77 = arith.constant 0 : i32
      %dma_start3A_78 = arith.constant 0 : i32
      %dma_start3A_79 = tpu.memref_slice %arg9[%dma_start3A_77, %dma_start3A_78] : memref<112x128xf32, #tpu.memory_space<vmem>> -> memref<64x128xf32, #tpu.memory_space<vmem>>
      tpu.enqueue_dma source(%dma_start3A_79 : memref<64x128xf32, #tpu.memory_space<vmem>>) target(%dma_start3A_76 : memref<64x128xf32, #tpu.memory_space<hbm>>) target_semaphore(%run_scoped3A : memref<!tpu.dma_semaphore, #tpu.memory_space<semaphore_mem>>)
      %dma_wait3A = arith.constant 0 : i32
      %dma_wait3A_80 = arith.constant 0 : i32
      %dma_wait3A_81 = tpu.memref_slice %arg9[%dma_wait3A, %dma_wait3A_80] : memref<112x128xf32, #tpu.memory_space<vmem>> -> memref<64x128xf32, #tpu.memory_space<vmem>>
      %dma_wait3A_82 = arith.constant 0 : i32
      %dma_wait3A_83 = tpu.memref_slice %arg6[%arg0, %add3A_32, %dma_wait3A_82] : memref<2x10240x128xf32, #tpu.memory_space<hbm>> -> memref<1x64x128xf32, #tpu.memory_space<hbm>>
      %dma_wait3A_84 = tpu.memref_squeeze %dma_wait3A_83 : memref<1x64x128xf32, #tpu.memory_space<hbm>> -> memref<64x128xf32, #tpu.memory_space<hbm>>
      %dma_wait3A_85 = arith.constant 0 : i32
      %dma_wait3A_86 = tpu.memref_slice %arg6[%arg0, %add3A_32, %dma_wait3A_85] : memref<2x10240x128xf32, #tpu.memory_space<hbm>> -> memref<1x64x128xf32, #tpu.memory_space<hbm>>
      %dma_wait3A_87 = tpu.memref_squeeze %dma_wait3A_86 : memref<1x64x128xf32, #tpu.memory_space<hbm>> -> memref<64x128xf32, #tpu.memory_space<hbm>>
      %dma_wait3A_88 = arith.constant 0 : i32
      %dma_wait3A_89 = arith.constant 0 : i32
      %dma_wait3A_90 = tpu.memref_slice %arg9[%dma_wait3A_88, %dma_wait3A_89] : memref<112x128xf32, #tpu.memory_space<vmem>> -> memref<64x128xf32, #tpu.memory_space<vmem>>
      tpu.wait_dma2 semaphore(%run_scoped3A : memref<!tpu.dma_semaphore, #tpu.memory_space<semaphore_mem>>) src(%dma_wait3A_90 : memref<64x128xf32, #tpu.memory_space<vmem>>) dst(%dma_wait3A_87 : memref<64x128xf32, #tpu.memory_space<hbm>>)
      tpu.yield
    }) : () -> ()
    %add3A_33 = arith.constant 64 : i32
    %add3A_34 = arith.addi %mul3A_2, %add3A_33 : i32
    "tpu.region"() ({
      %run_scoped3A = tpu.sem_alloc : memref<!tpu.dma_semaphore, #tpu.memory_space<semaphore_mem>>
      %dma_start3A = arith.constant 0 : i32
      %dma_start3A_69 = arith.constant 0 : i32
      %dma_start3A_70 = tpu.memref_slice %arg9[%dma_start3A, %dma_start3A_69] : memref<112x128xf32, #tpu.memory_space<vmem>> -> memref<64x128xf32, #tpu.memory_space<vmem>>
      %dma_start3A_71 = arith.constant 0 : i32
      %dma_start3A_72 = tpu.memref_slice %arg12[%add3A_34, %dma_start3A_71] : memref<10240x128xf32, #tpu.memory_space<vmem_shared>> -> memref<64x128xf32, #tpu.memory_space<vmem_shared>>
      %dma_start3A_73 = arith.constant 0 : i32
      %dma_start3A_74 = arith.constant 0 : i32
      %dma_start3A_75 = tpu.memref_slice %arg9[%dma_start3A_73, %dma_start3A_74] : memref<112x128xf32, #tpu.memory_space<vmem>> -> memref<64x128xf32, #tpu.memory_space<vmem>>
      %dma_start3A_76 = arith.constant 0 : i32
      %dma_start3A_77 = tpu.memref_slice %arg12[%add3A_34, %dma_start3A_76] : memref<10240x128xf32, #tpu.memory_space<vmem_shared>> -> memref<64x128xf32, #tpu.memory_space<vmem_shared>>
      tpu.enqueue_dma source(%dma_start3A_77 : memref<64x128xf32, #tpu.memory_space<vmem_shared>>) target(%dma_start3A_75 : memref<64x128xf32, #tpu.memory_space<vmem>>) target_semaphore(%run_scoped3A : memref<!tpu.dma_semaphore, #tpu.memory_space<semaphore_mem>>)
      %dma_wait3A = arith.constant 0 : i32
      %dma_wait3A_78 = arith.constant 0 : i32
      %dma_wait3A_79 = tpu.memref_slice %arg9[%dma_wait3A, %dma_wait3A_78] : memref<112x128xf32, #tpu.memory_space<vmem>> -> memref<64x128xf32, #tpu.memory_space<vmem>>
      %dma_wait3A_80 = arith.constant 0 : i32
      %dma_wait3A_81 = tpu.memref_slice %arg12[%add3A_34, %dma_wait3A_80] : memref<10240x128xf32, #tpu.memory_space<vmem_shared>> -> memref<64x128xf32, #tpu.memory_space<vmem_shared>>
      %dma_wait3A_82 = arith.constant 0 : i32
      %dma_wait3A_83 = arith.constant 0 : i32
      %dma_wait3A_84 = tpu.memref_slice %arg9[%dma_wait3A_82, %dma_wait3A_83] : memref<112x128xf32, #tpu.memory_space<vmem>> -> memref<64x128xf32, #tpu.memory_space<vmem>>
      %dma_wait3A_85 = arith.constant 0 : i32
      %dma_wait3A_86 = tpu.memref_slice %arg12[%add3A_34, %dma_wait3A_85] : memref<10240x128xf32, #tpu.memory_space<vmem_shared>> -> memref<64x128xf32, #tpu.memory_space<vmem_shared>>
      tpu.wait_dma2 semaphore(%run_scoped3A : memref<!tpu.dma_semaphore, #tpu.memory_space<semaphore_mem>>) src(%dma_wait3A_86 : memref<64x128xf32, #tpu.memory_space<vmem_shared>>) dst(%dma_wait3A_84 : memref<64x128xf32, #tpu.memory_space<vmem>>)
      tpu.yield
    }) : () -> ()
    %add3A_35 = arith.constant 64 : i32
    %add3A_36 = arith.addi %mul3A_2, %add3A_35 : i32
    "tpu.region"() ({
      %run_scoped3A = tpu.sem_alloc : memref<!tpu.dma_semaphore, #tpu.memory_space<semaphore_mem>>
      %dma_start3A = arith.constant 0 : i32
      %dma_start3A_69 = arith.constant 0 : i32
      %dma_start3A_70 = tpu.memref_slice %arg9[%dma_start3A, %dma_start3A_69] : memref<112x128xf32, #tpu.memory_space<vmem>> -> memref<64x128xf32, #tpu.memory_space<vmem>>
      %dma_start3A_71 = arith.constant 0 : i32
      %dma_start3A_72 = tpu.memref_slice %arg6[%arg0, %add3A_36, %dma_start3A_71] : memref<2x10240x128xf32, #tpu.memory_space<hbm>> -> memref<1x64x128xf32, #tpu.memory_space<hbm>>
      %dma_start3A_73 = tpu.memref_squeeze %dma_start3A_72 : memref<1x64x128xf32, #tpu.memory_space<hbm>> -> memref<64x128xf32, #tpu.memory_space<hbm>>
      %dma_start3A_74 = arith.constant 0 : i32
      %dma_start3A_75 = tpu.memref_slice %arg6[%arg0, %add3A_36, %dma_start3A_74] : memref<2x10240x128xf32, #tpu.memory_space<hbm>> -> memref<1x64x128xf32, #tpu.memory_space<hbm>>
      %dma_start3A_76 = tpu.memref_squeeze %dma_start3A_75 : memref<1x64x128xf32, #tpu.memory_space<hbm>> -> memref<64x128xf32, #tpu.memory_space<hbm>>
      %dma_start3A_77 = arith.constant 0 : i32
      %dma_start3A_78 = arith.constant 0 : i32
      %dma_start3A_79 = tpu.memref_slice %arg9[%dma_start3A_77, %dma_start3A_78] : memref<112x128xf32, #tpu.memory_space<vmem>> -> memref<64x128xf32, #tpu.memory_space<vmem>>
      tpu.enqueue_dma source(%dma_start3A_79 : memref<64x128xf32, #tpu.memory_space<vmem>>) target(%dma_start3A_76 : memref<64x128xf32, #tpu.memory_space<hbm>>) target_semaphore(%run_scoped3A : memref<!tpu.dma_semaphore, #tpu.memory_space<semaphore_mem>>)
      %dma_wait3A = arith.constant 0 : i32
      %dma_wait3A_80 = arith.constant 0 : i32
      %dma_wait3A_81 = tpu.memref_slice %arg9[%dma_wait3A, %dma_wait3A_80] : memref<112x128xf32, #tpu.memory_space<vmem>> -> memref<64x128xf32, #tpu.memory_space<vmem>>
      %dma_wait3A_82 = arith.constant 0 : i32
      %dma_wait3A_83 = tpu.memref_slice %arg6[%arg0, %add3A_36, %dma_wait3A_82] : memref<2x10240x128xf32, #tpu.memory_space<hbm>> -> memref<1x64x128xf32, #tpu.memory_space<hbm>>
      %dma_wait3A_84 = tpu.memref_squeeze %dma_wait3A_83 : memref<1x64x128xf32, #tpu.memory_space<hbm>> -> memref<64x128xf32, #tpu.memory_space<hbm>>
      %dma_wait3A_85 = arith.constant 0 : i32
      %dma_wait3A_86 = tpu.memref_slice %arg6[%arg0, %add3A_36, %dma_wait3A_85] : memref<2x10240x128xf32, #tpu.memory_space<hbm>> -> memref<1x64x128xf32, #tpu.memory_space<hbm>>
      %dma_wait3A_87 = tpu.memref_squeeze %dma_wait3A_86 : memref<1x64x128xf32, #tpu.memory_space<hbm>> -> memref<64x128xf32, #tpu.memory_space<hbm>>
      %dma_wait3A_88 = arith.constant 0 : i32
      %dma_wait3A_89 = arith.constant 0 : i32
      %dma_wait3A_90 = tpu.memref_slice %arg9[%dma_wait3A_88, %dma_wait3A_89] : memref<112x128xf32, #tpu.memory_space<vmem>> -> memref<64x128xf32, #tpu.memory_space<vmem>>
      tpu.wait_dma2 semaphore(%run_scoped3A : memref<!tpu.dma_semaphore, #tpu.memory_space<semaphore_mem>>) src(%dma_wait3A_90 : memref<64x128xf32, #tpu.memory_space<vmem>>) dst(%dma_wait3A_87 : memref<64x128xf32, #tpu.memory_space<hbm>>)
      tpu.yield
    }) : () -> ()
    %add3A_37 = arith.constant 128 : i32
    %add3A_38 = arith.addi %mul3A_2, %add3A_37 : i32
    "tpu.region"() ({
      %run_scoped3A = tpu.sem_alloc : memref<!tpu.dma_semaphore, #tpu.memory_space<semaphore_mem>>
      %dma_start3A = arith.constant 0 : i32
      %dma_start3A_69 = arith.constant 0 : i32
      %dma_start3A_70 = tpu.memref_slice %arg9[%dma_start3A, %dma_start3A_69] : memref<112x128xf32, #tpu.memory_space<vmem>> -> memref<64x128xf32, #tpu.memory_space<vmem>>
      %dma_start3A_71 = arith.constant 0 : i32
      %dma_start3A_72 = tpu.memref_slice %arg12[%add3A_38, %dma_start3A_71] : memref<10240x128xf32, #tpu.memory_space<vmem_shared>> -> memref<64x128xf32, #tpu.memory_space<vmem_shared>>
      %dma_start3A_73 = arith.constant 0 : i32
      %dma_start3A_74 = arith.constant 0 : i32
      %dma_start3A_75 = tpu.memref_slice %arg9[%dma_start3A_73, %dma_start3A_74] : memref<112x128xf32, #tpu.memory_space<vmem>> -> memref<64x128xf32, #tpu.memory_space<vmem>>
      %dma_start3A_76 = arith.constant 0 : i32
      %dma_start3A_77 = tpu.memref_slice %arg12[%add3A_38, %dma_start3A_76] : memref<10240x128xf32, #tpu.memory_space<vmem_shared>> -> memref<64x128xf32, #tpu.memory_space<vmem_shared>>
      tpu.enqueue_dma source(%dma_start3A_77 : memref<64x128xf32, #tpu.memory_space<vmem_shared>>) target(%dma_start3A_75 : memref<64x128xf32, #tpu.memory_space<vmem>>) target_semaphore(%run_scoped3A : memref<!tpu.dma_semaphore, #tpu.memory_space<semaphore_mem>>)
      %dma_wait3A = arith.constant 0 : i32
      %dma_wait3A_78 = arith.constant 0 : i32
      %dma_wait3A_79 = tpu.memref_slice %arg9[%dma_wait3A, %dma_wait3A_78] : memref<112x128xf32, #tpu.memory_space<vmem>> -> memref<64x128xf32, #tpu.memory_space<vmem>>
      %dma_wait3A_80 = arith.constant 0 : i32
      %dma_wait3A_81 = tpu.memref_slice %arg12[%add3A_38, %dma_wait3A_80] : memref<10240x128xf32, #tpu.memory_space<vmem_shared>> -> memref<64x128xf32, #tpu.memory_space<vmem_shared>>
      %dma_wait3A_82 = arith.constant 0 : i32
      %dma_wait3A_83 = arith.constant 0 : i32
      %dma_wait3A_84 = tpu.memref_slice %arg9[%dma_wait3A_82, %dma_wait3A_83] : memref<112x128xf32, #tpu.memory_space<vmem>> -> memref<64x128xf32, #tpu.memory_space<vmem>>
      %dma_wait3A_85 = arith.constant 0 : i32
      %dma_wait3A_86 = tpu.memref_slice %arg12[%add3A_38, %dma_wait3A_85] : memref<10240x128xf32, #tpu.memory_space<vmem_shared>> -> memref<64x128xf32, #tpu.memory_space<vmem_shared>>
      tpu.wait_dma2 semaphore(%run_scoped3A : memref<!tpu.dma_semaphore, #tpu.memory_space<semaphore_mem>>) src(%dma_wait3A_86 : memref<64x128xf32, #tpu.memory_space<vmem_shared>>) dst(%dma_wait3A_84 : memref<64x128xf32, #tpu.memory_space<vmem>>)
      tpu.yield
    }) : () -> ()
    %add3A_39 = arith.constant 128 : i32
    %add3A_40 = arith.addi %mul3A_2, %add3A_39 : i32
    "tpu.region"() ({
      %run_scoped3A = tpu.sem_alloc : memref<!tpu.dma_semaphore, #tpu.memory_space<semaphore_mem>>
      %dma_start3A = arith.constant 0 : i32
      %dma_start3A_69 = arith.constant 0 : i32
      %dma_start3A_70 = tpu.memref_slice %arg9[%dma_start3A, %dma_start3A_69] : memref<112x128xf32, #tpu.memory_space<vmem>> -> memref<64x128xf32, #tpu.memory_space<vmem>>
      %dma_start3A_71 = arith.constant 0 : i32
      %dma_start3A_72 = tpu.memref_slice %arg6[%arg0, %add3A_40, %dma_start3A_71] : memref<2x10240x128xf32, #tpu.memory_space<hbm>> -> memref<1x64x128xf32, #tpu.memory_space<hbm>>
      %dma_start3A_73 = tpu.memref_squeeze %dma_start3A_72 : memref<1x64x128xf32, #tpu.memory_space<hbm>> -> memref<64x128xf32, #tpu.memory_space<hbm>>
      %dma_start3A_74 = arith.constant 0 : i32
      %dma_start3A_75 = tpu.memref_slice %arg6[%arg0, %add3A_40, %dma_start3A_74] : memref<2x10240x128xf32, #tpu.memory_space<hbm>> -> memref<1x64x128xf32, #tpu.memory_space<hbm>>
      %dma_start3A_76 = tpu.memref_squeeze %dma_start3A_75 : memref<1x64x128xf32, #tpu.memory_space<hbm>> -> memref<64x128xf32, #tpu.memory_space<hbm>>
      %dma_start3A_77 = arith.constant 0 : i32
      %dma_start3A_78 = arith.constant 0 : i32
      %dma_start3A_79 = tpu.memref_slice %arg9[%dma_start3A_77, %dma_start3A_78] : memref<112x128xf32, #tpu.memory_space<vmem>> -> memref<64x128xf32, #tpu.memory_space<vmem>>
      tpu.enqueue_dma source(%dma_start3A_79 : memref<64x128xf32, #tpu.memory_space<vmem>>) target(%dma_start3A_76 : memref<64x128xf32, #tpu.memory_space<hbm>>) target_semaphore(%run_scoped3A : memref<!tpu.dma_semaphore, #tpu.memory_space<semaphore_mem>>)
      %dma_wait3A = arith.constant 0 : i32
      %dma_wait3A_80 = arith.constant 0 : i32
      %dma_wait3A_81 = tpu.memref_slice %arg9[%dma_wait3A, %dma_wait3A_80] : memref<112x128xf32, #tpu.memory_space<vmem>> -> memref<64x128xf32, #tpu.memory_space<vmem>>
      %dma_wait3A_82 = arith.constant 0 : i32
      %dma_wait3A_83 = tpu.memref_slice %arg6[%arg0, %add3A_40, %dma_wait3A_82] : memref<2x10240x128xf32, #tpu.memory_space<hbm>> -> memref<1x64x128xf32, #tpu.memory_space<hbm>>
      %dma_wait3A_84 = tpu.memref_squeeze %dma_wait3A_83 : memref<1x64x128xf32, #tpu.memory_space<hbm>> -> memref<64x128xf32, #tpu.memory_space<hbm>>
      %dma_wait3A_85 = arith.constant 0 : i32
      %dma_wait3A_86 = tpu.memref_slice %arg6[%arg0, %add3A_40, %dma_wait3A_85] : memref<2x10240x128xf32, #tpu.memory_space<hbm>> -> memref<1x64x128xf32, #tpu.memory_space<hbm>>
      %dma_wait3A_87 = tpu.memref_squeeze %dma_wait3A_86 : memref<1x64x128xf32, #tpu.memory_space<hbm>> -> memref<64x128xf32, #tpu.memory_space<hbm>>
      %dma_wait3A_88 = arith.constant 0 : i32
      %dma_wait3A_89 = arith.constant 0 : i32
      %dma_wait3A_90 = tpu.memref_slice %arg9[%dma_wait3A_88, %dma_wait3A_89] : memref<112x128xf32, #tpu.memory_space<vmem>> -> memref<64x128xf32, #tpu.memory_space<vmem>>
      tpu.wait_dma2 semaphore(%run_scoped3A : memref<!tpu.dma_semaphore, #tpu.memory_space<semaphore_mem>>) src(%dma_wait3A_90 : memref<64x128xf32, #tpu.memory_space<vmem>>) dst(%dma_wait3A_87 : memref<64x128xf32, #tpu.memory_space<hbm>>)
      tpu.yield
    }) : () -> ()
    %add3A_41 = arith.constant 192 : i32
    %add3A_42 = arith.addi %mul3A_2, %add3A_41 : i32
    "tpu.region"() ({
      %run_scoped3A = tpu.sem_alloc : memref<!tpu.dma_semaphore, #tpu.memory_space<semaphore_mem>>
      %dma_start3A = arith.constant 0 : i32
      %dma_start3A_69 = arith.constant 0 : i32
      %dma_start3A_70 = tpu.memref_slice %arg9[%dma_start3A, %dma_start3A_69] : memref<112x128xf32, #tpu.memory_space<vmem>> -> memref<64x128xf32, #tpu.memory_space<vmem>>
      %dma_start3A_71 = arith.constant 0 : i32
      %dma_start3A_72 = tpu.memref_slice %arg12[%add3A_42, %dma_start3A_71] : memref<10240x128xf32, #tpu.memory_space<vmem_shared>> -> memref<64x128xf32, #tpu.memory_space<vmem_shared>>
      %dma_start3A_73 = arith.constant 0 : i32
      %dma_start3A_74 = arith.constant 0 : i32
      %dma_start3A_75 = tpu.memref_slice %arg9[%dma_start3A_73, %dma_start3A_74] : memref<112x128xf32, #tpu.memory_space<vmem>> -> memref<64x128xf32, #tpu.memory_space<vmem>>
      %dma_start3A_76 = arith.constant 0 : i32
      %dma_start3A_77 = tpu.memref_slice %arg12[%add3A_42, %dma_start3A_76] : memref<10240x128xf32, #tpu.memory_space<vmem_shared>> -> memref<64x128xf32, #tpu.memory_space<vmem_shared>>
      tpu.enqueue_dma source(%dma_start3A_77 : memref<64x128xf32, #tpu.memory_space<vmem_shared>>) target(%dma_start3A_75 : memref<64x128xf32, #tpu.memory_space<vmem>>) target_semaphore(%run_scoped3A : memref<!tpu.dma_semaphore, #tpu.memory_space<semaphore_mem>>)
      %dma_wait3A = arith.constant 0 : i32
      %dma_wait3A_78 = arith.constant 0 : i32
      %dma_wait3A_79 = tpu.memref_slice %arg9[%dma_wait3A, %dma_wait3A_78] : memref<112x128xf32, #tpu.memory_space<vmem>> -> memref<64x128xf32, #tpu.memory_space<vmem>>
      %dma_wait3A_80 = arith.constant 0 : i32
      %dma_wait3A_81 = tpu.memref_slice %arg12[%add3A_42, %dma_wait3A_80] : memref<10240x128xf32, #tpu.memory_space<vmem_shared>> -> memref<64x128xf32, #tpu.memory_space<vmem_shared>>
      %dma_wait3A_82 = arith.constant 0 : i32
      %dma_wait3A_83 = arith.constant 0 : i32
      %dma_wait3A_84 = tpu.memref_slice %arg9[%dma_wait3A_82, %dma_wait3A_83] : memref<112x128xf32, #tpu.memory_space<vmem>> -> memref<64x128xf32, #tpu.memory_space<vmem>>
      %dma_wait3A_85 = arith.constant 0 : i32
      %dma_wait3A_86 = tpu.memref_slice %arg12[%add3A_42, %dma_wait3A_85] : memref<10240x128xf32, #tpu.memory_space<vmem_shared>> -> memref<64x128xf32, #tpu.memory_space<vmem_shared>>
      tpu.wait_dma2 semaphore(%run_scoped3A : memref<!tpu.dma_semaphore, #tpu.memory_space<semaphore_mem>>) src(%dma_wait3A_86 : memref<64x128xf32, #tpu.memory_space<vmem_shared>>) dst(%dma_wait3A_84 : memref<64x128xf32, #tpu.memory_space<vmem>>)
      tpu.yield
    }) : () -> ()
    %add3A_43 = arith.constant 192 : i32
    %add3A_44 = arith.addi %mul3A_2, %add3A_43 : i32
    "tpu.region"() ({
      %run_scoped3A = tpu.sem_alloc : memref<!tpu.dma_semaphore, #tpu.memory_space<semaphore_mem>>
      %dma_start3A = arith.constant 0 : i32
      %dma_start3A_69 = arith.constant 0 : i32
      %dma_start3A_70 = tpu.memref_slice %arg9[%dma_start3A, %dma_start3A_69] : memref<112x128xf32, #tpu.memory_space<vmem>> -> memref<64x128xf32, #tpu.memory_space<vmem>>
      %dma_start3A_71 = arith.constant 0 : i32
      %dma_start3A_72 = tpu.memref_slice %arg6[%arg0, %add3A_44, %dma_start3A_71] : memref<2x10240x128xf32, #tpu.memory_space<hbm>> -> memref<1x64x128xf32, #tpu.memory_space<hbm>>
      %dma_start3A_73 = tpu.memref_squeeze %dma_start3A_72 : memref<1x64x128xf32, #tpu.memory_space<hbm>> -> memref<64x128xf32, #tpu.memory_space<hbm>>
      %dma_start3A_74 = arith.constant 0 : i32
      %dma_start3A_75 = tpu.memref_slice %arg6[%arg0, %add3A_44, %dma_start3A_74] : memref<2x10240x128xf32, #tpu.memory_space<hbm>> -> memref<1x64x128xf32, #tpu.memory_space<hbm>>
      %dma_start3A_76 = tpu.memref_squeeze %dma_start3A_75 : memref<1x64x128xf32, #tpu.memory_space<hbm>> -> memref<64x128xf32, #tpu.memory_space<hbm>>
      %dma_start3A_77 = arith.constant 0 : i32
      %dma_start3A_78 = arith.constant 0 : i32
      %dma_start3A_79 = tpu.memref_slice %arg9[%dma_start3A_77, %dma_start3A_78] : memref<112x128xf32, #tpu.memory_space<vmem>> -> memref<64x128xf32, #tpu.memory_space<vmem>>
      tpu.enqueue_dma source(%dma_start3A_79 : memref<64x128xf32, #tpu.memory_space<vmem>>) target(%dma_start3A_76 : memref<64x128xf32, #tpu.memory_space<hbm>>) target_semaphore(%run_scoped3A : memref<!tpu.dma_semaphore, #tpu.memory_space<semaphore_mem>>)
      %dma_wait3A = arith.constant 0 : i32
      %dma_wait3A_80 = arith.constant 0 : i32
      %dma_wait3A_81 = tpu.memref_slice %arg9[%dma_wait3A, %dma_wait3A_80] : memref<112x128xf32, #tpu.memory_space<vmem>> -> memref<64x128xf32, #tpu.memory_space<vmem>>
      %dma_wait3A_82 = arith.constant 0 : i32
      %dma_wait3A_83 = tpu.memref_slice %arg6[%arg0, %add3A_44, %dma_wait3A_82] : memref<2x10240x128xf32, #tpu.memory_space<hbm>> -> memref<1x64x128xf32, #tpu.memory_space<hbm>>
      %dma_wait3A_84 = tpu.memref_squeeze %dma_wait3A_83 : memref<1x64x128xf32, #tpu.memory_space<hbm>> -> memref<64x128xf32, #tpu.memory_space<hbm>>
      %dma_wait3A_85 = arith.constant 0 : i32
      %dma_wait3A_86 = tpu.memref_slice %arg6[%arg0, %add3A_44, %dma_wait3A_85] : memref<2x10240x128xf32, #tpu.memory_space<hbm>> -> memref<1x64x128xf32, #tpu.memory_space<hbm>>
      %dma_wait3A_87 = tpu.memref_squeeze %dma_wait3A_86 : memref<1x64x128xf32, #tpu.memory_space<hbm>> -> memref<64x128xf32, #tpu.memory_space<hbm>>
      %dma_wait3A_88 = arith.constant 0 : i32
      %dma_wait3A_89 = arith.constant 0 : i32
      %dma_wait3A_90 = tpu.memref_slice %arg9[%dma_wait3A_88, %dma_wait3A_89] : memref<112x128xf32, #tpu.memory_space<vmem>> -> memref<64x128xf32, #tpu.memory_space<vmem>>
      tpu.wait_dma2 semaphore(%run_scoped3A : memref<!tpu.dma_semaphore, #tpu.memory_space<semaphore_mem>>) src(%dma_wait3A_90 : memref<64x128xf32, #tpu.memory_space<vmem>>) dst(%dma_wait3A_87 : memref<64x128xf32, #tpu.memory_space<hbm>>)
      tpu.yield
    }) : () -> ()
    %add3A_45 = arith.constant 256 : i32
    %add3A_46 = arith.addi %mul3A_2, %add3A_45 : i32
    "tpu.region"() ({
      %run_scoped3A = tpu.sem_alloc : memref<!tpu.dma_semaphore, #tpu.memory_space<semaphore_mem>>
      %dma_start3A = arith.constant 0 : i32
      %dma_start3A_69 = arith.constant 0 : i32
      %dma_start3A_70 = tpu.memref_slice %arg9[%dma_start3A, %dma_start3A_69] : memref<112x128xf32, #tpu.memory_space<vmem>> -> memref<64x128xf32, #tpu.memory_space<vmem>>
      %dma_start3A_71 = arith.constant 0 : i32
      %dma_start3A_72 = tpu.memref_slice %arg12[%add3A_46, %dma_start3A_71] : memref<10240x128xf32, #tpu.memory_space<vmem_shared>> -> memref<64x128xf32, #tpu.memory_space<vmem_shared>>
      %dma_start3A_73 = arith.constant 0 : i32
      %dma_start3A_74 = arith.constant 0 : i32
      %dma_start3A_75 = tpu.memref_slice %arg9[%dma_start3A_73, %dma_start3A_74] : memref<112x128xf32, #tpu.memory_space<vmem>> -> memref<64x128xf32, #tpu.memory_space<vmem>>
      %dma_start3A_76 = arith.constant 0 : i32
      %dma_start3A_77 = tpu.memref_slice %arg12[%add3A_46, %dma_start3A_76] : memref<10240x128xf32, #tpu.memory_space<vmem_shared>> -> memref<64x128xf32, #tpu.memory_space<vmem_shared>>
      tpu.enqueue_dma source(%dma_start3A_77 : memref<64x128xf32, #tpu.memory_space<vmem_shared>>) target(%dma_start3A_75 : memref<64x128xf32, #tpu.memory_space<vmem>>) target_semaphore(%run_scoped3A : memref<!tpu.dma_semaphore, #tpu.memory_space<semaphore_mem>>)
      %dma_wait3A = arith.constant 0 : i32
      %dma_wait3A_78 = arith.constant 0 : i32
      %dma_wait3A_79 = tpu.memref_slice %arg9[%dma_wait3A, %dma_wait3A_78] : memref<112x128xf32, #tpu.memory_space<vmem>> -> memref<64x128xf32, #tpu.memory_space<vmem>>
      %dma_wait3A_80 = arith.constant 0 : i32
      %dma_wait3A_81 = tpu.memref_slice %arg12[%add3A_46, %dma_wait3A_80] : memref<10240x128xf32, #tpu.memory_space<vmem_shared>> -> memref<64x128xf32, #tpu.memory_space<vmem_shared>>
      %dma_wait3A_82 = arith.constant 0 : i32
      %dma_wait3A_83 = arith.constant 0 : i32
      %dma_wait3A_84 = tpu.memref_slice %arg9[%dma_wait3A_82, %dma_wait3A_83] : memref<112x128xf32, #tpu.memory_space<vmem>> -> memref<64x128xf32, #tpu.memory_space<vmem>>
      %dma_wait3A_85 = arith.constant 0 : i32
      %dma_wait3A_86 = tpu.memref_slice %arg12[%add3A_46, %dma_wait3A_85] : memref<10240x128xf32, #tpu.memory_space<vmem_shared>> -> memref<64x128xf32, #tpu.memory_space<vmem_shared>>
      tpu.wait_dma2 semaphore(%run_scoped3A : memref<!tpu.dma_semaphore, #tpu.memory_space<semaphore_mem>>) src(%dma_wait3A_86 : memref<64x128xf32, #tpu.memory_space<vmem_shared>>) dst(%dma_wait3A_84 : memref<64x128xf32, #tpu.memory_space<vmem>>)
      tpu.yield
    }) : () -> ()
    %add3A_47 = arith.constant 256 : i32
    %add3A_48 = arith.addi %mul3A_2, %add3A_47 : i32
    "tpu.region"() ({
      %run_scoped3A = tpu.sem_alloc : memref<!tpu.dma_semaphore, #tpu.memory_space<semaphore_mem>>
      %dma_start3A = arith.constant 0 : i32
      %dma_start3A_69 = arith.constant 0 : i32
      %dma_start3A_70 = tpu.memref_slice %arg9[%dma_start3A, %dma_start3A_69] : memref<112x128xf32, #tpu.memory_space<vmem>> -> memref<64x128xf32, #tpu.memory_space<vmem>>
      %dma_start3A_71 = arith.constant 0 : i32
      %dma_start3A_72 = tpu.memref_slice %arg6[%arg0, %add3A_48, %dma_start3A_71] : memref<2x10240x128xf32, #tpu.memory_space<hbm>> -> memref<1x64x128xf32, #tpu.memory_space<hbm>>
      %dma_start3A_73 = tpu.memref_squeeze %dma_start3A_72 : memref<1x64x128xf32, #tpu.memory_space<hbm>> -> memref<64x128xf32, #tpu.memory_space<hbm>>
      %dma_start3A_74 = arith.constant 0 : i32
      %dma_start3A_75 = tpu.memref_slice %arg6[%arg0, %add3A_48, %dma_start3A_74] : memref<2x10240x128xf32, #tpu.memory_space<hbm>> -> memref<1x64x128xf32, #tpu.memory_space<hbm>>
      %dma_start3A_76 = tpu.memref_squeeze %dma_start3A_75 : memref<1x64x128xf32, #tpu.memory_space<hbm>> -> memref<64x128xf32, #tpu.memory_space<hbm>>
      %dma_start3A_77 = arith.constant 0 : i32
      %dma_start3A_78 = arith.constant 0 : i32
      %dma_start3A_79 = tpu.memref_slice %arg9[%dma_start3A_77, %dma_start3A_78] : memref<112x128xf32, #tpu.memory_space<vmem>> -> memref<64x128xf32, #tpu.memory_space<vmem>>
      tpu.enqueue_dma source(%dma_start3A_79 : memref<64x128xf32, #tpu.memory_space<vmem>>) target(%dma_start3A_76 : memref<64x128xf32, #tpu.memory_space<hbm>>) target_semaphore(%run_scoped3A : memref<!tpu.dma_semaphore, #tpu.memory_space<semaphore_mem>>)
      %dma_wait3A = arith.constant 0 : i32
      %dma_wait3A_80 = arith.constant 0 : i32
      %dma_wait3A_81 = tpu.memref_slice %arg9[%dma_wait3A, %dma_wait3A_80] : memref<112x128xf32, #tpu.memory_space<vmem>> -> memref<64x128xf32, #tpu.memory_space<vmem>>
      %dma_wait3A_82 = arith.constant 0 : i32
      %dma_wait3A_83 = tpu.memref_slice %arg6[%arg0, %add3A_48, %dma_wait3A_82] : memref<2x10240x128xf32, #tpu.memory_space<hbm>> -> memref<1x64x128xf32, #tpu.memory_space<hbm>>
      %dma_wait3A_84 = tpu.memref_squeeze %dma_wait3A_83 : memref<1x64x128xf32, #tpu.memory_space<hbm>> -> memref<64x128xf32, #tpu.memory_space<hbm>>
      %dma_wait3A_85 = arith.constant 0 : i32
      %dma_wait3A_86 = tpu.memref_slice %arg6[%arg0, %add3A_48, %dma_wait3A_85] : memref<2x10240x128xf32, #tpu.memory_space<hbm>> -> memref<1x64x128xf32, #tpu.memory_space<hbm>>
      %dma_wait3A_87 = tpu.memref_squeeze %dma_wait3A_86 : memref<1x64x128xf32, #tpu.memory_space<hbm>> -> memref<64x128xf32, #tpu.memory_space<hbm>>
      %dma_wait3A_88 = arith.constant 0 : i32
      %dma_wait3A_89 = arith.constant 0 : i32
      %dma_wait3A_90 = tpu.memref_slice %arg9[%dma_wait3A_88, %dma_wait3A_89] : memref<112x128xf32, #tpu.memory_space<vmem>> -> memref<64x128xf32, #tpu.memory_space<vmem>>
      tpu.wait_dma2 semaphore(%run_scoped3A : memref<!tpu.dma_semaphore, #tpu.memory_space<semaphore_mem>>) src(%dma_wait3A_90 : memref<64x128xf32, #tpu.memory_space<vmem>>) dst(%dma_wait3A_87 : memref<64x128xf32, #tpu.memory_space<hbm>>)
      tpu.yield
    }) : () -> ()
    %add3A_49 = arith.constant 320 : i32
    %add3A_50 = arith.addi %mul3A_2, %add3A_49 : i32
    "tpu.region"() ({
      %run_scoped3A = tpu.sem_alloc : memref<!tpu.dma_semaphore, #tpu.memory_space<semaphore_mem>>
      %dma_start3A = arith.constant 0 : i32
      %dma_start3A_69 = arith.constant 0 : i32
      %dma_start3A_70 = tpu.memref_slice %arg9[%dma_start3A, %dma_start3A_69] : memref<112x128xf32, #tpu.memory_space<vmem>> -> memref<64x128xf32, #tpu.memory_space<vmem>>
      %dma_start3A_71 = arith.constant 0 : i32
      %dma_start3A_72 = tpu.memref_slice %arg12[%add3A_50, %dma_start3A_71] : memref<10240x128xf32, #tpu.memory_space<vmem_shared>> -> memref<64x128xf32, #tpu.memory_space<vmem_shared>>
      %dma_start3A_73 = arith.constant 0 : i32
      %dma_start3A_74 = arith.constant 0 : i32
      %dma_start3A_75 = tpu.memref_slice %arg9[%dma_start3A_73, %dma_start3A_74] : memref<112x128xf32, #tpu.memory_space<vmem>> -> memref<64x128xf32, #tpu.memory_space<vmem>>
      %dma_start3A_76 = arith.constant 0 : i32
      %dma_start3A_77 = tpu.memref_slice %arg12[%add3A_50, %dma_start3A_76] : memref<10240x128xf32, #tpu.memory_space<vmem_shared>> -> memref<64x128xf32, #tpu.memory_space<vmem_shared>>
      tpu.enqueue_dma source(%dma_start3A_77 : memref<64x128xf32, #tpu.memory_space<vmem_shared>>) target(%dma_start3A_75 : memref<64x128xf32, #tpu.memory_space<vmem>>) target_semaphore(%run_scoped3A : memref<!tpu.dma_semaphore, #tpu.memory_space<semaphore_mem>>)
      %dma_wait3A = arith.constant 0 : i32
      %dma_wait3A_78 = arith.constant 0 : i32
      %dma_wait3A_79 = tpu.memref_slice %arg9[%dma_wait3A, %dma_wait3A_78] : memref<112x128xf32, #tpu.memory_space<vmem>> -> memref<64x128xf32, #tpu.memory_space<vmem>>
      %dma_wait3A_80 = arith.constant 0 : i32
      %dma_wait3A_81 = tpu.memref_slice %arg12[%add3A_50, %dma_wait3A_80] : memref<10240x128xf32, #tpu.memory_space<vmem_shared>> -> memref<64x128xf32, #tpu.memory_space<vmem_shared>>
      %dma_wait3A_82 = arith.constant 0 : i32
      %dma_wait3A_83 = arith.constant 0 : i32
      %dma_wait3A_84 = tpu.memref_slice %arg9[%dma_wait3A_82, %dma_wait3A_83] : memref<112x128xf32, #tpu.memory_space<vmem>> -> memref<64x128xf32, #tpu.memory_space<vmem>>
      %dma_wait3A_85 = arith.constant 0 : i32
      %dma_wait3A_86 = tpu.memref_slice %arg12[%add3A_50, %dma_wait3A_85] : memref<10240x128xf32, #tpu.memory_space<vmem_shared>> -> memref<64x128xf32, #tpu.memory_space<vmem_shared>>
      tpu.wait_dma2 semaphore(%run_scoped3A : memref<!tpu.dma_semaphore, #tpu.memory_space<semaphore_mem>>) src(%dma_wait3A_86 : memref<64x128xf32, #tpu.memory_space<vmem_shared>>) dst(%dma_wait3A_84 : memref<64x128xf32, #tpu.memory_space<vmem>>)
      tpu.yield
    }) : () -> ()
    %add3A_51 = arith.constant 320 : i32
    %add3A_52 = arith.addi %mul3A_2, %add3A_51 : i32
    "tpu.region"() ({
      %run_scoped3A = tpu.sem_alloc : memref<!tpu.dma_semaphore, #tpu.memory_space<semaphore_mem>>
      %dma_start3A = arith.constant 0 : i32
      %dma_start3A_69 = arith.constant 0 : i32
      %dma_start3A_70 = tpu.memref_slice %arg9[%dma_start3A, %dma_start3A_69] : memref<112x128xf32, #tpu.memory_space<vmem>> -> memref<64x128xf32, #tpu.memory_space<vmem>>
      %dma_start3A_71 = arith.constant 0 : i32
      %dma_start3A_72 = tpu.memref_slice %arg6[%arg0, %add3A_52, %dma_start3A_71] : memref<2x10240x128xf32, #tpu.memory_space<hbm>> -> memref<1x64x128xf32, #tpu.memory_space<hbm>>
      %dma_start3A_73 = tpu.memref_squeeze %dma_start3A_72 : memref<1x64x128xf32, #tpu.memory_space<hbm>> -> memref<64x128xf32, #tpu.memory_space<hbm>>
      %dma_start3A_74 = arith.constant 0 : i32
      %dma_start3A_75 = tpu.memref_slice %arg6[%arg0, %add3A_52, %dma_start3A_74] : memref<2x10240x128xf32, #tpu.memory_space<hbm>> -> memref<1x64x128xf32, #tpu.memory_space<hbm>>
      %dma_start3A_76 = tpu.memref_squeeze %dma_start3A_75 : memref<1x64x128xf32, #tpu.memory_space<hbm>> -> memref<64x128xf32, #tpu.memory_space<hbm>>
      %dma_start3A_77 = arith.constant 0 : i32
      %dma_start3A_78 = arith.constant 0 : i32
      %dma_start3A_79 = tpu.memref_slice %arg9[%dma_start3A_77, %dma_start3A_78] : memref<112x128xf32, #tpu.memory_space<vmem>> -> memref<64x128xf32, #tpu.memory_space<vmem>>
      tpu.enqueue_dma source(%dma_start3A_79 : memref<64x128xf32, #tpu.memory_space<vmem>>) target(%dma_start3A_76 : memref<64x128xf32, #tpu.memory_space<hbm>>) target_semaphore(%run_scoped3A : memref<!tpu.dma_semaphore, #tpu.memory_space<semaphore_mem>>)
      %dma_wait3A = arith.constant 0 : i32
      %dma_wait3A_80 = arith.constant 0 : i32
      %dma_wait3A_81 = tpu.memref_slice %arg9[%dma_wait3A, %dma_wait3A_80] : memref<112x128xf32, #tpu.memory_space<vmem>> -> memref<64x128xf32, #tpu.memory_space<vmem>>
      %dma_wait3A_82 = arith.constant 0 : i32
      %dma_wait3A_83 = tpu.memref_slice %arg6[%arg0, %add3A_52, %dma_wait3A_82] : memref<2x10240x128xf32, #tpu.memory_space<hbm>> -> memref<1x64x128xf32, #tpu.memory_space<hbm>>
      %dma_wait3A_84 = tpu.memref_squeeze %dma_wait3A_83 : memref<1x64x128xf32, #tpu.memory_space<hbm>> -> memref<64x128xf32, #tpu.memory_space<hbm>>
      %dma_wait3A_85 = arith.constant 0 : i32
      %dma_wait3A_86 = tpu.memref_slice %arg6[%arg0, %add3A_52, %dma_wait3A_85] : memref<2x10240x128xf32, #tpu.memory_space<hbm>> -> memref<1x64x128xf32, #tpu.memory_space<hbm>>
      %dma_wait3A_87 = tpu.memref_squeeze %dma_wait3A_86 : memref<1x64x128xf32, #tpu.memory_space<hbm>> -> memref<64x128xf32, #tpu.memory_space<hbm>>
      %dma_wait3A_88 = arith.constant 0 : i32
      %dma_wait3A_89 = arith.constant 0 : i32
      %dma_wait3A_90 = tpu.memref_slice %arg9[%dma_wait3A_88, %dma_wait3A_89] : memref<112x128xf32, #tpu.memory_space<vmem>> -> memref<64x128xf32, #tpu.memory_space<vmem>>
      tpu.wait_dma2 semaphore(%run_scoped3A : memref<!tpu.dma_semaphore, #tpu.memory_space<semaphore_mem>>) src(%dma_wait3A_90 : memref<64x128xf32, #tpu.memory_space<vmem>>) dst(%dma_wait3A_87 : memref<64x128xf32, #tpu.memory_space<hbm>>)
      tpu.yield
    }) : () -> ()
    %add3A_53 = arith.constant 384 : i32
    %add3A_54 = arith.addi %mul3A_2, %add3A_53 : i32
    "tpu.region"() ({
      %run_scoped3A = tpu.sem_alloc : memref<!tpu.dma_semaphore, #tpu.memory_space<semaphore_mem>>
      %dma_start3A = arith.constant 0 : i32
      %dma_start3A_69 = arith.constant 0 : i32
      %dma_start3A_70 = tpu.memref_slice %arg9[%dma_start3A, %dma_start3A_69] : memref<112x128xf32, #tpu.memory_space<vmem>> -> memref<64x128xf32, #tpu.memory_space<vmem>>
      %dma_start3A_71 = arith.constant 0 : i32
      %dma_start3A_72 = tpu.memref_slice %arg12[%add3A_54, %dma_start3A_71] : memref<10240x128xf32, #tpu.memory_space<vmem_shared>> -> memref<64x128xf32, #tpu.memory_space<vmem_shared>>
      %dma_start3A_73 = arith.constant 0 : i32
      %dma_start3A_74 = arith.constant 0 : i32
      %dma_start3A_75 = tpu.memref_slice %arg9[%dma_start3A_73, %dma_start3A_74] : memref<112x128xf32, #tpu.memory_space<vmem>> -> memref<64x128xf32, #tpu.memory_space<vmem>>
      %dma_start3A_76 = arith.constant 0 : i32
      %dma_start3A_77 = tpu.memref_slice %arg12[%add3A_54, %dma_start3A_76] : memref<10240x128xf32, #tpu.memory_space<vmem_shared>> -> memref<64x128xf32, #tpu.memory_space<vmem_shared>>
      tpu.enqueue_dma source(%dma_start3A_77 : memref<64x128xf32, #tpu.memory_space<vmem_shared>>) target(%dma_start3A_75 : memref<64x128xf32, #tpu.memory_space<vmem>>) target_semaphore(%run_scoped3A : memref<!tpu.dma_semaphore, #tpu.memory_space<semaphore_mem>>)
      %dma_wait3A = arith.constant 0 : i32
      %dma_wait3A_78 = arith.constant 0 : i32
      %dma_wait3A_79 = tpu.memref_slice %arg9[%dma_wait3A, %dma_wait3A_78] : memref<112x128xf32, #tpu.memory_space<vmem>> -> memref<64x128xf32, #tpu.memory_space<vmem>>
      %dma_wait3A_80 = arith.constant 0 : i32
      %dma_wait3A_81 = tpu.memref_slice %arg12[%add3A_54, %dma_wait3A_80] : memref<10240x128xf32, #tpu.memory_space<vmem_shared>> -> memref<64x128xf32, #tpu.memory_space<vmem_shared>>
      %dma_wait3A_82 = arith.constant 0 : i32
      %dma_wait3A_83 = arith.constant 0 : i32
      %dma_wait3A_84 = tpu.memref_slice %arg9[%dma_wait3A_82, %dma_wait3A_83] : memref<112x128xf32, #tpu.memory_space<vmem>> -> memref<64x128xf32, #tpu.memory_space<vmem>>
      %dma_wait3A_85 = arith.constant 0 : i32
      %dma_wait3A_86 = tpu.memref_slice %arg12[%add3A_54, %dma_wait3A_85] : memref<10240x128xf32, #tpu.memory_space<vmem_shared>> -> memref<64x128xf32, #tpu.memory_space<vmem_shared>>
      tpu.wait_dma2 semaphore(%run_scoped3A : memref<!tpu.dma_semaphore, #tpu.memory_space<semaphore_mem>>) src(%dma_wait3A_86 : memref<64x128xf32, #tpu.memory_space<vmem_shared>>) dst(%dma_wait3A_84 : memref<64x128xf32, #tpu.memory_space<vmem>>)
      tpu.yield
    }) : () -> ()
    %add3A_55 = arith.constant 384 : i32
    %add3A_56 = arith.addi %mul3A_2, %add3A_55 : i32
    "tpu.region"() ({
      %run_scoped3A = tpu.sem_alloc : memref<!tpu.dma_semaphore, #tpu.memory_space<semaphore_mem>>
      %dma_start3A = arith.constant 0 : i32
      %dma_start3A_69 = arith.constant 0 : i32
      %dma_start3A_70 = tpu.memref_slice %arg9[%dma_start3A, %dma_start3A_69] : memref<112x128xf32, #tpu.memory_space<vmem>> -> memref<64x128xf32, #tpu.memory_space<vmem>>
      %dma_start3A_71 = arith.constant 0 : i32
      %dma_start3A_72 = tpu.memref_slice %arg6[%arg0, %add3A_56, %dma_start3A_71] : memref<2x10240x128xf32, #tpu.memory_space<hbm>> -> memref<1x64x128xf32, #tpu.memory_space<hbm>>
      %dma_start3A_73 = tpu.memref_squeeze %dma_start3A_72 : memref<1x64x128xf32, #tpu.memory_space<hbm>> -> memref<64x128xf32, #tpu.memory_space<hbm>>
      %dma_start3A_74 = arith.constant 0 : i32
      %dma_start3A_75 = tpu.memref_slice %arg6[%arg0, %add3A_56, %dma_start3A_74] : memref<2x10240x128xf32, #tpu.memory_space<hbm>> -> memref<1x64x128xf32, #tpu.memory_space<hbm>>
      %dma_start3A_76 = tpu.memref_squeeze %dma_start3A_75 : memref<1x64x128xf32, #tpu.memory_space<hbm>> -> memref<64x128xf32, #tpu.memory_space<hbm>>
      %dma_start3A_77 = arith.constant 0 : i32
      %dma_start3A_78 = arith.constant 0 : i32
      %dma_start3A_79 = tpu.memref_slice %arg9[%dma_start3A_77, %dma_start3A_78] : memref<112x128xf32, #tpu.memory_space<vmem>> -> memref<64x128xf32, #tpu.memory_space<vmem>>
      tpu.enqueue_dma source(%dma_start3A_79 : memref<64x128xf32, #tpu.memory_space<vmem>>) target(%dma_start3A_76 : memref<64x128xf32, #tpu.memory_space<hbm>>) target_semaphore(%run_scoped3A : memref<!tpu.dma_semaphore, #tpu.memory_space<semaphore_mem>>)
      %dma_wait3A = arith.constant 0 : i32
      %dma_wait3A_80 = arith.constant 0 : i32
      %dma_wait3A_81 = tpu.memref_slice %arg9[%dma_wait3A, %dma_wait3A_80] : memref<112x128xf32, #tpu.memory_space<vmem>> -> memref<64x128xf32, #tpu.memory_space<vmem>>
      %dma_wait3A_82 = arith.constant 0 : i32
      %dma_wait3A_83 = tpu.memref_slice %arg6[%arg0, %add3A_56, %dma_wait3A_82] : memref<2x10240x128xf32, #tpu.memory_space<hbm>> -> memref<1x64x128xf32, #tpu.memory_space<hbm>>
      %dma_wait3A_84 = tpu.memref_squeeze %dma_wait3A_83 : memref<1x64x128xf32, #tpu.memory_space<hbm>> -> memref<64x128xf32, #tpu.memory_space<hbm>>
      %dma_wait3A_85 = arith.constant 0 : i32
      %dma_wait3A_86 = tpu.memref_slice %arg6[%arg0, %add3A_56, %dma_wait3A_85] : memref<2x10240x128xf32, #tpu.memory_space<hbm>> -> memref<1x64x128xf32, #tpu.memory_space<hbm>>
      %dma_wait3A_87 = tpu.memref_squeeze %dma_wait3A_86 : memref<1x64x128xf32, #tpu.memory_space<hbm>> -> memref<64x128xf32, #tpu.memory_space<hbm>>
      %dma_wait3A_88 = arith.constant 0 : i32
      %dma_wait3A_89 = arith.constant 0 : i32
      %dma_wait3A_90 = tpu.memref_slice %arg9[%dma_wait3A_88, %dma_wait3A_89] : memref<112x128xf32, #tpu.memory_space<vmem>> -> memref<64x128xf32, #tpu.memory_space<vmem>>
      tpu.wait_dma2 semaphore(%run_scoped3A : memref<!tpu.dma_semaphore, #tpu.memory_space<semaphore_mem>>) src(%dma_wait3A_90 : memref<64x128xf32, #tpu.memory_space<vmem>>) dst(%dma_wait3A_87 : memref<64x128xf32, #tpu.memory_space<hbm>>)
      tpu.yield
    }) : () -> ()
    %add3A_57 = arith.constant 448 : i32
    %add3A_58 = arith.addi %mul3A_2, %add3A_57 : i32
    "tpu.region"() ({
      %run_scoped3A = tpu.sem_alloc : memref<!tpu.dma_semaphore, #tpu.memory_space<semaphore_mem>>
      %dma_start3A = arith.constant 0 : i32
      %dma_start3A_69 = arith.constant 0 : i32
      %dma_start3A_70 = tpu.memref_slice %arg9[%dma_start3A, %dma_start3A_69] : memref<112x128xf32, #tpu.memory_space<vmem>> -> memref<64x128xf32, #tpu.memory_space<vmem>>
      %dma_start3A_71 = arith.constant 0 : i32
      %dma_start3A_72 = tpu.memref_slice %arg12[%add3A_58, %dma_start3A_71] : memref<10240x128xf32, #tpu.memory_space<vmem_shared>> -> memref<64x128xf32, #tpu.memory_space<vmem_shared>>
      %dma_start3A_73 = arith.constant 0 : i32
      %dma_start3A_74 = arith.constant 0 : i32
      %dma_start3A_75 = tpu.memref_slice %arg9[%dma_start3A_73, %dma_start3A_74] : memref<112x128xf32, #tpu.memory_space<vmem>> -> memref<64x128xf32, #tpu.memory_space<vmem>>
      %dma_start3A_76 = arith.constant 0 : i32
      %dma_start3A_77 = tpu.memref_slice %arg12[%add3A_58, %dma_start3A_76] : memref<10240x128xf32, #tpu.memory_space<vmem_shared>> -> memref<64x128xf32, #tpu.memory_space<vmem_shared>>
      tpu.enqueue_dma source(%dma_start3A_77 : memref<64x128xf32, #tpu.memory_space<vmem_shared>>) target(%dma_start3A_75 : memref<64x128xf32, #tpu.memory_space<vmem>>) target_semaphore(%run_scoped3A : memref<!tpu.dma_semaphore, #tpu.memory_space<semaphore_mem>>)
      %dma_wait3A = arith.constant 0 : i32
      %dma_wait3A_78 = arith.constant 0 : i32
      %dma_wait3A_79 = tpu.memref_slice %arg9[%dma_wait3A, %dma_wait3A_78] : memref<112x128xf32, #tpu.memory_space<vmem>> -> memref<64x128xf32, #tpu.memory_space<vmem>>
      %dma_wait3A_80 = arith.constant 0 : i32
      %dma_wait3A_81 = tpu.memref_slice %arg12[%add3A_58, %dma_wait3A_80] : memref<10240x128xf32, #tpu.memory_space<vmem_shared>> -> memref<64x128xf32, #tpu.memory_space<vmem_shared>>
      %dma_wait3A_82 = arith.constant 0 : i32
      %dma_wait3A_83 = arith.constant 0 : i32
      %dma_wait3A_84 = tpu.memref_slice %arg9[%dma_wait3A_82, %dma_wait3A_83] : memref<112x128xf32, #tpu.memory_space<vmem>> -> memref<64x128xf32, #tpu.memory_space<vmem>>
      %dma_wait3A_85 = arith.constant 0 : i32
      %dma_wait3A_86 = tpu.memref_slice %arg12[%add3A_58, %dma_wait3A_85] : memref<10240x128xf32, #tpu.memory_space<vmem_shared>> -> memref<64x128xf32, #tpu.memory_space<vmem_shared>>
      tpu.wait_dma2 semaphore(%run_scoped3A : memref<!tpu.dma_semaphore, #tpu.memory_space<semaphore_mem>>) src(%dma_wait3A_86 : memref<64x128xf32, #tpu.memory_space<vmem_shared>>) dst(%dma_wait3A_84 : memref<64x128xf32, #tpu.memory_space<vmem>>)
      tpu.yield
    }) : () -> ()
    %add3A_59 = arith.constant 448 : i32
    %add3A_60 = arith.addi %mul3A_2, %add3A_59 : i32
    "tpu.region"() ({
      %run_scoped3A = tpu.sem_alloc : memref<!tpu.dma_semaphore, #tpu.memory_space<semaphore_mem>>
      %dma_start3A = arith.constant 0 : i32
      %dma_start3A_69 = arith.constant 0 : i32
      %dma_start3A_70 = tpu.memref_slice %arg9[%dma_start3A, %dma_start3A_69] : memref<112x128xf32, #tpu.memory_space<vmem>> -> memref<64x128xf32, #tpu.memory_space<vmem>>
      %dma_start3A_71 = arith.constant 0 : i32
      %dma_start3A_72 = tpu.memref_slice %arg6[%arg0, %add3A_60, %dma_start3A_71] : memref<2x10240x128xf32, #tpu.memory_space<hbm>> -> memref<1x64x128xf32, #tpu.memory_space<hbm>>
      %dma_start3A_73 = tpu.memref_squeeze %dma_start3A_72 : memref<1x64x128xf32, #tpu.memory_space<hbm>> -> memref<64x128xf32, #tpu.memory_space<hbm>>
      %dma_start3A_74 = arith.constant 0 : i32
      %dma_start3A_75 = tpu.memref_slice %arg6[%arg0, %add3A_60, %dma_start3A_74] : memref<2x10240x128xf32, #tpu.memory_space<hbm>> -> memref<1x64x128xf32, #tpu.memory_space<hbm>>
      %dma_start3A_76 = tpu.memref_squeeze %dma_start3A_75 : memref<1x64x128xf32, #tpu.memory_space<hbm>> -> memref<64x128xf32, #tpu.memory_space<hbm>>
      %dma_start3A_77 = arith.constant 0 : i32
      %dma_start3A_78 = arith.constant 0 : i32
      %dma_start3A_79 = tpu.memref_slice %arg9[%dma_start3A_77, %dma_start3A_78] : memref<112x128xf32, #tpu.memory_space<vmem>> -> memref<64x128xf32, #tpu.memory_space<vmem>>
      tpu.enqueue_dma source(%dma_start3A_79 : memref<64x128xf32, #tpu.memory_space<vmem>>) target(%dma_start3A_76 : memref<64x128xf32, #tpu.memory_space<hbm>>) target_semaphore(%run_scoped3A : memref<!tpu.dma_semaphore, #tpu.memory_space<semaphore_mem>>)
      %dma_wait3A = arith.constant 0 : i32
      %dma_wait3A_80 = arith.constant 0 : i32
      %dma_wait3A_81 = tpu.memref_slice %arg9[%dma_wait3A, %dma_wait3A_80] : memref<112x128xf32, #tpu.memory_space<vmem>> -> memref<64x128xf32, #tpu.memory_space<vmem>>
      %dma_wait3A_82 = arith.constant 0 : i32
      %dma_wait3A_83 = tpu.memref_slice %arg6[%arg0, %add3A_60, %dma_wait3A_82] : memref<2x10240x128xf32, #tpu.memory_space<hbm>> -> memref<1x64x128xf32, #tpu.memory_space<hbm>>
      %dma_wait3A_84 = tpu.memref_squeeze %dma_wait3A_83 : memref<1x64x128xf32, #tpu.memory_space<hbm>> -> memref<64x128xf32, #tpu.memory_space<hbm>>
      %dma_wait3A_85 = arith.constant 0 : i32
      %dma_wait3A_86 = tpu.memref_slice %arg6[%arg0, %add3A_60, %dma_wait3A_85] : memref<2x10240x128xf32, #tpu.memory_space<hbm>> -> memref<1x64x128xf32, #tpu.memory_space<hbm>>
      %dma_wait3A_87 = tpu.memref_squeeze %dma_wait3A_86 : memref<1x64x128xf32, #tpu.memory_space<hbm>> -> memref<64x128xf32, #tpu.memory_space<hbm>>
      %dma_wait3A_88 = arith.constant 0 : i32
      %dma_wait3A_89 = arith.constant 0 : i32
      %dma_wait3A_90 = tpu.memref_slice %arg9[%dma_wait3A_88, %dma_wait3A_89] : memref<112x128xf32, #tpu.memory_space<vmem>> -> memref<64x128xf32, #tpu.memory_space<vmem>>
      tpu.wait_dma2 semaphore(%run_scoped3A : memref<!tpu.dma_semaphore, #tpu.memory_space<semaphore_mem>>) src(%dma_wait3A_90 : memref<64x128xf32, #tpu.memory_space<vmem>>) dst(%dma_wait3A_87 : memref<64x128xf32, #tpu.memory_space<hbm>>)
      tpu.yield
    }) : () -> ()
    %add3A_61 = arith.constant 512 : i32
    %add3A_62 = arith.addi %mul3A_2, %add3A_61 : i32
    "tpu.region"() ({
      %run_scoped3A = tpu.sem_alloc : memref<!tpu.dma_semaphore, #tpu.memory_space<semaphore_mem>>
      %dma_start3A = arith.constant 0 : i32
      %dma_start3A_69 = arith.constant 0 : i32
      %dma_start3A_70 = tpu.memref_slice %arg9[%dma_start3A, %dma_start3A_69] : memref<112x128xf32, #tpu.memory_space<vmem>> -> memref<64x128xf32, #tpu.memory_space<vmem>>
      %dma_start3A_71 = arith.constant 0 : i32
      %dma_start3A_72 = tpu.memref_slice %arg12[%add3A_62, %dma_start3A_71] : memref<10240x128xf32, #tpu.memory_space<vmem_shared>> -> memref<64x128xf32, #tpu.memory_space<vmem_shared>>
      %dma_start3A_73 = arith.constant 0 : i32
      %dma_start3A_74 = arith.constant 0 : i32
      %dma_start3A_75 = tpu.memref_slice %arg9[%dma_start3A_73, %dma_start3A_74] : memref<112x128xf32, #tpu.memory_space<vmem>> -> memref<64x128xf32, #tpu.memory_space<vmem>>
      %dma_start3A_76 = arith.constant 0 : i32
      %dma_start3A_77 = tpu.memref_slice %arg12[%add3A_62, %dma_start3A_76] : memref<10240x128xf32, #tpu.memory_space<vmem_shared>> -> memref<64x128xf32, #tpu.memory_space<vmem_shared>>
      tpu.enqueue_dma source(%dma_start3A_77 : memref<64x128xf32, #tpu.memory_space<vmem_shared>>) target(%dma_start3A_75 : memref<64x128xf32, #tpu.memory_space<vmem>>) target_semaphore(%run_scoped3A : memref<!tpu.dma_semaphore, #tpu.memory_space<semaphore_mem>>)
      %dma_wait3A = arith.constant 0 : i32
      %dma_wait3A_78 = arith.constant 0 : i32
      %dma_wait3A_79 = tpu.memref_slice %arg9[%dma_wait3A, %dma_wait3A_78] : memref<112x128xf32, #tpu.memory_space<vmem>> -> memref<64x128xf32, #tpu.memory_space<vmem>>
      %dma_wait3A_80 = arith.constant 0 : i32
      %dma_wait3A_81 = tpu.memref_slice %arg12[%add3A_62, %dma_wait3A_80] : memref<10240x128xf32, #tpu.memory_space<vmem_shared>> -> memref<64x128xf32, #tpu.memory_space<vmem_shared>>
      %dma_wait3A_82 = arith.constant 0 : i32
      %dma_wait3A_83 = arith.constant 0 : i32
      %dma_wait3A_84 = tpu.memref_slice %arg9[%dma_wait3A_82, %dma_wait3A_83] : memref<112x128xf32, #tpu.memory_space<vmem>> -> memref<64x128xf32, #tpu.memory_space<vmem>>
      %dma_wait3A_85 = arith.constant 0 : i32
      %dma_wait3A_86 = tpu.memref_slice %arg12[%add3A_62, %dma_wait3A_85] : memref<10240x128xf32, #tpu.memory_space<vmem_shared>> -> memref<64x128xf32, #tpu.memory_space<vmem_shared>>
      tpu.wait_dma2 semaphore(%run_scoped3A : memref<!tpu.dma_semaphore, #tpu.memory_space<semaphore_mem>>) src(%dma_wait3A_86 : memref<64x128xf32, #tpu.memory_space<vmem_shared>>) dst(%dma_wait3A_84 : memref<64x128xf32, #tpu.memory_space<vmem>>)
      tpu.yield
    }) : () -> ()
    %add3A_63 = arith.constant 512 : i32
    %add3A_64 = arith.addi %mul3A_2, %add3A_63 : i32
    "tpu.region"() ({
      %run_scoped3A = tpu.sem_alloc : memref<!tpu.dma_semaphore, #tpu.memory_space<semaphore_mem>>
      %dma_start3A = arith.constant 0 : i32
      %dma_start3A_69 = arith.constant 0 : i32
      %dma_start3A_70 = tpu.memref_slice %arg9[%dma_start3A, %dma_start3A_69] : memref<112x128xf32, #tpu.memory_space<vmem>> -> memref<64x128xf32, #tpu.memory_space<vmem>>
      %dma_start3A_71 = arith.constant 0 : i32
      %dma_start3A_72 = tpu.memref_slice %arg6[%arg0, %add3A_64, %dma_start3A_71] : memref<2x10240x128xf32, #tpu.memory_space<hbm>> -> memref<1x64x128xf32, #tpu.memory_space<hbm>>
      %dma_start3A_73 = tpu.memref_squeeze %dma_start3A_72 : memref<1x64x128xf32, #tpu.memory_space<hbm>> -> memref<64x128xf32, #tpu.memory_space<hbm>>
      %dma_start3A_74 = arith.constant 0 : i32
      %dma_start3A_75 = tpu.memref_slice %arg6[%arg0, %add3A_64, %dma_start3A_74] : memref<2x10240x128xf32, #tpu.memory_space<hbm>> -> memref<1x64x128xf32, #tpu.memory_space<hbm>>
      %dma_start3A_76 = tpu.memref_squeeze %dma_start3A_75 : memref<1x64x128xf32, #tpu.memory_space<hbm>> -> memref<64x128xf32, #tpu.memory_space<hbm>>
      %dma_start3A_77 = arith.constant 0 : i32
      %dma_start3A_78 = arith.constant 0 : i32
      %dma_start3A_79 = tpu.memref_slice %arg9[%dma_start3A_77, %dma_start3A_78] : memref<112x128xf32, #tpu.memory_space<vmem>> -> memref<64x128xf32, #tpu.memory_space<vmem>>
      tpu.enqueue_dma source(%dma_start3A_79 : memref<64x128xf32, #tpu.memory_space<vmem>>) target(%dma_start3A_76 : memref<64x128xf32, #tpu.memory_space<hbm>>) target_semaphore(%run_scoped3A : memref<!tpu.dma_semaphore, #tpu.memory_space<semaphore_mem>>)
      %dma_wait3A = arith.constant 0 : i32
      %dma_wait3A_80 = arith.constant 0 : i32
      %dma_wait3A_81 = tpu.memref_slice %arg9[%dma_wait3A, %dma_wait3A_80] : memref<112x128xf32, #tpu.memory_space<vmem>> -> memref<64x128xf32, #tpu.memory_space<vmem>>
      %dma_wait3A_82 = arith.constant 0 : i32
      %dma_wait3A_83 = tpu.memref_slice %arg6[%arg0, %add3A_64, %dma_wait3A_82] : memref<2x10240x128xf32, #tpu.memory_space<hbm>> -> memref<1x64x128xf32, #tpu.memory_space<hbm>>
      %dma_wait3A_84 = tpu.memref_squeeze %dma_wait3A_83 : memref<1x64x128xf32, #tpu.memory_space<hbm>> -> memref<64x128xf32, #tpu.memory_space<hbm>>
      %dma_wait3A_85 = arith.constant 0 : i32
      %dma_wait3A_86 = tpu.memref_slice %arg6[%arg0, %add3A_64, %dma_wait3A_85] : memref<2x10240x128xf32, #tpu.memory_space<hbm>> -> memref<1x64x128xf32, #tpu.memory_space<hbm>>
      %dma_wait3A_87 = tpu.memref_squeeze %dma_wait3A_86 : memref<1x64x128xf32, #tpu.memory_space<hbm>> -> memref<64x128xf32, #tpu.memory_space<hbm>>
      %dma_wait3A_88 = arith.constant 0 : i32
      %dma_wait3A_89 = arith.constant 0 : i32
      %dma_wait3A_90 = tpu.memref_slice %arg9[%dma_wait3A_88, %dma_wait3A_89] : memref<112x128xf32, #tpu.memory_space<vmem>> -> memref<64x128xf32, #tpu.memory_space<vmem>>
      tpu.wait_dma2 semaphore(%run_scoped3A : memref<!tpu.dma_semaphore, #tpu.memory_space<semaphore_mem>>) src(%dma_wait3A_90 : memref<64x128xf32, #tpu.memory_space<vmem>>) dst(%dma_wait3A_87 : memref<64x128xf32, #tpu.memory_space<hbm>>)
      tpu.yield
    }) : () -> ()
    %add3A_65 = arith.constant 576 : i32
    %add3A_66 = arith.addi %mul3A_2, %add3A_65 : i32
    "tpu.region"() ({
      %run_scoped3A = tpu.sem_alloc : memref<!tpu.dma_semaphore, #tpu.memory_space<semaphore_mem>>
      %dma_start3A = arith.constant 0 : i32
      %dma_start3A_69 = arith.constant 0 : i32
      %dma_start3A_70 = tpu.memref_slice %arg9[%dma_start3A, %dma_start3A_69] : memref<112x128xf32, #tpu.memory_space<vmem>> -> memref<64x128xf32, #tpu.memory_space<vmem>>
      %dma_start3A_71 = arith.constant 0 : i32
      %dma_start3A_72 = tpu.memref_slice %arg12[%add3A_66, %dma_start3A_71] : memref<10240x128xf32, #tpu.memory_space<vmem_shared>> -> memref<64x128xf32, #tpu.memory_space<vmem_shared>>
      %dma_start3A_73 = arith.constant 0 : i32
      %dma_start3A_74 = arith.constant 0 : i32
      %dma_start3A_75 = tpu.memref_slice %arg9[%dma_start3A_73, %dma_start3A_74] : memref<112x128xf32, #tpu.memory_space<vmem>> -> memref<64x128xf32, #tpu.memory_space<vmem>>
      %dma_start3A_76 = arith.constant 0 : i32
      %dma_start3A_77 = tpu.memref_slice %arg12[%add3A_66, %dma_start3A_76] : memref<10240x128xf32, #tpu.memory_space<vmem_shared>> -> memref<64x128xf32, #tpu.memory_space<vmem_shared>>
      tpu.enqueue_dma source(%dma_start3A_77 : memref<64x128xf32, #tpu.memory_space<vmem_shared>>) target(%dma_start3A_75 : memref<64x128xf32, #tpu.memory_space<vmem>>) target_semaphore(%run_scoped3A : memref<!tpu.dma_semaphore, #tpu.memory_space<semaphore_mem>>)
      %dma_wait3A = arith.constant 0 : i32
      %dma_wait3A_78 = arith.constant 0 : i32
      %dma_wait3A_79 = tpu.memref_slice %arg9[%dma_wait3A, %dma_wait3A_78] : memref<112x128xf32, #tpu.memory_space<vmem>> -> memref<64x128xf32, #tpu.memory_space<vmem>>
      %dma_wait3A_80 = arith.constant 0 : i32
      %dma_wait3A_81 = tpu.memref_slice %arg12[%add3A_66, %dma_wait3A_80] : memref<10240x128xf32, #tpu.memory_space<vmem_shared>> -> memref<64x128xf32, #tpu.memory_space<vmem_shared>>
      %dma_wait3A_82 = arith.constant 0 : i32
      %dma_wait3A_83 = arith.constant 0 : i32
      %dma_wait3A_84 = tpu.memref_slice %arg9[%dma_wait3A_82, %dma_wait3A_83] : memref<112x128xf32, #tpu.memory_space<vmem>> -> memref<64x128xf32, #tpu.memory_space<vmem>>
      %dma_wait3A_85 = arith.constant 0 : i32
      %dma_wait3A_86 = tpu.memref_slice %arg12[%add3A_66, %dma_wait3A_85] : memref<10240x128xf32, #tpu.memory_space<vmem_shared>> -> memref<64x128xf32, #tpu.memory_space<vmem_shared>>
      tpu.wait_dma2 semaphore(%run_scoped3A : memref<!tpu.dma_semaphore, #tpu.memory_space<semaphore_mem>>) src(%dma_wait3A_86 : memref<64x128xf32, #tpu.memory_space<vmem_shared>>) dst(%dma_wait3A_84 : memref<64x128xf32, #tpu.memory_space<vmem>>)
      tpu.yield
    }) : () -> ()
    %add3A_67 = arith.constant 576 : i32
    %add3A_68 = arith.addi %mul3A_2, %add3A_67 : i32
    "tpu.region"() ({
      %run_scoped3A = tpu.sem_alloc : memref<!tpu.dma_semaphore, #tpu.memory_space<semaphore_mem>>
      %dma_start3A = arith.constant 0 : i32
      %dma_start3A_69 = arith.constant 0 : i32
      %dma_start3A_70 = tpu.memref_slice %arg9[%dma_start3A, %dma_start3A_69] : memref<112x128xf32, #tpu.memory_space<vmem>> -> memref<64x128xf32, #tpu.memory_space<vmem>>
      %dma_start3A_71 = arith.constant 0 : i32
      %dma_start3A_72 = tpu.memref_slice %arg6[%arg0, %add3A_68, %dma_start3A_71] : memref<2x10240x128xf32, #tpu.memory_space<hbm>> -> memref<1x64x128xf32, #tpu.memory_space<hbm>>
      %dma_start3A_73 = tpu.memref_squeeze %dma_start3A_72 : memref<1x64x128xf32, #tpu.memory_space<hbm>> -> memref<64x128xf32, #tpu.memory_space<hbm>>
      %dma_start3A_74 = arith.constant 0 : i32
      %dma_start3A_75 = tpu.memref_slice %arg6[%arg0, %add3A_68, %dma_start3A_74] : memref<2x10240x128xf32, #tpu.memory_space<hbm>> -> memref<1x64x128xf32, #tpu.memory_space<hbm>>
      %dma_start3A_76 = tpu.memref_squeeze %dma_start3A_75 : memref<1x64x128xf32, #tpu.memory_space<hbm>> -> memref<64x128xf32, #tpu.memory_space<hbm>>
      %dma_start3A_77 = arith.constant 0 : i32
      %dma_start3A_78 = arith.constant 0 : i32
      %dma_start3A_79 = tpu.memref_slice %arg9[%dma_start3A_77, %dma_start3A_78] : memref<112x128xf32, #tpu.memory_space<vmem>> -> memref<64x128xf32, #tpu.memory_space<vmem>>
      tpu.enqueue_dma source(%dma_start3A_79 : memref<64x128xf32, #tpu.memory_space<vmem>>) target(%dma_start3A_76 : memref<64x128xf32, #tpu.memory_space<hbm>>) target_semaphore(%run_scoped3A : memref<!tpu.dma_semaphore, #tpu.memory_space<semaphore_mem>>)
      %dma_wait3A = arith.constant 0 : i32
      %dma_wait3A_80 = arith.constant 0 : i32
      %dma_wait3A_81 = tpu.memref_slice %arg9[%dma_wait3A, %dma_wait3A_80] : memref<112x128xf32, #tpu.memory_space<vmem>> -> memref<64x128xf32, #tpu.memory_space<vmem>>
      %dma_wait3A_82 = arith.constant 0 : i32
      %dma_wait3A_83 = tpu.memref_slice %arg6[%arg0, %add3A_68, %dma_wait3A_82] : memref<2x10240x128xf32, #tpu.memory_space<hbm>> -> memref<1x64x128xf32, #tpu.memory_space<hbm>>
      %dma_wait3A_84 = tpu.memref_squeeze %dma_wait3A_83 : memref<1x64x128xf32, #tpu.memory_space<hbm>> -> memref<64x128xf32, #tpu.memory_space<hbm>>
      %dma_wait3A_85 = arith.constant 0 : i32
      %dma_wait3A_86 = tpu.memref_slice %arg6[%arg0, %add3A_68, %dma_wait3A_85] : memref<2x10240x128xf32, #tpu.memory_space<hbm>> -> memref<1x64x128xf32, #tpu.memory_space<hbm>>
      %dma_wait3A_87 = tpu.memref_squeeze %dma_wait3A_86 : memref<1x64x128xf32, #tpu.memory_space<hbm>> -> memref<64x128xf32, #tpu.memory_space<hbm>>
      %dma_wait3A_88 = arith.constant 0 : i32
      %dma_wait3A_89 = arith.constant 0 : i32
      %dma_wait3A_90 = tpu.memref_slice %arg9[%dma_wait3A_88, %dma_wait3A_89] : memref<112x128xf32, #tpu.memory_space<vmem>> -> memref<64x128xf32, #tpu.memory_space<vmem>>
      tpu.wait_dma2 semaphore(%run_scoped3A : memref<!tpu.dma_semaphore, #tpu.memory_space<semaphore_mem>>) src(%dma_wait3A_90 : memref<64x128xf32, #tpu.memory_space<vmem>>) dst(%dma_wait3A_87 : memref<64x128xf32, #tpu.memory_space<hbm>>)
      tpu.yield
    }) : () -> ()
    return
  }
}

#map = affine_map<(d0, d1) -> (0, 0)>
#map1 = affine_map<(d0, d1) -> (0, 0, 0)>
module attributes {stable_mosaic.version = 14 : i64} {
  func.func @k(%arg0: i32, %arg1: i32, %arg2: memref<10240x48xf32, #tpu.memory_space<hbm>>, %arg3: memref<32x80x128xi32, #tpu.memory_space<hbm>>, %arg4: memref<32x80x128xi32, #tpu.memory_space<hbm>>, %arg5: memref<64x48xf32, #tpu.memory_space<hbm>>, %arg6: memref<2x10240x48xf32, #tpu.memory_space<hbm>>, %arg7: memref<8x128xi32, #tpu.memory_space<vmem>>, %arg8: memref<8x128xi32, #tpu.memory_space<vmem>>, %arg9: memref<112x48xf32, #tpu.memory_space<vmem>>, %arg10: memref<112x48xf32, #tpu.memory_space<vmem>>, %arg11: memref<112x48xf32, #tpu.memory_space<vmem>>, %arg12: memref<10240x48xf32, #tpu.memory_space<vmem_shared>>, %arg13: memref<!tpu.dma_semaphore, #tpu.memory_space<semaphore_mem>>, %arg14: memref<!tpu.dma_semaphore, #tpu.memory_space<semaphore_mem>>, %arg15: memref<!tpu.dma_semaphore, #tpu.memory_space<semaphore_mem>>, %arg16: memref<!tpu.dma_semaphore, #tpu.memory_space<semaphore_mem>>, %arg17: memref<!tpu.dma_semaphore, #tpu.memory_space<semaphore_mem>>, %arg18: memref<!tpu.dma_semaphore, #tpu.memory_space<semaphore_mem>>) attributes {dimension_semantics = [#tpu.dimension_semantics<core_parallel>, #tpu.dimension_semantics<subcore_parallel>], iteration_bounds = array<i64: 2, 16>, scalar_prefetch = 0 : i64, scratch_operands = 12 : i64, tpu.core_type = #tpu.core_type<sc_vector_subcore>, window_params = [{transform_indices = #map}, {transform_indices = #map1}, {transform_indices = #map1}, {transform_indices = #map}, {transform_indices = #map1}]} {
    %mul3A = arith.constant 16 : i32
    %mul3A_0 = arith.muli %arg0, %mul3A : i32
    %add3A = arith.addi %mul3A_0, %arg1 : i32
    "tpu.region"() ({
      %run_scoped3A = tpu.sem_alloc : memref<!tpu.dma_semaphore, #tpu.memory_space<semaphore_mem>>
      %dma_start3A = arith.constant 0 : i32
      %dma_start3A_69 = arith.constant 0 : i32
      %dma_start3A_70 = tpu.memref_slice %arg9[%dma_start3A, %dma_start3A_69] : memref<112x48xf32, #tpu.memory_space<vmem>> -> memref<64x48xf32, #tpu.memory_space<vmem>>
      %dma_start3A_71 = arith.constant 0 : i32
      %dma_start3A_72 = arith.constant 0 : i32
      %dma_start3A_73 = tpu.memref_slice %arg9[%dma_start3A_71, %dma_start3A_72] : memref<112x48xf32, #tpu.memory_space<vmem>> -> memref<64x48xf32, #tpu.memory_space<vmem>>
      tpu.enqueue_dma source(%arg5 : memref<64x48xf32, #tpu.memory_space<hbm>>) target(%dma_start3A_73 : memref<64x48xf32, #tpu.memory_space<vmem>>) target_semaphore(%run_scoped3A : memref<!tpu.dma_semaphore, #tpu.memory_space<semaphore_mem>>)
      %dma_wait3A = arith.constant 0 : i32
      %dma_wait3A_74 = arith.constant 0 : i32
      %dma_wait3A_75 = tpu.memref_slice %arg9[%dma_wait3A, %dma_wait3A_74] : memref<112x48xf32, #tpu.memory_space<vmem>> -> memref<64x48xf32, #tpu.memory_space<vmem>>
      %dma_wait3A_76 = arith.constant 0 : i32
      %dma_wait3A_77 = arith.constant 0 : i32
      %dma_wait3A_78 = tpu.memref_slice %arg9[%dma_wait3A_76, %dma_wait3A_77] : memref<112x48xf32, #tpu.memory_space<vmem>> -> memref<64x48xf32, #tpu.memory_space<vmem>>
      tpu.wait_dma2 semaphore(%run_scoped3A : memref<!tpu.dma_semaphore, #tpu.memory_space<semaphore_mem>>) src(%arg5 : memref<64x48xf32, #tpu.memory_space<hbm>>) dst(%dma_wait3A_78 : memref<64x48xf32, #tpu.memory_space<vmem>>)
      tpu.yield
    }) : () -> ()
    %mul3A_1 = arith.constant 640 : i32
    %mul3A_2 = arith.muli %arg1, %mul3A_1 : i32
    %add3A_3 = arith.constant 0 : i32
    %add3A_4 = arith.addi %mul3A_2, %add3A_3 : i32
    "tpu.region"() ({
      %run_scoped3A = tpu.sem_alloc : memref<!tpu.dma_semaphore, #tpu.memory_space<semaphore_mem>>
      %dma_start3A = arith.constant 0 : i32
      %dma_start3A_69 = arith.constant 0 : i32
      %dma_start3A_70 = tpu.memref_slice %arg9[%dma_start3A, %dma_start3A_69] : memref<112x48xf32, #tpu.memory_space<vmem>> -> memref<64x48xf32, #tpu.memory_space<vmem>>
      %dma_start3A_71 = arith.constant 0 : i32
      %dma_start3A_72 = tpu.memref_slice %arg12[%add3A_4, %dma_start3A_71] : memref<10240x48xf32, #tpu.memory_space<vmem_shared>> -> memref<64x48xf32, #tpu.memory_space<vmem_shared>>
      %dma_start3A_73 = arith.constant 0 : i32
      %dma_start3A_74 = tpu.memref_slice %arg12[%add3A_4, %dma_start3A_73] : memref<10240x48xf32, #tpu.memory_space<vmem_shared>> -> memref<64x48xf32, #tpu.memory_space<vmem_shared>>
      %dma_start3A_75 = arith.constant 0 : i32
      %dma_start3A_76 = arith.constant 0 : i32
      %dma_start3A_77 = tpu.memref_slice %arg9[%dma_start3A_75, %dma_start3A_76] : memref<112x48xf32, #tpu.memory_space<vmem>> -> memref<64x48xf32, #tpu.memory_space<vmem>>
      tpu.enqueue_dma source(%dma_start3A_77 : memref<64x48xf32, #tpu.memory_space<vmem>>) target(%dma_start3A_74 : memref<64x48xf32, #tpu.memory_space<vmem_shared>>) target_semaphore(%run_scoped3A : memref<!tpu.dma_semaphore, #tpu.memory_space<semaphore_mem>>)
      %dma_wait3A = arith.constant 0 : i32
      %dma_wait3A_78 = arith.constant 0 : i32
      %dma_wait3A_79 = tpu.memref_slice %arg9[%dma_wait3A, %dma_wait3A_78] : memref<112x48xf32, #tpu.memory_space<vmem>> -> memref<64x48xf32, #tpu.memory_space<vmem>>
      %dma_wait3A_80 = arith.constant 0 : i32
      %dma_wait3A_81 = tpu.memref_slice %arg12[%add3A_4, %dma_wait3A_80] : memref<10240x48xf32, #tpu.memory_space<vmem_shared>> -> memref<64x48xf32, #tpu.memory_space<vmem_shared>>
      %dma_wait3A_82 = arith.constant 0 : i32
      %dma_wait3A_83 = tpu.memref_slice %arg12[%add3A_4, %dma_wait3A_82] : memref<10240x48xf32, #tpu.memory_space<vmem_shared>> -> memref<64x48xf32, #tpu.memory_space<vmem_shared>>
      %dma_wait3A_84 = arith.constant 0 : i32
      %dma_wait3A_85 = arith.constant 0 : i32
      %dma_wait3A_86 = tpu.memref_slice %arg9[%dma_wait3A_84, %dma_wait3A_85] : memref<112x48xf32, #tpu.memory_space<vmem>> -> memref<64x48xf32, #tpu.memory_space<vmem>>
      tpu.wait_dma2 semaphore(%run_scoped3A : memref<!tpu.dma_semaphore, #tpu.memory_space<semaphore_mem>>) src(%dma_wait3A_86 : memref<64x48xf32, #tpu.memory_space<vmem>>) dst(%dma_wait3A_83 : memref<64x48xf32, #tpu.memory_space<vmem_shared>>)
      tpu.yield
    }) : () -> ()
    %add3A_5 = arith.constant 64 : i32
    %add3A_6 = arith.addi %mul3A_2, %add3A_5 : i32
    "tpu.region"() ({
      %run_scoped3A = tpu.sem_alloc : memref<!tpu.dma_semaphore, #tpu.memory_space<semaphore_mem>>
      %dma_start3A = arith.constant 0 : i32
      %dma_start3A_69 = arith.constant 0 : i32
      %dma_start3A_70 = tpu.memref_slice %arg9[%dma_start3A, %dma_start3A_69] : memref<112x48xf32, #tpu.memory_space<vmem>> -> memref<64x48xf32, #tpu.memory_space<vmem>>
      %dma_start3A_71 = arith.constant 0 : i32
      %dma_start3A_72 = tpu.memref_slice %arg12[%add3A_6, %dma_start3A_71] : memref<10240x48xf32, #tpu.memory_space<vmem_shared>> -> memref<64x48xf32, #tpu.memory_space<vmem_shared>>
      %dma_start3A_73 = arith.constant 0 : i32
      %dma_start3A_74 = tpu.memref_slice %arg12[%add3A_6, %dma_start3A_73] : memref<10240x48xf32, #tpu.memory_space<vmem_shared>> -> memref<64x48xf32, #tpu.memory_space<vmem_shared>>
      %dma_start3A_75 = arith.constant 0 : i32
      %dma_start3A_76 = arith.constant 0 : i32
      %dma_start3A_77 = tpu.memref_slice %arg9[%dma_start3A_75, %dma_start3A_76] : memref<112x48xf32, #tpu.memory_space<vmem>> -> memref<64x48xf32, #tpu.memory_space<vmem>>
      tpu.enqueue_dma source(%dma_start3A_77 : memref<64x48xf32, #tpu.memory_space<vmem>>) target(%dma_start3A_74 : memref<64x48xf32, #tpu.memory_space<vmem_shared>>) target_semaphore(%run_scoped3A : memref<!tpu.dma_semaphore, #tpu.memory_space<semaphore_mem>>)
      %dma_wait3A = arith.constant 0 : i32
      %dma_wait3A_78 = arith.constant 0 : i32
      %dma_wait3A_79 = tpu.memref_slice %arg9[%dma_wait3A, %dma_wait3A_78] : memref<112x48xf32, #tpu.memory_space<vmem>> -> memref<64x48xf32, #tpu.memory_space<vmem>>
      %dma_wait3A_80 = arith.constant 0 : i32
      %dma_wait3A_81 = tpu.memref_slice %arg12[%add3A_6, %dma_wait3A_80] : memref<10240x48xf32, #tpu.memory_space<vmem_shared>> -> memref<64x48xf32, #tpu.memory_space<vmem_shared>>
      %dma_wait3A_82 = arith.constant 0 : i32
      %dma_wait3A_83 = tpu.memref_slice %arg12[%add3A_6, %dma_wait3A_82] : memref<10240x48xf32, #tpu.memory_space<vmem_shared>> -> memref<64x48xf32, #tpu.memory_space<vmem_shared>>
      %dma_wait3A_84 = arith.constant 0 : i32
      %dma_wait3A_85 = arith.constant 0 : i32
      %dma_wait3A_86 = tpu.memref_slice %arg9[%dma_wait3A_84, %dma_wait3A_85] : memref<112x48xf32, #tpu.memory_space<vmem>> -> memref<64x48xf32, #tpu.memory_space<vmem>>
      tpu.wait_dma2 semaphore(%run_scoped3A : memref<!tpu.dma_semaphore, #tpu.memory_space<semaphore_mem>>) src(%dma_wait3A_86 : memref<64x48xf32, #tpu.memory_space<vmem>>) dst(%dma_wait3A_83 : memref<64x48xf32, #tpu.memory_space<vmem_shared>>)
      tpu.yield
    }) : () -> ()
    %add3A_7 = arith.constant 128 : i32
    %add3A_8 = arith.addi %mul3A_2, %add3A_7 : i32
    "tpu.region"() ({
      %run_scoped3A = tpu.sem_alloc : memref<!tpu.dma_semaphore, #tpu.memory_space<semaphore_mem>>
      %dma_start3A = arith.constant 0 : i32
      %dma_start3A_69 = arith.constant 0 : i32
      %dma_start3A_70 = tpu.memref_slice %arg9[%dma_start3A, %dma_start3A_69] : memref<112x48xf32, #tpu.memory_space<vmem>> -> memref<64x48xf32, #tpu.memory_space<vmem>>
      %dma_start3A_71 = arith.constant 0 : i32
      %dma_start3A_72 = tpu.memref_slice %arg12[%add3A_8, %dma_start3A_71] : memref<10240x48xf32, #tpu.memory_space<vmem_shared>> -> memref<64x48xf32, #tpu.memory_space<vmem_shared>>
      %dma_start3A_73 = arith.constant 0 : i32
      %dma_start3A_74 = tpu.memref_slice %arg12[%add3A_8, %dma_start3A_73] : memref<10240x48xf32, #tpu.memory_space<vmem_shared>> -> memref<64x48xf32, #tpu.memory_space<vmem_shared>>
      %dma_start3A_75 = arith.constant 0 : i32
      %dma_start3A_76 = arith.constant 0 : i32
      %dma_start3A_77 = tpu.memref_slice %arg9[%dma_start3A_75, %dma_start3A_76] : memref<112x48xf32, #tpu.memory_space<vmem>> -> memref<64x48xf32, #tpu.memory_space<vmem>>
      tpu.enqueue_dma source(%dma_start3A_77 : memref<64x48xf32, #tpu.memory_space<vmem>>) target(%dma_start3A_74 : memref<64x48xf32, #tpu.memory_space<vmem_shared>>) target_semaphore(%run_scoped3A : memref<!tpu.dma_semaphore, #tpu.memory_space<semaphore_mem>>)
      %dma_wait3A = arith.constant 0 : i32
      %dma_wait3A_78 = arith.constant 0 : i32
      %dma_wait3A_79 = tpu.memref_slice %arg9[%dma_wait3A, %dma_wait3A_78] : memref<112x48xf32, #tpu.memory_space<vmem>> -> memref<64x48xf32, #tpu.memory_space<vmem>>
      %dma_wait3A_80 = arith.constant 0 : i32
      %dma_wait3A_81 = tpu.memref_slice %arg12[%add3A_8, %dma_wait3A_80] : memref<10240x48xf32, #tpu.memory_space<vmem_shared>> -> memref<64x48xf32, #tpu.memory_space<vmem_shared>>
      %dma_wait3A_82 = arith.constant 0 : i32
      %dma_wait3A_83 = tpu.memref_slice %arg12[%add3A_8, %dma_wait3A_82] : memref<10240x48xf32, #tpu.memory_space<vmem_shared>> -> memref<64x48xf32, #tpu.memory_space<vmem_shared>>
      %dma_wait3A_84 = arith.constant 0 : i32
      %dma_wait3A_85 = arith.constant 0 : i32
      %dma_wait3A_86 = tpu.memref_slice %arg9[%dma_wait3A_84, %dma_wait3A_85] : memref<112x48xf32, #tpu.memory_space<vmem>> -> memref<64x48xf32, #tpu.memory_space<vmem>>
      tpu.wait_dma2 semaphore(%run_scoped3A : memref<!tpu.dma_semaphore, #tpu.memory_space<semaphore_mem>>) src(%dma_wait3A_86 : memref<64x48xf32, #tpu.memory_space<vmem>>) dst(%dma_wait3A_83 : memref<64x48xf32, #tpu.memory_space<vmem_shared>>)
      tpu.yield
    }) : () -> ()
    %add3A_9 = arith.constant 192 : i32
    %add3A_10 = arith.addi %mul3A_2, %add3A_9 : i32
    "tpu.region"() ({
      %run_scoped3A = tpu.sem_alloc : memref<!tpu.dma_semaphore, #tpu.memory_space<semaphore_mem>>
      %dma_start3A = arith.constant 0 : i32
      %dma_start3A_69 = arith.constant 0 : i32
      %dma_start3A_70 = tpu.memref_slice %arg9[%dma_start3A, %dma_start3A_69] : memref<112x48xf32, #tpu.memory_space<vmem>> -> memref<64x48xf32, #tpu.memory_space<vmem>>
      %dma_start3A_71 = arith.constant 0 : i32
      %dma_start3A_72 = tpu.memref_slice %arg12[%add3A_10, %dma_start3A_71] : memref<10240x48xf32, #tpu.memory_space<vmem_shared>> -> memref<64x48xf32, #tpu.memory_space<vmem_shared>>
      %dma_start3A_73 = arith.constant 0 : i32
      %dma_start3A_74 = tpu.memref_slice %arg12[%add3A_10, %dma_start3A_73] : memref<10240x48xf32, #tpu.memory_space<vmem_shared>> -> memref<64x48xf32, #tpu.memory_space<vmem_shared>>
      %dma_start3A_75 = arith.constant 0 : i32
      %dma_start3A_76 = arith.constant 0 : i32
      %dma_start3A_77 = tpu.memref_slice %arg9[%dma_start3A_75, %dma_start3A_76] : memref<112x48xf32, #tpu.memory_space<vmem>> -> memref<64x48xf32, #tpu.memory_space<vmem>>
      tpu.enqueue_dma source(%dma_start3A_77 : memref<64x48xf32, #tpu.memory_space<vmem>>) target(%dma_start3A_74 : memref<64x48xf32, #tpu.memory_space<vmem_shared>>) target_semaphore(%run_scoped3A : memref<!tpu.dma_semaphore, #tpu.memory_space<semaphore_mem>>)
      %dma_wait3A = arith.constant 0 : i32
      %dma_wait3A_78 = arith.constant 0 : i32
      %dma_wait3A_79 = tpu.memref_slice %arg9[%dma_wait3A, %dma_wait3A_78] : memref<112x48xf32, #tpu.memory_space<vmem>> -> memref<64x48xf32, #tpu.memory_space<vmem>>
      %dma_wait3A_80 = arith.constant 0 : i32
      %dma_wait3A_81 = tpu.memref_slice %arg12[%add3A_10, %dma_wait3A_80] : memref<10240x48xf32, #tpu.memory_space<vmem_shared>> -> memref<64x48xf32, #tpu.memory_space<vmem_shared>>
      %dma_wait3A_82 = arith.constant 0 : i32
      %dma_wait3A_83 = tpu.memref_slice %arg12[%add3A_10, %dma_wait3A_82] : memref<10240x48xf32, #tpu.memory_space<vmem_shared>> -> memref<64x48xf32, #tpu.memory_space<vmem_shared>>
      %dma_wait3A_84 = arith.constant 0 : i32
      %dma_wait3A_85 = arith.constant 0 : i32
      %dma_wait3A_86 = tpu.memref_slice %arg9[%dma_wait3A_84, %dma_wait3A_85] : memref<112x48xf32, #tpu.memory_space<vmem>> -> memref<64x48xf32, #tpu.memory_space<vmem>>
      tpu.wait_dma2 semaphore(%run_scoped3A : memref<!tpu.dma_semaphore, #tpu.memory_space<semaphore_mem>>) src(%dma_wait3A_86 : memref<64x48xf32, #tpu.memory_space<vmem>>) dst(%dma_wait3A_83 : memref<64x48xf32, #tpu.memory_space<vmem_shared>>)
      tpu.yield
    }) : () -> ()
    %add3A_11 = arith.constant 256 : i32
    %add3A_12 = arith.addi %mul3A_2, %add3A_11 : i32
    "tpu.region"() ({
      %run_scoped3A = tpu.sem_alloc : memref<!tpu.dma_semaphore, #tpu.memory_space<semaphore_mem>>
      %dma_start3A = arith.constant 0 : i32
      %dma_start3A_69 = arith.constant 0 : i32
      %dma_start3A_70 = tpu.memref_slice %arg9[%dma_start3A, %dma_start3A_69] : memref<112x48xf32, #tpu.memory_space<vmem>> -> memref<64x48xf32, #tpu.memory_space<vmem>>
      %dma_start3A_71 = arith.constant 0 : i32
      %dma_start3A_72 = tpu.memref_slice %arg12[%add3A_12, %dma_start3A_71] : memref<10240x48xf32, #tpu.memory_space<vmem_shared>> -> memref<64x48xf32, #tpu.memory_space<vmem_shared>>
      %dma_start3A_73 = arith.constant 0 : i32
      %dma_start3A_74 = tpu.memref_slice %arg12[%add3A_12, %dma_start3A_73] : memref<10240x48xf32, #tpu.memory_space<vmem_shared>> -> memref<64x48xf32, #tpu.memory_space<vmem_shared>>
      %dma_start3A_75 = arith.constant 0 : i32
      %dma_start3A_76 = arith.constant 0 : i32
      %dma_start3A_77 = tpu.memref_slice %arg9[%dma_start3A_75, %dma_start3A_76] : memref<112x48xf32, #tpu.memory_space<vmem>> -> memref<64x48xf32, #tpu.memory_space<vmem>>
      tpu.enqueue_dma source(%dma_start3A_77 : memref<64x48xf32, #tpu.memory_space<vmem>>) target(%dma_start3A_74 : memref<64x48xf32, #tpu.memory_space<vmem_shared>>) target_semaphore(%run_scoped3A : memref<!tpu.dma_semaphore, #tpu.memory_space<semaphore_mem>>)
      %dma_wait3A = arith.constant 0 : i32
      %dma_wait3A_78 = arith.constant 0 : i32
      %dma_wait3A_79 = tpu.memref_slice %arg9[%dma_wait3A, %dma_wait3A_78] : memref<112x48xf32, #tpu.memory_space<vmem>> -> memref<64x48xf32, #tpu.memory_space<vmem>>
      %dma_wait3A_80 = arith.constant 0 : i32
      %dma_wait3A_81 = tpu.memref_slice %arg12[%add3A_12, %dma_wait3A_80] : memref<10240x48xf32, #tpu.memory_space<vmem_shared>> -> memref<64x48xf32, #tpu.memory_space<vmem_shared>>
      %dma_wait3A_82 = arith.constant 0 : i32
      %dma_wait3A_83 = tpu.memref_slice %arg12[%add3A_12, %dma_wait3A_82] : memref<10240x48xf32, #tpu.memory_space<vmem_shared>> -> memref<64x48xf32, #tpu.memory_space<vmem_shared>>
      %dma_wait3A_84 = arith.constant 0 : i32
      %dma_wait3A_85 = arith.constant 0 : i32
      %dma_wait3A_86 = tpu.memref_slice %arg9[%dma_wait3A_84, %dma_wait3A_85] : memref<112x48xf32, #tpu.memory_space<vmem>> -> memref<64x48xf32, #tpu.memory_space<vmem>>
      tpu.wait_dma2 semaphore(%run_scoped3A : memref<!tpu.dma_semaphore, #tpu.memory_space<semaphore_mem>>) src(%dma_wait3A_86 : memref<64x48xf32, #tpu.memory_space<vmem>>) dst(%dma_wait3A_83 : memref<64x48xf32, #tpu.memory_space<vmem_shared>>)
      tpu.yield
    }) : () -> ()
    %add3A_13 = arith.constant 320 : i32
    %add3A_14 = arith.addi %mul3A_2, %add3A_13 : i32
    "tpu.region"() ({
      %run_scoped3A = tpu.sem_alloc : memref<!tpu.dma_semaphore, #tpu.memory_space<semaphore_mem>>
      %dma_start3A = arith.constant 0 : i32
      %dma_start3A_69 = arith.constant 0 : i32
      %dma_start3A_70 = tpu.memref_slice %arg9[%dma_start3A, %dma_start3A_69] : memref<112x48xf32, #tpu.memory_space<vmem>> -> memref<64x48xf32, #tpu.memory_space<vmem>>
      %dma_start3A_71 = arith.constant 0 : i32
      %dma_start3A_72 = tpu.memref_slice %arg12[%add3A_14, %dma_start3A_71] : memref<10240x48xf32, #tpu.memory_space<vmem_shared>> -> memref<64x48xf32, #tpu.memory_space<vmem_shared>>
      %dma_start3A_73 = arith.constant 0 : i32
      %dma_start3A_74 = tpu.memref_slice %arg12[%add3A_14, %dma_start3A_73] : memref<10240x48xf32, #tpu.memory_space<vmem_shared>> -> memref<64x48xf32, #tpu.memory_space<vmem_shared>>
      %dma_start3A_75 = arith.constant 0 : i32
      %dma_start3A_76 = arith.constant 0 : i32
      %dma_start3A_77 = tpu.memref_slice %arg9[%dma_start3A_75, %dma_start3A_76] : memref<112x48xf32, #tpu.memory_space<vmem>> -> memref<64x48xf32, #tpu.memory_space<vmem>>
      tpu.enqueue_dma source(%dma_start3A_77 : memref<64x48xf32, #tpu.memory_space<vmem>>) target(%dma_start3A_74 : memref<64x48xf32, #tpu.memory_space<vmem_shared>>) target_semaphore(%run_scoped3A : memref<!tpu.dma_semaphore, #tpu.memory_space<semaphore_mem>>)
      %dma_wait3A = arith.constant 0 : i32
      %dma_wait3A_78 = arith.constant 0 : i32
      %dma_wait3A_79 = tpu.memref_slice %arg9[%dma_wait3A, %dma_wait3A_78] : memref<112x48xf32, #tpu.memory_space<vmem>> -> memref<64x48xf32, #tpu.memory_space<vmem>>
      %dma_wait3A_80 = arith.constant 0 : i32
      %dma_wait3A_81 = tpu.memref_slice %arg12[%add3A_14, %dma_wait3A_80] : memref<10240x48xf32, #tpu.memory_space<vmem_shared>> -> memref<64x48xf32, #tpu.memory_space<vmem_shared>>
      %dma_wait3A_82 = arith.constant 0 : i32
      %dma_wait3A_83 = tpu.memref_slice %arg12[%add3A_14, %dma_wait3A_82] : memref<10240x48xf32, #tpu.memory_space<vmem_shared>> -> memref<64x48xf32, #tpu.memory_space<vmem_shared>>
      %dma_wait3A_84 = arith.constant 0 : i32
      %dma_wait3A_85 = arith.constant 0 : i32
      %dma_wait3A_86 = tpu.memref_slice %arg9[%dma_wait3A_84, %dma_wait3A_85] : memref<112x48xf32, #tpu.memory_space<vmem>> -> memref<64x48xf32, #tpu.memory_space<vmem>>
      tpu.wait_dma2 semaphore(%run_scoped3A : memref<!tpu.dma_semaphore, #tpu.memory_space<semaphore_mem>>) src(%dma_wait3A_86 : memref<64x48xf32, #tpu.memory_space<vmem>>) dst(%dma_wait3A_83 : memref<64x48xf32, #tpu.memory_space<vmem_shared>>)
      tpu.yield
    }) : () -> ()
    %add3A_15 = arith.constant 384 : i32
    %add3A_16 = arith.addi %mul3A_2, %add3A_15 : i32
    "tpu.region"() ({
      %run_scoped3A = tpu.sem_alloc : memref<!tpu.dma_semaphore, #tpu.memory_space<semaphore_mem>>
      %dma_start3A = arith.constant 0 : i32
      %dma_start3A_69 = arith.constant 0 : i32
      %dma_start3A_70 = tpu.memref_slice %arg9[%dma_start3A, %dma_start3A_69] : memref<112x48xf32, #tpu.memory_space<vmem>> -> memref<64x48xf32, #tpu.memory_space<vmem>>
      %dma_start3A_71 = arith.constant 0 : i32
      %dma_start3A_72 = tpu.memref_slice %arg12[%add3A_16, %dma_start3A_71] : memref<10240x48xf32, #tpu.memory_space<vmem_shared>> -> memref<64x48xf32, #tpu.memory_space<vmem_shared>>
      %dma_start3A_73 = arith.constant 0 : i32
      %dma_start3A_74 = tpu.memref_slice %arg12[%add3A_16, %dma_start3A_73] : memref<10240x48xf32, #tpu.memory_space<vmem_shared>> -> memref<64x48xf32, #tpu.memory_space<vmem_shared>>
      %dma_start3A_75 = arith.constant 0 : i32
      %dma_start3A_76 = arith.constant 0 : i32
      %dma_start3A_77 = tpu.memref_slice %arg9[%dma_start3A_75, %dma_start3A_76] : memref<112x48xf32, #tpu.memory_space<vmem>> -> memref<64x48xf32, #tpu.memory_space<vmem>>
      tpu.enqueue_dma source(%dma_start3A_77 : memref<64x48xf32, #tpu.memory_space<vmem>>) target(%dma_start3A_74 : memref<64x48xf32, #tpu.memory_space<vmem_shared>>) target_semaphore(%run_scoped3A : memref<!tpu.dma_semaphore, #tpu.memory_space<semaphore_mem>>)
      %dma_wait3A = arith.constant 0 : i32
      %dma_wait3A_78 = arith.constant 0 : i32
      %dma_wait3A_79 = tpu.memref_slice %arg9[%dma_wait3A, %dma_wait3A_78] : memref<112x48xf32, #tpu.memory_space<vmem>> -> memref<64x48xf32, #tpu.memory_space<vmem>>
      %dma_wait3A_80 = arith.constant 0 : i32
      %dma_wait3A_81 = tpu.memref_slice %arg12[%add3A_16, %dma_wait3A_80] : memref<10240x48xf32, #tpu.memory_space<vmem_shared>> -> memref<64x48xf32, #tpu.memory_space<vmem_shared>>
      %dma_wait3A_82 = arith.constant 0 : i32
      %dma_wait3A_83 = tpu.memref_slice %arg12[%add3A_16, %dma_wait3A_82] : memref<10240x48xf32, #tpu.memory_space<vmem_shared>> -> memref<64x48xf32, #tpu.memory_space<vmem_shared>>
      %dma_wait3A_84 = arith.constant 0 : i32
      %dma_wait3A_85 = arith.constant 0 : i32
      %dma_wait3A_86 = tpu.memref_slice %arg9[%dma_wait3A_84, %dma_wait3A_85] : memref<112x48xf32, #tpu.memory_space<vmem>> -> memref<64x48xf32, #tpu.memory_space<vmem>>
      tpu.wait_dma2 semaphore(%run_scoped3A : memref<!tpu.dma_semaphore, #tpu.memory_space<semaphore_mem>>) src(%dma_wait3A_86 : memref<64x48xf32, #tpu.memory_space<vmem>>) dst(%dma_wait3A_83 : memref<64x48xf32, #tpu.memory_space<vmem_shared>>)
      tpu.yield
    }) : () -> ()
    %add3A_17 = arith.constant 448 : i32
    %add3A_18 = arith.addi %mul3A_2, %add3A_17 : i32
    "tpu.region"() ({
      %run_scoped3A = tpu.sem_alloc : memref<!tpu.dma_semaphore, #tpu.memory_space<semaphore_mem>>
      %dma_start3A = arith.constant 0 : i32
      %dma_start3A_69 = arith.constant 0 : i32
      %dma_start3A_70 = tpu.memref_slice %arg9[%dma_start3A, %dma_start3A_69] : memref<112x48xf32, #tpu.memory_space<vmem>> -> memref<64x48xf32, #tpu.memory_space<vmem>>
      %dma_start3A_71 = arith.constant 0 : i32
      %dma_start3A_72 = tpu.memref_slice %arg12[%add3A_18, %dma_start3A_71] : memref<10240x48xf32, #tpu.memory_space<vmem_shared>> -> memref<64x48xf32, #tpu.memory_space<vmem_shared>>
      %dma_start3A_73 = arith.constant 0 : i32
      %dma_start3A_74 = tpu.memref_slice %arg12[%add3A_18, %dma_start3A_73] : memref<10240x48xf32, #tpu.memory_space<vmem_shared>> -> memref<64x48xf32, #tpu.memory_space<vmem_shared>>
      %dma_start3A_75 = arith.constant 0 : i32
      %dma_start3A_76 = arith.constant 0 : i32
      %dma_start3A_77 = tpu.memref_slice %arg9[%dma_start3A_75, %dma_start3A_76] : memref<112x48xf32, #tpu.memory_space<vmem>> -> memref<64x48xf32, #tpu.memory_space<vmem>>
      tpu.enqueue_dma source(%dma_start3A_77 : memref<64x48xf32, #tpu.memory_space<vmem>>) target(%dma_start3A_74 : memref<64x48xf32, #tpu.memory_space<vmem_shared>>) target_semaphore(%run_scoped3A : memref<!tpu.dma_semaphore, #tpu.memory_space<semaphore_mem>>)
      %dma_wait3A = arith.constant 0 : i32
      %dma_wait3A_78 = arith.constant 0 : i32
      %dma_wait3A_79 = tpu.memref_slice %arg9[%dma_wait3A, %dma_wait3A_78] : memref<112x48xf32, #tpu.memory_space<vmem>> -> memref<64x48xf32, #tpu.memory_space<vmem>>
      %dma_wait3A_80 = arith.constant 0 : i32
      %dma_wait3A_81 = tpu.memref_slice %arg12[%add3A_18, %dma_wait3A_80] : memref<10240x48xf32, #tpu.memory_space<vmem_shared>> -> memref<64x48xf32, #tpu.memory_space<vmem_shared>>
      %dma_wait3A_82 = arith.constant 0 : i32
      %dma_wait3A_83 = tpu.memref_slice %arg12[%add3A_18, %dma_wait3A_82] : memref<10240x48xf32, #tpu.memory_space<vmem_shared>> -> memref<64x48xf32, #tpu.memory_space<vmem_shared>>
      %dma_wait3A_84 = arith.constant 0 : i32
      %dma_wait3A_85 = arith.constant 0 : i32
      %dma_wait3A_86 = tpu.memref_slice %arg9[%dma_wait3A_84, %dma_wait3A_85] : memref<112x48xf32, #tpu.memory_space<vmem>> -> memref<64x48xf32, #tpu.memory_space<vmem>>
      tpu.wait_dma2 semaphore(%run_scoped3A : memref<!tpu.dma_semaphore, #tpu.memory_space<semaphore_mem>>) src(%dma_wait3A_86 : memref<64x48xf32, #tpu.memory_space<vmem>>) dst(%dma_wait3A_83 : memref<64x48xf32, #tpu.memory_space<vmem_shared>>)
      tpu.yield
    }) : () -> ()
    %add3A_19 = arith.constant 512 : i32
    %add3A_20 = arith.addi %mul3A_2, %add3A_19 : i32
    "tpu.region"() ({
      %run_scoped3A = tpu.sem_alloc : memref<!tpu.dma_semaphore, #tpu.memory_space<semaphore_mem>>
      %dma_start3A = arith.constant 0 : i32
      %dma_start3A_69 = arith.constant 0 : i32
      %dma_start3A_70 = tpu.memref_slice %arg9[%dma_start3A, %dma_start3A_69] : memref<112x48xf32, #tpu.memory_space<vmem>> -> memref<64x48xf32, #tpu.memory_space<vmem>>
      %dma_start3A_71 = arith.constant 0 : i32
      %dma_start3A_72 = tpu.memref_slice %arg12[%add3A_20, %dma_start3A_71] : memref<10240x48xf32, #tpu.memory_space<vmem_shared>> -> memref<64x48xf32, #tpu.memory_space<vmem_shared>>
      %dma_start3A_73 = arith.constant 0 : i32
      %dma_start3A_74 = tpu.memref_slice %arg12[%add3A_20, %dma_start3A_73] : memref<10240x48xf32, #tpu.memory_space<vmem_shared>> -> memref<64x48xf32, #tpu.memory_space<vmem_shared>>
      %dma_start3A_75 = arith.constant 0 : i32
      %dma_start3A_76 = arith.constant 0 : i32
      %dma_start3A_77 = tpu.memref_slice %arg9[%dma_start3A_75, %dma_start3A_76] : memref<112x48xf32, #tpu.memory_space<vmem>> -> memref<64x48xf32, #tpu.memory_space<vmem>>
      tpu.enqueue_dma source(%dma_start3A_77 : memref<64x48xf32, #tpu.memory_space<vmem>>) target(%dma_start3A_74 : memref<64x48xf32, #tpu.memory_space<vmem_shared>>) target_semaphore(%run_scoped3A : memref<!tpu.dma_semaphore, #tpu.memory_space<semaphore_mem>>)
      %dma_wait3A = arith.constant 0 : i32
      %dma_wait3A_78 = arith.constant 0 : i32
      %dma_wait3A_79 = tpu.memref_slice %arg9[%dma_wait3A, %dma_wait3A_78] : memref<112x48xf32, #tpu.memory_space<vmem>> -> memref<64x48xf32, #tpu.memory_space<vmem>>
      %dma_wait3A_80 = arith.constant 0 : i32
      %dma_wait3A_81 = tpu.memref_slice %arg12[%add3A_20, %dma_wait3A_80] : memref<10240x48xf32, #tpu.memory_space<vmem_shared>> -> memref<64x48xf32, #tpu.memory_space<vmem_shared>>
      %dma_wait3A_82 = arith.constant 0 : i32
      %dma_wait3A_83 = tpu.memref_slice %arg12[%add3A_20, %dma_wait3A_82] : memref<10240x48xf32, #tpu.memory_space<vmem_shared>> -> memref<64x48xf32, #tpu.memory_space<vmem_shared>>
      %dma_wait3A_84 = arith.constant 0 : i32
      %dma_wait3A_85 = arith.constant 0 : i32
      %dma_wait3A_86 = tpu.memref_slice %arg9[%dma_wait3A_84, %dma_wait3A_85] : memref<112x48xf32, #tpu.memory_space<vmem>> -> memref<64x48xf32, #tpu.memory_space<vmem>>
      tpu.wait_dma2 semaphore(%run_scoped3A : memref<!tpu.dma_semaphore, #tpu.memory_space<semaphore_mem>>) src(%dma_wait3A_86 : memref<64x48xf32, #tpu.memory_space<vmem>>) dst(%dma_wait3A_83 : memref<64x48xf32, #tpu.memory_space<vmem_shared>>)
      tpu.yield
    }) : () -> ()
    %add3A_21 = arith.constant 576 : i32
    %add3A_22 = arith.addi %mul3A_2, %add3A_21 : i32
    "tpu.region"() ({
      %run_scoped3A = tpu.sem_alloc : memref<!tpu.dma_semaphore, #tpu.memory_space<semaphore_mem>>
      %dma_start3A = arith.constant 0 : i32
      %dma_start3A_69 = arith.constant 0 : i32
      %dma_start3A_70 = tpu.memref_slice %arg9[%dma_start3A, %dma_start3A_69] : memref<112x48xf32, #tpu.memory_space<vmem>> -> memref<64x48xf32, #tpu.memory_space<vmem>>
      %dma_start3A_71 = arith.constant 0 : i32
      %dma_start3A_72 = tpu.memref_slice %arg12[%add3A_22, %dma_start3A_71] : memref<10240x48xf32, #tpu.memory_space<vmem_shared>> -> memref<64x48xf32, #tpu.memory_space<vmem_shared>>
      %dma_start3A_73 = arith.constant 0 : i32
      %dma_start3A_74 = tpu.memref_slice %arg12[%add3A_22, %dma_start3A_73] : memref<10240x48xf32, #tpu.memory_space<vmem_shared>> -> memref<64x48xf32, #tpu.memory_space<vmem_shared>>
      %dma_start3A_75 = arith.constant 0 : i32
      %dma_start3A_76 = arith.constant 0 : i32
      %dma_start3A_77 = tpu.memref_slice %arg9[%dma_start3A_75, %dma_start3A_76] : memref<112x48xf32, #tpu.memory_space<vmem>> -> memref<64x48xf32, #tpu.memory_space<vmem>>
      tpu.enqueue_dma source(%dma_start3A_77 : memref<64x48xf32, #tpu.memory_space<vmem>>) target(%dma_start3A_74 : memref<64x48xf32, #tpu.memory_space<vmem_shared>>) target_semaphore(%run_scoped3A : memref<!tpu.dma_semaphore, #tpu.memory_space<semaphore_mem>>)
      %dma_wait3A = arith.constant 0 : i32
      %dma_wait3A_78 = arith.constant 0 : i32
      %dma_wait3A_79 = tpu.memref_slice %arg9[%dma_wait3A, %dma_wait3A_78] : memref<112x48xf32, #tpu.memory_space<vmem>> -> memref<64x48xf32, #tpu.memory_space<vmem>>
      %dma_wait3A_80 = arith.constant 0 : i32
      %dma_wait3A_81 = tpu.memref_slice %arg12[%add3A_22, %dma_wait3A_80] : memref<10240x48xf32, #tpu.memory_space<vmem_shared>> -> memref<64x48xf32, #tpu.memory_space<vmem_shared>>
      %dma_wait3A_82 = arith.constant 0 : i32
      %dma_wait3A_83 = tpu.memref_slice %arg12[%add3A_22, %dma_wait3A_82] : memref<10240x48xf32, #tpu.memory_space<vmem_shared>> -> memref<64x48xf32, #tpu.memory_space<vmem_shared>>
      %dma_wait3A_84 = arith.constant 0 : i32
      %dma_wait3A_85 = arith.constant 0 : i32
      %dma_wait3A_86 = tpu.memref_slice %arg9[%dma_wait3A_84, %dma_wait3A_85] : memref<112x48xf32, #tpu.memory_space<vmem>> -> memref<64x48xf32, #tpu.memory_space<vmem>>
      tpu.wait_dma2 semaphore(%run_scoped3A : memref<!tpu.dma_semaphore, #tpu.memory_space<semaphore_mem>>) src(%dma_wait3A_86 : memref<64x48xf32, #tpu.memory_space<vmem>>) dst(%dma_wait3A_83 : memref<64x48xf32, #tpu.memory_space<vmem_shared>>)
      tpu.yield
    }) : () -> ()
    %barrier3A = arith.constant 0 : index
    tpu.barrier barrier_id(%barrier3A)
    %scan3A = arith.constant 0 : i32
    %scan3A_23 = arith.constant 0 : i32
    %scan3A_24 = arith.constant 10 : i32
    %scan3A_25 = arith.addi %scan3A_23, %scan3A_24 : i32
    %scan3A_26 = arith.constant 1 : i32
    scf.for %scan3A_69 = %scan3A_23 to %scan3A_25 step %scan3A_26  : i32 {
      %mul3A_70 = arith.constant 8 : i32
      %mul3A_71 = arith.muli %scan3A_69, %mul3A_70 : i32
      "tpu.region"() ({
        %run_scoped3A = tpu.sem_alloc : memref<!tpu.dma_semaphore, #tpu.memory_space<semaphore_mem>>
        %dma_start3A_296 = arith.constant 0 : i32
        %dma_start3A_297 = tpu.memref_slice %arg3[%add3A, %mul3A_71, %dma_start3A_296] : memref<32x80x128xi32, #tpu.memory_space<hbm>> -> memref<1x8x128xi32, #tpu.memory_space<hbm>>
        %dma_start3A_298 = tpu.memref_squeeze %dma_start3A_297 : memref<1x8x128xi32, #tpu.memory_space<hbm>> -> memref<8x128xi32, #tpu.memory_space<hbm>>
        %dma_start3A_299 = arith.constant 0 : i32
        %dma_start3A_300 = tpu.memref_slice %arg3[%add3A, %mul3A_71, %dma_start3A_299] : memref<32x80x128xi32, #tpu.memory_space<hbm>> -> memref<1x8x128xi32, #tpu.memory_space<hbm>>
        %dma_start3A_301 = tpu.memref_squeeze %dma_start3A_300 : memref<1x8x128xi32, #tpu.memory_space<hbm>> -> memref<8x128xi32, #tpu.memory_space<hbm>>
        tpu.enqueue_dma source(%dma_start3A_301 : memref<8x128xi32, #tpu.memory_space<hbm>>) target(%arg7 : memref<8x128xi32, #tpu.memory_space<vmem>>) target_semaphore(%run_scoped3A : memref<!tpu.dma_semaphore, #tpu.memory_space<semaphore_mem>>)
        %dma_wait3A_302 = arith.constant 0 : i32
        %dma_wait3A_303 = tpu.memref_slice %arg3[%add3A, %mul3A_71, %dma_wait3A_302] : memref<32x80x128xi32, #tpu.memory_space<hbm>> -> memref<1x8x128xi32, #tpu.memory_space<hbm>>
        %dma_wait3A_304 = tpu.memref_squeeze %dma_wait3A_303 : memref<1x8x128xi32, #tpu.memory_space<hbm>> -> memref<8x128xi32, #tpu.memory_space<hbm>>
        %dma_wait3A_305 = arith.constant 0 : i32
        %dma_wait3A_306 = tpu.memref_slice %arg3[%add3A, %mul3A_71, %dma_wait3A_305] : memref<32x80x128xi32, #tpu.memory_space<hbm>> -> memref<1x8x128xi32, #tpu.memory_space<hbm>>
        %dma_wait3A_307 = tpu.memref_squeeze %dma_wait3A_306 : memref<1x8x128xi32, #tpu.memory_space<hbm>> -> memref<8x128xi32, #tpu.memory_space<hbm>>
        tpu.wait_dma2 semaphore(%run_scoped3A : memref<!tpu.dma_semaphore, #tpu.memory_space<semaphore_mem>>) src(%dma_wait3A_307 : memref<8x128xi32, #tpu.memory_space<hbm>>) dst(%arg7 : memref<8x128xi32, #tpu.memory_space<vmem>>)
        tpu.yield
      }) : () -> ()
      %mul3A_72 = arith.constant 8 : i32
      %mul3A_73 = arith.muli %scan3A_69, %mul3A_72 : i32
      "tpu.region"() ({
        %run_scoped3A = tpu.sem_alloc : memref<!tpu.dma_semaphore, #tpu.memory_space<semaphore_mem>>
        %dma_start3A_296 = arith.constant 0 : i32
        %dma_start3A_297 = tpu.memref_slice %arg4[%add3A, %mul3A_73, %dma_start3A_296] : memref<32x80x128xi32, #tpu.memory_space<hbm>> -> memref<1x8x128xi32, #tpu.memory_space<hbm>>
        %dma_start3A_298 = tpu.memref_squeeze %dma_start3A_297 : memref<1x8x128xi32, #tpu.memory_space<hbm>> -> memref<8x128xi32, #tpu.memory_space<hbm>>
        %dma_start3A_299 = arith.constant 0 : i32
        %dma_start3A_300 = tpu.memref_slice %arg4[%add3A, %mul3A_73, %dma_start3A_299] : memref<32x80x128xi32, #tpu.memory_space<hbm>> -> memref<1x8x128xi32, #tpu.memory_space<hbm>>
        %dma_start3A_301 = tpu.memref_squeeze %dma_start3A_300 : memref<1x8x128xi32, #tpu.memory_space<hbm>> -> memref<8x128xi32, #tpu.memory_space<hbm>>
        tpu.enqueue_dma source(%dma_start3A_301 : memref<8x128xi32, #tpu.memory_space<hbm>>) target(%arg8 : memref<8x128xi32, #tpu.memory_space<vmem>>) target_semaphore(%run_scoped3A : memref<!tpu.dma_semaphore, #tpu.memory_space<semaphore_mem>>)
        %dma_wait3A_302 = arith.constant 0 : i32
        %dma_wait3A_303 = tpu.memref_slice %arg4[%add3A, %mul3A_73, %dma_wait3A_302] : memref<32x80x128xi32, #tpu.memory_space<hbm>> -> memref<1x8x128xi32, #tpu.memory_space<hbm>>
        %dma_wait3A_304 = tpu.memref_squeeze %dma_wait3A_303 : memref<1x8x128xi32, #tpu.memory_space<hbm>> -> memref<8x128xi32, #tpu.memory_space<hbm>>
        %dma_wait3A_305 = arith.constant 0 : i32
        %dma_wait3A_306 = tpu.memref_slice %arg4[%add3A, %mul3A_73, %dma_wait3A_305] : memref<32x80x128xi32, #tpu.memory_space<hbm>> -> memref<1x8x128xi32, #tpu.memory_space<hbm>>
        %dma_wait3A_307 = tpu.memref_squeeze %dma_wait3A_306 : memref<1x8x128xi32, #tpu.memory_space<hbm>> -> memref<8x128xi32, #tpu.memory_space<hbm>>
        tpu.wait_dma2 semaphore(%run_scoped3A : memref<!tpu.dma_semaphore, #tpu.memory_space<semaphore_mem>>) src(%dma_wait3A_307 : memref<8x128xi32, #tpu.memory_space<hbm>>) dst(%arg8 : memref<8x128xi32, #tpu.memory_space<vmem>>)
        tpu.yield
      }) : () -> ()
      %dma_start3A = arith.constant 0 : i32
      %dma_start3A_74 = arith.constant 0 : i32
      %dma_start3A_75 = tpu.memref_slice %arg7[%dma_start3A, %dma_start3A_74] : memref<8x128xi32, #tpu.memory_space<vmem>> -> memref<1x112xi32, #tpu.memory_space<vmem>>
      %dma_start3A_76 = tpu.memref_squeeze %dma_start3A_75 : memref<1x112xi32, #tpu.memory_space<vmem>> -> memref<112xi32, #tpu.memory_space<vmem>>
      %dma_start3A_77 = arith.constant 0 : i32
      %dma_start3A_78 = arith.constant 0 : i32
      %dma_start3A_79 = tpu.memref_slice %arg2[%dma_start3A_77, %dma_start3A_78] : memref<10240x48xf32, #tpu.memory_space<hbm>> -> memref<10240x48xf32, #tpu.memory_space<hbm>>
      tpu.enqueue_indirect_dma source(%dma_start3A_79 : memref<10240x48xf32, #tpu.memory_space<hbm>>) target(%arg9 : memref<112x48xf32, #tpu.memory_space<vmem>>) offsets(%dma_start3A_76 : memref<112xi32, #tpu.memory_space<vmem>>) semaphore(%arg13 : memref<!tpu.dma_semaphore, #tpu.memory_space<semaphore_mem>>)
      %dma_start3A_80 = arith.constant 1 : i32
      %dma_start3A_81 = arith.constant 0 : i32
      %dma_start3A_82 = tpu.memref_slice %arg7[%dma_start3A_80, %dma_start3A_81] : memref<8x128xi32, #tpu.memory_space<vmem>> -> memref<1x112xi32, #tpu.memory_space<vmem>>
      %dma_start3A_83 = tpu.memref_squeeze %dma_start3A_82 : memref<1x112xi32, #tpu.memory_space<vmem>> -> memref<112xi32, #tpu.memory_space<vmem>>
      %dma_start3A_84 = arith.constant 0 : i32
      %dma_start3A_85 = arith.constant 0 : i32
      %dma_start3A_86 = tpu.memref_slice %arg2[%dma_start3A_84, %dma_start3A_85] : memref<10240x48xf32, #tpu.memory_space<hbm>> -> memref<10240x48xf32, #tpu.memory_space<hbm>>
      tpu.enqueue_indirect_dma source(%dma_start3A_86 : memref<10240x48xf32, #tpu.memory_space<hbm>>) target(%arg10 : memref<112x48xf32, #tpu.memory_space<vmem>>) offsets(%dma_start3A_83 : memref<112xi32, #tpu.memory_space<vmem>>) semaphore(%arg14 : memref<!tpu.dma_semaphore, #tpu.memory_space<semaphore_mem>>)
      %dma_start3A_87 = arith.constant 2 : i32
      %dma_start3A_88 = arith.constant 0 : i32
      %dma_start3A_89 = tpu.memref_slice %arg7[%dma_start3A_87, %dma_start3A_88] : memref<8x128xi32, #tpu.memory_space<vmem>> -> memref<1x112xi32, #tpu.memory_space<vmem>>
      %dma_start3A_90 = tpu.memref_squeeze %dma_start3A_89 : memref<1x112xi32, #tpu.memory_space<vmem>> -> memref<112xi32, #tpu.memory_space<vmem>>
      %dma_start3A_91 = arith.constant 0 : i32
      %dma_start3A_92 = arith.constant 0 : i32
      %dma_start3A_93 = tpu.memref_slice %arg2[%dma_start3A_91, %dma_start3A_92] : memref<10240x48xf32, #tpu.memory_space<hbm>> -> memref<10240x48xf32, #tpu.memory_space<hbm>>
      tpu.enqueue_indirect_dma source(%dma_start3A_93 : memref<10240x48xf32, #tpu.memory_space<hbm>>) target(%arg11 : memref<112x48xf32, #tpu.memory_space<vmem>>) offsets(%dma_start3A_90 : memref<112xi32, #tpu.memory_space<vmem>>) semaphore(%arg15 : memref<!tpu.dma_semaphore, #tpu.memory_space<semaphore_mem>>)
      %dma_wait3A = arith.constant 0 : i32
      %dma_wait3A_94 = arith.constant 0 : i32
      %dma_wait3A_95 = tpu.memref_slice %arg7[%dma_wait3A, %dma_wait3A_94] : memref<8x128xi32, #tpu.memory_space<vmem>> -> memref<1x112xi32, #tpu.memory_space<vmem>>
      %dma_wait3A_96 = tpu.memref_squeeze %dma_wait3A_95 : memref<1x112xi32, #tpu.memory_space<vmem>> -> memref<112xi32, #tpu.memory_space<vmem>>
      %dma_wait3A_97 = arith.constant 0 : i32
      %dma_wait3A_98 = arith.constant 0 : i32
      %dma_wait3A_99 = tpu.memref_slice %arg2[%dma_wait3A_97, %dma_wait3A_98] : memref<10240x48xf32, #tpu.memory_space<hbm>> -> memref<10240x48xf32, #tpu.memory_space<hbm>>
      tpu.wait_indirect_dma semaphore(%arg13 : memref<!tpu.dma_semaphore, #tpu.memory_space<semaphore_mem>>) src(%dma_wait3A_99 : memref<10240x48xf32, #tpu.memory_space<hbm>>) dst(%arg9 : memref<112x48xf32, #tpu.memory_space<vmem>>)
      %dma_start3A_100 = arith.constant 0 : i32
      %dma_start3A_101 = arith.constant 0 : i32
      %dma_start3A_102 = tpu.memref_slice %arg8[%dma_start3A_100, %dma_start3A_101] : memref<8x128xi32, #tpu.memory_space<vmem>> -> memref<1x112xi32, #tpu.memory_space<vmem>>
      %dma_start3A_103 = tpu.memref_squeeze %dma_start3A_102 : memref<1x112xi32, #tpu.memory_space<vmem>> -> memref<112xi32, #tpu.memory_space<vmem>>
      %dma_start3A_104 = arith.constant 0 : i32
      %dma_start3A_105 = arith.constant 0 : i32
      %dma_start3A_106 = tpu.memref_slice %arg12[%dma_start3A_104, %dma_start3A_105] : memref<10240x48xf32, #tpu.memory_space<vmem_shared>> -> memref<10240x48xf32, #tpu.memory_space<vmem_shared>>
      tpu.enqueue_indirect_dma source(%arg9 : memref<112x48xf32, #tpu.memory_space<vmem>>) target(%dma_start3A_106 : memref<10240x48xf32, #tpu.memory_space<vmem_shared>>) offsets(%dma_start3A_103 : memref<112xi32, #tpu.memory_space<vmem>>) semaphore(%arg16 : memref<!tpu.dma_semaphore, #tpu.memory_space<semaphore_mem>>) {add = true}
      %dma_wait3A_107 = arith.constant 0 : i32
      %dma_wait3A_108 = arith.constant 0 : i32
      %dma_wait3A_109 = tpu.memref_slice %arg8[%dma_wait3A_107, %dma_wait3A_108] : memref<8x128xi32, #tpu.memory_space<vmem>> -> memref<1x112xi32, #tpu.memory_space<vmem>>
      %dma_wait3A_110 = tpu.memref_squeeze %dma_wait3A_109 : memref<1x112xi32, #tpu.memory_space<vmem>> -> memref<112xi32, #tpu.memory_space<vmem>>
      %dma_wait3A_111 = arith.constant 0 : i32
      %dma_wait3A_112 = arith.constant 0 : i32
      %dma_wait3A_113 = tpu.memref_slice %arg12[%dma_wait3A_111, %dma_wait3A_112] : memref<10240x48xf32, #tpu.memory_space<vmem_shared>> -> memref<10240x48xf32, #tpu.memory_space<vmem_shared>>
      tpu.wait_indirect_dma semaphore(%arg16 : memref<!tpu.dma_semaphore, #tpu.memory_space<semaphore_mem>>) src(%arg9 : memref<112x48xf32, #tpu.memory_space<vmem>>) dst(%dma_wait3A_113 : memref<10240x48xf32, #tpu.memory_space<vmem_shared>>)
      %dma_start3A_114 = arith.constant 3 : i32
      %dma_start3A_115 = arith.constant 0 : i32
      %dma_start3A_116 = tpu.memref_slice %arg7[%dma_start3A_114, %dma_start3A_115] : memref<8x128xi32, #tpu.memory_space<vmem>> -> memref<1x112xi32, #tpu.memory_space<vmem>>
      %dma_start3A_117 = tpu.memref_squeeze %dma_start3A_116 : memref<1x112xi32, #tpu.memory_space<vmem>> -> memref<112xi32, #tpu.memory_space<vmem>>
      %dma_start3A_118 = arith.constant 0 : i32
      %dma_start3A_119 = arith.constant 0 : i32
      %dma_start3A_120 = tpu.memref_slice %arg2[%dma_start3A_118, %dma_start3A_119] : memref<10240x48xf32, #tpu.memory_space<hbm>> -> memref<10240x48xf32, #tpu.memory_space<hbm>>
      tpu.enqueue_indirect_dma source(%dma_start3A_120 : memref<10240x48xf32, #tpu.memory_space<hbm>>) target(%arg9 : memref<112x48xf32, #tpu.memory_space<vmem>>) offsets(%dma_start3A_117 : memref<112xi32, #tpu.memory_space<vmem>>) semaphore(%arg13 : memref<!tpu.dma_semaphore, #tpu.memory_space<semaphore_mem>>)
      %dma_wait3A_121 = arith.constant 1 : i32
      %dma_wait3A_122 = arith.constant 0 : i32
      %dma_wait3A_123 = tpu.memref_slice %arg7[%dma_wait3A_121, %dma_wait3A_122] : memref<8x128xi32, #tpu.memory_space<vmem>> -> memref<1x112xi32, #tpu.memory_space<vmem>>
      %dma_wait3A_124 = tpu.memref_squeeze %dma_wait3A_123 : memref<1x112xi32, #tpu.memory_space<vmem>> -> memref<112xi32, #tpu.memory_space<vmem>>
      %dma_wait3A_125 = arith.constant 0 : i32
      %dma_wait3A_126 = arith.constant 0 : i32
      %dma_wait3A_127 = tpu.memref_slice %arg2[%dma_wait3A_125, %dma_wait3A_126] : memref<10240x48xf32, #tpu.memory_space<hbm>> -> memref<10240x48xf32, #tpu.memory_space<hbm>>
      tpu.wait_indirect_dma semaphore(%arg14 : memref<!tpu.dma_semaphore, #tpu.memory_space<semaphore_mem>>) src(%dma_wait3A_127 : memref<10240x48xf32, #tpu.memory_space<hbm>>) dst(%arg10 : memref<112x48xf32, #tpu.memory_space<vmem>>)
      %dma_start3A_128 = arith.constant 1 : i32
      %dma_start3A_129 = arith.constant 0 : i32
      %dma_start3A_130 = tpu.memref_slice %arg8[%dma_start3A_128, %dma_start3A_129] : memref<8x128xi32, #tpu.memory_space<vmem>> -> memref<1x112xi32, #tpu.memory_space<vmem>>
      %dma_start3A_131 = tpu.memref_squeeze %dma_start3A_130 : memref<1x112xi32, #tpu.memory_space<vmem>> -> memref<112xi32, #tpu.memory_space<vmem>>
      %dma_start3A_132 = arith.constant 0 : i32
      %dma_start3A_133 = arith.constant 0 : i32
      %dma_start3A_134 = tpu.memref_slice %arg12[%dma_start3A_132, %dma_start3A_133] : memref<10240x48xf32, #tpu.memory_space<vmem_shared>> -> memref<10240x48xf32, #tpu.memory_space<vmem_shared>>
      tpu.enqueue_indirect_dma source(%arg10 : memref<112x48xf32, #tpu.memory_space<vmem>>) target(%dma_start3A_134 : memref<10240x48xf32, #tpu.memory_space<vmem_shared>>) offsets(%dma_start3A_131 : memref<112xi32, #tpu.memory_space<vmem>>) semaphore(%arg17 : memref<!tpu.dma_semaphore, #tpu.memory_space<semaphore_mem>>) {add = true}
      %dma_wait3A_135 = arith.constant 1 : i32
      %dma_wait3A_136 = arith.constant 0 : i32
      %dma_wait3A_137 = tpu.memref_slice %arg8[%dma_wait3A_135, %dma_wait3A_136] : memref<8x128xi32, #tpu.memory_space<vmem>> -> memref<1x112xi32, #tpu.memory_space<vmem>>
      %dma_wait3A_138 = tpu.memref_squeeze %dma_wait3A_137 : memref<1x112xi32, #tpu.memory_space<vmem>> -> memref<112xi32, #tpu.memory_space<vmem>>
      %dma_wait3A_139 = arith.constant 0 : i32
      %dma_wait3A_140 = arith.constant 0 : i32
      %dma_wait3A_141 = tpu.memref_slice %arg12[%dma_wait3A_139, %dma_wait3A_140] : memref<10240x48xf32, #tpu.memory_space<vmem_shared>> -> memref<10240x48xf32, #tpu.memory_space<vmem_shared>>
      tpu.wait_indirect_dma semaphore(%arg17 : memref<!tpu.dma_semaphore, #tpu.memory_space<semaphore_mem>>) src(%arg10 : memref<112x48xf32, #tpu.memory_space<vmem>>) dst(%dma_wait3A_141 : memref<10240x48xf32, #tpu.memory_space<vmem_shared>>)
      %dma_start3A_142 = arith.constant 4 : i32
      %dma_start3A_143 = arith.constant 0 : i32
      %dma_start3A_144 = tpu.memref_slice %arg7[%dma_start3A_142, %dma_start3A_143] : memref<8x128xi32, #tpu.memory_space<vmem>> -> memref<1x112xi32, #tpu.memory_space<vmem>>
      %dma_start3A_145 = tpu.memref_squeeze %dma_start3A_144 : memref<1x112xi32, #tpu.memory_space<vmem>> -> memref<112xi32, #tpu.memory_space<vmem>>
      %dma_start3A_146 = arith.constant 0 : i32
      %dma_start3A_147 = arith.constant 0 : i32
      %dma_start3A_148 = tpu.memref_slice %arg2[%dma_start3A_146, %dma_start3A_147] : memref<10240x48xf32, #tpu.memory_space<hbm>> -> memref<10240x48xf32, #tpu.memory_space<hbm>>
      tpu.enqueue_indirect_dma source(%dma_start3A_148 : memref<10240x48xf32, #tpu.memory_space<hbm>>) target(%arg10 : memref<112x48xf32, #tpu.memory_space<vmem>>) offsets(%dma_start3A_145 : memref<112xi32, #tpu.memory_space<vmem>>) semaphore(%arg14 : memref<!tpu.dma_semaphore, #tpu.memory_space<semaphore_mem>>)
      %dma_wait3A_149 = arith.constant 2 : i32
      %dma_wait3A_150 = arith.constant 0 : i32
      %dma_wait3A_151 = tpu.memref_slice %arg7[%dma_wait3A_149, %dma_wait3A_150] : memref<8x128xi32, #tpu.memory_space<vmem>> -> memref<1x112xi32, #tpu.memory_space<vmem>>
      %dma_wait3A_152 = tpu.memref_squeeze %dma_wait3A_151 : memref<1x112xi32, #tpu.memory_space<vmem>> -> memref<112xi32, #tpu.memory_space<vmem>>
      %dma_wait3A_153 = arith.constant 0 : i32
      %dma_wait3A_154 = arith.constant 0 : i32
      %dma_wait3A_155 = tpu.memref_slice %arg2[%dma_wait3A_153, %dma_wait3A_154] : memref<10240x48xf32, #tpu.memory_space<hbm>> -> memref<10240x48xf32, #tpu.memory_space<hbm>>
      tpu.wait_indirect_dma semaphore(%arg15 : memref<!tpu.dma_semaphore, #tpu.memory_space<semaphore_mem>>) src(%dma_wait3A_155 : memref<10240x48xf32, #tpu.memory_space<hbm>>) dst(%arg11 : memref<112x48xf32, #tpu.memory_space<vmem>>)
      %dma_start3A_156 = arith.constant 2 : i32
      %dma_start3A_157 = arith.constant 0 : i32
      %dma_start3A_158 = tpu.memref_slice %arg8[%dma_start3A_156, %dma_start3A_157] : memref<8x128xi32, #tpu.memory_space<vmem>> -> memref<1x112xi32, #tpu.memory_space<vmem>>
      %dma_start3A_159 = tpu.memref_squeeze %dma_start3A_158 : memref<1x112xi32, #tpu.memory_space<vmem>> -> memref<112xi32, #tpu.memory_space<vmem>>
      %dma_start3A_160 = arith.constant 0 : i32
      %dma_start3A_161 = arith.constant 0 : i32
      %dma_start3A_162 = tpu.memref_slice %arg12[%dma_start3A_160, %dma_start3A_161] : memref<10240x48xf32, #tpu.memory_space<vmem_shared>> -> memref<10240x48xf32, #tpu.memory_space<vmem_shared>>
      tpu.enqueue_indirect_dma source(%arg11 : memref<112x48xf32, #tpu.memory_space<vmem>>) target(%dma_start3A_162 : memref<10240x48xf32, #tpu.memory_space<vmem_shared>>) offsets(%dma_start3A_159 : memref<112xi32, #tpu.memory_space<vmem>>) semaphore(%arg18 : memref<!tpu.dma_semaphore, #tpu.memory_space<semaphore_mem>>) {add = true}
      %dma_wait3A_163 = arith.constant 2 : i32
      %dma_wait3A_164 = arith.constant 0 : i32
      %dma_wait3A_165 = tpu.memref_slice %arg8[%dma_wait3A_163, %dma_wait3A_164] : memref<8x128xi32, #tpu.memory_space<vmem>> -> memref<1x112xi32, #tpu.memory_space<vmem>>
      %dma_wait3A_166 = tpu.memref_squeeze %dma_wait3A_165 : memref<1x112xi32, #tpu.memory_space<vmem>> -> memref<112xi32, #tpu.memory_space<vmem>>
      %dma_wait3A_167 = arith.constant 0 : i32
      %dma_wait3A_168 = arith.constant 0 : i32
      %dma_wait3A_169 = tpu.memref_slice %arg12[%dma_wait3A_167, %dma_wait3A_168] : memref<10240x48xf32, #tpu.memory_space<vmem_shared>> -> memref<10240x48xf32, #tpu.memory_space<vmem_shared>>
      tpu.wait_indirect_dma semaphore(%arg18 : memref<!tpu.dma_semaphore, #tpu.memory_space<semaphore_mem>>) src(%arg11 : memref<112x48xf32, #tpu.memory_space<vmem>>) dst(%dma_wait3A_169 : memref<10240x48xf32, #tpu.memory_space<vmem_shared>>)
      %dma_start3A_170 = arith.constant 5 : i32
      %dma_start3A_171 = arith.constant 0 : i32
      %dma_start3A_172 = tpu.memref_slice %arg7[%dma_start3A_170, %dma_start3A_171] : memref<8x128xi32, #tpu.memory_space<vmem>> -> memref<1x112xi32, #tpu.memory_space<vmem>>
      %dma_start3A_173 = tpu.memref_squeeze %dma_start3A_172 : memref<1x112xi32, #tpu.memory_space<vmem>> -> memref<112xi32, #tpu.memory_space<vmem>>
      %dma_start3A_174 = arith.constant 0 : i32
      %dma_start3A_175 = arith.constant 0 : i32
      %dma_start3A_176 = tpu.memref_slice %arg2[%dma_start3A_174, %dma_start3A_175] : memref<10240x48xf32, #tpu.memory_space<hbm>> -> memref<10240x48xf32, #tpu.memory_space<hbm>>
      tpu.enqueue_indirect_dma source(%dma_start3A_176 : memref<10240x48xf32, #tpu.memory_space<hbm>>) target(%arg11 : memref<112x48xf32, #tpu.memory_space<vmem>>) offsets(%dma_start3A_173 : memref<112xi32, #tpu.memory_space<vmem>>) semaphore(%arg15 : memref<!tpu.dma_semaphore, #tpu.memory_space<semaphore_mem>>)
      %dma_wait3A_177 = arith.constant 3 : i32
      %dma_wait3A_178 = arith.constant 0 : i32
      %dma_wait3A_179 = tpu.memref_slice %arg7[%dma_wait3A_177, %dma_wait3A_178] : memref<8x128xi32, #tpu.memory_space<vmem>> -> memref<1x112xi32, #tpu.memory_space<vmem>>
      %dma_wait3A_180 = tpu.memref_squeeze %dma_wait3A_179 : memref<1x112xi32, #tpu.memory_space<vmem>> -> memref<112xi32, #tpu.memory_space<vmem>>
      %dma_wait3A_181 = arith.constant 0 : i32
      %dma_wait3A_182 = arith.constant 0 : i32
      %dma_wait3A_183 = tpu.memref_slice %arg2[%dma_wait3A_181, %dma_wait3A_182] : memref<10240x48xf32, #tpu.memory_space<hbm>> -> memref<10240x48xf32, #tpu.memory_space<hbm>>
      tpu.wait_indirect_dma semaphore(%arg13 : memref<!tpu.dma_semaphore, #tpu.memory_space<semaphore_mem>>) src(%dma_wait3A_183 : memref<10240x48xf32, #tpu.memory_space<hbm>>) dst(%arg9 : memref<112x48xf32, #tpu.memory_space<vmem>>)
      %dma_start3A_184 = arith.constant 3 : i32
      %dma_start3A_185 = arith.constant 0 : i32
      %dma_start3A_186 = tpu.memref_slice %arg8[%dma_start3A_184, %dma_start3A_185] : memref<8x128xi32, #tpu.memory_space<vmem>> -> memref<1x112xi32, #tpu.memory_space<vmem>>
      %dma_start3A_187 = tpu.memref_squeeze %dma_start3A_186 : memref<1x112xi32, #tpu.memory_space<vmem>> -> memref<112xi32, #tpu.memory_space<vmem>>
      %dma_start3A_188 = arith.constant 0 : i32
      %dma_start3A_189 = arith.constant 0 : i32
      %dma_start3A_190 = tpu.memref_slice %arg12[%dma_start3A_188, %dma_start3A_189] : memref<10240x48xf32, #tpu.memory_space<vmem_shared>> -> memref<10240x48xf32, #tpu.memory_space<vmem_shared>>
      tpu.enqueue_indirect_dma source(%arg9 : memref<112x48xf32, #tpu.memory_space<vmem>>) target(%dma_start3A_190 : memref<10240x48xf32, #tpu.memory_space<vmem_shared>>) offsets(%dma_start3A_187 : memref<112xi32, #tpu.memory_space<vmem>>) semaphore(%arg16 : memref<!tpu.dma_semaphore, #tpu.memory_space<semaphore_mem>>) {add = true}
      %dma_wait3A_191 = arith.constant 3 : i32
      %dma_wait3A_192 = arith.constant 0 : i32
      %dma_wait3A_193 = tpu.memref_slice %arg8[%dma_wait3A_191, %dma_wait3A_192] : memref<8x128xi32, #tpu.memory_space<vmem>> -> memref<1x112xi32, #tpu.memory_space<vmem>>
      %dma_wait3A_194 = tpu.memref_squeeze %dma_wait3A_193 : memref<1x112xi32, #tpu.memory_space<vmem>> -> memref<112xi32, #tpu.memory_space<vmem>>
      %dma_wait3A_195 = arith.constant 0 : i32
      %dma_wait3A_196 = arith.constant 0 : i32
      %dma_wait3A_197 = tpu.memref_slice %arg12[%dma_wait3A_195, %dma_wait3A_196] : memref<10240x48xf32, #tpu.memory_space<vmem_shared>> -> memref<10240x48xf32, #tpu.memory_space<vmem_shared>>
      tpu.wait_indirect_dma semaphore(%arg16 : memref<!tpu.dma_semaphore, #tpu.memory_space<semaphore_mem>>) src(%arg9 : memref<112x48xf32, #tpu.memory_space<vmem>>) dst(%dma_wait3A_197 : memref<10240x48xf32, #tpu.memory_space<vmem_shared>>)
      %dma_start3A_198 = arith.constant 6 : i32
      %dma_start3A_199 = arith.constant 0 : i32
      %dma_start3A_200 = tpu.memref_slice %arg7[%dma_start3A_198, %dma_start3A_199] : memref<8x128xi32, #tpu.memory_space<vmem>> -> memref<1x112xi32, #tpu.memory_space<vmem>>
      %dma_start3A_201 = tpu.memref_squeeze %dma_start3A_200 : memref<1x112xi32, #tpu.memory_space<vmem>> -> memref<112xi32, #tpu.memory_space<vmem>>
      %dma_start3A_202 = arith.constant 0 : i32
      %dma_start3A_203 = arith.constant 0 : i32
      %dma_start3A_204 = tpu.memref_slice %arg2[%dma_start3A_202, %dma_start3A_203] : memref<10240x48xf32, #tpu.memory_space<hbm>> -> memref<10240x48xf32, #tpu.memory_space<hbm>>
      tpu.enqueue_indirect_dma source(%dma_start3A_204 : memref<10240x48xf32, #tpu.memory_space<hbm>>) target(%arg9 : memref<112x48xf32, #tpu.memory_space<vmem>>) offsets(%dma_start3A_201 : memref<112xi32, #tpu.memory_space<vmem>>) semaphore(%arg13 : memref<!tpu.dma_semaphore, #tpu.memory_space<semaphore_mem>>)
      %dma_wait3A_205 = arith.constant 4 : i32
      %dma_wait3A_206 = arith.constant 0 : i32
      %dma_wait3A_207 = tpu.memref_slice %arg7[%dma_wait3A_205, %dma_wait3A_206] : memref<8x128xi32, #tpu.memory_space<vmem>> -> memref<1x112xi32, #tpu.memory_space<vmem>>
      %dma_wait3A_208 = tpu.memref_squeeze %dma_wait3A_207 : memref<1x112xi32, #tpu.memory_space<vmem>> -> memref<112xi32, #tpu.memory_space<vmem>>
      %dma_wait3A_209 = arith.constant 0 : i32
      %dma_wait3A_210 = arith.constant 0 : i32
      %dma_wait3A_211 = tpu.memref_slice %arg2[%dma_wait3A_209, %dma_wait3A_210] : memref<10240x48xf32, #tpu.memory_space<hbm>> -> memref<10240x48xf32, #tpu.memory_space<hbm>>
      tpu.wait_indirect_dma semaphore(%arg14 : memref<!tpu.dma_semaphore, #tpu.memory_space<semaphore_mem>>) src(%dma_wait3A_211 : memref<10240x48xf32, #tpu.memory_space<hbm>>) dst(%arg10 : memref<112x48xf32, #tpu.memory_space<vmem>>)
      %dma_start3A_212 = arith.constant 4 : i32
      %dma_start3A_213 = arith.constant 0 : i32
      %dma_start3A_214 = tpu.memref_slice %arg8[%dma_start3A_212, %dma_start3A_213] : memref<8x128xi32, #tpu.memory_space<vmem>> -> memref<1x112xi32, #tpu.memory_space<vmem>>
      %dma_start3A_215 = tpu.memref_squeeze %dma_start3A_214 : memref<1x112xi32, #tpu.memory_space<vmem>> -> memref<112xi32, #tpu.memory_space<vmem>>
      %dma_start3A_216 = arith.constant 0 : i32
      %dma_start3A_217 = arith.constant 0 : i32
      %dma_start3A_218 = tpu.memref_slice %arg12[%dma_start3A_216, %dma_start3A_217] : memref<10240x48xf32, #tpu.memory_space<vmem_shared>> -> memref<10240x48xf32, #tpu.memory_space<vmem_shared>>
      tpu.enqueue_indirect_dma source(%arg10 : memref<112x48xf32, #tpu.memory_space<vmem>>) target(%dma_start3A_218 : memref<10240x48xf32, #tpu.memory_space<vmem_shared>>) offsets(%dma_start3A_215 : memref<112xi32, #tpu.memory_space<vmem>>) semaphore(%arg17 : memref<!tpu.dma_semaphore, #tpu.memory_space<semaphore_mem>>) {add = true}
      %dma_wait3A_219 = arith.constant 4 : i32
      %dma_wait3A_220 = arith.constant 0 : i32
      %dma_wait3A_221 = tpu.memref_slice %arg8[%dma_wait3A_219, %dma_wait3A_220] : memref<8x128xi32, #tpu.memory_space<vmem>> -> memref<1x112xi32, #tpu.memory_space<vmem>>
      %dma_wait3A_222 = tpu.memref_squeeze %dma_wait3A_221 : memref<1x112xi32, #tpu.memory_space<vmem>> -> memref<112xi32, #tpu.memory_space<vmem>>
      %dma_wait3A_223 = arith.constant 0 : i32
      %dma_wait3A_224 = arith.constant 0 : i32
      %dma_wait3A_225 = tpu.memref_slice %arg12[%dma_wait3A_223, %dma_wait3A_224] : memref<10240x48xf32, #tpu.memory_space<vmem_shared>> -> memref<10240x48xf32, #tpu.memory_space<vmem_shared>>
      tpu.wait_indirect_dma semaphore(%arg17 : memref<!tpu.dma_semaphore, #tpu.memory_space<semaphore_mem>>) src(%arg10 : memref<112x48xf32, #tpu.memory_space<vmem>>) dst(%dma_wait3A_225 : memref<10240x48xf32, #tpu.memory_space<vmem_shared>>)
      %dma_start3A_226 = arith.constant 7 : i32
      %dma_start3A_227 = arith.constant 0 : i32
      %dma_start3A_228 = tpu.memref_slice %arg7[%dma_start3A_226, %dma_start3A_227] : memref<8x128xi32, #tpu.memory_space<vmem>> -> memref<1x112xi32, #tpu.memory_space<vmem>>
      %dma_start3A_229 = tpu.memref_squeeze %dma_start3A_228 : memref<1x112xi32, #tpu.memory_space<vmem>> -> memref<112xi32, #tpu.memory_space<vmem>>
      %dma_start3A_230 = arith.constant 0 : i32
      %dma_start3A_231 = arith.constant 0 : i32
      %dma_start3A_232 = tpu.memref_slice %arg2[%dma_start3A_230, %dma_start3A_231] : memref<10240x48xf32, #tpu.memory_space<hbm>> -> memref<10240x48xf32, #tpu.memory_space<hbm>>
      tpu.enqueue_indirect_dma source(%dma_start3A_232 : memref<10240x48xf32, #tpu.memory_space<hbm>>) target(%arg10 : memref<112x48xf32, #tpu.memory_space<vmem>>) offsets(%dma_start3A_229 : memref<112xi32, #tpu.memory_space<vmem>>) semaphore(%arg14 : memref<!tpu.dma_semaphore, #tpu.memory_space<semaphore_mem>>)
      %dma_wait3A_233 = arith.constant 5 : i32
      %dma_wait3A_234 = arith.constant 0 : i32
      %dma_wait3A_235 = tpu.memref_slice %arg7[%dma_wait3A_233, %dma_wait3A_234] : memref<8x128xi32, #tpu.memory_space<vmem>> -> memref<1x112xi32, #tpu.memory_space<vmem>>
      %dma_wait3A_236 = tpu.memref_squeeze %dma_wait3A_235 : memref<1x112xi32, #tpu.memory_space<vmem>> -> memref<112xi32, #tpu.memory_space<vmem>>
      %dma_wait3A_237 = arith.constant 0 : i32
      %dma_wait3A_238 = arith.constant 0 : i32
      %dma_wait3A_239 = tpu.memref_slice %arg2[%dma_wait3A_237, %dma_wait3A_238] : memref<10240x48xf32, #tpu.memory_space<hbm>> -> memref<10240x48xf32, #tpu.memory_space<hbm>>
      tpu.wait_indirect_dma semaphore(%arg15 : memref<!tpu.dma_semaphore, #tpu.memory_space<semaphore_mem>>) src(%dma_wait3A_239 : memref<10240x48xf32, #tpu.memory_space<hbm>>) dst(%arg11 : memref<112x48xf32, #tpu.memory_space<vmem>>)
      %dma_start3A_240 = arith.constant 5 : i32
      %dma_start3A_241 = arith.constant 0 : i32
      %dma_start3A_242 = tpu.memref_slice %arg8[%dma_start3A_240, %dma_start3A_241] : memref<8x128xi32, #tpu.memory_space<vmem>> -> memref<1x112xi32, #tpu.memory_space<vmem>>
      %dma_start3A_243 = tpu.memref_squeeze %dma_start3A_242 : memref<1x112xi32, #tpu.memory_space<vmem>> -> memref<112xi32, #tpu.memory_space<vmem>>
      %dma_start3A_244 = arith.constant 0 : i32
      %dma_start3A_245 = arith.constant 0 : i32
      %dma_start3A_246 = tpu.memref_slice %arg12[%dma_start3A_244, %dma_start3A_245] : memref<10240x48xf32, #tpu.memory_space<vmem_shared>> -> memref<10240x48xf32, #tpu.memory_space<vmem_shared>>
      tpu.enqueue_indirect_dma source(%arg11 : memref<112x48xf32, #tpu.memory_space<vmem>>) target(%dma_start3A_246 : memref<10240x48xf32, #tpu.memory_space<vmem_shared>>) offsets(%dma_start3A_243 : memref<112xi32, #tpu.memory_space<vmem>>) semaphore(%arg18 : memref<!tpu.dma_semaphore, #tpu.memory_space<semaphore_mem>>) {add = true}
      %dma_wait3A_247 = arith.constant 6 : i32
      %dma_wait3A_248 = arith.constant 0 : i32
      %dma_wait3A_249 = tpu.memref_slice %arg7[%dma_wait3A_247, %dma_wait3A_248] : memref<8x128xi32, #tpu.memory_space<vmem>> -> memref<1x112xi32, #tpu.memory_space<vmem>>
      %dma_wait3A_250 = tpu.memref_squeeze %dma_wait3A_249 : memref<1x112xi32, #tpu.memory_space<vmem>> -> memref<112xi32, #tpu.memory_space<vmem>>
      %dma_wait3A_251 = arith.constant 0 : i32
      %dma_wait3A_252 = arith.constant 0 : i32
      %dma_wait3A_253 = tpu.memref_slice %arg2[%dma_wait3A_251, %dma_wait3A_252] : memref<10240x48xf32, #tpu.memory_space<hbm>> -> memref<10240x48xf32, #tpu.memory_space<hbm>>
      tpu.wait_indirect_dma semaphore(%arg13 : memref<!tpu.dma_semaphore, #tpu.memory_space<semaphore_mem>>) src(%dma_wait3A_253 : memref<10240x48xf32, #tpu.memory_space<hbm>>) dst(%arg9 : memref<112x48xf32, #tpu.memory_space<vmem>>)
      %dma_wait3A_254 = arith.constant 5 : i32
      %dma_wait3A_255 = arith.constant 0 : i32
      %dma_wait3A_256 = tpu.memref_slice %arg8[%dma_wait3A_254, %dma_wait3A_255] : memref<8x128xi32, #tpu.memory_space<vmem>> -> memref<1x112xi32, #tpu.memory_space<vmem>>
      %dma_wait3A_257 = tpu.memref_squeeze %dma_wait3A_256 : memref<1x112xi32, #tpu.memory_space<vmem>> -> memref<112xi32, #tpu.memory_space<vmem>>
      %dma_wait3A_258 = arith.constant 0 : i32
      %dma_wait3A_259 = arith.constant 0 : i32
      %dma_wait3A_260 = tpu.memref_slice %arg12[%dma_wait3A_258, %dma_wait3A_259] : memref<10240x48xf32, #tpu.memory_space<vmem_shared>> -> memref<10240x48xf32, #tpu.memory_space<vmem_shared>>
      tpu.wait_indirect_dma semaphore(%arg18 : memref<!tpu.dma_semaphore, #tpu.memory_space<semaphore_mem>>) src(%arg11 : memref<112x48xf32, #tpu.memory_space<vmem>>) dst(%dma_wait3A_260 : memref<10240x48xf32, #tpu.memory_space<vmem_shared>>)
      %dma_start3A_261 = arith.constant 6 : i32
      %dma_start3A_262 = arith.constant 0 : i32
      %dma_start3A_263 = tpu.memref_slice %arg8[%dma_start3A_261, %dma_start3A_262] : memref<8x128xi32, #tpu.memory_space<vmem>> -> memref<1x112xi32, #tpu.memory_space<vmem>>
      %dma_start3A_264 = tpu.memref_squeeze %dma_start3A_263 : memref<1x112xi32, #tpu.memory_space<vmem>> -> memref<112xi32, #tpu.memory_space<vmem>>
      %dma_start3A_265 = arith.constant 0 : i32
      %dma_start3A_266 = arith.constant 0 : i32
      %dma_start3A_267 = tpu.memref_slice %arg12[%dma_start3A_265, %dma_start3A_266] : memref<10240x48xf32, #tpu.memory_space<vmem_shared>> -> memref<10240x48xf32, #tpu.memory_space<vmem_shared>>
      tpu.enqueue_indirect_dma source(%arg9 : memref<112x48xf32, #tpu.memory_space<vmem>>) target(%dma_start3A_267 : memref<10240x48xf32, #tpu.memory_space<vmem_shared>>) offsets(%dma_start3A_264 : memref<112xi32, #tpu.memory_space<vmem>>) semaphore(%arg16 : memref<!tpu.dma_semaphore, #tpu.memory_space<semaphore_mem>>) {add = true}
      %dma_wait3A_268 = arith.constant 7 : i32
      %dma_wait3A_269 = arith.constant 0 : i32
      %dma_wait3A_270 = tpu.memref_slice %arg7[%dma_wait3A_268, %dma_wait3A_269] : memref<8x128xi32, #tpu.memory_space<vmem>> -> memref<1x112xi32, #tpu.memory_space<vmem>>
      %dma_wait3A_271 = tpu.memref_squeeze %dma_wait3A_270 : memref<1x112xi32, #tpu.memory_space<vmem>> -> memref<112xi32, #tpu.memory_space<vmem>>
      %dma_wait3A_272 = arith.constant 0 : i32
      %dma_wait3A_273 = arith.constant 0 : i32
      %dma_wait3A_274 = tpu.memref_slice %arg2[%dma_wait3A_272, %dma_wait3A_273] : memref<10240x48xf32, #tpu.memory_space<hbm>> -> memref<10240x48xf32, #tpu.memory_space<hbm>>
      tpu.wait_indirect_dma semaphore(%arg14 : memref<!tpu.dma_semaphore, #tpu.memory_space<semaphore_mem>>) src(%dma_wait3A_274 : memref<10240x48xf32, #tpu.memory_space<hbm>>) dst(%arg10 : memref<112x48xf32, #tpu.memory_space<vmem>>)
      %dma_wait3A_275 = arith.constant 6 : i32
      %dma_wait3A_276 = arith.constant 0 : i32
      %dma_wait3A_277 = tpu.memref_slice %arg8[%dma_wait3A_275, %dma_wait3A_276] : memref<8x128xi32, #tpu.memory_space<vmem>> -> memref<1x112xi32, #tpu.memory_space<vmem>>
      %dma_wait3A_278 = tpu.memref_squeeze %dma_wait3A_277 : memref<1x112xi32, #tpu.memory_space<vmem>> -> memref<112xi32, #tpu.memory_space<vmem>>
      %dma_wait3A_279 = arith.constant 0 : i32
      %dma_wait3A_280 = arith.constant 0 : i32
      %dma_wait3A_281 = tpu.memref_slice %arg12[%dma_wait3A_279, %dma_wait3A_280] : memref<10240x48xf32, #tpu.memory_space<vmem_shared>> -> memref<10240x48xf32, #tpu.memory_space<vmem_shared>>
      tpu.wait_indirect_dma semaphore(%arg16 : memref<!tpu.dma_semaphore, #tpu.memory_space<semaphore_mem>>) src(%arg9 : memref<112x48xf32, #tpu.memory_space<vmem>>) dst(%dma_wait3A_281 : memref<10240x48xf32, #tpu.memory_space<vmem_shared>>)
      %dma_start3A_282 = arith.constant 7 : i32
      %dma_start3A_283 = arith.constant 0 : i32
      %dma_start3A_284 = tpu.memref_slice %arg8[%dma_start3A_282, %dma_start3A_283] : memref<8x128xi32, #tpu.memory_space<vmem>> -> memref<1x112xi32, #tpu.memory_space<vmem>>
      %dma_start3A_285 = tpu.memref_squeeze %dma_start3A_284 : memref<1x112xi32, #tpu.memory_space<vmem>> -> memref<112xi32, #tpu.memory_space<vmem>>
      %dma_start3A_286 = arith.constant 0 : i32
      %dma_start3A_287 = arith.constant 0 : i32
      %dma_start3A_288 = tpu.memref_slice %arg12[%dma_start3A_286, %dma_start3A_287] : memref<10240x48xf32, #tpu.memory_space<vmem_shared>> -> memref<10240x48xf32, #tpu.memory_space<vmem_shared>>
      tpu.enqueue_indirect_dma source(%arg10 : memref<112x48xf32, #tpu.memory_space<vmem>>) target(%dma_start3A_288 : memref<10240x48xf32, #tpu.memory_space<vmem_shared>>) offsets(%dma_start3A_285 : memref<112xi32, #tpu.memory_space<vmem>>) semaphore(%arg17 : memref<!tpu.dma_semaphore, #tpu.memory_space<semaphore_mem>>) {add = true}
      %dma_wait3A_289 = arith.constant 7 : i32
      %dma_wait3A_290 = arith.constant 0 : i32
      %dma_wait3A_291 = tpu.memref_slice %arg8[%dma_wait3A_289, %dma_wait3A_290] : memref<8x128xi32, #tpu.memory_space<vmem>> -> memref<1x112xi32, #tpu.memory_space<vmem>>
      %dma_wait3A_292 = tpu.memref_squeeze %dma_wait3A_291 : memref<1x112xi32, #tpu.memory_space<vmem>> -> memref<112xi32, #tpu.memory_space<vmem>>
      %dma_wait3A_293 = arith.constant 0 : i32
      %dma_wait3A_294 = arith.constant 0 : i32
      %dma_wait3A_295 = tpu.memref_slice %arg12[%dma_wait3A_293, %dma_wait3A_294] : memref<10240x48xf32, #tpu.memory_space<vmem_shared>> -> memref<10240x48xf32, #tpu.memory_space<vmem_shared>>
      tpu.wait_indirect_dma semaphore(%arg17 : memref<!tpu.dma_semaphore, #tpu.memory_space<semaphore_mem>>) src(%arg10 : memref<112x48xf32, #tpu.memory_space<vmem>>) dst(%dma_wait3A_295 : memref<10240x48xf32, #tpu.memory_space<vmem_shared>>)
    }
    %scan3A_27 = arith.constant 10 : i32
    %barrier3A_28 = arith.constant 0 : index
    tpu.barrier barrier_id(%barrier3A_28)
    %add3A_29 = arith.constant 0 : i32
    %add3A_30 = arith.addi %mul3A_2, %add3A_29 : i32
    "tpu.region"() ({
      %run_scoped3A = tpu.sem_alloc : memref<!tpu.dma_semaphore, #tpu.memory_space<semaphore_mem>>
      %dma_start3A = arith.constant 0 : i32
      %dma_start3A_69 = arith.constant 0 : i32
      %dma_start3A_70 = tpu.memref_slice %arg9[%dma_start3A, %dma_start3A_69] : memref<112x48xf32, #tpu.memory_space<vmem>> -> memref<64x48xf32, #tpu.memory_space<vmem>>
      %dma_start3A_71 = arith.constant 0 : i32
      %dma_start3A_72 = tpu.memref_slice %arg12[%add3A_30, %dma_start3A_71] : memref<10240x48xf32, #tpu.memory_space<vmem_shared>> -> memref<64x48xf32, #tpu.memory_space<vmem_shared>>
      %dma_start3A_73 = arith.constant 0 : i32
      %dma_start3A_74 = arith.constant 0 : i32
      %dma_start3A_75 = tpu.memref_slice %arg9[%dma_start3A_73, %dma_start3A_74] : memref<112x48xf32, #tpu.memory_space<vmem>> -> memref<64x48xf32, #tpu.memory_space<vmem>>
      %dma_start3A_76 = arith.constant 0 : i32
      %dma_start3A_77 = tpu.memref_slice %arg12[%add3A_30, %dma_start3A_76] : memref<10240x48xf32, #tpu.memory_space<vmem_shared>> -> memref<64x48xf32, #tpu.memory_space<vmem_shared>>
      tpu.enqueue_dma source(%dma_start3A_77 : memref<64x48xf32, #tpu.memory_space<vmem_shared>>) target(%dma_start3A_75 : memref<64x48xf32, #tpu.memory_space<vmem>>) target_semaphore(%run_scoped3A : memref<!tpu.dma_semaphore, #tpu.memory_space<semaphore_mem>>)
      %dma_wait3A = arith.constant 0 : i32
      %dma_wait3A_78 = arith.constant 0 : i32
      %dma_wait3A_79 = tpu.memref_slice %arg9[%dma_wait3A, %dma_wait3A_78] : memref<112x48xf32, #tpu.memory_space<vmem>> -> memref<64x48xf32, #tpu.memory_space<vmem>>
      %dma_wait3A_80 = arith.constant 0 : i32
      %dma_wait3A_81 = tpu.memref_slice %arg12[%add3A_30, %dma_wait3A_80] : memref<10240x48xf32, #tpu.memory_space<vmem_shared>> -> memref<64x48xf32, #tpu.memory_space<vmem_shared>>
      %dma_wait3A_82 = arith.constant 0 : i32
      %dma_wait3A_83 = arith.constant 0 : i32
      %dma_wait3A_84 = tpu.memref_slice %arg9[%dma_wait3A_82, %dma_wait3A_83] : memref<112x48xf32, #tpu.memory_space<vmem>> -> memref<64x48xf32, #tpu.memory_space<vmem>>
      %dma_wait3A_85 = arith.constant 0 : i32
      %dma_wait3A_86 = tpu.memref_slice %arg12[%add3A_30, %dma_wait3A_85] : memref<10240x48xf32, #tpu.memory_space<vmem_shared>> -> memref<64x48xf32, #tpu.memory_space<vmem_shared>>
      tpu.wait_dma2 semaphore(%run_scoped3A : memref<!tpu.dma_semaphore, #tpu.memory_space<semaphore_mem>>) src(%dma_wait3A_86 : memref<64x48xf32, #tpu.memory_space<vmem_shared>>) dst(%dma_wait3A_84 : memref<64x48xf32, #tpu.memory_space<vmem>>)
      tpu.yield
    }) : () -> ()
    %add3A_31 = arith.constant 0 : i32
    %add3A_32 = arith.addi %mul3A_2, %add3A_31 : i32
    "tpu.region"() ({
      %run_scoped3A = tpu.sem_alloc : memref<!tpu.dma_semaphore, #tpu.memory_space<semaphore_mem>>
      %dma_start3A = arith.constant 0 : i32
      %dma_start3A_69 = arith.constant 0 : i32
      %dma_start3A_70 = tpu.memref_slice %arg9[%dma_start3A, %dma_start3A_69] : memref<112x48xf32, #tpu.memory_space<vmem>> -> memref<64x48xf32, #tpu.memory_space<vmem>>
      %dma_start3A_71 = arith.constant 0 : i32
      %dma_start3A_72 = tpu.memref_slice %arg6[%arg0, %add3A_32, %dma_start3A_71] : memref<2x10240x48xf32, #tpu.memory_space<hbm>> -> memref<1x64x48xf32, #tpu.memory_space<hbm>>
      %dma_start3A_73 = tpu.memref_squeeze %dma_start3A_72 : memref<1x64x48xf32, #tpu.memory_space<hbm>> -> memref<64x48xf32, #tpu.memory_space<hbm>>
      %dma_start3A_74 = arith.constant 0 : i32
      %dma_start3A_75 = tpu.memref_slice %arg6[%arg0, %add3A_32, %dma_start3A_74] : memref<2x10240x48xf32, #tpu.memory_space<hbm>> -> memref<1x64x48xf32, #tpu.memory_space<hbm>>
      %dma_start3A_76 = tpu.memref_squeeze %dma_start3A_75 : memref<1x64x48xf32, #tpu.memory_space<hbm>> -> memref<64x48xf32, #tpu.memory_space<hbm>>
      %dma_start3A_77 = arith.constant 0 : i32
      %dma_start3A_78 = arith.constant 0 : i32
      %dma_start3A_79 = tpu.memref_slice %arg9[%dma_start3A_77, %dma_start3A_78] : memref<112x48xf32, #tpu.memory_space<vmem>> -> memref<64x48xf32, #tpu.memory_space<vmem>>
      tpu.enqueue_dma source(%dma_start3A_79 : memref<64x48xf32, #tpu.memory_space<vmem>>) target(%dma_start3A_76 : memref<64x48xf32, #tpu.memory_space<hbm>>) target_semaphore(%run_scoped3A : memref<!tpu.dma_semaphore, #tpu.memory_space<semaphore_mem>>)
      %dma_wait3A = arith.constant 0 : i32
      %dma_wait3A_80 = arith.constant 0 : i32
      %dma_wait3A_81 = tpu.memref_slice %arg9[%dma_wait3A, %dma_wait3A_80] : memref<112x48xf32, #tpu.memory_space<vmem>> -> memref<64x48xf32, #tpu.memory_space<vmem>>
      %dma_wait3A_82 = arith.constant 0 : i32
      %dma_wait3A_83 = tpu.memref_slice %arg6[%arg0, %add3A_32, %dma_wait3A_82] : memref<2x10240x48xf32, #tpu.memory_space<hbm>> -> memref<1x64x48xf32, #tpu.memory_space<hbm>>
      %dma_wait3A_84 = tpu.memref_squeeze %dma_wait3A_83 : memref<1x64x48xf32, #tpu.memory_space<hbm>> -> memref<64x48xf32, #tpu.memory_space<hbm>>
      %dma_wait3A_85 = arith.constant 0 : i32
      %dma_wait3A_86 = tpu.memref_slice %arg6[%arg0, %add3A_32, %dma_wait3A_85] : memref<2x10240x48xf32, #tpu.memory_space<hbm>> -> memref<1x64x48xf32, #tpu.memory_space<hbm>>
      %dma_wait3A_87 = tpu.memref_squeeze %dma_wait3A_86 : memref<1x64x48xf32, #tpu.memory_space<hbm>> -> memref<64x48xf32, #tpu.memory_space<hbm>>
      %dma_wait3A_88 = arith.constant 0 : i32
      %dma_wait3A_89 = arith.constant 0 : i32
      %dma_wait3A_90 = tpu.memref_slice %arg9[%dma_wait3A_88, %dma_wait3A_89] : memref<112x48xf32, #tpu.memory_space<vmem>> -> memref<64x48xf32, #tpu.memory_space<vmem>>
      tpu.wait_dma2 semaphore(%run_scoped3A : memref<!tpu.dma_semaphore, #tpu.memory_space<semaphore_mem>>) src(%dma_wait3A_90 : memref<64x48xf32, #tpu.memory_space<vmem>>) dst(%dma_wait3A_87 : memref<64x48xf32, #tpu.memory_space<hbm>>)
      tpu.yield
    }) : () -> ()
    %add3A_33 = arith.constant 64 : i32
    %add3A_34 = arith.addi %mul3A_2, %add3A_33 : i32
    "tpu.region"() ({
      %run_scoped3A = tpu.sem_alloc : memref<!tpu.dma_semaphore, #tpu.memory_space<semaphore_mem>>
      %dma_start3A = arith.constant 0 : i32
      %dma_start3A_69 = arith.constant 0 : i32
      %dma_start3A_70 = tpu.memref_slice %arg9[%dma_start3A, %dma_start3A_69] : memref<112x48xf32, #tpu.memory_space<vmem>> -> memref<64x48xf32, #tpu.memory_space<vmem>>
      %dma_start3A_71 = arith.constant 0 : i32
      %dma_start3A_72 = tpu.memref_slice %arg12[%add3A_34, %dma_start3A_71] : memref<10240x48xf32, #tpu.memory_space<vmem_shared>> -> memref<64x48xf32, #tpu.memory_space<vmem_shared>>
      %dma_start3A_73 = arith.constant 0 : i32
      %dma_start3A_74 = arith.constant 0 : i32
      %dma_start3A_75 = tpu.memref_slice %arg9[%dma_start3A_73, %dma_start3A_74] : memref<112x48xf32, #tpu.memory_space<vmem>> -> memref<64x48xf32, #tpu.memory_space<vmem>>
      %dma_start3A_76 = arith.constant 0 : i32
      %dma_start3A_77 = tpu.memref_slice %arg12[%add3A_34, %dma_start3A_76] : memref<10240x48xf32, #tpu.memory_space<vmem_shared>> -> memref<64x48xf32, #tpu.memory_space<vmem_shared>>
      tpu.enqueue_dma source(%dma_start3A_77 : memref<64x48xf32, #tpu.memory_space<vmem_shared>>) target(%dma_start3A_75 : memref<64x48xf32, #tpu.memory_space<vmem>>) target_semaphore(%run_scoped3A : memref<!tpu.dma_semaphore, #tpu.memory_space<semaphore_mem>>)
      %dma_wait3A = arith.constant 0 : i32
      %dma_wait3A_78 = arith.constant 0 : i32
      %dma_wait3A_79 = tpu.memref_slice %arg9[%dma_wait3A, %dma_wait3A_78] : memref<112x48xf32, #tpu.memory_space<vmem>> -> memref<64x48xf32, #tpu.memory_space<vmem>>
      %dma_wait3A_80 = arith.constant 0 : i32
      %dma_wait3A_81 = tpu.memref_slice %arg12[%add3A_34, %dma_wait3A_80] : memref<10240x48xf32, #tpu.memory_space<vmem_shared>> -> memref<64x48xf32, #tpu.memory_space<vmem_shared>>
      %dma_wait3A_82 = arith.constant 0 : i32
      %dma_wait3A_83 = arith.constant 0 : i32
      %dma_wait3A_84 = tpu.memref_slice %arg9[%dma_wait3A_82, %dma_wait3A_83] : memref<112x48xf32, #tpu.memory_space<vmem>> -> memref<64x48xf32, #tpu.memory_space<vmem>>
      %dma_wait3A_85 = arith.constant 0 : i32
      %dma_wait3A_86 = tpu.memref_slice %arg12[%add3A_34, %dma_wait3A_85] : memref<10240x48xf32, #tpu.memory_space<vmem_shared>> -> memref<64x48xf32, #tpu.memory_space<vmem_shared>>
      tpu.wait_dma2 semaphore(%run_scoped3A : memref<!tpu.dma_semaphore, #tpu.memory_space<semaphore_mem>>) src(%dma_wait3A_86 : memref<64x48xf32, #tpu.memory_space<vmem_shared>>) dst(%dma_wait3A_84 : memref<64x48xf32, #tpu.memory_space<vmem>>)
      tpu.yield
    }) : () -> ()
    %add3A_35 = arith.constant 64 : i32
    %add3A_36 = arith.addi %mul3A_2, %add3A_35 : i32
    "tpu.region"() ({
      %run_scoped3A = tpu.sem_alloc : memref<!tpu.dma_semaphore, #tpu.memory_space<semaphore_mem>>
      %dma_start3A = arith.constant 0 : i32
      %dma_start3A_69 = arith.constant 0 : i32
      %dma_start3A_70 = tpu.memref_slice %arg9[%dma_start3A, %dma_start3A_69] : memref<112x48xf32, #tpu.memory_space<vmem>> -> memref<64x48xf32, #tpu.memory_space<vmem>>
      %dma_start3A_71 = arith.constant 0 : i32
      %dma_start3A_72 = tpu.memref_slice %arg6[%arg0, %add3A_36, %dma_start3A_71] : memref<2x10240x48xf32, #tpu.memory_space<hbm>> -> memref<1x64x48xf32, #tpu.memory_space<hbm>>
      %dma_start3A_73 = tpu.memref_squeeze %dma_start3A_72 : memref<1x64x48xf32, #tpu.memory_space<hbm>> -> memref<64x48xf32, #tpu.memory_space<hbm>>
      %dma_start3A_74 = arith.constant 0 : i32
      %dma_start3A_75 = tpu.memref_slice %arg6[%arg0, %add3A_36, %dma_start3A_74] : memref<2x10240x48xf32, #tpu.memory_space<hbm>> -> memref<1x64x48xf32, #tpu.memory_space<hbm>>
      %dma_start3A_76 = tpu.memref_squeeze %dma_start3A_75 : memref<1x64x48xf32, #tpu.memory_space<hbm>> -> memref<64x48xf32, #tpu.memory_space<hbm>>
      %dma_start3A_77 = arith.constant 0 : i32
      %dma_start3A_78 = arith.constant 0 : i32
      %dma_start3A_79 = tpu.memref_slice %arg9[%dma_start3A_77, %dma_start3A_78] : memref<112x48xf32, #tpu.memory_space<vmem>> -> memref<64x48xf32, #tpu.memory_space<vmem>>
      tpu.enqueue_dma source(%dma_start3A_79 : memref<64x48xf32, #tpu.memory_space<vmem>>) target(%dma_start3A_76 : memref<64x48xf32, #tpu.memory_space<hbm>>) target_semaphore(%run_scoped3A : memref<!tpu.dma_semaphore, #tpu.memory_space<semaphore_mem>>)
      %dma_wait3A = arith.constant 0 : i32
      %dma_wait3A_80 = arith.constant 0 : i32
      %dma_wait3A_81 = tpu.memref_slice %arg9[%dma_wait3A, %dma_wait3A_80] : memref<112x48xf32, #tpu.memory_space<vmem>> -> memref<64x48xf32, #tpu.memory_space<vmem>>
      %dma_wait3A_82 = arith.constant 0 : i32
      %dma_wait3A_83 = tpu.memref_slice %arg6[%arg0, %add3A_36, %dma_wait3A_82] : memref<2x10240x48xf32, #tpu.memory_space<hbm>> -> memref<1x64x48xf32, #tpu.memory_space<hbm>>
      %dma_wait3A_84 = tpu.memref_squeeze %dma_wait3A_83 : memref<1x64x48xf32, #tpu.memory_space<hbm>> -> memref<64x48xf32, #tpu.memory_space<hbm>>
      %dma_wait3A_85 = arith.constant 0 : i32
      %dma_wait3A_86 = tpu.memref_slice %arg6[%arg0, %add3A_36, %dma_wait3A_85] : memref<2x10240x48xf32, #tpu.memory_space<hbm>> -> memref<1x64x48xf32, #tpu.memory_space<hbm>>
      %dma_wait3A_87 = tpu.memref_squeeze %dma_wait3A_86 : memref<1x64x48xf32, #tpu.memory_space<hbm>> -> memref<64x48xf32, #tpu.memory_space<hbm>>
      %dma_wait3A_88 = arith.constant 0 : i32
      %dma_wait3A_89 = arith.constant 0 : i32
      %dma_wait3A_90 = tpu.memref_slice %arg9[%dma_wait3A_88, %dma_wait3A_89] : memref<112x48xf32, #tpu.memory_space<vmem>> -> memref<64x48xf32, #tpu.memory_space<vmem>>
      tpu.wait_dma2 semaphore(%run_scoped3A : memref<!tpu.dma_semaphore, #tpu.memory_space<semaphore_mem>>) src(%dma_wait3A_90 : memref<64x48xf32, #tpu.memory_space<vmem>>) dst(%dma_wait3A_87 : memref<64x48xf32, #tpu.memory_space<hbm>>)
      tpu.yield
    }) : () -> ()
    %add3A_37 = arith.constant 128 : i32
    %add3A_38 = arith.addi %mul3A_2, %add3A_37 : i32
    "tpu.region"() ({
      %run_scoped3A = tpu.sem_alloc : memref<!tpu.dma_semaphore, #tpu.memory_space<semaphore_mem>>
      %dma_start3A = arith.constant 0 : i32
      %dma_start3A_69 = arith.constant 0 : i32
      %dma_start3A_70 = tpu.memref_slice %arg9[%dma_start3A, %dma_start3A_69] : memref<112x48xf32, #tpu.memory_space<vmem>> -> memref<64x48xf32, #tpu.memory_space<vmem>>
      %dma_start3A_71 = arith.constant 0 : i32
      %dma_start3A_72 = tpu.memref_slice %arg12[%add3A_38, %dma_start3A_71] : memref<10240x48xf32, #tpu.memory_space<vmem_shared>> -> memref<64x48xf32, #tpu.memory_space<vmem_shared>>
      %dma_start3A_73 = arith.constant 0 : i32
      %dma_start3A_74 = arith.constant 0 : i32
      %dma_start3A_75 = tpu.memref_slice %arg9[%dma_start3A_73, %dma_start3A_74] : memref<112x48xf32, #tpu.memory_space<vmem>> -> memref<64x48xf32, #tpu.memory_space<vmem>>
      %dma_start3A_76 = arith.constant 0 : i32
      %dma_start3A_77 = tpu.memref_slice %arg12[%add3A_38, %dma_start3A_76] : memref<10240x48xf32, #tpu.memory_space<vmem_shared>> -> memref<64x48xf32, #tpu.memory_space<vmem_shared>>
      tpu.enqueue_dma source(%dma_start3A_77 : memref<64x48xf32, #tpu.memory_space<vmem_shared>>) target(%dma_start3A_75 : memref<64x48xf32, #tpu.memory_space<vmem>>) target_semaphore(%run_scoped3A : memref<!tpu.dma_semaphore, #tpu.memory_space<semaphore_mem>>)
      %dma_wait3A = arith.constant 0 : i32
      %dma_wait3A_78 = arith.constant 0 : i32
      %dma_wait3A_79 = tpu.memref_slice %arg9[%dma_wait3A, %dma_wait3A_78] : memref<112x48xf32, #tpu.memory_space<vmem>> -> memref<64x48xf32, #tpu.memory_space<vmem>>
      %dma_wait3A_80 = arith.constant 0 : i32
      %dma_wait3A_81 = tpu.memref_slice %arg12[%add3A_38, %dma_wait3A_80] : memref<10240x48xf32, #tpu.memory_space<vmem_shared>> -> memref<64x48xf32, #tpu.memory_space<vmem_shared>>
      %dma_wait3A_82 = arith.constant 0 : i32
      %dma_wait3A_83 = arith.constant 0 : i32
      %dma_wait3A_84 = tpu.memref_slice %arg9[%dma_wait3A_82, %dma_wait3A_83] : memref<112x48xf32, #tpu.memory_space<vmem>> -> memref<64x48xf32, #tpu.memory_space<vmem>>
      %dma_wait3A_85 = arith.constant 0 : i32
      %dma_wait3A_86 = tpu.memref_slice %arg12[%add3A_38, %dma_wait3A_85] : memref<10240x48xf32, #tpu.memory_space<vmem_shared>> -> memref<64x48xf32, #tpu.memory_space<vmem_shared>>
      tpu.wait_dma2 semaphore(%run_scoped3A : memref<!tpu.dma_semaphore, #tpu.memory_space<semaphore_mem>>) src(%dma_wait3A_86 : memref<64x48xf32, #tpu.memory_space<vmem_shared>>) dst(%dma_wait3A_84 : memref<64x48xf32, #tpu.memory_space<vmem>>)
      tpu.yield
    }) : () -> ()
    %add3A_39 = arith.constant 128 : i32
    %add3A_40 = arith.addi %mul3A_2, %add3A_39 : i32
    "tpu.region"() ({
      %run_scoped3A = tpu.sem_alloc : memref<!tpu.dma_semaphore, #tpu.memory_space<semaphore_mem>>
      %dma_start3A = arith.constant 0 : i32
      %dma_start3A_69 = arith.constant 0 : i32
      %dma_start3A_70 = tpu.memref_slice %arg9[%dma_start3A, %dma_start3A_69] : memref<112x48xf32, #tpu.memory_space<vmem>> -> memref<64x48xf32, #tpu.memory_space<vmem>>
      %dma_start3A_71 = arith.constant 0 : i32
      %dma_start3A_72 = tpu.memref_slice %arg6[%arg0, %add3A_40, %dma_start3A_71] : memref<2x10240x48xf32, #tpu.memory_space<hbm>> -> memref<1x64x48xf32, #tpu.memory_space<hbm>>
      %dma_start3A_73 = tpu.memref_squeeze %dma_start3A_72 : memref<1x64x48xf32, #tpu.memory_space<hbm>> -> memref<64x48xf32, #tpu.memory_space<hbm>>
      %dma_start3A_74 = arith.constant 0 : i32
      %dma_start3A_75 = tpu.memref_slice %arg6[%arg0, %add3A_40, %dma_start3A_74] : memref<2x10240x48xf32, #tpu.memory_space<hbm>> -> memref<1x64x48xf32, #tpu.memory_space<hbm>>
      %dma_start3A_76 = tpu.memref_squeeze %dma_start3A_75 : memref<1x64x48xf32, #tpu.memory_space<hbm>> -> memref<64x48xf32, #tpu.memory_space<hbm>>
      %dma_start3A_77 = arith.constant 0 : i32
      %dma_start3A_78 = arith.constant 0 : i32
      %dma_start3A_79 = tpu.memref_slice %arg9[%dma_start3A_77, %dma_start3A_78] : memref<112x48xf32, #tpu.memory_space<vmem>> -> memref<64x48xf32, #tpu.memory_space<vmem>>
      tpu.enqueue_dma source(%dma_start3A_79 : memref<64x48xf32, #tpu.memory_space<vmem>>) target(%dma_start3A_76 : memref<64x48xf32, #tpu.memory_space<hbm>>) target_semaphore(%run_scoped3A : memref<!tpu.dma_semaphore, #tpu.memory_space<semaphore_mem>>)
      %dma_wait3A = arith.constant 0 : i32
      %dma_wait3A_80 = arith.constant 0 : i32
      %dma_wait3A_81 = tpu.memref_slice %arg9[%dma_wait3A, %dma_wait3A_80] : memref<112x48xf32, #tpu.memory_space<vmem>> -> memref<64x48xf32, #tpu.memory_space<vmem>>
      %dma_wait3A_82 = arith.constant 0 : i32
      %dma_wait3A_83 = tpu.memref_slice %arg6[%arg0, %add3A_40, %dma_wait3A_82] : memref<2x10240x48xf32, #tpu.memory_space<hbm>> -> memref<1x64x48xf32, #tpu.memory_space<hbm>>
      %dma_wait3A_84 = tpu.memref_squeeze %dma_wait3A_83 : memref<1x64x48xf32, #tpu.memory_space<hbm>> -> memref<64x48xf32, #tpu.memory_space<hbm>>
      %dma_wait3A_85 = arith.constant 0 : i32
      %dma_wait3A_86 = tpu.memref_slice %arg6[%arg0, %add3A_40, %dma_wait3A_85] : memref<2x10240x48xf32, #tpu.memory_space<hbm>> -> memref<1x64x48xf32, #tpu.memory_space<hbm>>
      %dma_wait3A_87 = tpu.memref_squeeze %dma_wait3A_86 : memref<1x64x48xf32, #tpu.memory_space<hbm>> -> memref<64x48xf32, #tpu.memory_space<hbm>>
      %dma_wait3A_88 = arith.constant 0 : i32
      %dma_wait3A_89 = arith.constant 0 : i32
      %dma_wait3A_90 = tpu.memref_slice %arg9[%dma_wait3A_88, %dma_wait3A_89] : memref<112x48xf32, #tpu.memory_space<vmem>> -> memref<64x48xf32, #tpu.memory_space<vmem>>
      tpu.wait_dma2 semaphore(%run_scoped3A : memref<!tpu.dma_semaphore, #tpu.memory_space<semaphore_mem>>) src(%dma_wait3A_90 : memref<64x48xf32, #tpu.memory_space<vmem>>) dst(%dma_wait3A_87 : memref<64x48xf32, #tpu.memory_space<hbm>>)
      tpu.yield
    }) : () -> ()
    %add3A_41 = arith.constant 192 : i32
    %add3A_42 = arith.addi %mul3A_2, %add3A_41 : i32
    "tpu.region"() ({
      %run_scoped3A = tpu.sem_alloc : memref<!tpu.dma_semaphore, #tpu.memory_space<semaphore_mem>>
      %dma_start3A = arith.constant 0 : i32
      %dma_start3A_69 = arith.constant 0 : i32
      %dma_start3A_70 = tpu.memref_slice %arg9[%dma_start3A, %dma_start3A_69] : memref<112x48xf32, #tpu.memory_space<vmem>> -> memref<64x48xf32, #tpu.memory_space<vmem>>
      %dma_start3A_71 = arith.constant 0 : i32
      %dma_start3A_72 = tpu.memref_slice %arg12[%add3A_42, %dma_start3A_71] : memref<10240x48xf32, #tpu.memory_space<vmem_shared>> -> memref<64x48xf32, #tpu.memory_space<vmem_shared>>
      %dma_start3A_73 = arith.constant 0 : i32
      %dma_start3A_74 = arith.constant 0 : i32
      %dma_start3A_75 = tpu.memref_slice %arg9[%dma_start3A_73, %dma_start3A_74] : memref<112x48xf32, #tpu.memory_space<vmem>> -> memref<64x48xf32, #tpu.memory_space<vmem>>
      %dma_start3A_76 = arith.constant 0 : i32
      %dma_start3A_77 = tpu.memref_slice %arg12[%add3A_42, %dma_start3A_76] : memref<10240x48xf32, #tpu.memory_space<vmem_shared>> -> memref<64x48xf32, #tpu.memory_space<vmem_shared>>
      tpu.enqueue_dma source(%dma_start3A_77 : memref<64x48xf32, #tpu.memory_space<vmem_shared>>) target(%dma_start3A_75 : memref<64x48xf32, #tpu.memory_space<vmem>>) target_semaphore(%run_scoped3A : memref<!tpu.dma_semaphore, #tpu.memory_space<semaphore_mem>>)
      %dma_wait3A = arith.constant 0 : i32
      %dma_wait3A_78 = arith.constant 0 : i32
      %dma_wait3A_79 = tpu.memref_slice %arg9[%dma_wait3A, %dma_wait3A_78] : memref<112x48xf32, #tpu.memory_space<vmem>> -> memref<64x48xf32, #tpu.memory_space<vmem>>
      %dma_wait3A_80 = arith.constant 0 : i32
      %dma_wait3A_81 = tpu.memref_slice %arg12[%add3A_42, %dma_wait3A_80] : memref<10240x48xf32, #tpu.memory_space<vmem_shared>> -> memref<64x48xf32, #tpu.memory_space<vmem_shared>>
      %dma_wait3A_82 = arith.constant 0 : i32
      %dma_wait3A_83 = arith.constant 0 : i32
      %dma_wait3A_84 = tpu.memref_slice %arg9[%dma_wait3A_82, %dma_wait3A_83] : memref<112x48xf32, #tpu.memory_space<vmem>> -> memref<64x48xf32, #tpu.memory_space<vmem>>
      %dma_wait3A_85 = arith.constant 0 : i32
      %dma_wait3A_86 = tpu.memref_slice %arg12[%add3A_42, %dma_wait3A_85] : memref<10240x48xf32, #tpu.memory_space<vmem_shared>> -> memref<64x48xf32, #tpu.memory_space<vmem_shared>>
      tpu.wait_dma2 semaphore(%run_scoped3A : memref<!tpu.dma_semaphore, #tpu.memory_space<semaphore_mem>>) src(%dma_wait3A_86 : memref<64x48xf32, #tpu.memory_space<vmem_shared>>) dst(%dma_wait3A_84 : memref<64x48xf32, #tpu.memory_space<vmem>>)
      tpu.yield
    }) : () -> ()
    %add3A_43 = arith.constant 192 : i32
    %add3A_44 = arith.addi %mul3A_2, %add3A_43 : i32
    "tpu.region"() ({
      %run_scoped3A = tpu.sem_alloc : memref<!tpu.dma_semaphore, #tpu.memory_space<semaphore_mem>>
      %dma_start3A = arith.constant 0 : i32
      %dma_start3A_69 = arith.constant 0 : i32
      %dma_start3A_70 = tpu.memref_slice %arg9[%dma_start3A, %dma_start3A_69] : memref<112x48xf32, #tpu.memory_space<vmem>> -> memref<64x48xf32, #tpu.memory_space<vmem>>
      %dma_start3A_71 = arith.constant 0 : i32
      %dma_start3A_72 = tpu.memref_slice %arg6[%arg0, %add3A_44, %dma_start3A_71] : memref<2x10240x48xf32, #tpu.memory_space<hbm>> -> memref<1x64x48xf32, #tpu.memory_space<hbm>>
      %dma_start3A_73 = tpu.memref_squeeze %dma_start3A_72 : memref<1x64x48xf32, #tpu.memory_space<hbm>> -> memref<64x48xf32, #tpu.memory_space<hbm>>
      %dma_start3A_74 = arith.constant 0 : i32
      %dma_start3A_75 = tpu.memref_slice %arg6[%arg0, %add3A_44, %dma_start3A_74] : memref<2x10240x48xf32, #tpu.memory_space<hbm>> -> memref<1x64x48xf32, #tpu.memory_space<hbm>>
      %dma_start3A_76 = tpu.memref_squeeze %dma_start3A_75 : memref<1x64x48xf32, #tpu.memory_space<hbm>> -> memref<64x48xf32, #tpu.memory_space<hbm>>
      %dma_start3A_77 = arith.constant 0 : i32
      %dma_start3A_78 = arith.constant 0 : i32
      %dma_start3A_79 = tpu.memref_slice %arg9[%dma_start3A_77, %dma_start3A_78] : memref<112x48xf32, #tpu.memory_space<vmem>> -> memref<64x48xf32, #tpu.memory_space<vmem>>
      tpu.enqueue_dma source(%dma_start3A_79 : memref<64x48xf32, #tpu.memory_space<vmem>>) target(%dma_start3A_76 : memref<64x48xf32, #tpu.memory_space<hbm>>) target_semaphore(%run_scoped3A : memref<!tpu.dma_semaphore, #tpu.memory_space<semaphore_mem>>)
      %dma_wait3A = arith.constant 0 : i32
      %dma_wait3A_80 = arith.constant 0 : i32
      %dma_wait3A_81 = tpu.memref_slice %arg9[%dma_wait3A, %dma_wait3A_80] : memref<112x48xf32, #tpu.memory_space<vmem>> -> memref<64x48xf32, #tpu.memory_space<vmem>>
      %dma_wait3A_82 = arith.constant 0 : i32
      %dma_wait3A_83 = tpu.memref_slice %arg6[%arg0, %add3A_44, %dma_wait3A_82] : memref<2x10240x48xf32, #tpu.memory_space<hbm>> -> memref<1x64x48xf32, #tpu.memory_space<hbm>>
      %dma_wait3A_84 = tpu.memref_squeeze %dma_wait3A_83 : memref<1x64x48xf32, #tpu.memory_space<hbm>> -> memref<64x48xf32, #tpu.memory_space<hbm>>
      %dma_wait3A_85 = arith.constant 0 : i32
      %dma_wait3A_86 = tpu.memref_slice %arg6[%arg0, %add3A_44, %dma_wait3A_85] : memref<2x10240x48xf32, #tpu.memory_space<hbm>> -> memref<1x64x48xf32, #tpu.memory_space<hbm>>
      %dma_wait3A_87 = tpu.memref_squeeze %dma_wait3A_86 : memref<1x64x48xf32, #tpu.memory_space<hbm>> -> memref<64x48xf32, #tpu.memory_space<hbm>>
      %dma_wait3A_88 = arith.constant 0 : i32
      %dma_wait3A_89 = arith.constant 0 : i32
      %dma_wait3A_90 = tpu.memref_slice %arg9[%dma_wait3A_88, %dma_wait3A_89] : memref<112x48xf32, #tpu.memory_space<vmem>> -> memref<64x48xf32, #tpu.memory_space<vmem>>
      tpu.wait_dma2 semaphore(%run_scoped3A : memref<!tpu.dma_semaphore, #tpu.memory_space<semaphore_mem>>) src(%dma_wait3A_90 : memref<64x48xf32, #tpu.memory_space<vmem>>) dst(%dma_wait3A_87 : memref<64x48xf32, #tpu.memory_space<hbm>>)
      tpu.yield
    }) : () -> ()
    %add3A_45 = arith.constant 256 : i32
    %add3A_46 = arith.addi %mul3A_2, %add3A_45 : i32
    "tpu.region"() ({
      %run_scoped3A = tpu.sem_alloc : memref<!tpu.dma_semaphore, #tpu.memory_space<semaphore_mem>>
      %dma_start3A = arith.constant 0 : i32
      %dma_start3A_69 = arith.constant 0 : i32
      %dma_start3A_70 = tpu.memref_slice %arg9[%dma_start3A, %dma_start3A_69] : memref<112x48xf32, #tpu.memory_space<vmem>> -> memref<64x48xf32, #tpu.memory_space<vmem>>
      %dma_start3A_71 = arith.constant 0 : i32
      %dma_start3A_72 = tpu.memref_slice %arg12[%add3A_46, %dma_start3A_71] : memref<10240x48xf32, #tpu.memory_space<vmem_shared>> -> memref<64x48xf32, #tpu.memory_space<vmem_shared>>
      %dma_start3A_73 = arith.constant 0 : i32
      %dma_start3A_74 = arith.constant 0 : i32
      %dma_start3A_75 = tpu.memref_slice %arg9[%dma_start3A_73, %dma_start3A_74] : memref<112x48xf32, #tpu.memory_space<vmem>> -> memref<64x48xf32, #tpu.memory_space<vmem>>
      %dma_start3A_76 = arith.constant 0 : i32
      %dma_start3A_77 = tpu.memref_slice %arg12[%add3A_46, %dma_start3A_76] : memref<10240x48xf32, #tpu.memory_space<vmem_shared>> -> memref<64x48xf32, #tpu.memory_space<vmem_shared>>
      tpu.enqueue_dma source(%dma_start3A_77 : memref<64x48xf32, #tpu.memory_space<vmem_shared>>) target(%dma_start3A_75 : memref<64x48xf32, #tpu.memory_space<vmem>>) target_semaphore(%run_scoped3A : memref<!tpu.dma_semaphore, #tpu.memory_space<semaphore_mem>>)
      %dma_wait3A = arith.constant 0 : i32
      %dma_wait3A_78 = arith.constant 0 : i32
      %dma_wait3A_79 = tpu.memref_slice %arg9[%dma_wait3A, %dma_wait3A_78] : memref<112x48xf32, #tpu.memory_space<vmem>> -> memref<64x48xf32, #tpu.memory_space<vmem>>
      %dma_wait3A_80 = arith.constant 0 : i32
      %dma_wait3A_81 = tpu.memref_slice %arg12[%add3A_46, %dma_wait3A_80] : memref<10240x48xf32, #tpu.memory_space<vmem_shared>> -> memref<64x48xf32, #tpu.memory_space<vmem_shared>>
      %dma_wait3A_82 = arith.constant 0 : i32
      %dma_wait3A_83 = arith.constant 0 : i32
      %dma_wait3A_84 = tpu.memref_slice %arg9[%dma_wait3A_82, %dma_wait3A_83] : memref<112x48xf32, #tpu.memory_space<vmem>> -> memref<64x48xf32, #tpu.memory_space<vmem>>
      %dma_wait3A_85 = arith.constant 0 : i32
      %dma_wait3A_86 = tpu.memref_slice %arg12[%add3A_46, %dma_wait3A_85] : memref<10240x48xf32, #tpu.memory_space<vmem_shared>> -> memref<64x48xf32, #tpu.memory_space<vmem_shared>>
      tpu.wait_dma2 semaphore(%run_scoped3A : memref<!tpu.dma_semaphore, #tpu.memory_space<semaphore_mem>>) src(%dma_wait3A_86 : memref<64x48xf32, #tpu.memory_space<vmem_shared>>) dst(%dma_wait3A_84 : memref<64x48xf32, #tpu.memory_space<vmem>>)
      tpu.yield
    }) : () -> ()
    %add3A_47 = arith.constant 256 : i32
    %add3A_48 = arith.addi %mul3A_2, %add3A_47 : i32
    "tpu.region"() ({
      %run_scoped3A = tpu.sem_alloc : memref<!tpu.dma_semaphore, #tpu.memory_space<semaphore_mem>>
      %dma_start3A = arith.constant 0 : i32
      %dma_start3A_69 = arith.constant 0 : i32
      %dma_start3A_70 = tpu.memref_slice %arg9[%dma_start3A, %dma_start3A_69] : memref<112x48xf32, #tpu.memory_space<vmem>> -> memref<64x48xf32, #tpu.memory_space<vmem>>
      %dma_start3A_71 = arith.constant 0 : i32
      %dma_start3A_72 = tpu.memref_slice %arg6[%arg0, %add3A_48, %dma_start3A_71] : memref<2x10240x48xf32, #tpu.memory_space<hbm>> -> memref<1x64x48xf32, #tpu.memory_space<hbm>>
      %dma_start3A_73 = tpu.memref_squeeze %dma_start3A_72 : memref<1x64x48xf32, #tpu.memory_space<hbm>> -> memref<64x48xf32, #tpu.memory_space<hbm>>
      %dma_start3A_74 = arith.constant 0 : i32
      %dma_start3A_75 = tpu.memref_slice %arg6[%arg0, %add3A_48, %dma_start3A_74] : memref<2x10240x48xf32, #tpu.memory_space<hbm>> -> memref<1x64x48xf32, #tpu.memory_space<hbm>>
      %dma_start3A_76 = tpu.memref_squeeze %dma_start3A_75 : memref<1x64x48xf32, #tpu.memory_space<hbm>> -> memref<64x48xf32, #tpu.memory_space<hbm>>
      %dma_start3A_77 = arith.constant 0 : i32
      %dma_start3A_78 = arith.constant 0 : i32
      %dma_start3A_79 = tpu.memref_slice %arg9[%dma_start3A_77, %dma_start3A_78] : memref<112x48xf32, #tpu.memory_space<vmem>> -> memref<64x48xf32, #tpu.memory_space<vmem>>
      tpu.enqueue_dma source(%dma_start3A_79 : memref<64x48xf32, #tpu.memory_space<vmem>>) target(%dma_start3A_76 : memref<64x48xf32, #tpu.memory_space<hbm>>) target_semaphore(%run_scoped3A : memref<!tpu.dma_semaphore, #tpu.memory_space<semaphore_mem>>)
      %dma_wait3A = arith.constant 0 : i32
      %dma_wait3A_80 = arith.constant 0 : i32
      %dma_wait3A_81 = tpu.memref_slice %arg9[%dma_wait3A, %dma_wait3A_80] : memref<112x48xf32, #tpu.memory_space<vmem>> -> memref<64x48xf32, #tpu.memory_space<vmem>>
      %dma_wait3A_82 = arith.constant 0 : i32
      %dma_wait3A_83 = tpu.memref_slice %arg6[%arg0, %add3A_48, %dma_wait3A_82] : memref<2x10240x48xf32, #tpu.memory_space<hbm>> -> memref<1x64x48xf32, #tpu.memory_space<hbm>>
      %dma_wait3A_84 = tpu.memref_squeeze %dma_wait3A_83 : memref<1x64x48xf32, #tpu.memory_space<hbm>> -> memref<64x48xf32, #tpu.memory_space<hbm>>
      %dma_wait3A_85 = arith.constant 0 : i32
      %dma_wait3A_86 = tpu.memref_slice %arg6[%arg0, %add3A_48, %dma_wait3A_85] : memref<2x10240x48xf32, #tpu.memory_space<hbm>> -> memref<1x64x48xf32, #tpu.memory_space<hbm>>
      %dma_wait3A_87 = tpu.memref_squeeze %dma_wait3A_86 : memref<1x64x48xf32, #tpu.memory_space<hbm>> -> memref<64x48xf32, #tpu.memory_space<hbm>>
      %dma_wait3A_88 = arith.constant 0 : i32
      %dma_wait3A_89 = arith.constant 0 : i32
      %dma_wait3A_90 = tpu.memref_slice %arg9[%dma_wait3A_88, %dma_wait3A_89] : memref<112x48xf32, #tpu.memory_space<vmem>> -> memref<64x48xf32, #tpu.memory_space<vmem>>
      tpu.wait_dma2 semaphore(%run_scoped3A : memref<!tpu.dma_semaphore, #tpu.memory_space<semaphore_mem>>) src(%dma_wait3A_90 : memref<64x48xf32, #tpu.memory_space<vmem>>) dst(%dma_wait3A_87 : memref<64x48xf32, #tpu.memory_space<hbm>>)
      tpu.yield
    }) : () -> ()
    %add3A_49 = arith.constant 320 : i32
    %add3A_50 = arith.addi %mul3A_2, %add3A_49 : i32
    "tpu.region"() ({
      %run_scoped3A = tpu.sem_alloc : memref<!tpu.dma_semaphore, #tpu.memory_space<semaphore_mem>>
      %dma_start3A = arith.constant 0 : i32
      %dma_start3A_69 = arith.constant 0 : i32
      %dma_start3A_70 = tpu.memref_slice %arg9[%dma_start3A, %dma_start3A_69] : memref<112x48xf32, #tpu.memory_space<vmem>> -> memref<64x48xf32, #tpu.memory_space<vmem>>
      %dma_start3A_71 = arith.constant 0 : i32
      %dma_start3A_72 = tpu.memref_slice %arg12[%add3A_50, %dma_start3A_71] : memref<10240x48xf32, #tpu.memory_space<vmem_shared>> -> memref<64x48xf32, #tpu.memory_space<vmem_shared>>
      %dma_start3A_73 = arith.constant 0 : i32
      %dma_start3A_74 = arith.constant 0 : i32
      %dma_start3A_75 = tpu.memref_slice %arg9[%dma_start3A_73, %dma_start3A_74] : memref<112x48xf32, #tpu.memory_space<vmem>> -> memref<64x48xf32, #tpu.memory_space<vmem>>
      %dma_start3A_76 = arith.constant 0 : i32
      %dma_start3A_77 = tpu.memref_slice %arg12[%add3A_50, %dma_start3A_76] : memref<10240x48xf32, #tpu.memory_space<vmem_shared>> -> memref<64x48xf32, #tpu.memory_space<vmem_shared>>
      tpu.enqueue_dma source(%dma_start3A_77 : memref<64x48xf32, #tpu.memory_space<vmem_shared>>) target(%dma_start3A_75 : memref<64x48xf32, #tpu.memory_space<vmem>>) target_semaphore(%run_scoped3A : memref<!tpu.dma_semaphore, #tpu.memory_space<semaphore_mem>>)
      %dma_wait3A = arith.constant 0 : i32
      %dma_wait3A_78 = arith.constant 0 : i32
      %dma_wait3A_79 = tpu.memref_slice %arg9[%dma_wait3A, %dma_wait3A_78] : memref<112x48xf32, #tpu.memory_space<vmem>> -> memref<64x48xf32, #tpu.memory_space<vmem>>
      %dma_wait3A_80 = arith.constant 0 : i32
      %dma_wait3A_81 = tpu.memref_slice %arg12[%add3A_50, %dma_wait3A_80] : memref<10240x48xf32, #tpu.memory_space<vmem_shared>> -> memref<64x48xf32, #tpu.memory_space<vmem_shared>>
      %dma_wait3A_82 = arith.constant 0 : i32
      %dma_wait3A_83 = arith.constant 0 : i32
      %dma_wait3A_84 = tpu.memref_slice %arg9[%dma_wait3A_82, %dma_wait3A_83] : memref<112x48xf32, #tpu.memory_space<vmem>> -> memref<64x48xf32, #tpu.memory_space<vmem>>
      %dma_wait3A_85 = arith.constant 0 : i32
      %dma_wait3A_86 = tpu.memref_slice %arg12[%add3A_50, %dma_wait3A_85] : memref<10240x48xf32, #tpu.memory_space<vmem_shared>> -> memref<64x48xf32, #tpu.memory_space<vmem_shared>>
      tpu.wait_dma2 semaphore(%run_scoped3A : memref<!tpu.dma_semaphore, #tpu.memory_space<semaphore_mem>>) src(%dma_wait3A_86 : memref<64x48xf32, #tpu.memory_space<vmem_shared>>) dst(%dma_wait3A_84 : memref<64x48xf32, #tpu.memory_space<vmem>>)
      tpu.yield
    }) : () -> ()
    %add3A_51 = arith.constant 320 : i32
    %add3A_52 = arith.addi %mul3A_2, %add3A_51 : i32
    "tpu.region"() ({
      %run_scoped3A = tpu.sem_alloc : memref<!tpu.dma_semaphore, #tpu.memory_space<semaphore_mem>>
      %dma_start3A = arith.constant 0 : i32
      %dma_start3A_69 = arith.constant 0 : i32
      %dma_start3A_70 = tpu.memref_slice %arg9[%dma_start3A, %dma_start3A_69] : memref<112x48xf32, #tpu.memory_space<vmem>> -> memref<64x48xf32, #tpu.memory_space<vmem>>
      %dma_start3A_71 = arith.constant 0 : i32
      %dma_start3A_72 = tpu.memref_slice %arg6[%arg0, %add3A_52, %dma_start3A_71] : memref<2x10240x48xf32, #tpu.memory_space<hbm>> -> memref<1x64x48xf32, #tpu.memory_space<hbm>>
      %dma_start3A_73 = tpu.memref_squeeze %dma_start3A_72 : memref<1x64x48xf32, #tpu.memory_space<hbm>> -> memref<64x48xf32, #tpu.memory_space<hbm>>
      %dma_start3A_74 = arith.constant 0 : i32
      %dma_start3A_75 = tpu.memref_slice %arg6[%arg0, %add3A_52, %dma_start3A_74] : memref<2x10240x48xf32, #tpu.memory_space<hbm>> -> memref<1x64x48xf32, #tpu.memory_space<hbm>>
      %dma_start3A_76 = tpu.memref_squeeze %dma_start3A_75 : memref<1x64x48xf32, #tpu.memory_space<hbm>> -> memref<64x48xf32, #tpu.memory_space<hbm>>
      %dma_start3A_77 = arith.constant 0 : i32
      %dma_start3A_78 = arith.constant 0 : i32
      %dma_start3A_79 = tpu.memref_slice %arg9[%dma_start3A_77, %dma_start3A_78] : memref<112x48xf32, #tpu.memory_space<vmem>> -> memref<64x48xf32, #tpu.memory_space<vmem>>
      tpu.enqueue_dma source(%dma_start3A_79 : memref<64x48xf32, #tpu.memory_space<vmem>>) target(%dma_start3A_76 : memref<64x48xf32, #tpu.memory_space<hbm>>) target_semaphore(%run_scoped3A : memref<!tpu.dma_semaphore, #tpu.memory_space<semaphore_mem>>)
      %dma_wait3A = arith.constant 0 : i32
      %dma_wait3A_80 = arith.constant 0 : i32
      %dma_wait3A_81 = tpu.memref_slice %arg9[%dma_wait3A, %dma_wait3A_80] : memref<112x48xf32, #tpu.memory_space<vmem>> -> memref<64x48xf32, #tpu.memory_space<vmem>>
      %dma_wait3A_82 = arith.constant 0 : i32
      %dma_wait3A_83 = tpu.memref_slice %arg6[%arg0, %add3A_52, %dma_wait3A_82] : memref<2x10240x48xf32, #tpu.memory_space<hbm>> -> memref<1x64x48xf32, #tpu.memory_space<hbm>>
      %dma_wait3A_84 = tpu.memref_squeeze %dma_wait3A_83 : memref<1x64x48xf32, #tpu.memory_space<hbm>> -> memref<64x48xf32, #tpu.memory_space<hbm>>
      %dma_wait3A_85 = arith.constant 0 : i32
      %dma_wait3A_86 = tpu.memref_slice %arg6[%arg0, %add3A_52, %dma_wait3A_85] : memref<2x10240x48xf32, #tpu.memory_space<hbm>> -> memref<1x64x48xf32, #tpu.memory_space<hbm>>
      %dma_wait3A_87 = tpu.memref_squeeze %dma_wait3A_86 : memref<1x64x48xf32, #tpu.memory_space<hbm>> -> memref<64x48xf32, #tpu.memory_space<hbm>>
      %dma_wait3A_88 = arith.constant 0 : i32
      %dma_wait3A_89 = arith.constant 0 : i32
      %dma_wait3A_90 = tpu.memref_slice %arg9[%dma_wait3A_88, %dma_wait3A_89] : memref<112x48xf32, #tpu.memory_space<vmem>> -> memref<64x48xf32, #tpu.memory_space<vmem>>
      tpu.wait_dma2 semaphore(%run_scoped3A : memref<!tpu.dma_semaphore, #tpu.memory_space<semaphore_mem>>) src(%dma_wait3A_90 : memref<64x48xf32, #tpu.memory_space<vmem>>) dst(%dma_wait3A_87 : memref<64x48xf32, #tpu.memory_space<hbm>>)
      tpu.yield
    }) : () -> ()
    %add3A_53 = arith.constant 384 : i32
    %add3A_54 = arith.addi %mul3A_2, %add3A_53 : i32
    "tpu.region"() ({
      %run_scoped3A = tpu.sem_alloc : memref<!tpu.dma_semaphore, #tpu.memory_space<semaphore_mem>>
      %dma_start3A = arith.constant 0 : i32
      %dma_start3A_69 = arith.constant 0 : i32
      %dma_start3A_70 = tpu.memref_slice %arg9[%dma_start3A, %dma_start3A_69] : memref<112x48xf32, #tpu.memory_space<vmem>> -> memref<64x48xf32, #tpu.memory_space<vmem>>
      %dma_start3A_71 = arith.constant 0 : i32
      %dma_start3A_72 = tpu.memref_slice %arg12[%add3A_54, %dma_start3A_71] : memref<10240x48xf32, #tpu.memory_space<vmem_shared>> -> memref<64x48xf32, #tpu.memory_space<vmem_shared>>
      %dma_start3A_73 = arith.constant 0 : i32
      %dma_start3A_74 = arith.constant 0 : i32
      %dma_start3A_75 = tpu.memref_slice %arg9[%dma_start3A_73, %dma_start3A_74] : memref<112x48xf32, #tpu.memory_space<vmem>> -> memref<64x48xf32, #tpu.memory_space<vmem>>
      %dma_start3A_76 = arith.constant 0 : i32
      %dma_start3A_77 = tpu.memref_slice %arg12[%add3A_54, %dma_start3A_76] : memref<10240x48xf32, #tpu.memory_space<vmem_shared>> -> memref<64x48xf32, #tpu.memory_space<vmem_shared>>
      tpu.enqueue_dma source(%dma_start3A_77 : memref<64x48xf32, #tpu.memory_space<vmem_shared>>) target(%dma_start3A_75 : memref<64x48xf32, #tpu.memory_space<vmem>>) target_semaphore(%run_scoped3A : memref<!tpu.dma_semaphore, #tpu.memory_space<semaphore_mem>>)
      %dma_wait3A = arith.constant 0 : i32
      %dma_wait3A_78 = arith.constant 0 : i32
      %dma_wait3A_79 = tpu.memref_slice %arg9[%dma_wait3A, %dma_wait3A_78] : memref<112x48xf32, #tpu.memory_space<vmem>> -> memref<64x48xf32, #tpu.memory_space<vmem>>
      %dma_wait3A_80 = arith.constant 0 : i32
      %dma_wait3A_81 = tpu.memref_slice %arg12[%add3A_54, %dma_wait3A_80] : memref<10240x48xf32, #tpu.memory_space<vmem_shared>> -> memref<64x48xf32, #tpu.memory_space<vmem_shared>>
      %dma_wait3A_82 = arith.constant 0 : i32
      %dma_wait3A_83 = arith.constant 0 : i32
      %dma_wait3A_84 = tpu.memref_slice %arg9[%dma_wait3A_82, %dma_wait3A_83] : memref<112x48xf32, #tpu.memory_space<vmem>> -> memref<64x48xf32, #tpu.memory_space<vmem>>
      %dma_wait3A_85 = arith.constant 0 : i32
      %dma_wait3A_86 = tpu.memref_slice %arg12[%add3A_54, %dma_wait3A_85] : memref<10240x48xf32, #tpu.memory_space<vmem_shared>> -> memref<64x48xf32, #tpu.memory_space<vmem_shared>>
      tpu.wait_dma2 semaphore(%run_scoped3A : memref<!tpu.dma_semaphore, #tpu.memory_space<semaphore_mem>>) src(%dma_wait3A_86 : memref<64x48xf32, #tpu.memory_space<vmem_shared>>) dst(%dma_wait3A_84 : memref<64x48xf32, #tpu.memory_space<vmem>>)
      tpu.yield
    }) : () -> ()
    %add3A_55 = arith.constant 384 : i32
    %add3A_56 = arith.addi %mul3A_2, %add3A_55 : i32
    "tpu.region"() ({
      %run_scoped3A = tpu.sem_alloc : memref<!tpu.dma_semaphore, #tpu.memory_space<semaphore_mem>>
      %dma_start3A = arith.constant 0 : i32
      %dma_start3A_69 = arith.constant 0 : i32
      %dma_start3A_70 = tpu.memref_slice %arg9[%dma_start3A, %dma_start3A_69] : memref<112x48xf32, #tpu.memory_space<vmem>> -> memref<64x48xf32, #tpu.memory_space<vmem>>
      %dma_start3A_71 = arith.constant 0 : i32
      %dma_start3A_72 = tpu.memref_slice %arg6[%arg0, %add3A_56, %dma_start3A_71] : memref<2x10240x48xf32, #tpu.memory_space<hbm>> -> memref<1x64x48xf32, #tpu.memory_space<hbm>>
      %dma_start3A_73 = tpu.memref_squeeze %dma_start3A_72 : memref<1x64x48xf32, #tpu.memory_space<hbm>> -> memref<64x48xf32, #tpu.memory_space<hbm>>
      %dma_start3A_74 = arith.constant 0 : i32
      %dma_start3A_75 = tpu.memref_slice %arg6[%arg0, %add3A_56, %dma_start3A_74] : memref<2x10240x48xf32, #tpu.memory_space<hbm>> -> memref<1x64x48xf32, #tpu.memory_space<hbm>>
      %dma_start3A_76 = tpu.memref_squeeze %dma_start3A_75 : memref<1x64x48xf32, #tpu.memory_space<hbm>> -> memref<64x48xf32, #tpu.memory_space<hbm>>
      %dma_start3A_77 = arith.constant 0 : i32
      %dma_start3A_78 = arith.constant 0 : i32
      %dma_start3A_79 = tpu.memref_slice %arg9[%dma_start3A_77, %dma_start3A_78] : memref<112x48xf32, #tpu.memory_space<vmem>> -> memref<64x48xf32, #tpu.memory_space<vmem>>
      tpu.enqueue_dma source(%dma_start3A_79 : memref<64x48xf32, #tpu.memory_space<vmem>>) target(%dma_start3A_76 : memref<64x48xf32, #tpu.memory_space<hbm>>) target_semaphore(%run_scoped3A : memref<!tpu.dma_semaphore, #tpu.memory_space<semaphore_mem>>)
      %dma_wait3A = arith.constant 0 : i32
      %dma_wait3A_80 = arith.constant 0 : i32
      %dma_wait3A_81 = tpu.memref_slice %arg9[%dma_wait3A, %dma_wait3A_80] : memref<112x48xf32, #tpu.memory_space<vmem>> -> memref<64x48xf32, #tpu.memory_space<vmem>>
      %dma_wait3A_82 = arith.constant 0 : i32
      %dma_wait3A_83 = tpu.memref_slice %arg6[%arg0, %add3A_56, %dma_wait3A_82] : memref<2x10240x48xf32, #tpu.memory_space<hbm>> -> memref<1x64x48xf32, #tpu.memory_space<hbm>>
      %dma_wait3A_84 = tpu.memref_squeeze %dma_wait3A_83 : memref<1x64x48xf32, #tpu.memory_space<hbm>> -> memref<64x48xf32, #tpu.memory_space<hbm>>
      %dma_wait3A_85 = arith.constant 0 : i32
      %dma_wait3A_86 = tpu.memref_slice %arg6[%arg0, %add3A_56, %dma_wait3A_85] : memref<2x10240x48xf32, #tpu.memory_space<hbm>> -> memref<1x64x48xf32, #tpu.memory_space<hbm>>
      %dma_wait3A_87 = tpu.memref_squeeze %dma_wait3A_86 : memref<1x64x48xf32, #tpu.memory_space<hbm>> -> memref<64x48xf32, #tpu.memory_space<hbm>>
      %dma_wait3A_88 = arith.constant 0 : i32
      %dma_wait3A_89 = arith.constant 0 : i32
      %dma_wait3A_90 = tpu.memref_slice %arg9[%dma_wait3A_88, %dma_wait3A_89] : memref<112x48xf32, #tpu.memory_space<vmem>> -> memref<64x48xf32, #tpu.memory_space<vmem>>
      tpu.wait_dma2 semaphore(%run_scoped3A : memref<!tpu.dma_semaphore, #tpu.memory_space<semaphore_mem>>) src(%dma_wait3A_90 : memref<64x48xf32, #tpu.memory_space<vmem>>) dst(%dma_wait3A_87 : memref<64x48xf32, #tpu.memory_space<hbm>>)
      tpu.yield
    }) : () -> ()
    %add3A_57 = arith.constant 448 : i32
    %add3A_58 = arith.addi %mul3A_2, %add3A_57 : i32
    "tpu.region"() ({
      %run_scoped3A = tpu.sem_alloc : memref<!tpu.dma_semaphore, #tpu.memory_space<semaphore_mem>>
      %dma_start3A = arith.constant 0 : i32
      %dma_start3A_69 = arith.constant 0 : i32
      %dma_start3A_70 = tpu.memref_slice %arg9[%dma_start3A, %dma_start3A_69] : memref<112x48xf32, #tpu.memory_space<vmem>> -> memref<64x48xf32, #tpu.memory_space<vmem>>
      %dma_start3A_71 = arith.constant 0 : i32
      %dma_start3A_72 = tpu.memref_slice %arg12[%add3A_58, %dma_start3A_71] : memref<10240x48xf32, #tpu.memory_space<vmem_shared>> -> memref<64x48xf32, #tpu.memory_space<vmem_shared>>
      %dma_start3A_73 = arith.constant 0 : i32
      %dma_start3A_74 = arith.constant 0 : i32
      %dma_start3A_75 = tpu.memref_slice %arg9[%dma_start3A_73, %dma_start3A_74] : memref<112x48xf32, #tpu.memory_space<vmem>> -> memref<64x48xf32, #tpu.memory_space<vmem>>
      %dma_start3A_76 = arith.constant 0 : i32
      %dma_start3A_77 = tpu.memref_slice %arg12[%add3A_58, %dma_start3A_76] : memref<10240x48xf32, #tpu.memory_space<vmem_shared>> -> memref<64x48xf32, #tpu.memory_space<vmem_shared>>
      tpu.enqueue_dma source(%dma_start3A_77 : memref<64x48xf32, #tpu.memory_space<vmem_shared>>) target(%dma_start3A_75 : memref<64x48xf32, #tpu.memory_space<vmem>>) target_semaphore(%run_scoped3A : memref<!tpu.dma_semaphore, #tpu.memory_space<semaphore_mem>>)
      %dma_wait3A = arith.constant 0 : i32
      %dma_wait3A_78 = arith.constant 0 : i32
      %dma_wait3A_79 = tpu.memref_slice %arg9[%dma_wait3A, %dma_wait3A_78] : memref<112x48xf32, #tpu.memory_space<vmem>> -> memref<64x48xf32, #tpu.memory_space<vmem>>
      %dma_wait3A_80 = arith.constant 0 : i32
      %dma_wait3A_81 = tpu.memref_slice %arg12[%add3A_58, %dma_wait3A_80] : memref<10240x48xf32, #tpu.memory_space<vmem_shared>> -> memref<64x48xf32, #tpu.memory_space<vmem_shared>>
      %dma_wait3A_82 = arith.constant 0 : i32
      %dma_wait3A_83 = arith.constant 0 : i32
      %dma_wait3A_84 = tpu.memref_slice %arg9[%dma_wait3A_82, %dma_wait3A_83] : memref<112x48xf32, #tpu.memory_space<vmem>> -> memref<64x48xf32, #tpu.memory_space<vmem>>
      %dma_wait3A_85 = arith.constant 0 : i32
      %dma_wait3A_86 = tpu.memref_slice %arg12[%add3A_58, %dma_wait3A_85] : memref<10240x48xf32, #tpu.memory_space<vmem_shared>> -> memref<64x48xf32, #tpu.memory_space<vmem_shared>>
      tpu.wait_dma2 semaphore(%run_scoped3A : memref<!tpu.dma_semaphore, #tpu.memory_space<semaphore_mem>>) src(%dma_wait3A_86 : memref<64x48xf32, #tpu.memory_space<vmem_shared>>) dst(%dma_wait3A_84 : memref<64x48xf32, #tpu.memory_space<vmem>>)
      tpu.yield
    }) : () -> ()
    %add3A_59 = arith.constant 448 : i32
    %add3A_60 = arith.addi %mul3A_2, %add3A_59 : i32
    "tpu.region"() ({
      %run_scoped3A = tpu.sem_alloc : memref<!tpu.dma_semaphore, #tpu.memory_space<semaphore_mem>>
      %dma_start3A = arith.constant 0 : i32
      %dma_start3A_69 = arith.constant 0 : i32
      %dma_start3A_70 = tpu.memref_slice %arg9[%dma_start3A, %dma_start3A_69] : memref<112x48xf32, #tpu.memory_space<vmem>> -> memref<64x48xf32, #tpu.memory_space<vmem>>
      %dma_start3A_71 = arith.constant 0 : i32
      %dma_start3A_72 = tpu.memref_slice %arg6[%arg0, %add3A_60, %dma_start3A_71] : memref<2x10240x48xf32, #tpu.memory_space<hbm>> -> memref<1x64x48xf32, #tpu.memory_space<hbm>>
      %dma_start3A_73 = tpu.memref_squeeze %dma_start3A_72 : memref<1x64x48xf32, #tpu.memory_space<hbm>> -> memref<64x48xf32, #tpu.memory_space<hbm>>
      %dma_start3A_74 = arith.constant 0 : i32
      %dma_start3A_75 = tpu.memref_slice %arg6[%arg0, %add3A_60, %dma_start3A_74] : memref<2x10240x48xf32, #tpu.memory_space<hbm>> -> memref<1x64x48xf32, #tpu.memory_space<hbm>>
      %dma_start3A_76 = tpu.memref_squeeze %dma_start3A_75 : memref<1x64x48xf32, #tpu.memory_space<hbm>> -> memref<64x48xf32, #tpu.memory_space<hbm>>
      %dma_start3A_77 = arith.constant 0 : i32
      %dma_start3A_78 = arith.constant 0 : i32
      %dma_start3A_79 = tpu.memref_slice %arg9[%dma_start3A_77, %dma_start3A_78] : memref<112x48xf32, #tpu.memory_space<vmem>> -> memref<64x48xf32, #tpu.memory_space<vmem>>
      tpu.enqueue_dma source(%dma_start3A_79 : memref<64x48xf32, #tpu.memory_space<vmem>>) target(%dma_start3A_76 : memref<64x48xf32, #tpu.memory_space<hbm>>) target_semaphore(%run_scoped3A : memref<!tpu.dma_semaphore, #tpu.memory_space<semaphore_mem>>)
      %dma_wait3A = arith.constant 0 : i32
      %dma_wait3A_80 = arith.constant 0 : i32
      %dma_wait3A_81 = tpu.memref_slice %arg9[%dma_wait3A, %dma_wait3A_80] : memref<112x48xf32, #tpu.memory_space<vmem>> -> memref<64x48xf32, #tpu.memory_space<vmem>>
      %dma_wait3A_82 = arith.constant 0 : i32
      %dma_wait3A_83 = tpu.memref_slice %arg6[%arg0, %add3A_60, %dma_wait3A_82] : memref<2x10240x48xf32, #tpu.memory_space<hbm>> -> memref<1x64x48xf32, #tpu.memory_space<hbm>>
      %dma_wait3A_84 = tpu.memref_squeeze %dma_wait3A_83 : memref<1x64x48xf32, #tpu.memory_space<hbm>> -> memref<64x48xf32, #tpu.memory_space<hbm>>
      %dma_wait3A_85 = arith.constant 0 : i32
      %dma_wait3A_86 = tpu.memref_slice %arg6[%arg0, %add3A_60, %dma_wait3A_85] : memref<2x10240x48xf32, #tpu.memory_space<hbm>> -> memref<1x64x48xf32, #tpu.memory_space<hbm>>
      %dma_wait3A_87 = tpu.memref_squeeze %dma_wait3A_86 : memref<1x64x48xf32, #tpu.memory_space<hbm>> -> memref<64x48xf32, #tpu.memory_space<hbm>>
      %dma_wait3A_88 = arith.constant 0 : i32
      %dma_wait3A_89 = arith.constant 0 : i32
      %dma_wait3A_90 = tpu.memref_slice %arg9[%dma_wait3A_88, %dma_wait3A_89] : memref<112x48xf32, #tpu.memory_space<vmem>> -> memref<64x48xf32, #tpu.memory_space<vmem>>
      tpu.wait_dma2 semaphore(%run_scoped3A : memref<!tpu.dma_semaphore, #tpu.memory_space<semaphore_mem>>) src(%dma_wait3A_90 : memref<64x48xf32, #tpu.memory_space<vmem>>) dst(%dma_wait3A_87 : memref<64x48xf32, #tpu.memory_space<hbm>>)
      tpu.yield
    }) : () -> ()
    %add3A_61 = arith.constant 512 : i32
    %add3A_62 = arith.addi %mul3A_2, %add3A_61 : i32
    "tpu.region"() ({
      %run_scoped3A = tpu.sem_alloc : memref<!tpu.dma_semaphore, #tpu.memory_space<semaphore_mem>>
      %dma_start3A = arith.constant 0 : i32
      %dma_start3A_69 = arith.constant 0 : i32
      %dma_start3A_70 = tpu.memref_slice %arg9[%dma_start3A, %dma_start3A_69] : memref<112x48xf32, #tpu.memory_space<vmem>> -> memref<64x48xf32, #tpu.memory_space<vmem>>
      %dma_start3A_71 = arith.constant 0 : i32
      %dma_start3A_72 = tpu.memref_slice %arg12[%add3A_62, %dma_start3A_71] : memref<10240x48xf32, #tpu.memory_space<vmem_shared>> -> memref<64x48xf32, #tpu.memory_space<vmem_shared>>
      %dma_start3A_73 = arith.constant 0 : i32
      %dma_start3A_74 = arith.constant 0 : i32
      %dma_start3A_75 = tpu.memref_slice %arg9[%dma_start3A_73, %dma_start3A_74] : memref<112x48xf32, #tpu.memory_space<vmem>> -> memref<64x48xf32, #tpu.memory_space<vmem>>
      %dma_start3A_76 = arith.constant 0 : i32
      %dma_start3A_77 = tpu.memref_slice %arg12[%add3A_62, %dma_start3A_76] : memref<10240x48xf32, #tpu.memory_space<vmem_shared>> -> memref<64x48xf32, #tpu.memory_space<vmem_shared>>
      tpu.enqueue_dma source(%dma_start3A_77 : memref<64x48xf32, #tpu.memory_space<vmem_shared>>) target(%dma_start3A_75 : memref<64x48xf32, #tpu.memory_space<vmem>>) target_semaphore(%run_scoped3A : memref<!tpu.dma_semaphore, #tpu.memory_space<semaphore_mem>>)
      %dma_wait3A = arith.constant 0 : i32
      %dma_wait3A_78 = arith.constant 0 : i32
      %dma_wait3A_79 = tpu.memref_slice %arg9[%dma_wait3A, %dma_wait3A_78] : memref<112x48xf32, #tpu.memory_space<vmem>> -> memref<64x48xf32, #tpu.memory_space<vmem>>
      %dma_wait3A_80 = arith.constant 0 : i32
      %dma_wait3A_81 = tpu.memref_slice %arg12[%add3A_62, %dma_wait3A_80] : memref<10240x48xf32, #tpu.memory_space<vmem_shared>> -> memref<64x48xf32, #tpu.memory_space<vmem_shared>>
      %dma_wait3A_82 = arith.constant 0 : i32
      %dma_wait3A_83 = arith.constant 0 : i32
      %dma_wait3A_84 = tpu.memref_slice %arg9[%dma_wait3A_82, %dma_wait3A_83] : memref<112x48xf32, #tpu.memory_space<vmem>> -> memref<64x48xf32, #tpu.memory_space<vmem>>
      %dma_wait3A_85 = arith.constant 0 : i32
      %dma_wait3A_86 = tpu.memref_slice %arg12[%add3A_62, %dma_wait3A_85] : memref<10240x48xf32, #tpu.memory_space<vmem_shared>> -> memref<64x48xf32, #tpu.memory_space<vmem_shared>>
      tpu.wait_dma2 semaphore(%run_scoped3A : memref<!tpu.dma_semaphore, #tpu.memory_space<semaphore_mem>>) src(%dma_wait3A_86 : memref<64x48xf32, #tpu.memory_space<vmem_shared>>) dst(%dma_wait3A_84 : memref<64x48xf32, #tpu.memory_space<vmem>>)
      tpu.yield
    }) : () -> ()
    %add3A_63 = arith.constant 512 : i32
    %add3A_64 = arith.addi %mul3A_2, %add3A_63 : i32
    "tpu.region"() ({
      %run_scoped3A = tpu.sem_alloc : memref<!tpu.dma_semaphore, #tpu.memory_space<semaphore_mem>>
      %dma_start3A = arith.constant 0 : i32
      %dma_start3A_69 = arith.constant 0 : i32
      %dma_start3A_70 = tpu.memref_slice %arg9[%dma_start3A, %dma_start3A_69] : memref<112x48xf32, #tpu.memory_space<vmem>> -> memref<64x48xf32, #tpu.memory_space<vmem>>
      %dma_start3A_71 = arith.constant 0 : i32
      %dma_start3A_72 = tpu.memref_slice %arg6[%arg0, %add3A_64, %dma_start3A_71] : memref<2x10240x48xf32, #tpu.memory_space<hbm>> -> memref<1x64x48xf32, #tpu.memory_space<hbm>>
      %dma_start3A_73 = tpu.memref_squeeze %dma_start3A_72 : memref<1x64x48xf32, #tpu.memory_space<hbm>> -> memref<64x48xf32, #tpu.memory_space<hbm>>
      %dma_start3A_74 = arith.constant 0 : i32
      %dma_start3A_75 = tpu.memref_slice %arg6[%arg0, %add3A_64, %dma_start3A_74] : memref<2x10240x48xf32, #tpu.memory_space<hbm>> -> memref<1x64x48xf32, #tpu.memory_space<hbm>>
      %dma_start3A_76 = tpu.memref_squeeze %dma_start3A_75 : memref<1x64x48xf32, #tpu.memory_space<hbm>> -> memref<64x48xf32, #tpu.memory_space<hbm>>
      %dma_start3A_77 = arith.constant 0 : i32
      %dma_start3A_78 = arith.constant 0 : i32
      %dma_start3A_79 = tpu.memref_slice %arg9[%dma_start3A_77, %dma_start3A_78] : memref<112x48xf32, #tpu.memory_space<vmem>> -> memref<64x48xf32, #tpu.memory_space<vmem>>
      tpu.enqueue_dma source(%dma_start3A_79 : memref<64x48xf32, #tpu.memory_space<vmem>>) target(%dma_start3A_76 : memref<64x48xf32, #tpu.memory_space<hbm>>) target_semaphore(%run_scoped3A : memref<!tpu.dma_semaphore, #tpu.memory_space<semaphore_mem>>)
      %dma_wait3A = arith.constant 0 : i32
      %dma_wait3A_80 = arith.constant 0 : i32
      %dma_wait3A_81 = tpu.memref_slice %arg9[%dma_wait3A, %dma_wait3A_80] : memref<112x48xf32, #tpu.memory_space<vmem>> -> memref<64x48xf32, #tpu.memory_space<vmem>>
      %dma_wait3A_82 = arith.constant 0 : i32
      %dma_wait3A_83 = tpu.memref_slice %arg6[%arg0, %add3A_64, %dma_wait3A_82] : memref<2x10240x48xf32, #tpu.memory_space<hbm>> -> memref<1x64x48xf32, #tpu.memory_space<hbm>>
      %dma_wait3A_84 = tpu.memref_squeeze %dma_wait3A_83 : memref<1x64x48xf32, #tpu.memory_space<hbm>> -> memref<64x48xf32, #tpu.memory_space<hbm>>
      %dma_wait3A_85 = arith.constant 0 : i32
      %dma_wait3A_86 = tpu.memref_slice %arg6[%arg0, %add3A_64, %dma_wait3A_85] : memref<2x10240x48xf32, #tpu.memory_space<hbm>> -> memref<1x64x48xf32, #tpu.memory_space<hbm>>
      %dma_wait3A_87 = tpu.memref_squeeze %dma_wait3A_86 : memref<1x64x48xf32, #tpu.memory_space<hbm>> -> memref<64x48xf32, #tpu.memory_space<hbm>>
      %dma_wait3A_88 = arith.constant 0 : i32
      %dma_wait3A_89 = arith.constant 0 : i32
      %dma_wait3A_90 = tpu.memref_slice %arg9[%dma_wait3A_88, %dma_wait3A_89] : memref<112x48xf32, #tpu.memory_space<vmem>> -> memref<64x48xf32, #tpu.memory_space<vmem>>
      tpu.wait_dma2 semaphore(%run_scoped3A : memref<!tpu.dma_semaphore, #tpu.memory_space<semaphore_mem>>) src(%dma_wait3A_90 : memref<64x48xf32, #tpu.memory_space<vmem>>) dst(%dma_wait3A_87 : memref<64x48xf32, #tpu.memory_space<hbm>>)
      tpu.yield
    }) : () -> ()
    %add3A_65 = arith.constant 576 : i32
    %add3A_66 = arith.addi %mul3A_2, %add3A_65 : i32
    "tpu.region"() ({
      %run_scoped3A = tpu.sem_alloc : memref<!tpu.dma_semaphore, #tpu.memory_space<semaphore_mem>>
      %dma_start3A = arith.constant 0 : i32
      %dma_start3A_69 = arith.constant 0 : i32
      %dma_start3A_70 = tpu.memref_slice %arg9[%dma_start3A, %dma_start3A_69] : memref<112x48xf32, #tpu.memory_space<vmem>> -> memref<64x48xf32, #tpu.memory_space<vmem>>
      %dma_start3A_71 = arith.constant 0 : i32
      %dma_start3A_72 = tpu.memref_slice %arg12[%add3A_66, %dma_start3A_71] : memref<10240x48xf32, #tpu.memory_space<vmem_shared>> -> memref<64x48xf32, #tpu.memory_space<vmem_shared>>
      %dma_start3A_73 = arith.constant 0 : i32
      %dma_start3A_74 = arith.constant 0 : i32
      %dma_start3A_75 = tpu.memref_slice %arg9[%dma_start3A_73, %dma_start3A_74] : memref<112x48xf32, #tpu.memory_space<vmem>> -> memref<64x48xf32, #tpu.memory_space<vmem>>
      %dma_start3A_76 = arith.constant 0 : i32
      %dma_start3A_77 = tpu.memref_slice %arg12[%add3A_66, %dma_start3A_76] : memref<10240x48xf32, #tpu.memory_space<vmem_shared>> -> memref<64x48xf32, #tpu.memory_space<vmem_shared>>
      tpu.enqueue_dma source(%dma_start3A_77 : memref<64x48xf32, #tpu.memory_space<vmem_shared>>) target(%dma_start3A_75 : memref<64x48xf32, #tpu.memory_space<vmem>>) target_semaphore(%run_scoped3A : memref<!tpu.dma_semaphore, #tpu.memory_space<semaphore_mem>>)
      %dma_wait3A = arith.constant 0 : i32
      %dma_wait3A_78 = arith.constant 0 : i32
      %dma_wait3A_79 = tpu.memref_slice %arg9[%dma_wait3A, %dma_wait3A_78] : memref<112x48xf32, #tpu.memory_space<vmem>> -> memref<64x48xf32, #tpu.memory_space<vmem>>
      %dma_wait3A_80 = arith.constant 0 : i32
      %dma_wait3A_81 = tpu.memref_slice %arg12[%add3A_66, %dma_wait3A_80] : memref<10240x48xf32, #tpu.memory_space<vmem_shared>> -> memref<64x48xf32, #tpu.memory_space<vmem_shared>>
      %dma_wait3A_82 = arith.constant 0 : i32
      %dma_wait3A_83 = arith.constant 0 : i32
      %dma_wait3A_84 = tpu.memref_slice %arg9[%dma_wait3A_82, %dma_wait3A_83] : memref<112x48xf32, #tpu.memory_space<vmem>> -> memref<64x48xf32, #tpu.memory_space<vmem>>
      %dma_wait3A_85 = arith.constant 0 : i32
      %dma_wait3A_86 = tpu.memref_slice %arg12[%add3A_66, %dma_wait3A_85] : memref<10240x48xf32, #tpu.memory_space<vmem_shared>> -> memref<64x48xf32, #tpu.memory_space<vmem_shared>>
      tpu.wait_dma2 semaphore(%run_scoped3A : memref<!tpu.dma_semaphore, #tpu.memory_space<semaphore_mem>>) src(%dma_wait3A_86 : memref<64x48xf32, #tpu.memory_space<vmem_shared>>) dst(%dma_wait3A_84 : memref<64x48xf32, #tpu.memory_space<vmem>>)
      tpu.yield
    }) : () -> ()
    %add3A_67 = arith.constant 576 : i32
    %add3A_68 = arith.addi %mul3A_2, %add3A_67 : i32
    "tpu.region"() ({
      %run_scoped3A = tpu.sem_alloc : memref<!tpu.dma_semaphore, #tpu.memory_space<semaphore_mem>>
      %dma_start3A = arith.constant 0 : i32
      %dma_start3A_69 = arith.constant 0 : i32
      %dma_start3A_70 = tpu.memref_slice %arg9[%dma_start3A, %dma_start3A_69] : memref<112x48xf32, #tpu.memory_space<vmem>> -> memref<64x48xf32, #tpu.memory_space<vmem>>
      %dma_start3A_71 = arith.constant 0 : i32
      %dma_start3A_72 = tpu.memref_slice %arg6[%arg0, %add3A_68, %dma_start3A_71] : memref<2x10240x48xf32, #tpu.memory_space<hbm>> -> memref<1x64x48xf32, #tpu.memory_space<hbm>>
      %dma_start3A_73 = tpu.memref_squeeze %dma_start3A_72 : memref<1x64x48xf32, #tpu.memory_space<hbm>> -> memref<64x48xf32, #tpu.memory_space<hbm>>
      %dma_start3A_74 = arith.constant 0 : i32
      %dma_start3A_75 = tpu.memref_slice %arg6[%arg0, %add3A_68, %dma_start3A_74] : memref<2x10240x48xf32, #tpu.memory_space<hbm>> -> memref<1x64x48xf32, #tpu.memory_space<hbm>>
      %dma_start3A_76 = tpu.memref_squeeze %dma_start3A_75 : memref<1x64x48xf32, #tpu.memory_space<hbm>> -> memref<64x48xf32, #tpu.memory_space<hbm>>
      %dma_start3A_77 = arith.constant 0 : i32
      %dma_start3A_78 = arith.constant 0 : i32
      %dma_start3A_79 = tpu.memref_slice %arg9[%dma_start3A_77, %dma_start3A_78] : memref<112x48xf32, #tpu.memory_space<vmem>> -> memref<64x48xf32, #tpu.memory_space<vmem>>
      tpu.enqueue_dma source(%dma_start3A_79 : memref<64x48xf32, #tpu.memory_space<vmem>>) target(%dma_start3A_76 : memref<64x48xf32, #tpu.memory_space<hbm>>) target_semaphore(%run_scoped3A : memref<!tpu.dma_semaphore, #tpu.memory_space<semaphore_mem>>)
      %dma_wait3A = arith.constant 0 : i32
      %dma_wait3A_80 = arith.constant 0 : i32
      %dma_wait3A_81 = tpu.memref_slice %arg9[%dma_wait3A, %dma_wait3A_80] : memref<112x48xf32, #tpu.memory_space<vmem>> -> memref<64x48xf32, #tpu.memory_space<vmem>>
      %dma_wait3A_82 = arith.constant 0 : i32
      %dma_wait3A_83 = tpu.memref_slice %arg6[%arg0, %add3A_68, %dma_wait3A_82] : memref<2x10240x48xf32, #tpu.memory_space<hbm>> -> memref<1x64x48xf32, #tpu.memory_space<hbm>>
      %dma_wait3A_84 = tpu.memref_squeeze %dma_wait3A_83 : memref<1x64x48xf32, #tpu.memory_space<hbm>> -> memref<64x48xf32, #tpu.memory_space<hbm>>
      %dma_wait3A_85 = arith.constant 0 : i32
      %dma_wait3A_86 = tpu.memref_slice %arg6[%arg0, %add3A_68, %dma_wait3A_85] : memref<2x10240x48xf32, #tpu.memory_space<hbm>> -> memref<1x64x48xf32, #tpu.memory_space<hbm>>
      %dma_wait3A_87 = tpu.memref_squeeze %dma_wait3A_86 : memref<1x64x48xf32, #tpu.memory_space<hbm>> -> memref<64x48xf32, #tpu.memory_space<hbm>>
      %dma_wait3A_88 = arith.constant 0 : i32
      %dma_wait3A_89 = arith.constant 0 : i32
      %dma_wait3A_90 = tpu.memref_slice %arg9[%dma_wait3A_88, %dma_wait3A_89] : memref<112x48xf32, #tpu.memory_space<vmem>> -> memref<64x48xf32, #tpu.memory_space<vmem>>
      tpu.wait_dma2 semaphore(%run_scoped3A : memref<!tpu.dma_semaphore, #tpu.memory_space<semaphore_mem>>) src(%dma_wait3A_90 : memref<64x48xf32, #tpu.memory_space<vmem>>) dst(%dma_wait3A_87 : memref<64x48xf32, #tpu.memory_space<hbm>>)
      tpu.yield
    }) : () -> ()
    return
  }
}

module attributes {stable_mosaic.version = 14 : i64} {
  func.func @_tc1_body(%arg0: i32, %arg1: memref<1000x128xf32, #tpu.memory_space<vmem>>, %arg2: memref<128x128xf32, #tpu.memory_space<vmem>>, %arg3: memref<1x128xf32, #tpu.memory_space<vmem>>, %arg4: memref<128x128xf32, #tpu.memory_space<vmem>>, %arg5: memref<2x1000x1xf32, #tpu.memory_space<vmem>>, %arg6: memref<1000x128xf32, #tpu.memory_space<vmem>>, %arg7: memref<1000x128xf32, #tpu.memory_space<vmem>>) attributes {dimension_semantics = [#tpu.dimension_semantics<arbitrary>], iteration_bounds = array<i64: 10>, scalar_prefetch = 0 : i64, scratch_operands = 0 : i64, tpu.core_type = #tpu.core_type<tc>, window_params = [{transform_indices = @transform_0, window_bounds = array<i64: 1000, 128>}, {pipeline_mode = #tpu.pipeline_mode<synchronous>, transform_indices = @transform_1, window_bounds = array<i64: 128, 128>}, {pipeline_mode = #tpu.pipeline_mode<synchronous>, transform_indices = @transform_2, window_bounds = array<i64: 1, 128>}, {pipeline_mode = #tpu.pipeline_mode<synchronous>, transform_indices = @transform_3, window_bounds = array<i64: 128, 128>}, {transform_indices = @transform_4, window_bounds = array<i64: 2, 1000, 1>}, {transform_indices = @transform_5, window_bounds = array<i64: 1000, 128>}, {transform_indices = @transform_6, window_bounds = array<i64: 1000, 128>}]} {
    %get3A = arith.constant 0 : index
    %get3A_0 = arith.constant 0 : index
    %get3A_1 = vector.load %arg1[%get3A, %get3A_0] : memref<1000x128xf32, #tpu.memory_space<vmem>>, vector<1000x128xf32>
    %get3A_2 = arith.constant 0 : index
    %get3A_3 = arith.constant 0 : index
    %get3A_4 = vector.load %arg2[%get3A_2, %get3A_3] : memref<128x128xf32, #tpu.memory_space<vmem>>, vector<128x128xf32>
    %dot_general3A = arith.constant dense<0.000000e+00> : vector<1000x128xf32>
    %dot_general3A_5 = tpu.matmul %get3A_1, %get3A_4, %dot_general3A {dimension_numbers = #tpu.dot_dimension_numbers<[1], [0], [0], [1], [0, 0, 1, 1], [], []>, transpose_lhs_hint = false} : vector<1000x128xf32>, vector<128x128xf32>, vector<1000x128xf32> -> vector<1000x128xf32>
    %get3A_6 = arith.constant 0 : index
    %get3A_7 = arith.constant 0 : index
    %get3A_8 = vector.load %arg3[%get3A_6, %get3A_7] : memref<1x128xf32, #tpu.memory_space<vmem>>, vector<1x128xf32>
    %add3A = vector.broadcast %get3A_8 : vector<1x128xf32> to vector<1000x128xf32>
    %add3A_9 = arith.addf %dot_general3A_5, %add3A : vector<1000x128xf32>
    %max3A = arith.constant 0.000000e+00 : f32
    %max3A_10 = vector.broadcast %max3A : f32 to vector<1000x128xf32>
    %max3A_11 = arith.maximumf %add3A_9, %max3A_10 : vector<1000x128xf32>
    %get3A_12 = arith.constant 0 : index
    %get3A_13 = arith.constant 0 : index
    %get3A_14 = arith.constant 0 : index
    %get3A_15 = vector.load %arg5[%get3A_12, %get3A_13, %get3A_14] : memref<2x1000x1xf32, #tpu.memory_space<vmem>>, vector<2x1000x1xf32>
    %slice3A = vector.extract_strided_slice %get3A_15 {offsets = [0, 0, 0], sizes = [1, 1000, 1], strides = [1, 1, 1]} : vector<2x1000x1xf32> to vector<1x1000x1xf32>
    %squeeze3A = vector.shape_cast %slice3A : vector<1x1000x1xf32> to vector<1000x1xf32>
    %slice3A_16 = vector.extract_strided_slice %get3A_15 {offsets = [1, 0, 0], sizes = [1, 1000, 1], strides = [1, 1, 1]} : vector<2x1000x1xf32> to vector<1x1000x1xf32>
    %squeeze3A_17 = vector.shape_cast %slice3A_16 : vector<1x1000x1xf32> to vector<1000x1xf32>
    %add3A_18 = arith.addf %squeeze3A, %squeeze3A_17 : vector<1000x1xf32>
    %add3A_19 = arith.constant 1.000000e+00 : f32
    %add3A_20 = vector.broadcast %add3A_19 : f32 to vector<1000x1xf32>
    %add3A_21 = arith.addf %add3A_18, %add3A_20 : vector<1000x1xf32>
    %rsqrt3A = math.rsqrt %add3A_21 : vector<1000x1xf32>
    %get3A_22 = arith.constant 0 : index
    %get3A_23 = arith.constant 0 : index
    %get3A_24 = vector.load %arg4[%get3A_22, %get3A_23] : memref<128x128xf32, #tpu.memory_space<vmem>>, vector<128x128xf32>
    %dot_general3A_25 = arith.constant dense<0.000000e+00> : vector<1000x128xf32>
    %dot_general3A_26 = tpu.matmul %max3A_11, %get3A_24, %dot_general3A_25 {dimension_numbers = #tpu.dot_dimension_numbers<[1], [0], [0], [1], [0, 0, 1, 1], [], []>, transpose_lhs_hint = false} : vector<1000x128xf32>, vector<128x128xf32>, vector<1000x128xf32> -> vector<1000x128xf32>
    %mul3A = vector.broadcast %rsqrt3A : vector<1000x1xf32> to vector<1000x128xf32>
    %mul3A_27 = arith.mulf %dot_general3A_26, %mul3A : vector<1000x128xf32>
    %swap3A = arith.constant 0 : index
    %swap3A_28 = arith.constant 0 : index
    %swap3A_29 = vector.load %arg7[%swap3A, %swap3A_28] : memref<1000x128xf32, #tpu.memory_space<vmem>>, vector<1000x128xf32>
    tpu.vector_store %arg7[%swap3A, %swap3A_28], %mul3A_27 {strides = array<i32>} : memref<1000x128xf32, #tpu.memory_space<vmem>>, vector<1000x128xf32>,
    %swap3A_30 = arith.constant 0 : index
    %swap3A_31 = arith.constant 0 : index
    %swap3A_32 = vector.load %arg6[%swap3A_30, %swap3A_31] : memref<1000x128xf32, #tpu.memory_space<vmem>>, vector<1000x128xf32>
    tpu.vector_store %arg6[%swap3A_30, %swap3A_31], %max3A_11 {strides = array<i32>} : memref<1000x128xf32, #tpu.memory_space<vmem>>, vector<1000x128xf32>,
    return
  }
  func.func @transform_0(%arg0: i32) -> (i32, i32) {
    %c0_i32 = arith.constant 0 : i32
    %c0_i32_0 = arith.constant 0 : i32
    return %arg0, %c0_i32 : i32, i32
  }
  func.func @transform_1(%arg0: i32) -> (i32, i32) {
    %c0_i32 = arith.constant 0 : i32
    %c0_i32_0 = arith.constant 0 : i32
    %c0_i32_1 = arith.constant 0 : i32
    return %c0_i32, %c0_i32_0 : i32, i32
  }
  func.func @transform_2(%arg0: i32) -> (i32, i32) {
    %c0_i32 = arith.constant 0 : i32
    %c0_i32_0 = arith.constant 0 : i32
    %c0_i32_1 = arith.constant 0 : i32
    return %c0_i32, %c0_i32_0 : i32, i32
  }
  func.func @transform_3(%arg0: i32) -> (i32, i32) {
    %c0_i32 = arith.constant 0 : i32
    %c0_i32_0 = arith.constant 0 : i32
    %c0_i32_1 = arith.constant 0 : i32
    return %c0_i32, %c0_i32_0 : i32, i32
  }
  func.func @transform_4(%arg0: i32) -> (i32, i32, i32) {
    %c0_i32 = arith.constant 0 : i32
    %c0_i32_0 = arith.constant 0 : i32
    %c0_i32_1 = arith.constant 0 : i32
    return %c0_i32, %arg0, %c0_i32_0 : i32, i32, i32
  }
  func.func @transform_5(%arg0: i32) -> (i32, i32) {
    %c0_i32 = arith.constant 0 : i32
    %c0_i32_0 = arith.constant 0 : i32
    return %arg0, %c0_i32 : i32, i32
  }
  func.func @transform_6(%arg0: i32) -> (i32, i32) {
    %c0_i32 = arith.constant 0 : i32
    %c0_i32_0 = arith.constant 0 : i32
    return %arg0, %c0_i32 : i32, i32
  }
}

module attributes {stable_mosaic.version = 14 : i64} {
  func.func @_tc2_body(%arg0: i32, %arg1: memref<1000x128xf32, #tpu.memory_space<vmem>>, %arg2: memref<1000x128xf32, #tpu.memory_space<vmem>>, %arg3: memref<2x1000x128xf32, #tpu.memory_space<vmem>>, %arg4: memref<2x1000x1xf32, #tpu.memory_space<vmem>>, %arg5: memref<128x128xf32, #tpu.memory_space<vmem>>, %arg6: memref<1x128xf32, #tpu.memory_space<vmem>>, %arg7: memref<128x48xf32, #tpu.memory_space<vmem>>, %arg8: memref<1x48xf32, #tpu.memory_space<vmem>>, %arg9: memref<48x48xf32, #tpu.memory_space<vmem>>, %arg10: memref<1000x48xf32, #tpu.memory_space<vmem>>, %arg11: memref<1000x48xf32, #tpu.memory_space<vmem>>) attributes {dimension_semantics = [#tpu.dimension_semantics<arbitrary>], iteration_bounds = array<i64: 10>, scalar_prefetch = 0 : i64, scratch_operands = 0 : i64, tpu.core_type = #tpu.core_type<tc>, window_params = [{transform_indices = @transform_0, window_bounds = array<i64: 1000, 128>}, {transform_indices = @transform_1, window_bounds = array<i64: 1000, 128>}, {transform_indices = @transform_2, window_bounds = array<i64: 2, 1000, 128>}, {transform_indices = @transform_3, window_bounds = array<i64: 2, 1000, 1>}, {pipeline_mode = #tpu.pipeline_mode<synchronous>, transform_indices = @transform_4, window_bounds = array<i64: 128, 128>}, {pipeline_mode = #tpu.pipeline_mode<synchronous>, transform_indices = @transform_5, window_bounds = array<i64: 1, 128>}, {pipeline_mode = #tpu.pipeline_mode<synchronous>, transform_indices = @transform_6, window_bounds = array<i64: 128, 48>}, {pipeline_mode = #tpu.pipeline_mode<synchronous>, transform_indices = @transform_7, window_bounds = array<i64: 1, 48>}, {pipeline_mode = #tpu.pipeline_mode<synchronous>, transform_indices = @transform_8, window_bounds = array<i64: 48, 48>}, {transform_indices = @transform_9, window_bounds = array<i64: 1000, 48>}, {transform_indices = @transform_10, window_bounds = array<i64: 1000, 48>}]} {
    %get3A = arith.constant 0 : index
    %get3A_0 = arith.constant 0 : index
    %get3A_1 = arith.constant 0 : index
    %get3A_2 = vector.load %arg4[%get3A, %get3A_0, %get3A_1] : memref<2x1000x1xf32, #tpu.memory_space<vmem>>, vector<2x1000x1xf32>
    %slice3A = vector.extract_strided_slice %get3A_2 {offsets = [0, 0, 0], sizes = [1, 1000, 1], strides = [1, 1, 1]} : vector<2x1000x1xf32> to vector<1x1000x1xf32>
    %squeeze3A = vector.shape_cast %slice3A : vector<1x1000x1xf32> to vector<1000x1xf32>
    %slice3A_3 = vector.extract_strided_slice %get3A_2 {offsets = [1, 0, 0], sizes = [1, 1000, 1], strides = [1, 1, 1]} : vector<2x1000x1xf32> to vector<1x1000x1xf32>
    %squeeze3A_4 = vector.shape_cast %slice3A_3 : vector<1x1000x1xf32> to vector<1000x1xf32>
    %add3A = arith.addf %squeeze3A, %squeeze3A_4 : vector<1000x1xf32>
    %add3A_5 = arith.constant 1.000000e+00 : f32
    %add3A_6 = vector.broadcast %add3A_5 : f32 to vector<1000x1xf32>
    %add3A_7 = arith.addf %add3A, %add3A_6 : vector<1000x1xf32>
    %rsqrt3A = math.rsqrt %add3A_7 : vector<1000x1xf32>
    %get3A_8 = arith.constant 0 : index
    %get3A_9 = arith.constant 0 : index
    %get3A_10 = arith.constant 0 : index
    %get3A_11 = vector.load %arg3[%get3A_8, %get3A_9, %get3A_10] : memref<2x1000x128xf32, #tpu.memory_space<vmem>>, vector<2x1000x128xf32>
    %get3A_12 = arith.constant 0 : index
    %get3A_13 = arith.constant 0 : index
    %get3A_14 = vector.load %arg1[%get3A_12, %get3A_13] : memref<1000x128xf32, #tpu.memory_space<vmem>>, vector<1000x128xf32>
    %slice3A_15 = vector.extract_strided_slice %get3A_11 {offsets = [0, 0, 0], sizes = [1, 1000, 128], strides = [1, 1, 1]} : vector<2x1000x128xf32> to vector<1x1000x128xf32>
    %squeeze3A_16 = vector.shape_cast %slice3A_15 : vector<1x1000x128xf32> to vector<1000x128xf32>
    %slice3A_17 = vector.extract_strided_slice %get3A_11 {offsets = [1, 0, 0], sizes = [1, 1000, 128], strides = [1, 1, 1]} : vector<2x1000x128xf32> to vector<1x1000x128xf32>
    %squeeze3A_18 = vector.shape_cast %slice3A_17 : vector<1x1000x128xf32> to vector<1000x128xf32>
    %add3A_19 = arith.addf %squeeze3A_16, %squeeze3A_18 : vector<1000x128xf32>
    %get3A_20 = arith.constant 0 : index
    %get3A_21 = arith.constant 0 : index
    %get3A_22 = vector.load %arg2[%get3A_20, %get3A_21] : memref<1000x128xf32, #tpu.memory_space<vmem>>, vector<1000x128xf32>
    %add3A_23 = arith.addf %add3A_19, %get3A_22 : vector<1000x128xf32>
    %mul3A = vector.broadcast %rsqrt3A : vector<1000x1xf32> to vector<1000x128xf32>
    %mul3A_24 = arith.mulf %add3A_23, %mul3A : vector<1000x128xf32>
    %get3A_25 = arith.constant 0 : index
    %get3A_26 = arith.constant 0 : index
    %get3A_27 = vector.load %arg5[%get3A_25, %get3A_26] : memref<128x128xf32, #tpu.memory_space<vmem>>, vector<128x128xf32>
    %dot_general3A = arith.constant dense<0.000000e+00> : vector<1000x128xf32>
    %dot_general3A_28 = tpu.matmul %get3A_14, %get3A_27, %dot_general3A {dimension_numbers = #tpu.dot_dimension_numbers<[1], [0], [0], [1], [0, 0, 1, 1], [], []>, transpose_lhs_hint = false} : vector<1000x128xf32>, vector<128x128xf32>, vector<1000x128xf32> -> vector<1000x128xf32>
    %add3A_29 = arith.addf %dot_general3A_28, %mul3A_24 : vector<1000x128xf32>
    %get3A_30 = arith.constant 0 : index
    %get3A_31 = arith.constant 0 : index
    %get3A_32 = vector.load %arg6[%get3A_30, %get3A_31] : memref<1x128xf32, #tpu.memory_space<vmem>>, vector<1x128xf32>
    %add3A_33 = vector.broadcast %get3A_32 : vector<1x128xf32> to vector<1000x128xf32>
    %add3A_34 = arith.addf %add3A_29, %add3A_33 : vector<1000x128xf32>
    %tanh3A = math.tanh %add3A_34 : vector<1000x128xf32>
    %mul3A_35 = arith.constant 1.000000e-01 : f32
    %mul3A_36 = vector.broadcast %mul3A_35 : f32 to vector<1000x128xf32>
    %mul3A_37 = arith.mulf %mul3A_36, %tanh3A : vector<1000x128xf32>
    %add3A_38 = arith.addf %get3A_14, %mul3A_37 : vector<1000x128xf32>
    %get3A_39 = arith.constant 0 : index
    %get3A_40 = arith.constant 0 : index
    %get3A_41 = vector.load %arg7[%get3A_39, %get3A_40] : memref<128x48xf32, #tpu.memory_space<vmem>>, vector<128x48xf32>
    %dot_general3A_42 = arith.constant dense<0.000000e+00> : vector<1000x48xf32>
    %dot_general3A_43 = tpu.matmul %add3A_38, %get3A_41, %dot_general3A_42 {dimension_numbers = #tpu.dot_dimension_numbers<[1], [0], [0], [1], [0, 0, 1, 1], [], []>, transpose_lhs_hint = false} : vector<1000x128xf32>, vector<128x48xf32>, vector<1000x48xf32> -> vector<1000x48xf32>
    %get3A_44 = arith.constant 0 : index
    %get3A_45 = arith.constant 0 : index
    %get3A_46 = vector.load %arg8[%get3A_44, %get3A_45] : memref<1x48xf32, #tpu.memory_space<vmem>>, vector<1x48xf32>
    %add3A_47 = vector.broadcast %get3A_46 : vector<1x48xf32> to vector<1000x48xf32>
    %add3A_48 = arith.addf %dot_general3A_43, %add3A_47 : vector<1000x48xf32>
    %get3A_49 = arith.constant 0 : index
    %get3A_50 = arith.constant 0 : index
    %get3A_51 = vector.load %arg9[%get3A_49, %get3A_50] : memref<48x48xf32, #tpu.memory_space<vmem>>, vector<48x48xf32>
    %dot_general3A_52 = arith.constant dense<0.000000e+00> : vector<1000x48xf32>
    %dot_general3A_53 = tpu.matmul %add3A_48, %get3A_51, %dot_general3A_52 {dimension_numbers = #tpu.dot_dimension_numbers<[1], [0], [0], [1], [0, 0, 1, 1], [], []>, transpose_lhs_hint = false} : vector<1000x48xf32>, vector<48x48xf32>, vector<1000x48xf32> -> vector<1000x48xf32>
    %mul3A_54 = vector.broadcast %rsqrt3A : vector<1000x1xf32> to vector<1000x48xf32>
    %mul3A_55 = arith.mulf %dot_general3A_53, %mul3A_54 : vector<1000x48xf32>
    %swap3A = arith.constant 0 : index
    %swap3A_56 = arith.constant 0 : index
    %swap3A_57 = vector.load %arg11[%swap3A, %swap3A_56] : memref<1000x48xf32, #tpu.memory_space<vmem>>, vector<1000x48xf32>
    tpu.vector_store %arg11[%swap3A, %swap3A_56], %mul3A_55 {strides = array<i32>} : memref<1000x48xf32, #tpu.memory_space<vmem>>, vector<1000x48xf32>,
    %swap3A_58 = arith.constant 0 : index
    %swap3A_59 = arith.constant 0 : index
    %swap3A_60 = vector.load %arg10[%swap3A_58, %swap3A_59] : memref<1000x48xf32, #tpu.memory_space<vmem>>, vector<1000x48xf32>
    tpu.vector_store %arg10[%swap3A_58, %swap3A_59], %add3A_48 {strides = array<i32>} : memref<1000x48xf32, #tpu.memory_space<vmem>>, vector<1000x48xf32>,
    return
  }
  func.func @transform_0(%arg0: i32) -> (i32, i32) {
    %c0_i32 = arith.constant 0 : i32
    %c0_i32_0 = arith.constant 0 : i32
    return %arg0, %c0_i32 : i32, i32
  }
  func.func @transform_1(%arg0: i32) -> (i32, i32) {
    %c0_i32 = arith.constant 0 : i32
    %c0_i32_0 = arith.constant 0 : i32
    return %arg0, %c0_i32 : i32, i32
  }
  func.func @transform_2(%arg0: i32) -> (i32, i32, i32) {
    %c0_i32 = arith.constant 0 : i32
    %c0_i32_0 = arith.constant 0 : i32
    %c0_i32_1 = arith.constant 0 : i32
    return %c0_i32, %arg0, %c0_i32_0 : i32, i32, i32
  }
  func.func @transform_3(%arg0: i32) -> (i32, i32, i32) {
    %c0_i32 = arith.constant 0 : i32
    %c0_i32_0 = arith.constant 0 : i32
    %c0_i32_1 = arith.constant 0 : i32
    return %c0_i32, %arg0, %c0_i32_0 : i32, i32, i32
  }
  func.func @transform_4(%arg0: i32) -> (i32, i32) {
    %c0_i32 = arith.constant 0 : i32
    %c0_i32_0 = arith.constant 0 : i32
    %c0_i32_1 = arith.constant 0 : i32
    return %c0_i32, %c0_i32_0 : i32, i32
  }
  func.func @transform_5(%arg0: i32) -> (i32, i32) {
    %c0_i32 = arith.constant 0 : i32
    %c0_i32_0 = arith.constant 0 : i32
    %c0_i32_1 = arith.constant 0 : i32
    return %c0_i32, %c0_i32_0 : i32, i32
  }
  func.func @transform_6(%arg0: i32) -> (i32, i32) {
    %c0_i32 = arith.constant 0 : i32
    %c0_i32_0 = arith.constant 0 : i32
    %c0_i32_1 = arith.constant 0 : i32
    return %c0_i32, %c0_i32_0 : i32, i32
  }
  func.func @transform_7(%arg0: i32) -> (i32, i32) {
    %c0_i32 = arith.constant 0 : i32
    %c0_i32_0 = arith.constant 0 : i32
    %c0_i32_1 = arith.constant 0 : i32
    return %c0_i32, %c0_i32_0 : i32, i32
  }
  func.func @transform_8(%arg0: i32) -> (i32, i32) {
    %c0_i32 = arith.constant 0 : i32
    %c0_i32_0 = arith.constant 0 : i32
    %c0_i32_1 = arith.constant 0 : i32
    return %c0_i32, %c0_i32_0 : i32, i32
  }
  func.func @transform_9(%arg0: i32) -> (i32, i32) {
    %c0_i32 = arith.constant 0 : i32
    %c0_i32_0 = arith.constant 0 : i32
    return %arg0, %c0_i32 : i32, i32
  }
  func.func @transform_10(%arg0: i32) -> (i32, i32) {
    %c0_i32 = arith.constant 0 : i32
    %c0_i32_0 = arith.constant 0 : i32
    return %arg0, %c0_i32 : i32, i32
  }
}

module attributes {stable_mosaic.version = 14 : i64} {
  func.func @_tc3_body(%arg0: i32, %arg1: memref<1000x48xf32, #tpu.memory_space<vmem>>, %arg2: memref<1000x48xf32, #tpu.memory_space<vmem>>, %arg3: memref<2x1000x48xf32, #tpu.memory_space<vmem>>, %arg4: memref<2x1000x1xf32, #tpu.memory_space<vmem>>, %arg5: memref<48x48xf32, #tpu.memory_space<vmem>>, %arg6: memref<1x48xf32, #tpu.memory_space<vmem>>, %arg7: memref<1000x40xf32, #tpu.memory_space<vmem>>) attributes {dimension_semantics = [#tpu.dimension_semantics<arbitrary>], iteration_bounds = array<i64: 10>, scalar_prefetch = 0 : i64, scratch_operands = 0 : i64, tpu.core_type = #tpu.core_type<tc>, window_params = [{transform_indices = @transform_0, window_bounds = array<i64: 1000, 48>}, {transform_indices = @transform_1, window_bounds = array<i64: 1000, 48>}, {transform_indices = @transform_2, window_bounds = array<i64: 2, 1000, 48>}, {transform_indices = @transform_3, window_bounds = array<i64: 2, 1000, 1>}, {pipeline_mode = #tpu.pipeline_mode<synchronous>, transform_indices = @transform_4, window_bounds = array<i64: 48, 48>}, {pipeline_mode = #tpu.pipeline_mode<synchronous>, transform_indices = @transform_5, window_bounds = array<i64: 1, 48>}, {transform_indices = @transform_6, window_bounds = array<i64: 1000, 40>}]} {
    %get3A = arith.constant 0 : index
    %get3A_0 = arith.constant 0 : index
    %get3A_1 = arith.constant 0 : index
    %get3A_2 = vector.load %arg4[%get3A, %get3A_0, %get3A_1] : memref<2x1000x1xf32, #tpu.memory_space<vmem>>, vector<2x1000x1xf32>
    %slice3A = vector.extract_strided_slice %get3A_2 {offsets = [0, 0, 0], sizes = [1, 1000, 1], strides = [1, 1, 1]} : vector<2x1000x1xf32> to vector<1x1000x1xf32>
    %squeeze3A = vector.shape_cast %slice3A : vector<1x1000x1xf32> to vector<1000x1xf32>
    %slice3A_3 = vector.extract_strided_slice %get3A_2 {offsets = [1, 0, 0], sizes = [1, 1000, 1], strides = [1, 1, 1]} : vector<2x1000x1xf32> to vector<1x1000x1xf32>
    %squeeze3A_4 = vector.shape_cast %slice3A_3 : vector<1x1000x1xf32> to vector<1000x1xf32>
    %add3A = arith.addf %squeeze3A, %squeeze3A_4 : vector<1000x1xf32>
    %add3A_5 = arith.constant 1.000000e+00 : f32
    %add3A_6 = vector.broadcast %add3A_5 : f32 to vector<1000x1xf32>
    %add3A_7 = arith.addf %add3A, %add3A_6 : vector<1000x1xf32>
    %rsqrt3A = math.rsqrt %add3A_7 : vector<1000x1xf32>
    %get3A_8 = arith.constant 0 : index
    %get3A_9 = arith.constant 0 : index
    %get3A_10 = arith.constant 0 : index
    %get3A_11 = vector.load %arg3[%get3A_8, %get3A_9, %get3A_10] : memref<2x1000x48xf32, #tpu.memory_space<vmem>>, vector<2x1000x48xf32>
    %get3A_12 = arith.constant 0 : index
    %get3A_13 = arith.constant 0 : index
    %get3A_14 = vector.load %arg1[%get3A_12, %get3A_13] : memref<1000x48xf32, #tpu.memory_space<vmem>>, vector<1000x48xf32>
    %slice3A_15 = vector.extract_strided_slice %get3A_11 {offsets = [0, 0, 0], sizes = [1, 1000, 48], strides = [1, 1, 1]} : vector<2x1000x48xf32> to vector<1x1000x48xf32>
    %squeeze3A_16 = vector.shape_cast %slice3A_15 : vector<1x1000x48xf32> to vector<1000x48xf32>
    %slice3A_17 = vector.extract_strided_slice %get3A_11 {offsets = [1, 0, 0], sizes = [1, 1000, 48], strides = [1, 1, 1]} : vector<2x1000x48xf32> to vector<1x1000x48xf32>
    %squeeze3A_18 = vector.shape_cast %slice3A_17 : vector<1x1000x48xf32> to vector<1000x48xf32>
    %add3A_19 = arith.addf %squeeze3A_16, %squeeze3A_18 : vector<1000x48xf32>
    %get3A_20 = arith.constant 0 : index
    %get3A_21 = arith.constant 0 : index
    %get3A_22 = vector.load %arg2[%get3A_20, %get3A_21] : memref<1000x48xf32, #tpu.memory_space<vmem>>, vector<1000x48xf32>
    %add3A_23 = arith.addf %add3A_19, %get3A_22 : vector<1000x48xf32>
    %mul3A = vector.broadcast %rsqrt3A : vector<1000x1xf32> to vector<1000x48xf32>
    %mul3A_24 = arith.mulf %add3A_23, %mul3A : vector<1000x48xf32>
    %get3A_25 = arith.constant 0 : index
    %get3A_26 = arith.constant 0 : index
    %get3A_27 = vector.load %arg5[%get3A_25, %get3A_26] : memref<48x48xf32, #tpu.memory_space<vmem>>, vector<48x48xf32>
    %dot_general3A = arith.constant dense<0.000000e+00> : vector<1000x48xf32>
    %dot_general3A_28 = tpu.matmul %get3A_14, %get3A_27, %dot_general3A {dimension_numbers = #tpu.dot_dimension_numbers<[1], [0], [0], [1], [0, 0, 1, 1], [], []>, transpose_lhs_hint = false} : vector<1000x48xf32>, vector<48x48xf32>, vector<1000x48xf32> -> vector<1000x48xf32>
    %add3A_29 = arith.addf %dot_general3A_28, %mul3A_24 : vector<1000x48xf32>
    %get3A_30 = arith.constant 0 : index
    %get3A_31 = arith.constant 0 : index
    %get3A_32 = vector.load %arg6[%get3A_30, %get3A_31] : memref<1x48xf32, #tpu.memory_space<vmem>>, vector<1x48xf32>
    %add3A_33 = vector.broadcast %get3A_32 : vector<1x48xf32> to vector<1000x48xf32>
    %add3A_34 = arith.addf %add3A_29, %add3A_33 : vector<1000x48xf32>
    %tanh3A = math.tanh %add3A_34 : vector<1000x48xf32>
    %mul3A_35 = arith.constant 1.000000e-01 : f32
    %mul3A_36 = vector.broadcast %mul3A_35 : f32 to vector<1000x48xf32>
    %mul3A_37 = arith.mulf %mul3A_36, %tanh3A : vector<1000x48xf32>
    %add3A_38 = arith.addf %get3A_14, %mul3A_37 : vector<1000x48xf32>
    %iota3A = tpu.iota {dimensions = array<i32: 1>} : vector<1000x48xi32>
    %lt3A = arith.constant 40 : i32
    %lt3A_39 = vector.broadcast %lt3A : i32 to vector<1000x48xi32>
    %lt3A_40 = arith.cmpi slt, %iota3A, %lt3A_39 : vector<1000x48xi32>
    %jit3A = arith.constant 0xFF800000 : f32
    %broadcast_in_dim3A = vector.broadcast %jit3A : f32 to vector<1000x48xf32>
    %select_n3A = arith.select %lt3A_40, %add3A_38, %broadcast_in_dim3A : vector<1000x48xi1>, vector<1000x48xf32>
    %reduce_max3A = arith.constant dense<0xFF800000> : vector<1000xf32>
    %reduce_max3A_41 = vector.multi_reduction <maximumf>, %select_n3A, %reduce_max3A [1] : vector<1000x48xf32> to vector<1000xf32>
    %broadcast_in_dim3A_42 = vector.shape_cast %reduce_max3A_41 : vector<1000xf32> to vector<1000x1xf32>
    %sub3A = vector.broadcast %broadcast_in_dim3A_42 : vector<1000x1xf32> to vector<1000x48xf32>
    %sub3A_43 = arith.subf %add3A_38, %sub3A : vector<1000x48xf32>
    %exp3A = math.exp %sub3A_43 : vector<1000x48xf32>
    %jit3A_44 = arith.constant 0.000000e+00 : f32
    %broadcast_in_dim3A_45 = vector.broadcast %jit3A_44 : f32 to vector<1000x48xf32>
    %select_n3A_46 = arith.select %lt3A_40, %exp3A, %broadcast_in_dim3A_45 : vector<1000x48xi1>, vector<1000x48xf32>
    %reduce_sum3A = arith.constant dense<0.000000e+00> : vector<1000xf32>
    %reduce_sum3A_47 = vector.multi_reduction <add>, %select_n3A_46, %reduce_sum3A [1] : vector<1000x48xf32> to vector<1000xf32>
    %broadcast_in_dim3A_48 = vector.shape_cast %reduce_sum3A_47 : vector<1000xf32> to vector<1000x1xf32>
    %log3A = math.log %broadcast_in_dim3A_48 : vector<1000x1xf32>
    %add3A_49 = arith.addf %broadcast_in_dim3A_42, %log3A : vector<1000x1xf32>
    %sub3A_50 = vector.broadcast %add3A_49 : vector<1000x1xf32> to vector<1000x48xf32>
    %sub3A_51 = arith.subf %add3A_38, %sub3A_50 : vector<1000x48xf32>
    %slice3A_52 = vector.extract_strided_slice %sub3A_51 {offsets = [0, 0], sizes = [1000, 40], strides = [1, 1]} : vector<1000x48xf32> to vector<1000x40xf32>
    %swap3A = arith.constant 0 : index
    %swap3A_53 = arith.constant 0 : index
    %swap3A_54 = vector.load %arg7[%swap3A, %swap3A_53] : memref<1000x40xf32, #tpu.memory_space<vmem>>, vector<1000x40xf32>
    tpu.vector_store %arg7[%swap3A, %swap3A_53], %slice3A_52 {strides = array<i32>} : memref<1000x40xf32, #tpu.memory_space<vmem>>, vector<1000x40xf32>,
    return
  }
  func.func @transform_0(%arg0: i32) -> (i32, i32) {
    %c0_i32 = arith.constant 0 : i32
    %c0_i32_0 = arith.constant 0 : i32
    return %arg0, %c0_i32 : i32, i32
  }
  func.func @transform_1(%arg0: i32) -> (i32, i32) {
    %c0_i32 = arith.constant 0 : i32
    %c0_i32_0 = arith.constant 0 : i32
    return %arg0, %c0_i32 : i32, i32
  }
  func.func @transform_2(%arg0: i32) -> (i32, i32, i32) {
    %c0_i32 = arith.constant 0 : i32
    %c0_i32_0 = arith.constant 0 : i32
    %c0_i32_1 = arith.constant 0 : i32
    return %c0_i32, %arg0, %c0_i32_0 : i32, i32, i32
  }
  func.func @transform_3(%arg0: i32) -> (i32, i32, i32) {
    %c0_i32 = arith.constant 0 : i32
    %c0_i32_0 = arith.constant 0 : i32
    %c0_i32_1 = arith.constant 0 : i32
    return %c0_i32, %arg0, %c0_i32_0 : i32, i32, i32
  }
  func.func @transform_4(%arg0: i32) -> (i32, i32) {
    %c0_i32 = arith.constant 0 : i32
    %c0_i32_0 = arith.constant 0 : i32
    %c0_i32_1 = arith.constant 0 : i32
    return %c0_i32, %c0_i32_0 : i32, i32
  }
  func.func @transform_5(%arg0: i32) -> (i32, i32) {
    %c0_i32 = arith.constant 0 : i32
    %c0_i32_0 = arith.constant 0 : i32
    %c0_i32_1 = arith.constant 0 : i32
    return %c0_i32, %c0_i32_0 : i32, i32
  }
  func.func @transform_6(%arg0: i32) -> (i32, i32) {
    %c0_i32 = arith.constant 0 : i32
    %c0_i32_0 = arith.constant 0 : i32
    return %arg0, %c0_i32 : i32, i32
  }
}

</mosaic_0001>

<sc_bundles>
// kernel: kernel.11.cloned.1.call-start
scs
__scs_entry_jumppad:
0x0: {  	(pc) =	sbr.rel $0x88, $3  }
0x1: {  	(tag) =	ssettag $0x0;
	lr =	simm.s32 $0x1  }
0x2: {  	[smem:$0x3F95] =	sst lr;
	_ =	strace $0xD0000000  }
0x3: {  	_ = 	snop  }
0x4: {  	_ = 	snop  }
0x5: {  	_ = 	snop  }
0x6: {  	_ = 	snop  }
0x7: {  	_ = 	snop  }
__scs_overlays_trampoline_lowered:
0x8: {  	[smem:$0x3FA4] =	sst s0  }
0x9: {  	[smem:$0x3FA5] =	sst s1  }
0xa: {  	[smem:$0x3FA6] =	sst s2  }
0xb: {  	[smem:$0x3FA7] =	sst s3  }
0xc: {  	[smem:$0x3FA8] =	sst s4  }
0xd: {  	[smem:$0x3FA9] =	sst s5  }
0xe: {  	[smem:$0x3FAA] =	sst s6  }
0xf: {  	[smem:$0x3FAB] =	sst s7  }
0x10: {  	[smem:$0x3FAC] =	sst s8  }
0x11: {  	[smem:$0x3FAD] =	sst s9;
	s0 =	simm.s32 @!p0 $0x0  }
0x12: {  	s1 =	sld [smem:$0x3F93];
	s0 =	simm.s32 @p0 $0x1  }
0x13: {  	[smem:$0x3FAE] =	sst s0;
	s0 =	simm.s32 @!p1 $0x0  }
0x14: {  	s2 =	sld [smem:$0x3F92];
	s0 =	simm.s32 @p1 $0x1  }
0x15: {  	[smem:$0x3FAF] =	sst s0;
	s0 =	simm.s32 @!p2 $0x0  }
0x16: {  	s3 =	sld [smem:$0x3FDB];
	s0 =	simm.s32 @p2 $0x1  }
0x17: {  	s4 =	simm.s32 $0x1BF5;
	[smem:$0x3FB1] =	sst s0  }
0x18: {  	s0 =	sld [smem:$0x3F94];
	_ =	swait.ge [sflag:s4], $0x0  }
0x19: {  	s7 =	sld [smem:$0x3F95]  }
0x1a: {  	s8 =	sadd.s32 $0xFFFFE003, lr  }
0x1b: {  	s9 =	sadd.s32 $0xFFFFFEF7, lr;
	s5 =	simm.s32 $0xFFFFFFFF;
	p2 =	slt.u32 s8, $0xFFFFF086  }
0x1c: {  	p1 =	slt.u32 s9, $0xF7A;
	s5 =	simm.s32 @!p2 $0x0  }
0x1d: {  	s5 =	simm.s32 @p1 $0x1;
	p0 =	seq.s32 s7, s2  }
0x1e: {  	s7 =	smul.u32 @!p0 $0xF7A, s2;
	p2 =	seq.s32 @!p0 s5, $0x0  }
0x1f: {  	s9 =	smul.u32 $0xF7A, s1;
	s8 =	simm.s32 @!p0 $0x1BF5;
	p2 =	por !p2, p0  }
0x20: {  	[sflag:s8] =	ssyncset.s32 @!p0 $0xFFFFF086;
	s6 =	sadd.s32 @!p0 s3, s7;
	s7 =	simm.s32 @!p0 $0x108  }
0x21: {  	s3 =	sadd.s32 s3, s9;
	s6 =	sadd.s32 @!p0 $0x88, s6;
	s7 =	simm.s32 @p2 $0x1082  }
0x22: {  	[simem:s7], [sflag:s8] =	dma.local @!p0 [hbm:s6], $0xF7A  }
0x23: {  	s9 =	sor.u32 $0xD0000000, s2;
	s6 =	simm.s32 $0x108;
	_ =	swait.ge @!p0 [sflag:s8], $0x0  }
0x24: {  	s3 =	sadd.s32 $0x88, s3;
	s6 =	simm.s32 @!p1 $0x1082;
	[sflag:s4] =	ssyncset.s32 $0xFFFFF086  }
0x25: {  	[simem:s6], [sflag:s4] =	dma.local [hbm:s3], $0xF7A  }
0x26: {  	[smem:$0x3F95] =	sst s1;
	(tag) =	ssettag s2;
	_ =	strace s9  }
0x27: {  	s1 =	sld [smem:$0x3FA5]  }
0x28: {  	s2 =	sld [smem:$0x3FA6]  }
0x29: {  	s4 =	sld [smem:$0x3FA8]  }
0x2a: {  	p0 =	seq.s32 s5, $0x0;
	s5 =	sld [smem:$0x3FA9]  }
0x2b: {  	s6 =	sld [smem:$0x3FAA]  }
0x2c: {  	s7 =	sld [smem:$0x3FAB]  }
0x2d: {  	s3 =	simm.s32 $0x108;
	s8 =	sld [smem:$0x3FAC]  }
0x2e: {  	s3 =	simm.s32 @!p0 $0x1082;
	s9 =	sld [smem:$0x3FAD]  }
0x2f: {  	lr =	sadd.s32 s0, s3;
	s0 =	sld [smem:$0x3FA4]  }
0x30: {  	s3 =	sld [smem:$0x3FA7]  }
0x31: {  	[smem:$0x3FB0] =	sst s10  }
0x32: {  	s10 =	sld [smem:$0x3FAE];
	_ =	sdelay $0x3  }
0x33: {  	p0 =	seq.s32 s10, $0x1;
	s10 =	sld [smem:$0x3FB0];
	_ =	sdelay $0x3  }
0x34: {  	[smem:$0x3FB0] =	sst s10  }
0x35: {  	s10 =	sld [smem:$0x3FAF];
	_ =	sdelay $0x3  }
0x36: {  	p1 =	seq.s32 s10, $0x1;
	s10 =	sld [smem:$0x3FB0];
	_ =	sdelay $0x3  }
0x37: {  	[smem:$0x3FB0] =	sst s10  }
0x38: {  	s10 =	sld [smem:$0x3FB1]  }
0x39: {  	_ = 	snop;
	(pc) =	sbr.ind lr, $3  }
0x3a: {  	_ = 	snop  }
0x3b: {  	_ = 	snop  }
0x3c: {  	p2 =	seq.s32 s10, $0x1;
	s10 =	sld [smem:$0x3FB0]  }
0x3d: {  	_ =	shalt  }
0x3e: {  	_ =	shalt  }
0x3f: {  	_ =	shalt  }
0x40: {  	_ =	shalt  }
0x41: {  	_ =	shalt  }
0x42: {  	_ =	shalt  }
0x43: {  	_ =	shalt  }
0x44: {  	_ =	shalt  }
0x45: {  	_ =	shalt  }
0x46: {  	_ =	shalt  }
0x47: {  	_ =	shalt  }
0x48: {  	_ =	shalt  }
0x49: {  	_ =	shalt  }
0x4a: {  	_ =	shalt  }
0x4b: {  	_ =	shalt  }
0x4c: {  	_ =	shalt  }
0x4d: {  	_ =	shalt  }
0x4e: {  	_ =	shalt  }
0x4f: {  	_ =	shalt  }
0x50: {  	_ =	shalt  }
0x51: {  	_ =	shalt  }
0x52: {  	_ =	shalt  }
0x53: {  	_ =	shalt  }
0x54: {  	_ =	shalt  }
0x55: {  	_ =	shalt  }
0x56: {  	_ =	shalt  }
0x57: {  	_ =	shalt  }
0x58: {  	_ =	shalt  }
0x59: {  	_ =	shalt  }
0x5a: {  	_ =	shalt  }
0x5b: {  	_ =	shalt  }
0x5c: {  	_ =	shalt  }
0x5d: {  	_ =	shalt  }
0x5e: {  	_ =	shalt  }
0x5f: {  	_ =	shalt  }
0x60: {  	_ =	shalt  }
0x61: {  	_ =	shalt  }
0x62: {  	_ =	shalt  }
0x63: {  	_ =	shalt  }
0x64: {  	_ =	shalt  }
0x65: {  	_ =	shalt  }
0x66: {  	_ =	shalt  }
0x67: {  	_ =	shalt  }
0x68: {  	_ =	shalt  }
0x69: {  	_ =	shalt  }
0x6a: {  	_ =	shalt  }
0x6b: {  	_ =	shalt  }
0x6c: {  	_ =	shalt  }
0x6d: {  	_ =	shalt  }
0x6e: {  	_ =	shalt  }
0x6f: {  	_ =	shalt  }
0x70: {  	_ =	shalt  }
0x71: {  	_ =	shalt  }
0x72: {  	_ =	shalt  }
0x73: {  	_ =	shalt  }
0x74: {  	_ =	shalt  }
0x75: {  	_ =	shalt  }
0x76: {  	_ =	shalt  }
0x77: {  	_ =	shalt  }
0x78: {  	_ =	shalt  }
0x79: {  	_ =	shalt  }
0x7a: {  	_ =	shalt  }
0x7b: {  	_ =	shalt  }
0x7c: {  	_ =	shalt  }
0x7d: {  	_ =	shalt  }
0x7e: {  	_ =	shalt  }
0x7f: {  	_ =	shalt  }
0x80: {  	_ =	shalt  }
0x81: {  	_ =	shalt  }
0x82: {  	_ =	shalt  }
0x83: {  	_ =	shalt  }
0x84: {  	_ =	shalt  }
0x85: {  	_ =	shalt  }
0x86: {  	_ =	shalt  }
0x87: {  	_ =	shalt  }
.Lfunc_end0:
.L_simem_size_0:
called_computation.1_lowered:
.L_overlay_start_0:
0x88: {  	s2 =	sld [smem:$0x3FD9]  }
0x89: {  	s3 =	sld [smem:$0x3FFE];
	_ =	sdelay $0x1  }
0x8a: {  	s1 =	srdreg.scid  }
0x8b: {  	s0 =	sand.u32 $0x1, s1  }
0x8c: {  	s17 =	sshll.u32 s0, $0xA;
	s2 =	sadd.s32 s3, s2  }
0x8d: {  	s2 =	sadd.s32 s2, s17  }
0x8e: {  	[smem:$0x3FBC] =	sst s2  }
0x8f: {  	_ = 	snop  }
0x90: {  	s2 =	sld [smem:$0x3FD0];
	(tm) =	ssettm $0x1  }
0x91: {  	s18 =	sld [smem:$0x3FFB];
	_ =	sdelay $0x3  }
0x92: {  	_ =	strace s18  }
0x93: {  	s3 =	sld [smem:$0x3FFC];
	_ =	sdelay $0x3  }
0x94: {  	_ =	strace s3  }
0x95: {  	s3 =	sld [smem:$0x3FFD];
	_ =	sdelay $0x3  }
0x96: {  	_ =	strace s3  }
0x97: {  	_ =	strace $0x8FFFFFFF  }
0x98: {  	s19 =	sld [smem:$0x3FDB];
	_ =	sdelay $0x1  }
0x99: {  	s4 =	simm.s32 $_scs_section_size  }
0x9a: {  	s5 =	simm.s32 $_size__tile_overlayer_lowered;
	s6 =	simm.s32 $_tile_overlayer_lowered  }
0x9b: {  	s22 =	simm.s32 $0x1BFF;
	s21 =	sshll.u32 s6, $0x1;
	s3 =	sadd.s32 s4, s19  }
0x9c: {  	s7 =	simm.s32 $0x0;
	s20 =	sshll.u32 s5, $0x1;
	s5 =	sadd.s32 s21, s3  }
0x9d: {  	[timem:s7], [sflag:s22] =	dma.local [hbm:s5], s20  }
0x9e: {  	_ =	swait.ge [sflag:s22], s20  }
0x9f: {  	s4 =	ssub.s32 $0x0, s20;
	[sflag:s22] =	ssyncset.done $0x0  }
0xa0: {  	[sflag:s22] =	ssyncadd.s32 s4;
	_ =	sdelay $0x1  }
0xa1: {  	s23 =	simm.s32 $0x1B8B  }
0xa2: {  	_ =	swait.ge [sflag:s23], $0x1  }
0xa3: {  	[sflag:s23] =	ssyncset.done $0x0  }
0xa4: {  	s25 =	simm.s32 $0x1B8E;
	s24 =	sld [smem:$0x3FFE];
	[sflag:s23] =	ssyncadd.s32 $0xFFFFFFFF  }
0xa5: {  	s26 =	simm.s32 $execute0_lowered;
	[smem:$0x3FD2] =	sst s25  }
0xa6: {  	s5 =	sshll.u32 s26, $0x1;
	_ =	strace $0x80000049;
	[dreg:$0x1] =	wrdreg $0xFFFFFFFF  }
0xa7: {  	s28 =	simm.s32 $_size_execute0_lowered;
	s3 =	sadd.s32 s3, s5;
	[dreg:$0x0] =	wrdreg $0x0  }
0xa8: {  	s5 =	sshll.u32 s28, $0x1;
	[dreg:$0x2] =	wrdreg s3  }
0xa9: {  	[dreg:$0x3] =	wrdreg s5  }
0xaa: {  	[dreg:$0x4] =	wrdreg $0xC0  }
0xab: {  	_ =	task [dreg:s7], $0x5FFFF  }
0xac: {  	[dreg:$0x1] =	wrdreg $0xFFFFFFFF  }
0xad: {  	[dreg:$0x0] =	wrdreg $0x60  }
0xae: {  	[dreg:$0x2] =	wrdreg s24  }
0xaf: {  	[dreg:$0x3] =	wrdreg s2  }
0xb0: {  	[dreg:$0x4] =	wrdreg $0xB0000  }
0xb1: {  	[dreg:$0x5] =	wrdreg $0x9  }
0xb2: {  	_ =	task.clear_ibuf [dreg:s7], $0x6FFFF;
	_ =	strace $0x90000049  }
0xb3: {  	s29 =	simm.s32 $0x9;
	_ =	strace $0x8000004B  }
0xb4: {  	_ =	swait.ge [sflag:s29], $0x1  }
0xb5: {  	[sflag:s29] =	ssyncadd.s32 $0xFFFFFFFF  }
0xb6: {  	_ =	strace $0x9000004B  }
0xb7: {  	_ =	sfence  }
0xb8: {  	s30 =	sld [smem:$0x0];
	_ =	sdelay $0x2  }
0xb9: {  	s31 =	sshll.u32 s1, $0xD;
	s1 =	sshrl.u32 s1, $0x2  }
0xba: {  	s3 =	sand.u32 $0x4000, s31;
	s1 =	sadd.s32 s1, s30  }
0xbb: {  	s0 =	sor.u32 s3, s0;
	s1 =	sshll.u32 s1, $0x11  }
0xbc: {  	s0 =	sor.u32 s1, s0  }
0xbd: {  	s0 =	sadd.s32 $0x8F2B, s0  }
0xbe: {  	[sflag:s0] =	ssyncadd.remote.s32 $0x1  }
0xbf: {  	_ =	sfence.sel $0xFFFF  }
0xc0: {  	[dreg:$0x0] =	wrdreg $0xFFFFFFFF;
	(pc) =	sbr.abs _section_cstart, $3  }
0xc1: {  	[dreg:$0x1] =	wrdreg $0xFFFFFFFF  }
0xc2: {  	_ =	task.clear_ibuf [dreg:s7], $0x2FFFF;
	_ =	strace $0x9FFFFFFF  }
0xc3: {  	(tm) =	ssettm $0x7FFFFFFF  }
tec
execute0_lowered:
.L_overlay_start_1:
0x0: {  	(tag) =	ssettag $0x1  }
0x1: {  	s0 =	rddreg [dreg:$0x0]  }
0x2: {  	s1 =	rddreg [dreg:$0x1];
	s3 =	srdreg.scid  }
0x3: {  	s2 =	rddreg [dreg:$0x2];
	s7 =	stileid.u32  }
0x4: {  	s28 =	simm.s32 $0x800;
	s29 =	simm.s32 $0x7;
	s30 =	simm.s32 $0x400  }
0x5: {  	s31 =	simm.s32 $0x70;
	s4 =	sand.u32 $0x1, s3;
	s6 =	smul.u32 $0x2800, s7  }
0x6: {  	s3 =	simm.s32 $0x0;
	s7 =	smul.u32 $0x14000, s7;
	s9 =	sadd.s32 $0x8EE00, s0  }
0x7: {  	s5 =	smul.u32 $0x28000, s4;
	[smem:$0x7FF] =	sst s3;
	s19 =	ssub.s32 $0x2, s4  }
0x8: {  	s4 =	smul.u32 $0x140000, s4;
	_ =	strace $0x8000004A;
	s10 =	sshrl.u32 s19, $0x1  }
0x9: {  	s11 =	sadd.s32 $0x4000, s7;
	s12 =	sadd.s32 $0x6000, s7;
	s13 =	sadd.s32 $0x8000, s7  }
0xa: {  	s15 =	sadd.s32 $0xA000, s7;
	s16 =	sadd.s32 $0xC000, s7;
	s17 =	sadd.s32 $0xE000, s7  }
0xb: {  	s18 =	sadd.s32 $0x10000, s7;
	s5 =	sadd.s32 s6, s5;
	s6 =	ssub.s32 s19, s10  }
0xc: {  	s10 =	sor.u32 $0x2000, s7;
	s19 =	sadd.s32 $0x12000, s7;
	s14 =	sadd.s32 s7, s4  }
0xd: {  	s21 =	sadd.s32 s4, s11;
	s24 =	sadd.s32 s4, s12;
	s25 =	sadd.s32 s4, s13  }
0xe: {  	s26 =	sadd.s32 s4, s15;
	s11 =	sadd.s32 s11, s2;
	s5 =	sshrl.u32 s5, $0x3  }
0xf: {  	s14 =	sshrl.u32 s14, $0x3;
	s20 =	sadd.s32 s4, s10;
	s22 =	sshrl.u32 s21, $0x3  }
0x10: {  	s21 =	sadd.s32 s4, s16;
	s10 =	sadd.s32 s10, s2;
	[dreg:$0x15] =	wrdreg s11  }
0x11: {  	s11 =	simm.s32 $0x3;
	s8 =	sadd.s32 s5, s0;
	s14 =	sadd.s32 s9, s14  }
0x12: {  	s20 =	sshrl.u32 s20, $0x3;
	s23 =	sadd.s32 s9, s22;
	[dreg:$0x14] =	wrdreg s10  }
0x13: {  	s1 =	sadd.s32 s5, s1;
	s5 =	sshrl.u32 s26, $0x3;
	[dreg:$0x8] =	wrdreg s14  }
0x14: {  	s10 =	simm.s32 $0x200;
	s14 =	sadd.s32 s9, s20;
	[dreg:$0xa] =	wrdreg s23  }
0x15: {  	s20 =	sshrl.u32 s25, $0x3;
	s5 =	sadd.s32 s9, s5;
	[dreg:$0x4] =	wrdreg s1  }
0x16: {  	s22 =	sadd.s32 $0xCE00, s8;
	s1 =	sshrl.u32 s21, $0x3;
	s23 =	sadd.s32 s4, s17  }
0x17: {  	s25 =	sadd.s32 s4, s18;
	s4 =	sadd.s32 s4, s19;
	[dreg:$0x9] =	wrdreg s14  }
0x18: {  	s8 =	simm.s32 $0x80;
	s21 =	sadd.s32 s13, s2;
	[dreg:$0xd] =	wrdreg s5  }
0x19: {  	s13 =	simm.s32 $0x6;
	s14 =	sshrl.u32 s24, $0x3;
	[dreg:$0x5] =	wrdreg s22  }
0x1a: {  	s20 =	sadd.s32 s9, s20;
	s1 =	sadd.s32 s9, s1;
	[dreg:$0x6] =	wrdreg s8  }
0x1b: {  	s24 =	sshrl.u32 s23, $0x3;
	s26 =	sshrl.u32 s25, $0x3;
	[dreg:$0x17] =	wrdreg s21  }
0x1c: {  	s5 =	sshrl.u32 s4, $0x3;
	s25 =	sadd.s32 s7, s2;
	[dreg:$0xc] =	wrdreg s20  }
0x1d: {  	s22 =	sadd.s32 s15, s2;
	s23 =	sadd.s32 s16, s2;
	[dreg:$0xe] =	wrdreg s1  }
0x1e: {  	s4 =	simm.s32 $0x1;
	s7 =	simm.s32 $0x2;
	[dreg:$0x18] =	wrdreg s22  }
0x1f: {  	s8 =	simm.s32 $0x480;
	s15 =	simm.s32 $0x280;
	[dreg:$0x19] =	wrdreg s23  }
0x20: {  	s16 =	simm.s32 $0x300;
	s14 =	sadd.s32 s9, s14;
	[dreg:$0x13] =	wrdreg s25  }
0x21: {  	s21 =	simm.s32 $0x780;
	s1 =	sadd.s32 s9, s24;
	[dreg:$0xb] =	wrdreg s14  }
0x22: {  	s20 =	sadd.s32 s12, s2;
	s24 =	sadd.s32 s17, s2;
	[dreg:$0xf] =	wrdreg s1  }
0x23: {  	s22 =	sadd.s32 s18, s2;
	s12 =	simm.s32 $0x500;
	[dreg:$0x16] =	wrdreg s20  }
0x24: {  	s17 =	simm.s32 $0x600;
	s23 =	simm.s32 $0x0;
	[dreg:$0x1a] =	wrdreg s24  }
0x25: {  	s18 =	simm.s32 $0x380;
	s1 =	sadd.s32 s9, s26;
	[dreg:$0x1e] =	wrdreg s23  }
0x26: {  	s14 =	sadd.s32 $0x66E00, s0;
	s0 =	sadd.s32 $0x2A00, s0;
	[dreg:$0x1b] =	wrdreg s22  }
0x27: {  	s24 =	sadd.s32 s19, s2;
	s26 =	smax.u32 s6, $0x1;
	[dreg:$0x10] =	wrdreg s1  }
0x28: {  	s6 =	simm.s32 $0x180;
	s19 =	simm.s32 $0x680;
	[dreg:$0x12] =	wrdreg s0  }
0x29: {  	s20 =	simm.s32 $0x700;
	s1 =	sadd.s32 s9, s5;
	[dreg:$0x1d] =	wrdreg s26  }
0x2a: {  	s9 =	simm.s32 $0x100;
	s0 =	simm.s32 $0x4000;
	[dreg:$0x1c] =	wrdreg s24  }
0x2b: {  	s5 =	simm.s32 $0x4;
	s26 =	simm.s32 $0x580;
	[dreg:$0x11] =	wrdreg s1  }
0x2c: {  	[dreg:$0x7] =	wrdreg s9;
	s1 =	simm.s32 $0x7800;
	s9 =	simm.s32 $0x5  }
.LBB2_1:
0x2d: {  	s23 =	rddreg [dreg:$0x12]  }
0x2e: {  	[tilespmem:s28], [sflag:$0x7] =	stream.linear.gather [hbm4b:s23+s3], $0x2000, $0x38;
	[tilespmem:$0x1F000] =	vst v63  }
0x2f: {  	_ =	swait.ge [sflag:s29], $0x2000  }
0x30: {  	[sflag:s29] =	ssyncset.done $0x0  }
0x31: {  	[sflag:s29] =	ssyncadd.s32 $0xFFFFE000  }
0x32: {  	[spmem:s25] =	stream.linear.scatter [tilespmem:s28], [sflag:$0x7], $0x2000, $0x38;
	[tilespmem:$0x1F000] =	vst v63  }
0x33: {  	_ =	swait.ge [sflag:s29], $0x2000  }
0x34: {  	[sflag:s29] =	ssyncset.done $0x0  }
0x35: {  	s25 =	rddreg [dreg:$0x14];
	[sflag:s29] =	ssyncadd.s32 $0xFFFFE000  }
0x36: {  	[spmem:s25] =	stream.linear.scatter [tilespmem:s28], [sflag:$0x7], $0x2000, $0x38;
	[tilespmem:$0x1F000] =	vst v63  }
0x37: {  	_ =	swait.ge [sflag:s29], $0x2000  }
0x38: {  	[sflag:s29] =	ssyncset.done $0x0  }
0x39: {  	s25 =	rddreg [dreg:$0x15];
	[sflag:s29] =	ssyncadd.s32 $0xFFFFE000  }
0x3a: {  	[spmem:s25] =	stream.linear.scatter [tilespmem:s28], [sflag:$0x7], $0x2000, $0x38;
	[tilespmem:$0x1F000] =	vst v63  }
0x3b: {  	_ =	swait.ge [sflag:s29], $0x2000  }
0x3c: {  	[sflag:s29] =	ssyncset.done $0x0  }
0x3d: {  	s25 =	rddreg [dreg:$0x16];
	[sflag:s29] =	ssyncadd.s32 $0xFFFFE000  }
0x3e: {  	[spmem:s25] =	stream.linear.scatter [tilespmem:s28], [sflag:$0x7], $0x2000, $0x38;
	[tilespmem:$0x1F000] =	vst v63  }
0x3f: {  	_ =	swait.ge [sflag:s29], $0x2000  }
0x40: {  	[sflag:s29] =	ssyncset.done $0x0  }
0x41: {  	s25 =	rddreg [dreg:$0x17];
	[sflag:s29] =	ssyncadd.s32 $0xFFFFE000  }
0x42: {  	[spmem:s25] =	stream.linear.scatter [tilespmem:s28], [sflag:$0x7], $0x2000, $0x38;
	[tilespmem:$0x1F000] =	vst v63  }
0x43: {  	_ =	swait.ge [sflag:s29], $0x2000  }
0x44: {  	[sflag:s29] =	ssyncset.done $0x0  }
0x45: {  	s25 =	rddreg [dreg:$0x18];
	[sflag:s29] =	ssyncadd.s32 $0xFFFFE000  }
0x46: {  	[spmem:s25] =	stream.linear.scatter [tilespmem:s28], [sflag:$0x7], $0x2000, $0x38;
	[tilespmem:$0x1F000] =	vst v63  }
0x47: {  	_ =	swait.ge [sflag:s29], $0x2000  }
0x48: {  	[sflag:s29] =	ssyncset.done $0x0  }
0x49: {  	s25 =	rddreg [dreg:$0x19];
	[sflag:s29] =	ssyncadd.s32 $0xFFFFE000  }
0x4a: {  	[spmem:s25] =	stream.linear.scatter [tilespmem:s28], [sflag:$0x7], $0x2000, $0x38;
	[tilespmem:$0x1F000] =	vst v63  }
0x4b: {  	_ =	swait.ge [sflag:s29], $0x2000  }
0x4c: {  	[sflag:s29] =	ssyncset.done $0x0  }
0x4d: {  	s25 =	rddreg [dreg:$0x1a];
	[sflag:s29] =	ssyncadd.s32 $0xFFFFE000  }
0x4e: {  	[spmem:s25] =	stream.linear.scatter [tilespmem:s28], [sflag:$0x7], $0x2000, $0x38;
	[tilespmem:$0x1F000] =	vst v63  }
0x4f: {  	_ =	swait.ge [sflag:s29], $0x2000  }
0x50: {  	[sflag:s29] =	ssyncset.done $0x0  }
0x51: {  	[sflag:s29] =	ssyncadd.s32 $0xFFFFE000  }
0x52: {  	[spmem:s22] =	stream.linear.scatter [tilespmem:s28], [sflag:$0x7], $0x2000, $0x38;
	[tilespmem:$0x1F000] =	vst v63  }
0x53: {  	_ =	swait.ge [sflag:s29], $0x2000  }
0x54: {  	[sflag:s29] =	ssyncset.done $0x0  }
0x55: {  	[sflag:s29] =	ssyncadd.s32 $0xFFFFE000  }
0x56: {  	[spmem:s24] =	stream.linear.scatter [tilespmem:s28], [sflag:$0x7], $0x2000, $0x38;
	[tilespmem:$0x1F000] =	vst v63  }
0x57: {  	_ =	swait.ge [sflag:s29], $0x2000  }
0x58: {  	[sflag:s29] =	ssyncset.done $0x0  }
0x59: {  	[sflag:s29] =	ssyncadd.s32 $0xFFFFE000  }
0x5a: {  	[bflag:$0x0] =	sbarrier.arrive $0xFFFF  }
0x5b: {  	s25 =	rddreg [dreg:$0x5]  }
0x5c: {  	s23 =	sadd.s32 $0x0, s25  }
0x5d: {  	[tilespmem:s3], [sflag:$0x7] =	stream.linear.gather [hbm4b:s23+s3], $0x400, $0x38;
	[tilespmem:$0x1F000] =	vst v63  }
0x5e: {  	_ =	swait.ge [sflag:s29], $0x400  }
0x5f: {  	s22 =	rddreg [dreg:$0x4];
	[sflag:s29] =	ssyncset.done $0x0  }
0x60: {  	[sflag:s29] =	ssyncadd.s32 $0xFFFFFC00;
	s23 =	sadd.s32 $0x0, s22  }
0x61: {  	[tilespmem:s30], [sflag:$0x7] =	stream.linear.gather [hbm4b:s23+s3], $0x400, $0x38;
	[tilespmem:$0x1F000] =	vst v63  }
0x62: {  	_ =	swait.ge [sflag:s29], $0x400  }
0x63: {  	[sflag:s29] =	ssyncset.done $0x0  }
0x64: {  	[sflag:s29] =	ssyncadd.s32 $0xFFFFFC00  }
0x65: {  	[tilespmem:s28], [sflag:$0x1] =	stream.indirect.gather [hbm4b:s14+s31], $0x80, s3, s31, $0xb8;
	[tilespmem:$0x1F000] =	vst v63  }
0x66: {  	s24 =	rddreg [dreg:$0x6]  }
0x67: {  	[tilespmem:s0], [sflag:$0x2] =	stream.indirect.gather [hbm4b:s14+s31], $0x80, s24, s31, $0xb8;
	[tilespmem:$0x1F000] =	vst v63  }
0x68: {  	s25 =	rddreg [dreg:$0x7]  }
0x69: {  	[tilespmem:s1], [sflag:$0x3] =	stream.indirect.gather [hbm4b:s14+s31], $0x80, s25, s31, $0xb8;
	[tilespmem:$0x1F000] =	vst v63  }
0x6a: {  	_ =	swait.ge [sflag:s4], $0x3800  }
0x6b: {  	[sflag:s4] =	ssyncset.done $0x0  }
0x6c: {  	[sflag:s4] =	ssyncadd.s32 $0xFFFFC800  }
0x6d: {  	[spmem:s2] =	stream.indirect.scatter.add.f32 [tilespmem:s28], [sflag:$0x4], $0x80, s30, s31, $0xb8;
	[tilespmem:$0x1F000] =	vst v63  }
0x6e: {  	_ =	swait.ge [sflag:s5], $0x3800  }
0x6f: {  	[sflag:s5] =	ssyncset.done $0x0  }
0x70: {  	[sflag:s5] =	ssyncadd.s32 $0xFFFFC800  }
0x71: {  	[tilespmem:s28], [sflag:$0x1] =	stream.indirect.gather [hbm4b:s14+s31], $0x80, s6, s31, $0xb8;
	[tilespmem:$0x1F000] =	vst v63  }
0x72: {  	_ =	swait.ge [sflag:s7], $0x3800  }
0x73: {  	[sflag:s7] =	ssyncset.done $0x0  }
0x74: {  	[sflag:s7] =	ssyncadd.s32 $0xFFFFC800  }
0x75: {  	[spmem:s2] =	stream.indirect.scatter.add.f32 [tilespmem:s0], [sflag:$0x5], $0x80, s8, s31, $0xb8;
	[tilespmem:$0x1F000] =	vst v63  }
0x76: {  	_ =	swait.ge [sflag:s9], $0x3800  }
0x77: {  	[sflag:s9] =	ssyncset.done $0x0  }
0x78: {  	[sflag:s9] =	ssyncadd.s32 $0xFFFFC800  }
0x79: {  	[tilespmem:s0], [sflag:$0x2] =	stream.indirect.gather [hbm4b:s14+s31], $0x80, s10, s31, $0xb8;
	[tilespmem:$0x1F000] =	vst v63  }
0x7a: {  	_ =	swait.ge [sflag:s11], $0x3800  }
0x7b: {  	[sflag:s11] =	ssyncset.done $0x0  }
0x7c: {  	[sflag:s11] =	ssyncadd.s32 $0xFFFFC800  }
0x7d: {  	[spmem:s2] =	stream.indirect.scatter.add.f32 [tilespmem:s1], [sflag:$0x6], $0x80, s12, s31, $0xb8;
	[tilespmem:$0x1F000] =	vst v63  }
0x7e: {  	_ =	swait.ge [sflag:s13], $0x3800  }
0x7f: {  	[sflag:s13] =	ssyncset.done $0x0  }
0x80: {  	[sflag:s13] =	ssyncadd.s32 $0xFFFFC800  }
0x81: {  	[tilespmem:s1], [sflag:$0x3] =	stream.indirect.gather [hbm4b:s14+s31], $0x80, s15, s31, $0xb8;
	[tilespmem:$0x1F000] =	vst v63  }
0x82: {  	_ =	swait.ge [sflag:s4], $0x3800  }
0x83: {  	[sflag:s4] =	ssyncset.done $0x0  }
0x84: {  	[sflag:s4] =	ssyncadd.s32 $0xFFFFC800  }
0x85: {  	[spmem:s2] =	stream.indirect.scatter.add.f32 [tilespmem:s28], [sflag:$0x4], $0x80, s26, s31, $0xb8;
	[tilespmem:$0x1F000] =	vst v63  }
0x86: {  	_ =	swait.ge [sflag:s5], $0x3800  }
0x87: {  	[sflag:s5] =	ssyncset.done $0x0  }
0x88: {  	[sflag:s5] =	ssyncadd.s32 $0xFFFFC800  }
0x89: {  	[tilespmem:s28], [sflag:$0x1] =	stream.indirect.gather [hbm4b:s14+s31], $0x80, s16, s31, $0xb8;
	[tilespmem:$0x1F000] =	vst v63  }
0x8a: {  	_ =	swait.ge [sflag:s7], $0x3800  }
0x8b: {  	[sflag:s7] =	ssyncset.done $0x0  }
0x8c: {  	[sflag:s7] =	ssyncadd.s32 $0xFFFFC800  }
0x8d: {  	[spmem:s2] =	stream.indirect.scatter.add.f32 [tilespmem:s0], [sflag:$0x5], $0x80, s17, s31, $0xb8;
	[tilespmem:$0x1F000] =	vst v63  }
0x8e: {  	_ =	swait.ge [sflag:s9], $0x3800  }
0x8f: {  	[sflag:s9] =	ssyncset.done $0x0  }
0x90: {  	[sflag:s9] =	ssyncadd.s32 $0xFFFFC800  }
0x91: {  	[tilespmem:s0], [sflag:$0x2] =	stream.indirect.gather [hbm4b:s14+s31], $0x80, s18, s31, $0xb8;
	[tilespmem:$0x1F000] =	vst v63  }
0x92: {  	_ =	swait.ge [sflag:s11], $0x3800  }
0x93: {  	[sflag:s11] =	ssyncset.done $0x0  }
0x94: {  	[sflag:s11] =	ssyncadd.s32 $0xFFFFC800  }
0x95: {  	[spmem:s2] =	stream.indirect.scatter.add.f32 [tilespmem:s1], [sflag:$0x6], $0x80, s19, s31, $0xb8;
	[tilespmem:$0x1F000] =	vst v63  }
0x96: {  	_ =	swait.ge [sflag:s4], $0x3800  }
0x97: {  	[sflag:s4] =	ssyncset.done $0x0  }
0x98: {  	[sflag:s4] =	ssyncadd.s32 $0xFFFFC800  }
0x99: {  	_ =	swait.ge [sflag:s13], $0x3800  }
0x9a: {  	[sflag:s13] =	ssyncset.done $0x0  }
0x9b: {  	[sflag:s13] =	ssyncadd.s32 $0xFFFFC800  }
0x9c: {  	[spmem:s2] =	stream.indirect.scatter.add.f32 [tilespmem:s28], [sflag:$0x4], $0x80, s20, s31, $0xb8;
	[tilespmem:$0x1F000] =	vst v63  }
0x9d: {  	_ =	swait.ge [sflag:s7], $0x3800  }
0x9e: {  	[sflag:s7] =	ssyncset.done $0x0  }
0x9f: {  	[sflag:s7] =	ssyncadd.s32 $0xFFFFC800  }
0xa0: {  	_ =	swait.ge [sflag:s5], $0x3800  }
0xa1: {  	[sflag:s5] =	ssyncset.done $0x0  }
0xa2: {  	[sflag:s5] =	ssyncadd.s32 $0xFFFFC800  }
0xa3: {  	[spmem:s2] =	stream.indirect.scatter.add.f32 [tilespmem:s0], [sflag:$0x5], $0x80, s21, s31, $0xb8;
	[tilespmem:$0x1F000] =	vst v63  }
0xa4: {  	s23 =	simm.s32 $0x80;
	_ =	swait.ge [sflag:s9], $0x3800  }
.LBB2_2:
0xa5: {  	s24 =	rddreg [dreg:$0x5];
	s25 =	smov.u32 s23;
	[sflag:s9] =	ssyncset.done $0x0  }
0xa6: {  	s24 =	sadd.s32 s25, s24;
	[sflag:s9] =	ssyncadd.s32 $0xFFFFC800  }
0xa7: {  	[tilespmem:s3], [sflag:$0x7] =	stream.linear.gather [hbm4b:s24+s3], $0x400, $0x38;
	[tilespmem:$0x1F000] =	vst v63  }
0xa8: {  	_ =	swait.ge [sflag:s29], $0x400  }
0xa9: {  	s22 =	rddreg [dreg:$0x4];
	[sflag:s29] =	ssyncset.done $0x0  }
0xaa: {  	[sflag:s29] =	ssyncadd.s32 $0xFFFFFC00;
	s24 =	sadd.s32 s25, s22  }
0xab: {  	[tilespmem:s30], [sflag:$0x7] =	stream.linear.gather [hbm4b:s24+s3], $0x400, $0x38;
	[tilespmem:$0x1F000] =	vst v63  }
0xac: {  	_ =	swait.ge [sflag:s29], $0x400  }
0xad: {  	[sflag:s29] =	ssyncset.done $0x0  }
0xae: {  	[sflag:s29] =	ssyncadd.s32 $0xFFFFFC00  }
0xaf: {  	[tilespmem:s28], [sflag:$0x1] =	stream.indirect.gather [hbm4b:s14+s31], $0x80, s3, s31, $0xb8;
	[tilespmem:$0x1F000] =	vst v63  }
0xb0: {  	s25 =	rddreg [dreg:$0x6]  }
0xb1: {  	[tilespmem:s0], [sflag:$0x2] =	stream.indirect.gather [hbm4b:s14+s31], $0x80, s25, s31, $0xb8;
	[tilespmem:$0x1F000] =	vst v63  }
0xb2: {  	s22 =	rddreg [dreg:$0x7]  }
0xb3: {  	[tilespmem:s1], [sflag:$0x3] =	stream.indirect.gather [hbm4b:s14+s31], $0x80, s22, s31, $0xb8;
	[tilespmem:$0x1F000] =	vst v63  }
0xb4: {  	_ =	swait.ge [sflag:s4], $0x3800  }
0xb5: {  	[sflag:s4] =	ssyncset.done $0x0  }
0xb6: {  	[sflag:s4] =	ssyncadd.s32 $0xFFFFC800  }
0xb7: {  	[spmem:s2] =	stream.indirect.scatter.add.f32 [tilespmem:s28], [sflag:$0x4], $0x80, s30, s31, $0xb8;
	[tilespmem:$0x1F000] =	vst v63  }
0xb8: {  	_ =	swait.ge [sflag:s5], $0x3800  }
0xb9: {  	[sflag:s5] =	ssyncset.done $0x0  }
0xba: {  	[sflag:s5] =	ssyncadd.s32 $0xFFFFC800  }
0xbb: {  	[tilespmem:s28], [sflag:$0x1] =	stream.indirect.gather [hbm4b:s14+s31], $0x80, s6, s31, $0xb8;
	[tilespmem:$0x1F000] =	vst v63  }
0xbc: {  	_ =	swait.ge [sflag:s7], $0x3800  }
0xbd: {  	[sflag:s7] =	ssyncset.done $0x0  }
0xbe: {  	[sflag:s7] =	ssyncadd.s32 $0xFFFFC800  }
0xbf: {  	[spmem:s2] =	stream.indirect.scatter.add.f32 [tilespmem:s0], [sflag:$0x5], $0x80, s8, s31, $0xb8;
	[tilespmem:$0x1F000] =	vst v63  }
0xc0: {  	_ =	swait.ge [sflag:s9], $0x3800  }
0xc1: {  	[sflag:s9] =	ssyncset.done $0x0  }
0xc2: {  	[sflag:s9] =	ssyncadd.s32 $0xFFFFC800  }
0xc3: {  	[tilespmem:s0], [sflag:$0x2] =	stream.indirect.gather [hbm4b:s14+s31], $0x80, s10, s31, $0xb8;
	[tilespmem:$0x1F000] =	vst v63  }
0xc4: {  	_ =	swait.ge [sflag:s11], $0x3800  }
0xc5: {  	[sflag:s11] =	ssyncset.done $0x0  }
0xc6: {  	[sflag:s11] =	ssyncadd.s32 $0xFFFFC800  }
0xc7: {  	[spmem:s2] =	stream.indirect.scatter.add.f32 [tilespmem:s1], [sflag:$0x6], $0x80, s12, s31, $0xb8;
	[tilespmem:$0x1F000] =	vst v63  }
0xc8: {  	_ =	swait.ge [sflag:s13], $0x3800  }
0xc9: {  	[sflag:s13] =	ssyncset.done $0x0  }
0xca: {  	[sflag:s13] =	ssyncadd.s32 $0xFFFFC800  }
0xcb: {  	[tilespmem:s1], [sflag:$0x3] =	stream.indirect.gather [hbm4b:s14+s31], $0x80, s15, s31, $0xb8;
	[tilespmem:$0x1F000] =	vst v63  }
0xcc: {  	_ =	swait.ge [sflag:s4], $0x3800  }
0xcd: {  	[sflag:s4] =	ssyncset.done $0x0  }
0xce: {  	[sflag:s4] =	ssyncadd.s32 $0xFFFFC800  }
0xcf: {  	[spmem:s2] =	stream.indirect.scatter.add.f32 [tilespmem:s28], [sflag:$0x4], $0x80, s26, s31, $0xb8;
	[tilespmem:$0x1F000] =	vst v63  }
0xd0: {  	_ =	swait.ge [sflag:s5], $0x3800  }
0xd1: {  	[sflag:s5] =	ssyncset.done $0x0  }
0xd2: {  	[sflag:s5] =	ssyncadd.s32 $0xFFFFC800  }
0xd3: {  	[tilespmem:s28], [sflag:$0x1] =	stream.indirect.gather [hbm4b:s14+s31], $0x80, s16, s31, $0xb8;
	[tilespmem:$0x1F000] =	vst v63  }
0xd4: {  	_ =	swait.ge [sflag:s7], $0x3800  }
0xd5: {  	[sflag:s7] =	ssyncset.done $0x0  }
0xd6: {  	[sflag:s7] =	ssyncadd.s32 $0xFFFFC800  }
0xd7: {  	[spmem:s2] =	stream.indirect.scatter.add.f32 [tilespmem:s0], [sflag:$0x5], $0x80, s17, s31, $0xb8;
	[tilespmem:$0x1F000] =	vst v63  }
0xd8: {  	_ =	swait.ge [sflag:s9], $0x3800  }
0xd9: {  	[sflag:s9] =	ssyncset.done $0x0  }
0xda: {  	[sflag:s9] =	ssyncadd.s32 $0xFFFFC800  }
0xdb: {  	[tilespmem:s0], [sflag:$0x2] =	stream.indirect.gather [hbm4b:s14+s31], $0x80, s18, s31, $0xb8;
	[tilespmem:$0x1F000] =	vst v63  }
0xdc: {  	_ =	swait.ge [sflag:s11], $0x3800  }
0xdd: {  	[sflag:s11] =	ssyncset.done $0x0  }
0xde: {  	[sflag:s11] =	ssyncadd.s32 $0xFFFFC800  }
0xdf: {  	[spmem:s2] =	stream.indirect.scatter.add.f32 [tilespmem:s1], [sflag:$0x6], $0x80, s19, s31, $0xb8;
	[tilespmem:$0x1F000] =	vst v63  }
0xe0: {  	_ =	swait.ge [sflag:s4], $0x3800  }
0xe1: {  	[sflag:s4] =	ssyncset.done $0x0  }
0xe2: {  	[sflag:s4] =	ssyncadd.s32 $0xFFFFC800  }
0xe3: {  	_ =	swait.ge [sflag:s13], $0x3800  }
0xe4: {  	[sflag:s13] =	ssyncset.done $0x0  }
0xe5: {  	[sflag:s13] =	ssyncadd.s32 $0xFFFFC800  }
0xe6: {  	[spmem:s2] =	stream.indirect.scatter.add.f32 [tilespmem:s28], [sflag:$0x4], $0x80, s20, s31, $0xb8;
	[tilespmem:$0x1F000] =	vst v63  }
0xe7: {  	_ =	swait.ge [sflag:s7], $0x3800  }
0xe8: {  	[sflag:s7] =	ssyncset.done $0x0  }
0xe9: {  	p0 =	sne.s32 s23, $0x480;
	[sflag:s7] =	ssyncadd.s32 $0xFFFFC800  }
.Ltmp0:
0xea: {  	_ =	swait.ge [sflag:s5], $0x3800;
	(pc) =	sbr.rel @p0 .LBB2_2-.Ltmp0, $4  }
0xeb: {  	[sflag:s5] =	ssyncset.done $0x0  }
0xec: {  	[sflag:s5] =	ssyncadd.s32 $0xFFFFC800  }
0xed: {  	[spmem:s2] =	stream.indirect.scatter.add.f32 [tilespmem:s0], [sflag:$0x5], $0x80, s21, s31, $0xb8;
	[tilespmem:$0x1F000] =	vst v63  }
0xee: {  	s23 =	sadd.s32 $0x80, s23;
	_ =	swait.ge [sflag:s9], $0x3800  }
0xef: {  	[sflag:s9] =	ssyncset.done $0x0  }
0xf0: {  	[sflag:s9] =	ssyncadd.s32 $0xFFFFC800  }
0xf1: {  	[bflag:$0x0] =	sbarrier.arrive $0xFFFF  }
0xf2: {  	s22 =	rddreg [dreg:$0x13]  }
0xf3: {  	[tilespmem:s28], [sflag:$0x7] =	stream.linear.gather [spmem:s22], $0x2000, $0x38;
	[tilespmem:$0x1F000] =	vst v63  }
0xf4: {  	_ =	swait.ge [sflag:s29], $0x2000  }
0xf5: {  	[sflag:s29] =	ssyncset.done $0x0  }
0xf6: {  	s23 =	rddreg [dreg:$0x8];
	[sflag:s29] =	ssyncadd.s32 $0xFFFFE000  }
0xf7: {  	[hbm4b:s23+s3] =	stream.linear.scatter [tilespmem:s28], [sflag:$0x7], $0x2000, $0x38;
	[tilespmem:$0x1F000] =	vst v63  }
0xf8: {  	_ =	swait.ge [sflag:s29], $0x2000  }
0xf9: {  	[sflag:s29] =	ssyncset.done $0x0  }
0xfa: {  	s25 =	rddreg [dreg:$0x14];
	[sflag:s29] =	ssyncadd.s32 $0xFFFFE000  }
0xfb: {  	[tilespmem:s28], [sflag:$0x7] =	stream.linear.gather [spmem:s25], $0x2000, $0x38;
	[tilespmem:$0x1F000] =	vst v63  }
0xfc: {  	_ =	swait.ge [sflag:s29], $0x2000  }
0xfd: {  	[sflag:s29] =	ssyncset.done $0x0  }
0xfe: {  	s22 =	rddreg [dreg:$0x9];
	[sflag:s29] =	ssyncadd.s32 $0xFFFFE000  }
0xff: {  	[hbm4b:s22+s3] =	stream.linear.scatter [tilespmem:s28], [sflag:$0x7], $0x2000, $0x38;
	[tilespmem:$0x1F000] =	vst v63  }
0x100: {  	_ =	swait.ge [sflag:s29], $0x2000  }
0x101: {  	[sflag:s29] =	ssyncset.done $0x0  }
0x102: {  	s23 =	rddreg [dreg:$0x15];
	[sflag:s29] =	ssyncadd.s32 $0xFFFFE000  }
0x103: {  	[tilespmem:s28], [sflag:$0x7] =	stream.linear.gather [spmem:s23], $0x2000, $0x38;
	[tilespmem:$0x1F000] =	vst v63  }
0x104: {  	_ =	swait.ge [sflag:s29], $0x2000  }
0x105: {  	[sflag:s29] =	ssyncset.done $0x0  }
0x106: {  	s24 =	rddreg [dreg:$0xa];
	[sflag:s29] =	ssyncadd.s32 $0xFFFFE000  }
0x107: {  	[hbm4b:s24+s3] =	stream.linear.scatter [tilespmem:s28], [sflag:$0x7], $0x2000, $0x38;
	[tilespmem:$0x1F000] =	vst v63  }
0x108: {  	_ =	swait.ge [sflag:s29], $0x2000  }
0x109: {  	[sflag:s29] =	ssyncset.done $0x0  }
0x10a: {  	s25 =	rddreg [dreg:$0x16];
	[sflag:s29] =	ssyncadd.s32 $0xFFFFE000  }
0x10b: {  	[tilespmem:s28], [sflag:$0x7] =	stream.linear.gather [spmem:s25], $0x2000, $0x38;
	[tilespmem:$0x1F000] =	vst v63  }
0x10c: {  	_ =	swait.ge [sflag:s29], $0x2000  }
0x10d: {  	[sflag:s29] =	ssyncset.done $0x0  }
0x10e: {  	s22 =	rddreg [dreg:$0xb];
	[sflag:s29] =	ssyncadd.s32 $0xFFFFE000  }
0x10f: {  	[hbm4b:s22+s3] =	stream.linear.scatter [tilespmem:s28], [sflag:$0x7], $0x2000, $0x38;
	[tilespmem:$0x1F000] =	vst v63  }
0x110: {  	_ =	swait.ge [sflag:s29], $0x2000  }
0x111: {  	[sflag:s29] =	ssyncset.done $0x0  }
0x112: {  	s23 =	rddreg [dreg:$0x17];
	[sflag:s29] =	ssyncadd.s32 $0xFFFFE000  }
0x113: {  	[tilespmem:s28], [sflag:$0x7] =	stream.linear.gather [spmem:s23], $0x2000, $0x38;
	[tilespmem:$0x1F000] =	vst v63  }
0x114: {  	_ =	swait.ge [sflag:s29], $0x2000  }
0x115: {  	[sflag:s29] =	ssyncset.done $0x0  }
0x116: {  	s24 =	rddreg [dreg:$0xc];
	[sflag:s29] =	ssyncadd.s32 $0xFFFFE000  }
0x117: {  	[hbm4b:s24+s3] =	stream.linear.scatter [tilespmem:s28], [sflag:$0x7], $0x2000, $0x38;
	[tilespmem:$0x1F000] =	vst v63  }
0x118: {  	_ =	swait.ge [sflag:s29], $0x2000  }
0x119: {  	[sflag:s29] =	ssyncset.done $0x0  }
0x11a: {  	s25 =	rddreg [dreg:$0x18];
	[sflag:s29] =	ssyncadd.s32 $0xFFFFE000  }
0x11b: {  	[tilespmem:s28], [sflag:$0x7] =	stream.linear.gather [spmem:s25], $0x2000, $0x38;
	[tilespmem:$0x1F000] =	vst v63  }
0x11c: {  	_ =	swait.ge [sflag:s29], $0x2000  }
0x11d: {  	[sflag:s29] =	ssyncset.done $0x0  }
0x11e: {  	s22 =	rddreg [dreg:$0xd];
	[sflag:s29] =	ssyncadd.s32 $0xFFFFE000  }
0x11f: {  	[hbm4b:s22+s3] =	stream.linear.scatter [tilespmem:s28], [sflag:$0x7], $0x2000, $0x38;
	[tilespmem:$0x1F000] =	vst v63  }
0x120: {  	_ =	swait.ge [sflag:s29], $0x2000  }
0x121: {  	[sflag:s29] =	ssyncset.done $0x0  }
0x122: {  	s23 =	rddreg [dreg:$0x19];
	[sflag:s29] =	ssyncadd.s32 $0xFFFFE000  }
0x123: {  	[tilespmem:s28], [sflag:$0x7] =	stream.linear.gather [spmem:s23], $0x2000, $0x38;
	[tilespmem:$0x1F000] =	vst v63  }
0x124: {  	_ =	swait.ge [sflag:s29], $0x2000  }
0x125: {  	[sflag:s29] =	ssyncset.done $0x0  }
0x126: {  	s24 =	rddreg [dreg:$0xe];
	[sflag:s29] =	ssyncadd.s32 $0xFFFFE000  }
0x127: {  	[hbm4b:s24+s3] =	stream.linear.scatter [tilespmem:s28], [sflag:$0x7], $0x2000, $0x38;
	[tilespmem:$0x1F000] =	vst v63  }
0x128: {  	_ =	swait.ge [sflag:s29], $0x2000  }
0x129: {  	[sflag:s29] =	ssyncset.done $0x0  }
0x12a: {  	s25 =	rddreg [dreg:$0x1a];
	[sflag:s29] =	ssyncadd.s32 $0xFFFFE000  }
0x12b: {  	[tilespmem:s28], [sflag:$0x7] =	stream.linear.gather [spmem:s25], $0x2000, $0x38;
	[tilespmem:$0x1F000] =	vst v63  }
0x12c: {  	_ =	swait.ge [sflag:s29], $0x2000  }
0x12d: {  	[sflag:s29] =	ssyncset.done $0x0  }
0x12e: {  	s22 =	rddreg [dreg:$0xf];
	[sflag:s29] =	ssyncadd.s32 $0xFFFFE000  }
0x12f: {  	[hbm4b:s22+s3] =	stream.linear.scatter [tilespmem:s28], [sflag:$0x7], $0x2000, $0x38;
	[tilespmem:$0x1F000] =	vst v63  }
0x130: {  	_ =	swait.ge [sflag:s29], $0x2000  }
0x131: {  	[sflag:s29] =	ssyncset.done $0x0  }
0x132: {  	s22 =	rddreg [dreg:$0x1b];
	[sflag:s29] =	ssyncadd.s32 $0xFFFFE000  }
0x133: {  	[tilespmem:s28], [sflag:$0x7] =	stream.linear.gather [spmem:s22], $0x2000, $0x38;
	[tilespmem:$0x1F000] =	vst v63  }
0x134: {  	_ =	swait.ge [sflag:s29], $0x2000  }
0x135: {  	[sflag:s29] =	ssyncset.done $0x0  }
0x136: {  	s24 =	rddreg [dreg:$0x10];
	[sflag:s29] =	ssyncadd.s32 $0xFFFFE000  }
0x137: {  	[hbm4b:s24+s3] =	stream.linear.scatter [tilespmem:s28], [sflag:$0x7], $0x2000, $0x38;
	[tilespmem:$0x1F000] =	vst v63  }
0x138: {  	_ =	swait.ge [sflag:s29], $0x2000  }
0x139: {  	[sflag:s29] =	ssyncset.done $0x0  }
0x13a: {  	s24 =	rddreg [dreg:$0x1c];
	[sflag:s29] =	ssyncadd.s32 $0xFFFFE000  }
0x13b: {  	[tilespmem:s28], [sflag:$0x7] =	stream.linear.gather [spmem:s24], $0x2000, $0x38;
	[tilespmem:$0x1F000] =	vst v63  }
0x13c: {  	_ =	swait.ge [sflag:s29], $0x2000  }
0x13d: {  	[sflag:s29] =	ssyncset.done $0x0  }
0x13e: {  	s25 =	rddreg [dreg:$0x11];
	[sflag:s29] =	ssyncadd.s32 $0xFFFFE000  }
0x13f: {  	[hbm4b:s25+s3] =	stream.linear.scatter [tilespmem:s28], [sflag:$0x7], $0x2000, $0x38;
	[tilespmem:$0x1F000] =	vst v63  }
0x140: {  	_ =	swait.ge [sflag:s29], $0x2000  }
0x141: {  	s25 =	rddreg [dreg:$0x1e]  }
0x142: {  	s23 =	rddreg [dreg:$0x1d];
	s25 =	sadd.s32 $0x1, s25  }
0x143: {  	p0 =	sne.s32 s25, s23  }
.Ltmp1:
0x144: {  	_ = 	snop;
	(pc) =	sbr.rel @p0 .LBB2_1-.Ltmp1, $3  }
0x145: {  	_ =	sdelay $0x1  }
0x146: {  	[sflag:s29] =	ssyncset.done $0x0;
	[dreg:$0x1e] =	wrdreg s25  }
0x147: {  	[sflag:s29] =	ssyncadd.s32 $0xFFFFE000;
	s25 =	rddreg [dreg:$0x13]  }
0x148: {  	_ =	sfence.sel $0x180000  }
0x149: {  	[bflag:$0x0] =	sbarrier.arrive $0xFFFF  }
0x14a: {  	_ =	strace $0x9000004A  }
0x14b: {  	s0 =	stileid.u32;
	[bflag:$0x2] =	sbarrier.arrive $0xFFFF  }
0x14c: {  	p0 =	sne.s32 s0, $0x0;
	s0 =	rddreg [dreg:$0x3]  }
0x14d: {  	s0 =	sadd.s32 @!p0 $0x100000, s0  }
0x14e: {  	[sflag:s0] =	ssyncadd.tile.s32 @!p0 $0x1;
	_ =	shalt  }
.Lfunc_end2:
_tile_overlayer_lowered:
.L_overlay_start_2:
0x14f: {  	(tag) =	ssettag $0x2  }
0x150: {  	s0 =	rddreg [dreg:$0x0];
	s2 =	stileid.u32  }
0x151: {  	s1 =	rddreg [dreg:$0x1];
	p0 =	sne.s32 s2, $0x0  }
0x152: {  	s3 =	rddreg [dreg:$0x2];
	[bflag:$0x3] =	sbarrier.arrive $0xFFFF;
	s2 =	simm.s32 @!p0 $0x1C07  }
0x153: {  	[timem:s3], [sflag:s2] =	dma.local @!p0 [hbm:s0], s1  }
0x154: {  	s0 =	simm.s32 @!p0 $0x7  }
0x155: {  	_ =	swait.ge @!p0 [sflag:s0], s1  }
0x156: {  	s1 =	ssub.s32 @!p0 $0x0, s1;
	[sflag:s0] =	ssyncset.done @!p0 $0x0  }
0x157: {  	[sflag:s0] =	ssyncadd.s32 @!p0 s1  }
0x158: {  	[bflag:$0x3] =	sbarrier.arrive $0xFFFF  }
0x159: {  	_ =	shalt  }

// kernel: kernel.14.cloned.1.call-start
scs
__scs_entry_jumppad:
0x0: {  	(pc) =	sbr.rel $0x88, $3  }
0x1: {  	(tag) =	ssettag $0x0;
	lr =	simm.s32 $0x1  }
0x2: {  	[smem:$0x3F95] =	sst lr;
	_ =	strace $0xD0000000  }
0x3: {  	_ = 	snop  }
0x4: {  	_ = 	snop  }
0x5: {  	_ = 	snop  }
0x6: {  	_ = 	snop  }
0x7: {  	_ = 	snop  }
__scs_overlays_trampoline_lowered:
0x8: {  	[smem:$0x3FA4] =	sst s0  }
0x9: {  	[smem:$0x3FA5] =	sst s1  }
0xa: {  	[smem:$0x3FA6] =	sst s2  }
0xb: {  	[smem:$0x3FA7] =	sst s3  }
0xc: {  	[smem:$0x3FA8] =	sst s4  }
0xd: {  	[smem:$0x3FA9] =	sst s5  }
0xe: {  	[smem:$0x3FAA] =	sst s6  }
0xf: {  	[smem:$0x3FAB] =	sst s7  }
0x10: {  	[smem:$0x3FAC] =	sst s8  }
0x11: {  	[smem:$0x3FAD] =	sst s9;
	s0 =	simm.s32 @!p0 $0x0  }
0x12: {  	s1 =	sld [smem:$0x3F93];
	s0 =	simm.s32 @p0 $0x1  }
0x13: {  	[smem:$0x3FAE] =	sst s0;
	s0 =	simm.s32 @!p1 $0x0  }
0x14: {  	s2 =	sld [smem:$0x3F92];
	s0 =	simm.s32 @p1 $0x1  }
0x15: {  	[smem:$0x3FAF] =	sst s0;
	s0 =	simm.s32 @!p2 $0x0  }
0x16: {  	s3 =	sld [smem:$0x3FDB];
	s0 =	simm.s32 @p2 $0x1  }
0x17: {  	s4 =	simm.s32 $0x1BF5;
	[smem:$0x3FB1] =	sst s0  }
0x18: {  	s0 =	sld [smem:$0x3F94];
	_ =	swait.ge [sflag:s4], $0x0  }
0x19: {  	s7 =	sld [smem:$0x3F95]  }
0x1a: {  	s8 =	sadd.s32 $0xFFFFE003, lr  }
0x1b: {  	s9 =	sadd.s32 $0xFFFFFEF7, lr;
	s5 =	simm.s32 $0xFFFFFFFF;
	p2 =	slt.u32 s8, $0xFFFFF086  }
0x1c: {  	p1 =	slt.u32 s9, $0xF7A;
	s5 =	simm.s32 @!p2 $0x0  }
0x1d: {  	s5 =	simm.s32 @p1 $0x1;
	p0 =	seq.s32 s7, s2  }
0x1e: {  	s7 =	smul.u32 @!p0 $0xF7A, s2;
	p2 =	seq.s32 @!p0 s5, $0x0  }
0x1f: {  	s9 =	smul.u32 $0xF7A, s1;
	s8 =	simm.s32 @!p0 $0x1BF5;
	p2 =	por !p2, p0  }
0x20: {  	[sflag:s8] =	ssyncset.s32 @!p0 $0xFFFFF086;
	s6 =	sadd.s32 @!p0 s3, s7;
	s7 =	simm.s32 @!p0 $0x108  }
0x21: {  	s3 =	sadd.s32 s3, s9;
	s6 =	sadd.s32 @!p0 $0x88, s6;
	s7 =	simm.s32 @p2 $0x1082  }
0x22: {  	[simem:s7], [sflag:s8] =	dma.local @!p0 [hbm:s6], $0xF7A  }
0x23: {  	s9 =	sor.u32 $0xD0000000, s2;
	s6 =	simm.s32 $0x108;
	_ =	swait.ge @!p0 [sflag:s8], $0x0  }
0x24: {  	s3 =	sadd.s32 $0x88, s3;
	s6 =	simm.s32 @!p1 $0x1082;
	[sflag:s4] =	ssyncset.s32 $0xFFFFF086  }
0x25: {  	[simem:s6], [sflag:s4] =	dma.local [hbm:s3], $0xF7A  }
0x26: {  	[smem:$0x3F95] =	sst s1;
	(tag) =	ssettag s2;
	_ =	strace s9  }
0x27: {  	s1 =	sld [smem:$0x3FA5]  }
0x28: {  	s2 =	sld [smem:$0x3FA6]  }
0x29: {  	s4 =	sld [smem:$0x3FA8]  }
0x2a: {  	p0 =	seq.s32 s5, $0x0;
	s5 =	sld [smem:$0x3FA9]  }
0x2b: {  	s6 =	sld [smem:$0x3FAA]  }
0x2c: {  	s7 =	sld [smem:$0x3FAB]  }
0x2d: {  	s3 =	simm.s32 $0x108;
	s8 =	sld [smem:$0x3FAC]  }
0x2e: {  	s3 =	simm.s32 @!p0 $0x1082;
	s9 =	sld [smem:$0x3FAD]  }
0x2f: {  	lr =	sadd.s32 s0, s3;
	s0 =	sld [smem:$0x3FA4]  }
0x30: {  	s3 =	sld [smem:$0x3FA7]  }
0x31: {  	[smem:$0x3FB0] =	sst s10  }
0x32: {  	s10 =	sld [smem:$0x3FAE];
	_ =	sdelay $0x3  }
0x33: {  	p0 =	seq.s32 s10, $0x1;
	s10 =	sld [smem:$0x3FB0];
	_ =	sdelay $0x3  }
0x34: {  	[smem:$0x3FB0] =	sst s10  }
0x35: {  	s10 =	sld [smem:$0x3FAF];
	_ =	sdelay $0x3  }
0x36: {  	p1 =	seq.s32 s10, $0x1;
	s10 =	sld [smem:$0x3FB0];
	_ =	sdelay $0x3  }
0x37: {  	[smem:$0x3FB0] =	sst s10  }
0x38: {  	s10 =	sld [smem:$0x3FB1]  }
0x39: {  	_ = 	snop;
	(pc) =	sbr.ind lr, $3  }
0x3a: {  	_ = 	snop  }
0x3b: {  	_ = 	snop  }
0x3c: {  	p2 =	seq.s32 s10, $0x1;
	s10 =	sld [smem:$0x3FB0]  }
0x3d: {  	_ =	shalt  }
0x3e: {  	_ =	shalt  }
0x3f: {  	_ =	shalt  }
0x40: {  	_ =	shalt  }
0x41: {  	_ =	shalt  }
0x42: {  	_ =	shalt  }
0x43: {  	_ =	shalt  }
0x44: {  	_ =	shalt  }
0x45: {  	_ =	shalt  }
0x46: {  	_ =	shalt  }
0x47: {  	_ =	shalt  }
0x48: {  	_ =	shalt  }
0x49: {  	_ =	shalt  }
0x4a: {  	_ =	shalt  }
0x4b: {  	_ =	shalt  }
0x4c: {  	_ =	shalt  }
0x4d: {  	_ =	shalt  }
0x4e: {  	_ =	shalt  }
0x4f: {  	_ =	shalt  }
0x50: {  	_ =	shalt  }
0x51: {  	_ =	shalt  }
0x52: {  	_ =	shalt  }
0x53: {  	_ =	shalt  }
0x54: {  	_ =	shalt  }
0x55: {  	_ =	shalt  }
0x56: {  	_ =	shalt  }
0x57: {  	_ =	shalt  }
0x58: {  	_ =	shalt  }
0x59: {  	_ =	shalt  }
0x5a: {  	_ =	shalt  }
0x5b: {  	_ =	shalt  }
0x5c: {  	_ =	shalt  }
0x5d: {  	_ =	shalt  }
0x5e: {  	_ =	shalt  }
0x5f: {  	_ =	shalt  }
0x60: {  	_ =	shalt  }
0x61: {  	_ =	shalt  }
0x62: {  	_ =	shalt  }
0x63: {  	_ =	shalt  }
0x64: {  	_ =	shalt  }
0x65: {  	_ =	shalt  }
0x66: {  	_ =	shalt  }
0x67: {  	_ =	shalt  }
0x68: {  	_ =	shalt  }
0x69: {  	_ =	shalt  }
0x6a: {  	_ =	shalt  }
0x6b: {  	_ =	shalt  }
0x6c: {  	_ =	shalt  }
0x6d: {  	_ =	shalt  }
0x6e: {  	_ =	shalt  }
0x6f: {  	_ =	shalt  }
0x70: {  	_ =	shalt  }
0x71: {  	_ =	shalt  }
0x72: {  	_ =	shalt  }
0x73: {  	_ =	shalt  }
0x74: {  	_ =	shalt  }
0x75: {  	_ =	shalt  }
0x76: {  	_ =	shalt  }
0x77: {  	_ =	shalt  }
0x78: {  	_ =	shalt  }
0x79: {  	_ =	shalt  }
0x7a: {  	_ =	shalt  }
0x7b: {  	_ =	shalt  }
0x7c: {  	_ =	shalt  }
0x7d: {  	_ =	shalt  }
0x7e: {  	_ =	shalt  }
0x7f: {  	_ =	shalt  }
0x80: {  	_ =	shalt  }
0x81: {  	_ =	shalt  }
0x82: {  	_ =	shalt  }
0x83: {  	_ =	shalt  }
0x84: {  	_ =	shalt  }
0x85: {  	_ =	shalt  }
0x86: {  	_ =	shalt  }
0x87: {  	_ =	shalt  }
.Lfunc_end0:
.L_simem_size_0:
called_computation.2_lowered:
.L_overlay_start_0:
0x88: {  	s2 =	sld [smem:$0x3FD9]  }
0x89: {  	s3 =	sld [smem:$0x3FFE];
	_ =	sdelay $0x1  }
0x8a: {  	s1 =	srdreg.scid  }
0x8b: {  	s0 =	sand.u32 $0x1, s1  }
0x8c: {  	s17 =	sshll.u32 s0, $0xA;
	s2 =	sadd.s32 s3, s2  }
0x8d: {  	s2 =	sadd.s32 s2, s17  }
0x8e: {  	[smem:$0x3FBC] =	sst s2  }
0x8f: {  	_ = 	snop  }
0x90: {  	s2 =	sld [smem:$0x3FD0];
	(tm) =	ssettm $0x1  }
0x91: {  	s18 =	sld [smem:$0x3FFB];
	_ =	sdelay $0x3  }
0x92: {  	_ =	strace s18  }
0x93: {  	s3 =	sld [smem:$0x3FFC];
	_ =	sdelay $0x3  }
0x94: {  	_ =	strace s3  }
0x95: {  	s3 =	sld [smem:$0x3FFD];
	_ =	sdelay $0x3  }
0x96: {  	_ =	strace s3  }
0x97: {  	_ =	strace $0x8FFFFFFF  }
0x98: {  	s19 =	sld [smem:$0x3FDB];
	_ =	sdelay $0x1  }
0x99: {  	s4 =	simm.s32 $_scs_section_size  }
0x9a: {  	s5 =	simm.s32 $_size__tile_overlayer_lowered;
	s6 =	simm.s32 $_tile_overlayer_lowered  }
0x9b: {  	s22 =	simm.s32 $0x1BFF;
	s21 =	sshll.u32 s6, $0x1;
	s3 =	sadd.s32 s4, s19  }
0x9c: {  	s7 =	simm.s32 $0x0;
	s20 =	sshll.u32 s5, $0x1;
	s5 =	sadd.s32 s21, s3  }
0x9d: {  	[timem:s7], [sflag:s22] =	dma.local [hbm:s5], s20  }
0x9e: {  	_ =	swait.ge [sflag:s22], s20  }
0x9f: {  	s4 =	ssub.s32 $0x0, s20;
	[sflag:s22] =	ssyncset.done $0x0  }
0xa0: {  	[sflag:s22] =	ssyncadd.s32 s4;
	_ =	sdelay $0x1  }
0xa1: {  	s23 =	simm.s32 $0x1B8B  }
0xa2: {  	_ =	swait.ge [sflag:s23], $0x1  }
0xa3: {  	[sflag:s23] =	ssyncset.done $0x0  }
0xa4: {  	s25 =	simm.s32 $0x1B8E;
	s24 =	sld [smem:$0x3FFE];
	[sflag:s23] =	ssyncadd.s32 $0xFFFFFFFF  }
0xa5: {  	s26 =	simm.s32 $execute0_lowered;
	[smem:$0x3FD2] =	sst s25  }
0xa6: {  	s5 =	sshll.u32 s26, $0x1;
	_ =	strace $0x8000004C;
	[dreg:$0x1] =	wrdreg $0xFFFFFFFF  }
0xa7: {  	s28 =	simm.s32 $_size_execute0_lowered;
	s3 =	sadd.s32 s3, s5;
	[dreg:$0x0] =	wrdreg $0x0  }
0xa8: {  	s5 =	sshll.u32 s28, $0x1;
	[dreg:$0x2] =	wrdreg s3  }
0xa9: {  	[dreg:$0x3] =	wrdreg s5  }
0xaa: {  	[dreg:$0x4] =	wrdreg $0xC0  }
0xab: {  	_ =	task [dreg:s7], $0x5FFFF  }
0xac: {  	[dreg:$0x1] =	wrdreg $0xFFFFFFFF  }
0xad: {  	[dreg:$0x0] =	wrdreg $0x60  }
0xae: {  	[dreg:$0x2] =	wrdreg s24  }
0xaf: {  	[dreg:$0x3] =	wrdreg s2  }
0xb0: {  	[dreg:$0x4] =	wrdreg $0x47000  }
0xb1: {  	[dreg:$0x5] =	wrdreg $0x9  }
0xb2: {  	_ =	task.clear_ibuf [dreg:s7], $0x6FFFF;
	_ =	strace $0x9000004C  }
0xb3: {  	s29 =	simm.s32 $0x9;
	_ =	strace $0x8000004E  }
0xb4: {  	_ =	swait.ge [sflag:s29], $0x1  }
0xb5: {  	[sflag:s29] =	ssyncadd.s32 $0xFFFFFFFF  }
0xb6: {  	_ =	strace $0x9000004E  }
0xb7: {  	_ =	sfence  }
0xb8: {  	s30 =	sld [smem:$0x0];
	_ =	sdelay $0x2  }
0xb9: {  	s31 =	sshll.u32 s1, $0xD;
	s1 =	sshrl.u32 s1, $0x2  }
0xba: {  	s3 =	sand.u32 $0x4000, s31;
	s1 =	sadd.s32 s1, s30  }
0xbb: {  	s0 =	sor.u32 s3, s0;
	s1 =	sshll.u32 s1, $0x11  }
0xbc: {  	s0 =	sor.u32 s1, s0  }
0xbd: {  	s0 =	sadd.s32 $0x8F2B, s0  }
0xbe: {  	[sflag:s0] =	ssyncadd.remote.s32 $0x1  }
0xbf: {  	_ =	sfence.sel $0xFFFF  }
0xc0: {  	[dreg:$0x0] =	wrdreg $0xFFFFFFFF;
	(pc) =	sbr.abs _section_cstart, $3  }
0xc1: {  	[dreg:$0x1] =	wrdreg $0xFFFFFFFF  }
0xc2: {  	_ =	task.clear_ibuf [dreg:s7], $0x2FFFF;
	_ =	strace $0x9FFFFFFF  }
0xc3: {  	(tm) =	ssettm $0x7FFFFFFF  }
tec
execute0_lowered:
.L_overlay_start_1:
0x0: {  	(tag) =	ssettag $0x1  }
0x1: {  	s0 =	rddreg [dreg:$0x0]  }
0x2: {  	s1 =	rddreg [dreg:$0x1];
	s3 =	srdreg.scid  }
0x3: {  	s2 =	rddreg [dreg:$0x2];
	s7 =	stileid.u32  }
0x4: {  	s28 =	simm.s32 $0x800;
	s29 =	simm.s32 $0x7;
	s30 =	simm.s32 $0x400  }
0x5: {  	s31 =	simm.s32 $0x70;
	s4 =	sand.u32 $0x1, s3;
	s6 =	smul.u32 $0x2800, s7  }
0x6: {  	s3 =	simm.s32 $0x0;
	s7 =	smul.u32 $0x7800, s7;
	s9 =	sadd.s32 $0x75E00, s0  }
0x7: {  	s5 =	smul.u32 $0x28000, s4;
	[smem:$0x7FF] =	sst s3;
	s19 =	ssub.s32 $0x2, s4  }
0x8: {  	s4 =	smul.u32 $0x78000, s4;
	_ =	strace $0x8000004D;
	s10 =	sshrl.u32 s19, $0x1  }
0x9: {  	s11 =	sadd.s32 $0x1800, s7;
	s12 =	sadd.s32 $0x2400, s7;
	s13 =	sadd.s32 $0x3000, s7  }
0xa: {  	s15 =	sadd.s32 $0x3C00, s7;
	s16 =	sadd.s32 $0x4800, s7;
	s17 =	sadd.s32 $0x5400, s7  }
0xb: {  	s18 =	sadd.s32 $0x6000, s7;
	s5 =	sadd.s32 s6, s5;
	s6 =	ssub.s32 s19, s10  }
0xc: {  	s10 =	sadd.s32 $0xC00, s7;
	s19 =	sadd.s32 $0x6C00, s7;
	s14 =	sadd.s32 s7, s4  }
0xd: {  	s21 =	sadd.s32 s4, s11;
	s24 =	sadd.s32 s4, s12;
	s25 =	sadd.s32 s4, s13  }
0xe: {  	s26 =	sadd.s32 s4, s15;
	s11 =	sadd.s32 s11, s2;
	s5 =	sshrl.u32 s5, $0x3  }
0xf: {  	s14 =	sshrl.u32 s14, $0x3;
	s20 =	sadd.s32 s4, s10;
	s22 =	sshrl.u32 s21, $0x3  }
0x10: {  	s21 =	sadd.s32 s4, s16;
	s10 =	sadd.s32 s10, s2;
	[dreg:$0x15] =	wrdreg s11  }
0x11: {  	s11 =	simm.s32 $0x3;
	s8 =	sadd.s32 s5, s0;
	s14 =	sadd.s32 s9, s14  }
0x12: {  	s20 =	sshrl.u32 s20, $0x3;
	s23 =	sadd.s32 s9, s22;
	[dreg:$0x14] =	wrdreg s10  }
0x13: {  	s1 =	sadd.s32 s5, s1;
	s5 =	sshrl.u32 s26, $0x3;
	[dreg:$0x8] =	wrdreg s14  }
0x14: {  	s10 =	simm.s32 $0x200;
	s14 =	sadd.s32 s9, s20;
	[dreg:$0xa] =	wrdreg s23  }
0x15: {  	s20 =	sshrl.u32 s25, $0x3;
	s5 =	sadd.s32 s9, s5;
	[dreg:$0x4] =	wrdreg s1  }
0x16: {  	s22 =	sadd.s32 $0xCE00, s8;
	s1 =	sshrl.u32 s21, $0x3;
	s23 =	sadd.s32 s4, s17  }
0x17: {  	s25 =	sadd.s32 s4, s18;
	s4 =	sadd.s32 s4, s19;
	[dreg:$0x9] =	wrdreg s14  }
0x18: {  	s8 =	simm.s32 $0x80;
	s21 =	sadd.s32 s13, s2;
	[dreg:$0xd] =	wrdreg s5  }
0x19: {  	s13 =	simm.s32 $0x6;
	s14 =	sshrl.u32 s24, $0x3;
	[dreg:$0x5] =	wrdreg s22  }
0x1a: {  	s20 =	sadd.s32 s9, s20;
	s1 =	sadd.s32 s9, s1;
	[dreg:$0x6] =	wrdreg s8  }
0x1b: {  	s24 =	sshrl.u32 s23, $0x3;
	s26 =	sshrl.u32 s25, $0x3;
	[dreg:$0x17] =	wrdreg s21  }
0x1c: {  	s5 =	sshrl.u32 s4, $0x3;
	s25 =	sadd.s32 s7, s2;
	[dreg:$0xc] =	wrdreg s20  }
0x1d: {  	s22 =	sadd.s32 s15, s2;
	s23 =	sadd.s32 s16, s2;
	[dreg:$0xe] =	wrdreg s1  }
0x1e: {  	s4 =	simm.s32 $0x1;
	s7 =	simm.s32 $0x2;
	[dreg:$0x18] =	wrdreg s22  }
0x1f: {  	s8 =	simm.s32 $0x480;
	s15 =	simm.s32 $0x280;
	[dreg:$0x19] =	wrdreg s23  }
0x20: {  	s16 =	simm.s32 $0x300;
	s14 =	sadd.s32 s9, s14;
	[dreg:$0x13] =	wrdreg s25  }
0x21: {  	s21 =	simm.s32 $0x780;
	s1 =	sadd.s32 s9, s24;
	[dreg:$0xb] =	wrdreg s14  }
0x22: {  	s20 =	sadd.s32 s12, s2;
	s24 =	sadd.s32 s17, s2;
	[dreg:$0xf] =	wrdreg s1  }
0x23: {  	s22 =	sadd.s32 s18, s2;
	s12 =	simm.s32 $0x500;
	[dreg:$0x16] =	wrdreg s20  }
0x24: {  	s17 =	simm.s32 $0x600;
	s23 =	simm.s32 $0x0;
	[dreg:$0x1a] =	wrdreg s24  }
0x25: {  	s18 =	simm.s32 $0x380;
	s1 =	sadd.s32 s9, s26;
	[dreg:$0x1e] =	wrdreg s23  }
0x26: {  	s14 =	sadd.s32 $0x66E00, s0;
	s0 =	sadd.s32 $0x2A00, s0;
	[dreg:$0x1b] =	wrdreg s22  }
0x27: {  	s24 =	sadd.s32 s19, s2;
	s26 =	smax.u32 s6, $0x1;
	[dreg:$0x10] =	wrdreg s1  }
0x28: {  	s6 =	simm.s32 $0x180;
	s19 =	simm.s32 $0x680;
	[dreg:$0x12] =	wrdreg s0  }
0x29: {  	s20 =	simm.s32 $0x700;
	s1 =	sadd.s32 s9, s5;
	[dreg:$0x1d] =	wrdreg s26  }
0x2a: {  	s9 =	simm.s32 $0x100;
	s0 =	simm.s32 $0x1D00;
	[dreg:$0x1c] =	wrdreg s24  }
0x2b: {  	s5 =	simm.s32 $0x4;
	s26 =	simm.s32 $0x580;
	[dreg:$0x11] =	wrdreg s1  }
0x2c: {  	[dreg:$0x7] =	wrdreg s9;
	s1 =	simm.s32 $0x3200;
	s9 =	simm.s32 $0x5  }
.LBB2_1:
0x2d: {  	s23 =	rddreg [dreg:$0x12]  }
0x2e: {  	[tilespmem:s28], [sflag:$0x7] =	stream.linear.gather [hbm4b:s23+s3], $0xC00, $0x38;
	[tilespmem:$0xBF00] =	vst v63  }
0x2f: {  	_ =	swait.ge [sflag:s29], $0xC00  }
0x30: {  	[sflag:s29] =	ssyncset.done $0x0  }
0x31: {  	[sflag:s29] =	ssyncadd.s32 $0xFFFFF400  }
0x32: {  	[spmem:s25] =	stream.linear.scatter [tilespmem:s28], [sflag:$0x7], $0xC00, $0x38;
	[tilespmem:$0xBF00] =	vst v63  }
0x33: {  	_ =	swait.ge [sflag:s29], $0xC00  }
0x34: {  	[sflag:s29] =	ssyncset.done $0x0  }
0x35: {  	s25 =	rddreg [dreg:$0x14];
	[sflag:s29] =	ssyncadd.s32 $0xFFFFF400  }
0x36: {  	[spmem:s25] =	stream.linear.scatter [tilespmem:s28], [sflag:$0x7], $0xC00, $0x38;
	[tilespmem:$0xBF00] =	vst v63  }
0x37: {  	_ =	swait.ge [sflag:s29], $0xC00  }
0x38: {  	[sflag:s29] =	ssyncset.done $0x0  }
0x39: {  	s25 =	rddreg [dreg:$0x15];
	[sflag:s29] =	ssyncadd.s32 $0xFFFFF400  }
0x3a: {  	[spmem:s25] =	stream.linear.scatter [tilespmem:s28], [sflag:$0x7], $0xC00, $0x38;
	[tilespmem:$0xBF00] =	vst v63  }
0x3b: {  	_ =	swait.ge [sflag:s29], $0xC00  }
0x3c: {  	[sflag:s29] =	ssyncset.done $0x0  }
0x3d: {  	s25 =	rddreg [dreg:$0x16];
	[sflag:s29] =	ssyncadd.s32 $0xFFFFF400  }
0x3e: {  	[spmem:s25] =	stream.linear.scatter [tilespmem:s28], [sflag:$0x7], $0xC00, $0x38;
	[tilespmem:$0xBF00] =	vst v63  }
0x3f: {  	_ =	swait.ge [sflag:s29], $0xC00  }
0x40: {  	[sflag:s29] =	ssyncset.done $0x0  }
0x41: {  	s25 =	rddreg [dreg:$0x17];
	[sflag:s29] =	ssyncadd.s32 $0xFFFFF400  }
0x42: {  	[spmem:s25] =	stream.linear.scatter [tilespmem:s28], [sflag:$0x7], $0xC00, $0x38;
	[tilespmem:$0xBF00] =	vst v63  }
0x43: {  	_ =	swait.ge [sflag:s29], $0xC00  }
0x44: {  	[sflag:s29] =	ssyncset.done $0x0  }
0x45: {  	s25 =	rddreg [dreg:$0x18];
	[sflag:s29] =	ssyncadd.s32 $0xFFFFF400  }
0x46: {  	[spmem:s25] =	stream.linear.scatter [tilespmem:s28], [sflag:$0x7], $0xC00, $0x38;
	[tilespmem:$0xBF00] =	vst v63  }
0x47: {  	_ =	swait.ge [sflag:s29], $0xC00  }
0x48: {  	[sflag:s29] =	ssyncset.done $0x0  }
0x49: {  	s25 =	rddreg [dreg:$0x19];
	[sflag:s29] =	ssyncadd.s32 $0xFFFFF400  }
0x4a: {  	[spmem:s25] =	stream.linear.scatter [tilespmem:s28], [sflag:$0x7], $0xC00, $0x38;
	[tilespmem:$0xBF00] =	vst v63  }
0x4b: {  	_ =	swait.ge [sflag:s29], $0xC00  }
0x4c: {  	[sflag:s29] =	ssyncset.done $0x0  }
0x4d: {  	s25 =	rddreg [dreg:$0x1a];
	[sflag:s29] =	ssyncadd.s32 $0xFFFFF400  }
0x4e: {  	[spmem:s25] =	stream.linear.scatter [tilespmem:s28], [sflag:$0x7], $0xC00, $0x38;
	[tilespmem:$0xBF00] =	vst v63  }
0x4f: {  	_ =	swait.ge [sflag:s29], $0xC00  }
0x50: {  	[sflag:s29] =	ssyncset.done $0x0  }
0x51: {  	[sflag:s29] =	ssyncadd.s32 $0xFFFFF400  }
0x52: {  	[spmem:s22] =	stream.linear.scatter [tilespmem:s28], [sflag:$0x7], $0xC00, $0x38;
	[tilespmem:$0xBF00] =	vst v63  }
0x53: {  	_ =	swait.ge [sflag:s29], $0xC00  }
0x54: {  	[sflag:s29] =	ssyncset.done $0x0  }
0x55: {  	[sflag:s29] =	ssyncadd.s32 $0xFFFFF400  }
0x56: {  	[spmem:s24] =	stream.linear.scatter [tilespmem:s28], [sflag:$0x7], $0xC00, $0x38;
	[tilespmem:$0xBF00] =	vst v63  }
0x57: {  	_ =	swait.ge [sflag:s29], $0xC00  }
0x58: {  	[sflag:s29] =	ssyncset.done $0x0  }
0x59: {  	[sflag:s29] =	ssyncadd.s32 $0xFFFFF400  }
0x5a: {  	[bflag:$0x0] =	sbarrier.arrive $0xFFFF  }
0x5b: {  	s25 =	rddreg [dreg:$0x5]  }
0x5c: {  	s23 =	sadd.s32 $0x0, s25  }
0x5d: {  	[tilespmem:s3], [sflag:$0x7] =	stream.linear.gather [hbm4b:s23+s3], $0x400, $0x38;
	[tilespmem:$0xBF00] =	vst v63  }
0x5e: {  	_ =	swait.ge [sflag:s29], $0x400  }
0x5f: {  	s22 =	rddreg [dreg:$0x4];
	[sflag:s29] =	ssyncset.done $0x0  }
0x60: {  	[sflag:s29] =	ssyncadd.s32 $0xFFFFFC00;
	s23 =	sadd.s32 $0x0, s22  }
0x61: {  	[tilespmem:s30], [sflag:$0x7] =	stream.linear.gather [hbm4b:s23+s3], $0x400, $0x38;
	[tilespmem:$0xBF00] =	vst v63  }
0x62: {  	_ =	swait.ge [sflag:s29], $0x400  }
0x63: {  	[sflag:s29] =	ssyncset.done $0x0  }
0x64: {  	[sflag:s29] =	ssyncadd.s32 $0xFFFFFC00  }
0x65: {  	[tilespmem:s28], [sflag:$0x1] =	stream.indirect.gather [hbm4b:s14+s31], $0x30, s3, s31, $0xb8;
	[tilespmem:$0xBF00] =	vst v63  }
0x66: {  	s24 =	rddreg [dreg:$0x6]  }
0x67: {  	[tilespmem:s0], [sflag:$0x2] =	stream.indirect.gather [hbm4b:s14+s31], $0x30, s24, s31, $0xb8;
	[tilespmem:$0xBF00] =	vst v63  }
0x68: {  	s25 =	rddreg [dreg:$0x7]  }
0x69: {  	[tilespmem:s1], [sflag:$0x3] =	stream.indirect.gather [hbm4b:s14+s31], $0x30, s25, s31, $0xb8;
	[tilespmem:$0xBF00] =	vst v63  }
0x6a: {  	_ =	swait.ge [sflag:s4], $0x1500  }
0x6b: {  	[sflag:s4] =	ssyncset.done $0x0  }
0x6c: {  	[sflag:s4] =	ssyncadd.s32 $0xFFFFEB00  }
0x6d: {  	[spmem:s2] =	stream.indirect.scatter.add.f32 [tilespmem:s28], [sflag:$0x4], $0x30, s30, s31, $0xb8;
	[tilespmem:$0xBF00] =	vst v63  }
0x6e: {  	_ =	swait.ge [sflag:s5], $0x1500  }
0x6f: {  	[sflag:s5] =	ssyncset.done $0x0  }
0x70: {  	[sflag:s5] =	ssyncadd.s32 $0xFFFFEB00  }
0x71: {  	[tilespmem:s28], [sflag:$0x1] =	stream.indirect.gather [hbm4b:s14+s31], $0x30, s6, s31, $0xb8;
	[tilespmem:$0xBF00] =	vst v63  }
0x72: {  	_ =	swait.ge [sflag:s7], $0x1500  }
0x73: {  	[sflag:s7] =	ssyncset.done $0x0  }
0x74: {  	[sflag:s7] =	ssyncadd.s32 $0xFFFFEB00  }
0x75: {  	[spmem:s2] =	stream.indirect.scatter.add.f32 [tilespmem:s0], [sflag:$0x5], $0x30, s8, s31, $0xb8;
	[tilespmem:$0xBF00] =	vst v63  }
0x76: {  	_ =	swait.ge [sflag:s9], $0x1500  }
0x77: {  	[sflag:s9] =	ssyncset.done $0x0  }
0x78: {  	[sflag:s9] =	ssyncadd.s32 $0xFFFFEB00  }
0x79: {  	[tilespmem:s0], [sflag:$0x2] =	stream.indirect.gather [hbm4b:s14+s31], $0x30, s10, s31, $0xb8;
	[tilespmem:$0xBF00] =	vst v63  }
0x7a: {  	_ =	swait.ge [sflag:s11], $0x1500  }
0x7b: {  	[sflag:s11] =	ssyncset.done $0x0  }
0x7c: {  	[sflag:s11] =	ssyncadd.s32 $0xFFFFEB00  }
0x7d: {  	[spmem:s2] =	stream.indirect.scatter.add.f32 [tilespmem:s1], [sflag:$0x6], $0x30, s12, s31, $0xb8;
	[tilespmem:$0xBF00] =	vst v63  }
0x7e: {  	_ =	swait.ge [sflag:s13], $0x1500  }
0x7f: {  	[sflag:s13] =	ssyncset.done $0x0  }
0x80: {  	[sflag:s13] =	ssyncadd.s32 $0xFFFFEB00  }
0x81: {  	[tilespmem:s1], [sflag:$0x3] =	stream.indirect.gather [hbm4b:s14+s31], $0x30, s15, s31, $0xb8;
	[tilespmem:$0xBF00] =	vst v63  }
0x82: {  	_ =	swait.ge [sflag:s4], $0x1500  }
0x83: {  	[sflag:s4] =	ssyncset.done $0x0  }
0x84: {  	[sflag:s4] =	ssyncadd.s32 $0xFFFFEB00  }
0x85: {  	[spmem:s2] =	stream.indirect.scatter.add.f32 [tilespmem:s28], [sflag:$0x4], $0x30, s26, s31, $0xb8;
	[tilespmem:$0xBF00] =	vst v63  }
0x86: {  	_ =	swait.ge [sflag:s5], $0x1500  }
0x87: {  	[sflag:s5] =	ssyncset.done $0x0  }
0x88: {  	[sflag:s5] =	ssyncadd.s32 $0xFFFFEB00  }
0x89: {  	[tilespmem:s28], [sflag:$0x1] =	stream.indirect.gather [hbm4b:s14+s31], $0x30, s16, s31, $0xb8;
	[tilespmem:$0xBF00] =	vst v63  }
0x8a: {  	_ =	swait.ge [sflag:s7], $0x1500  }
0x8b: {  	[sflag:s7] =	ssyncset.done $0x0  }
0x8c: {  	[sflag:s7] =	ssyncadd.s32 $0xFFFFEB00  }
0x8d: {  	[spmem:s2] =	stream.indirect.scatter.add.f32 [tilespmem:s0], [sflag:$0x5], $0x30, s17, s31, $0xb8;
	[tilespmem:$0xBF00] =	vst v63  }
0x8e: {  	_ =	swait.ge [sflag:s9], $0x1500  }
0x8f: {  	[sflag:s9] =	ssyncset.done $0x0  }
0x90: {  	[sflag:s9] =	ssyncadd.s32 $0xFFFFEB00  }
0x91: {  	[tilespmem:s0], [sflag:$0x2] =	stream.indirect.gather [hbm4b:s14+s31], $0x30, s18, s31, $0xb8;
	[tilespmem:$0xBF00] =	vst v63  }
0x92: {  	_ =	swait.ge [sflag:s11], $0x1500  }
0x93: {  	[sflag:s11] =	ssyncset.done $0x0  }
0x94: {  	[sflag:s11] =	ssyncadd.s32 $0xFFFFEB00  }
0x95: {  	[spmem:s2] =	stream.indirect.scatter.add.f32 [tilespmem:s1], [sflag:$0x6], $0x30, s19, s31, $0xb8;
	[tilespmem:$0xBF00] =	vst v63  }
0x96: {  	_ =	swait.ge [sflag:s4], $0x1500  }
0x97: {  	[sflag:s4] =	ssyncset.done $0x0  }
0x98: {  	[sflag:s4] =	ssyncadd.s32 $0xFFFFEB00  }
0x99: {  	_ =	swait.ge [sflag:s13], $0x1500  }
0x9a: {  	[sflag:s13] =	ssyncset.done $0x0  }
0x9b: {  	[sflag:s13] =	ssyncadd.s32 $0xFFFFEB00  }
0x9c: {  	[spmem:s2] =	stream.indirect.scatter.add.f32 [tilespmem:s28], [sflag:$0x4], $0x30, s20, s31, $0xb8;
	[tilespmem:$0xBF00] =	vst v63  }
0x9d: {  	_ =	swait.ge [sflag:s7], $0x1500  }
0x9e: {  	[sflag:s7] =	ssyncset.done $0x0  }
0x9f: {  	[sflag:s7] =	ssyncadd.s32 $0xFFFFEB00  }
0xa0: {  	_ =	swait.ge [sflag:s5], $0x1500  }
0xa1: {  	[sflag:s5] =	ssyncset.done $0x0  }
0xa2: {  	[sflag:s5] =	ssyncadd.s32 $0xFFFFEB00  }
0xa3: {  	[spmem:s2] =	stream.indirect.scatter.add.f32 [tilespmem:s0], [sflag:$0x5], $0x30, s21, s31, $0xb8;
	[tilespmem:$0xBF00] =	vst v63  }
0xa4: {  	s23 =	simm.s32 $0x80;
	_ =	swait.ge [sflag:s9], $0x1500  }
.LBB2_2:
0xa5: {  	s24 =	rddreg [dreg:$0x5];
	s25 =	smov.u32 s23;
	[sflag:s9] =	ssyncset.done $0x0  }
0xa6: {  	s24 =	sadd.s32 s25, s24;
	[sflag:s9] =	ssyncadd.s32 $0xFFFFEB00  }
0xa7: {  	[tilespmem:s3], [sflag:$0x7] =	stream.linear.gather [hbm4b:s24+s3], $0x400, $0x38;
	[tilespmem:$0xBF00] =	vst v63  }
0xa8: {  	_ =	swait.ge [sflag:s29], $0x400  }
0xa9: {  	s22 =	rddreg [dreg:$0x4];
	[sflag:s29] =	ssyncset.done $0x0  }
0xaa: {  	[sflag:s29] =	ssyncadd.s32 $0xFFFFFC00;
	s24 =	sadd.s32 s25, s22  }
0xab: {  	[tilespmem:s30], [sflag:$0x7] =	stream.linear.gather [hbm4b:s24+s3], $0x400, $0x38;
	[tilespmem:$0xBF00] =	vst v63  }
0xac: {  	_ =	swait.ge [sflag:s29], $0x400  }
0xad: {  	[sflag:s29] =	ssyncset.done $0x0  }
0xae: {  	[sflag:s29] =	ssyncadd.s32 $0xFFFFFC00  }
0xaf: {  	[tilespmem:s28], [sflag:$0x1] =	stream.indirect.gather [hbm4b:s14+s31], $0x30, s3, s31, $0xb8;
	[tilespmem:$0xBF00] =	vst v63  }
0xb0: {  	s25 =	rddreg [dreg:$0x6]  }
0xb1: {  	[tilespmem:s0], [sflag:$0x2] =	stream.indirect.gather [hbm4b:s14+s31], $0x30, s25, s31, $0xb8;
	[tilespmem:$0xBF00] =	vst v63  }
0xb2: {  	s22 =	rddreg [dreg:$0x7]  }
0xb3: {  	[tilespmem:s1], [sflag:$0x3] =	stream.indirect.gather [hbm4b:s14+s31], $0x30, s22, s31, $0xb8;
	[tilespmem:$0xBF00] =	vst v63  }
0xb4: {  	_ =	swait.ge [sflag:s4], $0x1500  }
0xb5: {  	[sflag:s4] =	ssyncset.done $0x0  }
0xb6: {  	[sflag:s4] =	ssyncadd.s32 $0xFFFFEB00  }
0xb7: {  	[spmem:s2] =	stream.indirect.scatter.add.f32 [tilespmem:s28], [sflag:$0x4], $0x30, s30, s31, $0xb8;
	[tilespmem:$0xBF00] =	vst v63  }
0xb8: {  	_ =	swait.ge [sflag:s5], $0x1500  }
0xb9: {  	[sflag:s5] =	ssyncset.done $0x0  }
0xba: {  	[sflag:s5] =	ssyncadd.s32 $0xFFFFEB00  }
0xbb: {  	[tilespmem:s28], [sflag:$0x1] =	stream.indirect.gather [hbm4b:s14+s31], $0x30, s6, s31, $0xb8;
	[tilespmem:$0xBF00] =	vst v63  }
0xbc: {  	_ =	swait.ge [sflag:s7], $0x1500  }
0xbd: {  	[sflag:s7] =	ssyncset.done $0x0  }
0xbe: {  	[sflag:s7] =	ssyncadd.s32 $0xFFFFEB00  }
0xbf: {  	[spmem:s2] =	stream.indirect.scatter.add.f32 [tilespmem:s0], [sflag:$0x5], $0x30, s8, s31, $0xb8;
	[tilespmem:$0xBF00] =	vst v63  }
0xc0: {  	_ =	swait.ge [sflag:s9], $0x1500  }
0xc1: {  	[sflag:s9] =	ssyncset.done $0x0  }
0xc2: {  	[sflag:s9] =	ssyncadd.s32 $0xFFFFEB00  }
0xc3: {  	[tilespmem:s0], [sflag:$0x2] =	stream.indirect.gather [hbm4b:s14+s31], $0x30, s10, s31, $0xb8;
	[tilespmem:$0xBF00] =	vst v63  }
0xc4: {  	_ =	swait.ge [sflag:s11], $0x1500  }
0xc5: {  	[sflag:s11] =	ssyncset.done $0x0  }
0xc6: {  	[sflag:s11] =	ssyncadd.s32 $0xFFFFEB00  }
0xc7: {  	[spmem:s2] =	stream.indirect.scatter.add.f32 [tilespmem:s1], [sflag:$0x6], $0x30, s12, s31, $0xb8;
	[tilespmem:$0xBF00] =	vst v63  }
0xc8: {  	_ =	swait.ge [sflag:s13], $0x1500  }
0xc9: {  	[sflag:s13] =	ssyncset.done $0x0  }
0xca: {  	[sflag:s13] =	ssyncadd.s32 $0xFFFFEB00  }
0xcb: {  	[tilespmem:s1], [sflag:$0x3] =	stream.indirect.gather [hbm4b:s14+s31], $0x30, s15, s31, $0xb8;
	[tilespmem:$0xBF00] =	vst v63  }
0xcc: {  	_ =	swait.ge [sflag:s4], $0x1500  }
0xcd: {  	[sflag:s4] =	ssyncset.done $0x0  }
0xce: {  	[sflag:s4] =	ssyncadd.s32 $0xFFFFEB00  }
0xcf: {  	[spmem:s2] =	stream.indirect.scatter.add.f32 [tilespmem:s28], [sflag:$0x4], $0x30, s26, s31, $0xb8;
	[tilespmem:$0xBF00] =	vst v63  }
0xd0: {  	_ =	swait.ge [sflag:s5], $0x1500  }
0xd1: {  	[sflag:s5] =	ssyncset.done $0x0  }
0xd2: {  	[sflag:s5] =	ssyncadd.s32 $0xFFFFEB00  }
0xd3: {  	[tilespmem:s28], [sflag:$0x1] =	stream.indirect.gather [hbm4b:s14+s31], $0x30, s16, s31, $0xb8;
	[tilespmem:$0xBF00] =	vst v63  }
0xd4: {  	_ =	swait.ge [sflag:s7], $0x1500  }
0xd5: {  	[sflag:s7] =	ssyncset.done $0x0  }
0xd6: {  	[sflag:s7] =	ssyncadd.s32 $0xFFFFEB00  }
0xd7: {  	[spmem:s2] =	stream.indirect.scatter.add.f32 [tilespmem:s0], [sflag:$0x5], $0x30, s17, s31, $0xb8;
	[tilespmem:$0xBF00] =	vst v63  }
0xd8: {  	_ =	swait.ge [sflag:s9], $0x1500  }
0xd9: {  	[sflag:s9] =	ssyncset.done $0x0  }
0xda: {  	[sflag:s9] =	ssyncadd.s32 $0xFFFFEB00  }
0xdb: {  	[tilespmem:s0], [sflag:$0x2] =	stream.indirect.gather [hbm4b:s14+s31], $0x30, s18, s31, $0xb8;
	[tilespmem:$0xBF00] =	vst v63  }
0xdc: {  	_ =	swait.ge [sflag:s11], $0x1500  }
0xdd: {  	[sflag:s11] =	ssyncset.done $0x0  }
0xde: {  	[sflag:s11] =	ssyncadd.s32 $0xFFFFEB00  }
0xdf: {  	[spmem:s2] =	stream.indirect.scatter.add.f32 [tilespmem:s1], [sflag:$0x6], $0x30, s19, s31, $0xb8;
	[tilespmem:$0xBF00] =	vst v63  }
0xe0: {  	_ =	swait.ge [sflag:s4], $0x1500  }
0xe1: {  	[sflag:s4] =	ssyncset.done $0x0  }
0xe2: {  	[sflag:s4] =	ssyncadd.s32 $0xFFFFEB00  }
0xe3: {  	_ =	swait.ge [sflag:s13], $0x1500  }
0xe4: {  	[sflag:s13] =	ssyncset.done $0x0  }
0xe5: {  	[sflag:s13] =	ssyncadd.s32 $0xFFFFEB00  }
0xe6: {  	[spmem:s2] =	stream.indirect.scatter.add.f32 [tilespmem:s28], [sflag:$0x4], $0x30, s20, s31, $0xb8;
	[tilespmem:$0xBF00] =	vst v63  }
0xe7: {  	_ =	swait.ge [sflag:s7], $0x1500  }
0xe8: {  	[sflag:s7] =	ssyncset.done $0x0  }
0xe9: {  	p0 =	sne.s32 s23, $0x480;
	[sflag:s7] =	ssyncadd.s32 $0xFFFFEB00  }
.Ltmp0:
0xea: {  	_ =	swait.ge [sflag:s5], $0x1500;
	(pc) =	sbr.rel @p0 .LBB2_2-.Ltmp0, $4  }
0xeb: {  	[sflag:s5] =	ssyncset.done $0x0  }
0xec: {  	[sflag:s5] =	ssyncadd.s32 $0xFFFFEB00  }
0xed: {  	[spmem:s2] =	stream.indirect.scatter.add.f32 [tilespmem:s0], [sflag:$0x5], $0x30, s21, s31, $0xb8;
	[tilespmem:$0xBF00] =	vst v63  }
0xee: {  	s23 =	sadd.s32 $0x80, s23;
	_ =	swait.ge [sflag:s9], $0x1500  }
0xef: {  	[sflag:s9] =	ssyncset.done $0x0  }
0xf0: {  	[sflag:s9] =	ssyncadd.s32 $0xFFFFEB00  }
0xf1: {  	[bflag:$0x0] =	sbarrier.arrive $0xFFFF  }
0xf2: {  	s22 =	rddreg [dreg:$0x13]  }
0xf3: {  	[tilespmem:s28], [sflag:$0x7] =	stream.linear.gather [spmem:s22], $0xC00, $0x38;
	[tilespmem:$0xBF00] =	vst v63  }
0xf4: {  	_ =	swait.ge [sflag:s29], $0xC00  }
0xf5: {  	[sflag:s29] =	ssyncset.done $0x0  }
0xf6: {  	s23 =	rddreg [dreg:$0x8];
	[sflag:s29] =	ssyncadd.s32 $0xFFFFF400  }
0xf7: {  	[hbm4b:s23+s3] =	stream.linear.scatter [tilespmem:s28], [sflag:$0x7], $0xC00, $0x38;
	[tilespmem:$0xBF00] =	vst v63  }
0xf8: {  	_ =	swait.ge [sflag:s29], $0xC00  }
0xf9: {  	[sflag:s29] =	ssyncset.done $0x0  }
0xfa: {  	s25 =	rddreg [dreg:$0x14];
	[sflag:s29] =	ssyncadd.s32 $0xFFFFF400  }
0xfb: {  	[tilespmem:s28], [sflag:$0x7] =	stream.linear.gather [spmem:s25], $0xC00, $0x38;
	[tilespmem:$0xBF00] =	vst v63  }
0xfc: {  	_ =	swait.ge [sflag:s29], $0xC00  }
0xfd: {  	[sflag:s29] =	ssyncset.done $0x0  }
0xfe: {  	s22 =	rddreg [dreg:$0x9];
	[sflag:s29] =	ssyncadd.s32 $0xFFFFF400  }
0xff: {  	[hbm4b:s22+s3] =	stream.linear.scatter [tilespmem:s28], [sflag:$0x7], $0xC00, $0x38;
	[tilespmem:$0xBF00] =	vst v63  }
0x100: {  	_ =	swait.ge [sflag:s29], $0xC00  }
0x101: {  	[sflag:s29] =	ssyncset.done $0x0  }
0x102: {  	s23 =	rddreg [dreg:$0x15];
	[sflag:s29] =	ssyncadd.s32 $0xFFFFF400  }
0x103: {  	[tilespmem:s28], [sflag:$0x7] =	stream.linear.gather [spmem:s23], $0xC00, $0x38;
	[tilespmem:$0xBF00] =	vst v63  }
0x104: {  	_ =	swait.ge [sflag:s29], $0xC00  }
0x105: {  	[sflag:s29] =	ssyncset.done $0x0  }
0x106: {  	s24 =	rddreg [dreg:$0xa];
	[sflag:s29] =	ssyncadd.s32 $0xFFFFF400  }
0x107: {  	[hbm4b:s24+s3] =	stream.linear.scatter [tilespmem:s28], [sflag:$0x7], $0xC00, $0x38;
	[tilespmem:$0xBF00] =	vst v63  }
0x108: {  	_ =	swait.ge [sflag:s29], $0xC00  }
0x109: {  	[sflag:s29] =	ssyncset.done $0x0  }
0x10a: {  	s25 =	rddreg [dreg:$0x16];
	[sflag:s29] =	ssyncadd.s32 $0xFFFFF400  }
0x10b: {  	[tilespmem:s28], [sflag:$0x7] =	stream.linear.gather [spmem:s25], $0xC00, $0x38;
	[tilespmem:$0xBF00] =	vst v63  }
0x10c: {  	_ =	swait.ge [sflag:s29], $0xC00  }
0x10d: {  	[sflag:s29] =	ssyncset.done $0x0  }
0x10e: {  	s22 =	rddreg [dreg:$0xb];
	[sflag:s29] =	ssyncadd.s32 $0xFFFFF400  }
0x10f: {  	[hbm4b:s22+s3] =	stream.linear.scatter [tilespmem:s28], [sflag:$0x7], $0xC00, $0x38;
	[tilespmem:$0xBF00] =	vst v63  }
0x110: {  	_ =	swait.ge [sflag:s29], $0xC00  }
0x111: {  	[sflag:s29] =	ssyncset.done $0x0  }
0x112: {  	s23 =	rddreg [dreg:$0x17];
	[sflag:s29] =	ssyncadd.s32 $0xFFFFF400  }
0x113: {  	[tilespmem:s28], [sflag:$0x7] =	stream.linear.gather [spmem:s23], $0xC00, $0x38;
	[tilespmem:$0xBF00] =	vst v63  }
0x114: {  	_ =	swait.ge [sflag:s29], $0xC00  }
0x115: {  	[sflag:s29] =	ssyncset.done $0x0  }
0x116: {  	s24 =	rddreg [dreg:$0xc];
	[sflag:s29] =	ssyncadd.s32 $0xFFFFF400  }
0x117: {  	[hbm4b:s24+s3] =	stream.linear.scatter [tilespmem:s28], [sflag:$0x7], $0xC00, $0x38;
	[tilespmem:$0xBF00] =	vst v63  }
0x118: {  	_ =	swait.ge [sflag:s29], $0xC00  }
0x119: {  	[sflag:s29] =	ssyncset.done $0x0  }
0x11a: {  	s25 =	rddreg [dreg:$0x18];
	[sflag:s29] =	ssyncadd.s32 $0xFFFFF400  }
0x11b: {  	[tilespmem:s28], [sflag:$0x7] =	stream.linear.gather [spmem:s25], $0xC00, $0x38;
	[tilespmem:$0xBF00] =	vst v63  }
0x11c: {  	_ =	swait.ge [sflag:s29], $0xC00  }
0x11d: {  	[sflag:s29] =	ssyncset.done $0x0  }
0x11e: {  	s22 =	rddreg [dreg:$0xd];
	[sflag:s29] =	ssyncadd.s32 $0xFFFFF400  }
0x11f: {  	[hbm4b:s22+s3] =	stream.linear.scatter [tilespmem:s28], [sflag:$0x7], $0xC00, $0x38;
	[tilespmem:$0xBF00] =	vst v63  }
0x120: {  	_ =	swait.ge [sflag:s29], $0xC00  }
0x121: {  	[sflag:s29] =	ssyncset.done $0x0  }
0x122: {  	s23 =	rddreg [dreg:$0x19];
	[sflag:s29] =	ssyncadd.s32 $0xFFFFF400  }
0x123: {  	[tilespmem:s28], [sflag:$0x7] =	stream.linear.gather [spmem:s23], $0xC00, $0x38;
	[tilespmem:$0xBF00] =	vst v63  }
0x124: {  	_ =	swait.ge [sflag:s29], $0xC00  }
0x125: {  	[sflag:s29] =	ssyncset.done $0x0  }
0x126: {  	s24 =	rddreg [dreg:$0xe];
	[sflag:s29] =	ssyncadd.s32 $0xFFFFF400  }
0x127: {  	[hbm4b:s24+s3] =	stream.linear.scatter [tilespmem:s28], [sflag:$0x7], $0xC00, $0x38;
	[tilespmem:$0xBF00] =	vst v63  }
0x128: {  	_ =	swait.ge [sflag:s29], $0xC00  }
0x129: {  	[sflag:s29] =	ssyncset.done $0x0  }
0x12a: {  	s25 =	rddreg [dreg:$0x1a];
	[sflag:s29] =	ssyncadd.s32 $0xFFFFF400  }
0x12b: {  	[tilespmem:s28], [sflag:$0x7] =	stream.linear.gather [spmem:s25], $0xC00, $0x38;
	[tilespmem:$0xBF00] =	vst v63  }
0x12c: {  	_ =	swait.ge [sflag:s29], $0xC00  }
0x12d: {  	[sflag:s29] =	ssyncset.done $0x0  }
0x12e: {  	s22 =	rddreg [dreg:$0xf];
	[sflag:s29] =	ssyncadd.s32 $0xFFFFF400  }
0x12f: {  	[hbm4b:s22+s3] =	stream.linear.scatter [tilespmem:s28], [sflag:$0x7], $0xC00, $0x38;
	[tilespmem:$0xBF00] =	vst v63  }
0x130: {  	_ =	swait.ge [sflag:s29], $0xC00  }
0x131: {  	[sflag:s29] =	ssyncset.done $0x0  }
0x132: {  	s22 =	rddreg [dreg:$0x1b];
	[sflag:s29] =	ssyncadd.s32 $0xFFFFF400  }
0x133: {  	[tilespmem:s28], [sflag:$0x7] =	stream.linear.gather [spmem:s22], $0xC00, $0x38;
	[tilespmem:$0xBF00] =	vst v63  }
0x134: {  	_ =	swait.ge [sflag:s29], $0xC00  }
0x135: {  	[sflag:s29] =	ssyncset.done $0x0  }
0x136: {  	s24 =	rddreg [dreg:$0x10];
	[sflag:s29] =	ssyncadd.s32 $0xFFFFF400  }
0x137: {  	[hbm4b:s24+s3] =	stream.linear.scatter [tilespmem:s28], [sflag:$0x7], $0xC00, $0x38;
	[tilespmem:$0xBF00] =	vst v63  }
0x138: {  	_ =	swait.ge [sflag:s29], $0xC00  }
0x139: {  	[sflag:s29] =	ssyncset.done $0x0  }
0x13a: {  	s24 =	rddreg [dreg:$0x1c];
	[sflag:s29] =	ssyncadd.s32 $0xFFFFF400  }
0x13b: {  	[tilespmem:s28], [sflag:$0x7] =	stream.linear.gather [spmem:s24], $0xC00, $0x38;
	[tilespmem:$0xBF00] =	vst v63  }
0x13c: {  	_ =	swait.ge [sflag:s29], $0xC00  }
0x13d: {  	[sflag:s29] =	ssyncset.done $0x0  }
0x13e: {  	s25 =	rddreg [dreg:$0x11];
	[sflag:s29] =	ssyncadd.s32 $0xFFFFF400  }
0x13f: {  	[hbm4b:s25+s3] =	stream.linear.scatter [tilespmem:s28], [sflag:$0x7], $0xC00, $0x38;
	[tilespmem:$0xBF00] =	vst v63  }
0x140: {  	_ =	swait.ge [sflag:s29], $0xC00  }
0x141: {  	s25 =	rddreg [dreg:$0x1e]  }
0x142: {  	s23 =	rddreg [dreg:$0x1d];
	s25 =	sadd.s32 $0x1, s25  }
0x143: {  	p0 =	sne.s32 s25, s23  }
.Ltmp1:
0x144: {  	_ = 	snop;
	(pc) =	sbr.rel @p0 .LBB2_1-.Ltmp1, $3  }
0x145: {  	_ =	sdelay $0x1  }
0x146: {  	[sflag:s29] =	ssyncset.done $0x0;
	[dreg:$0x1e] =	wrdreg s25  }
0x147: {  	[sflag:s29] =	ssyncadd.s32 $0xFFFFF400;
	s25 =	rddreg [dreg:$0x13]  }
0x148: {  	_ =	sfence.sel $0x180000  }
0x149: {  	[bflag:$0x0] =	sbarrier.arrive $0xFFFF  }
0x14a: {  	_ =	strace $0x9000004D  }
0x14b: {  	s0 =	stileid.u32;
	[bflag:$0x2] =	sbarrier.arrive $0xFFFF  }
0x14c: {  	p0 =	sne.s32 s0, $0x0;
	s0 =	rddreg [dreg:$0x3]  }
0x14d: {  	s0 =	sadd.s32 @!p0 $0x100000, s0  }
0x14e: {  	[sflag:s0] =	ssyncadd.tile.s32 @!p0 $0x1;
	_ =	shalt  }
.Lfunc_end2:
_tile_overlayer_lowered:
.L_overlay_start_2:
0x14f: {  	(tag) =	ssettag $0x2  }
0x150: {  	s0 =	rddreg [dreg:$0x0];
	s2 =	stileid.u32  }
0x151: {  	s1 =	rddreg [dreg:$0x1];
	p0 =	sne.s32 s2, $0x0  }
0x152: {  	s3 =	rddreg [dreg:$0x2];
	[bflag:$0x3] =	sbarrier.arrive $0xFFFF;
	s2 =	simm.s32 @!p0 $0x1C07  }
0x153: {  	[timem:s3], [sflag:s2] =	dma.local @!p0 [hbm:s0], s1  }
0x154: {  	s0 =	simm.s32 @!p0 $0x7  }
0x155: {  	_ =	swait.ge @!p0 [sflag:s0], s1  }
0x156: {  	s1 =	ssub.s32 @!p0 $0x0, s1;
	[sflag:s0] =	ssyncset.done @!p0 $0x0  }
0x157: {  	[sflag:s0] =	ssyncadd.s32 @!p0 s1  }
0x158: {  	[bflag:$0x3] =	sbarrier.arrive $0xFFFF  }
0x159: {  	_ =	shalt  }

// kernel: kernel.8.cloned.1.call-start
scs
__scs_entry_jumppad:
0x0: {  	(pc) =	sbr.rel $0x88, $3  }
0x1: {  	(tag) =	ssettag $0x0;
	lr =	simm.s32 $0x1  }
0x2: {  	[smem:$0x3F95] =	sst lr;
	_ =	strace $0xD0000000  }
0x3: {  	_ = 	snop  }
0x4: {  	_ = 	snop  }
0x5: {  	_ = 	snop  }
0x6: {  	_ = 	snop  }
0x7: {  	_ = 	snop  }
__scs_overlays_trampoline_lowered:
0x8: {  	[smem:$0x3FA4] =	sst s0  }
0x9: {  	[smem:$0x3FA5] =	sst s1  }
0xa: {  	[smem:$0x3FA6] =	sst s2  }
0xb: {  	[smem:$0x3FA7] =	sst s3  }
0xc: {  	[smem:$0x3FA8] =	sst s4  }
0xd: {  	[smem:$0x3FA9] =	sst s5  }
0xe: {  	[smem:$0x3FAA] =	sst s6  }
0xf: {  	[smem:$0x3FAB] =	sst s7  }
0x10: {  	[smem:$0x3FAC] =	sst s8  }
0x11: {  	[smem:$0x3FAD] =	sst s9;
	s0 =	simm.s32 @!p0 $0x0  }
0x12: {  	s1 =	sld [smem:$0x3F93];
	s0 =	simm.s32 @p0 $0x1  }
0x13: {  	[smem:$0x3FAE] =	sst s0;
	s0 =	simm.s32 @!p1 $0x0  }
0x14: {  	s2 =	sld [smem:$0x3F92];
	s0 =	simm.s32 @p1 $0x1  }
0x15: {  	[smem:$0x3FAF] =	sst s0;
	s0 =	simm.s32 @!p2 $0x0  }
0x16: {  	s3 =	sld [smem:$0x3FDB];
	s0 =	simm.s32 @p2 $0x1  }
0x17: {  	s4 =	simm.s32 $0x1BF5;
	[smem:$0x3FB1] =	sst s0  }
0x18: {  	s0 =	sld [smem:$0x3F94];
	_ =	swait.ge [sflag:s4], $0x0  }
0x19: {  	s7 =	sld [smem:$0x3F95]  }
0x1a: {  	s8 =	sadd.s32 $0xFFFFE003, lr  }
0x1b: {  	s9 =	sadd.s32 $0xFFFFFEF7, lr;
	s5 =	simm.s32 $0xFFFFFFFF;
	p2 =	slt.u32 s8, $0xFFFFF086  }
0x1c: {  	p1 =	slt.u32 s9, $0xF7A;
	s5 =	simm.s32 @!p2 $0x0  }
0x1d: {  	s5 =	simm.s32 @p1 $0x1;
	p0 =	seq.s32 s7, s2  }
0x1e: {  	s7 =	smul.u32 @!p0 $0xF7A, s2;
	p2 =	seq.s32 @!p0 s5, $0x0  }
0x1f: {  	s9 =	smul.u32 $0xF7A, s1;
	s8 =	simm.s32 @!p0 $0x1BF5;
	p2 =	por !p2, p0  }
0x20: {  	[sflag:s8] =	ssyncset.s32 @!p0 $0xFFFFF086;
	s6 =	sadd.s32 @!p0 s3, s7;
	s7 =	simm.s32 @!p0 $0x108  }
0x21: {  	s3 =	sadd.s32 s3, s9;
	s6 =	sadd.s32 @!p0 $0x88, s6;
	s7 =	simm.s32 @p2 $0x1082  }
0x22: {  	[simem:s7], [sflag:s8] =	dma.local @!p0 [hbm:s6], $0xF7A  }
0x23: {  	s9 =	sor.u32 $0xD0000000, s2;
	s6 =	simm.s32 $0x108;
	_ =	swait.ge @!p0 [sflag:s8], $0x0  }
0x24: {  	s3 =	sadd.s32 $0x88, s3;
	s6 =	simm.s32 @!p1 $0x1082;
	[sflag:s4] =	ssyncset.s32 $0xFFFFF086  }
0x25: {  	[simem:s6], [sflag:s4] =	dma.local [hbm:s3], $0xF7A  }
0x26: {  	[smem:$0x3F95] =	sst s1;
	(tag) =	ssettag s2;
	_ =	strace s9  }
0x27: {  	s1 =	sld [smem:$0x3FA5]  }
0x28: {  	s2 =	sld [smem:$0x3FA6]  }
0x29: {  	s4 =	sld [smem:$0x3FA8]  }
0x2a: {  	p0 =	seq.s32 s5, $0x0;
	s5 =	sld [smem:$0x3FA9]  }
0x2b: {  	s6 =	sld [smem:$0x3FAA]  }
0x2c: {  	s7 =	sld [smem:$0x3FAB]  }
0x2d: {  	s3 =	simm.s32 $0x108;
	s8 =	sld [smem:$0x3FAC]  }
0x2e: {  	s3 =	simm.s32 @!p0 $0x1082;
	s9 =	sld [smem:$0x3FAD]  }
0x2f: {  	lr =	sadd.s32 s0, s3;
	s0 =	sld [smem:$0x3FA4]  }
0x30: {  	s3 =	sld [smem:$0x3FA7]  }
0x31: {  	[smem:$0x3FB0] =	sst s10  }
0x32: {  	s10 =	sld [smem:$0x3FAE];
	_ =	sdelay $0x3  }
0x33: {  	p0 =	seq.s32 s10, $0x1;
	s10 =	sld [smem:$0x3FB0];
	_ =	sdelay $0x3  }
0x34: {  	[smem:$0x3FB0] =	sst s10  }
0x35: {  	s10 =	sld [smem:$0x3FAF];
	_ =	sdelay $0x3  }
0x36: {  	p1 =	seq.s32 s10, $0x1;
	s10 =	sld [smem:$0x3FB0];
	_ =	sdelay $0x3  }
0x37: {  	[smem:$0x3FB0] =	sst s10  }
0x38: {  	s10 =	sld [smem:$0x3FB1]  }
0x39: {  	_ = 	snop;
	(pc) =	sbr.ind lr, $3  }
0x3a: {  	_ = 	snop  }
0x3b: {  	_ = 	snop  }
0x3c: {  	p2 =	seq.s32 s10, $0x1;
	s10 =	sld [smem:$0x3FB0]  }
0x3d: {  	_ =	shalt  }
0x3e: {  	_ =	shalt  }
0x3f: {  	_ =	shalt  }
0x40: {  	_ =	shalt  }
0x41: {  	_ =	shalt  }
0x42: {  	_ =	shalt  }
0x43: {  	_ =	shalt  }
0x44: {  	_ =	shalt  }
0x45: {  	_ =	shalt  }
0x46: {  	_ =	shalt  }
0x47: {  	_ =	shalt  }
0x48: {  	_ =	shalt  }
0x49: {  	_ =	shalt  }
0x4a: {  	_ =	shalt  }
0x4b: {  	_ =	shalt  }
0x4c: {  	_ =	shalt  }
0x4d: {  	_ =	shalt  }
0x4e: {  	_ =	shalt  }
0x4f: {  	_ =	shalt  }
0x50: {  	_ =	shalt  }
0x51: {  	_ =	shalt  }
0x52: {  	_ =	shalt  }
0x53: {  	_ =	shalt  }
0x54: {  	_ =	shalt  }
0x55: {  	_ =	shalt  }
0x56: {  	_ =	shalt  }
0x57: {  	_ =	shalt  }
0x58: {  	_ =	shalt  }
0x59: {  	_ =	shalt  }
0x5a: {  	_ =	shalt  }
0x5b: {  	_ =	shalt  }
0x5c: {  	_ =	shalt  }
0x5d: {  	_ =	shalt  }
0x5e: {  	_ =	shalt  }
0x5f: {  	_ =	shalt  }
0x60: {  	_ =	shalt  }
0x61: {  	_ =	shalt  }
0x62: {  	_ =	shalt  }
0x63: {  	_ =	shalt  }
0x64: {  	_ =	shalt  }
0x65: {  	_ =	shalt  }
0x66: {  	_ =	shalt  }
0x67: {  	_ =	shalt  }
0x68: {  	_ =	shalt  }
0x69: {  	_ =	shalt  }
0x6a: {  	_ =	shalt  }
0x6b: {  	_ =	shalt  }
0x6c: {  	_ =	shalt  }
0x6d: {  	_ =	shalt  }
0x6e: {  	_ =	shalt  }
0x6f: {  	_ =	shalt  }
0x70: {  	_ =	shalt  }
0x71: {  	_ =	shalt  }
0x72: {  	_ =	shalt  }
0x73: {  	_ =	shalt  }
0x74: {  	_ =	shalt  }
0x75: {  	_ =	shalt  }
0x76: {  	_ =	shalt  }
0x77: {  	_ =	shalt  }
0x78: {  	_ =	shalt  }
0x79: {  	_ =	shalt  }
0x7a: {  	_ =	shalt  }
0x7b: {  	_ =	shalt  }
0x7c: {  	_ =	shalt  }
0x7d: {  	_ =	shalt  }
0x7e: {  	_ =	shalt  }
0x7f: {  	_ =	shalt  }
0x80: {  	_ =	shalt  }
0x81: {  	_ =	shalt  }
0x82: {  	_ =	shalt  }
0x83: {  	_ =	shalt  }
0x84: {  	_ =	shalt  }
0x85: {  	_ =	shalt  }
0x86: {  	_ =	shalt  }
0x87: {  	_ =	shalt  }
.Lfunc_end0:
.L_simem_size_0:
called_computation_lowered:
.L_overlay_start_0:
0x88: {  	s2 =	sld [smem:$0x3FD9]  }
0x89: {  	s3 =	sld [smem:$0x3FFE];
	_ =	sdelay $0x1  }
0x8a: {  	s1 =	srdreg.scid  }
0x8b: {  	s0 =	sand.u32 $0x1, s1  }
0x8c: {  	s17 =	sshll.u32 s0, $0xA;
	s2 =	sadd.s32 s3, s2  }
0x8d: {  	s2 =	sadd.s32 s2, s17  }
0x8e: {  	[smem:$0x3FBC] =	sst s2  }
0x8f: {  	_ = 	snop  }
0x90: {  	s2 =	sld [smem:$0x3FD0];
	(tm) =	ssettm $0x1  }
0x91: {  	s18 =	sld [smem:$0x3FFB];
	_ =	sdelay $0x3  }
0x92: {  	_ =	strace s18  }
0x93: {  	s3 =	sld [smem:$0x3FFC];
	_ =	sdelay $0x3  }
0x94: {  	_ =	strace s3  }
0x95: {  	s3 =	sld [smem:$0x3FFD];
	_ =	sdelay $0x3  }
0x96: {  	_ =	strace s3  }
0x97: {  	_ =	strace $0x8FFFFFFF  }
0x98: {  	s19 =	sld [smem:$0x3FDB];
	_ =	sdelay $0x1  }
0x99: {  	s4 =	simm.s32 $_scs_section_size  }
0x9a: {  	s5 =	simm.s32 $_size__tile_overlayer_lowered;
	s6 =	simm.s32 $_tile_overlayer_lowered  }
0x9b: {  	s22 =	simm.s32 $0x1BFF;
	s21 =	sshll.u32 s6, $0x1;
	s3 =	sadd.s32 s4, s19  }
0x9c: {  	s7 =	simm.s32 $0x0;
	s20 =	sshll.u32 s5, $0x1;
	s5 =	sadd.s32 s21, s3  }
0x9d: {  	[timem:s7], [sflag:s22] =	dma.local [hbm:s5], s20  }
0x9e: {  	_ =	swait.ge [sflag:s22], s20  }
0x9f: {  	s4 =	ssub.s32 $0x0, s20;
	[sflag:s22] =	ssyncset.done $0x0  }
0xa0: {  	[sflag:s22] =	ssyncadd.s32 s4;
	_ =	sdelay $0x1  }
0xa1: {  	s23 =	simm.s32 $0x1B8B  }
0xa2: {  	_ =	swait.ge [sflag:s23], $0x1  }
0xa3: {  	[sflag:s23] =	ssyncset.done $0x0  }
0xa4: {  	s25 =	simm.s32 $0x1B8E;
	s24 =	sld [smem:$0x3FFE];
	[sflag:s23] =	ssyncadd.s32 $0xFFFFFFFF  }
0xa5: {  	s26 =	simm.s32 $execute0_lowered;
	[smem:$0x3FD2] =	sst s25  }
0xa6: {  	s5 =	sshll.u32 s26, $0x1;
	_ =	strace $0x80000046;
	[dreg:$0x1] =	wrdreg $0xFFFFFFFF  }
0xa7: {  	s28 =	simm.s32 $_size_execute0_lowered;
	s3 =	sadd.s32 s3, s5;
	[dreg:$0x0] =	wrdreg $0x0  }
0xa8: {  	s5 =	sshll.u32 s28, $0x1;
	[dreg:$0x2] =	wrdreg s3  }
0xa9: {  	[dreg:$0x3] =	wrdreg s5  }
0xaa: {  	[dreg:$0x4] =	wrdreg $0xC0  }
0xab: {  	_ =	task [dreg:s7], $0x5FFFF  }
0xac: {  	[dreg:$0x1] =	wrdreg $0xFFFFFFFF  }
0xad: {  	[dreg:$0x0] =	wrdreg $0x60  }
0xae: {  	[dreg:$0x2] =	wrdreg s2  }
0xaf: {  	[dreg:$0x3] =	wrdreg s24  }
0xb0: {  	[dreg:$0x4] =	wrdreg $0x38000  }
0xb1: {  	[dreg:$0x5] =	wrdreg $0x9  }
0xb2: {  	_ =	task.clear_ibuf [dreg:s7], $0x6FFFF;
	_ =	strace $0x90000046  }
0xb3: {  	s29 =	simm.s32 $0x9;
	_ =	strace $0x80000048  }
0xb4: {  	_ =	swait.ge [sflag:s29], $0x1  }
0xb5: {  	[sflag:s29] =	ssyncadd.s32 $0xFFFFFFFF  }
0xb6: {  	_ =	strace $0x90000048  }
0xb7: {  	_ =	sfence  }
0xb8: {  	s30 =	sld [smem:$0x0];
	_ =	sdelay $0x2  }
0xb9: {  	s31 =	sshll.u32 s1, $0xD;
	s1 =	sshrl.u32 s1, $0x2  }
0xba: {  	s3 =	sand.u32 $0x4000, s31;
	s1 =	sadd.s32 s1, s30  }
0xbb: {  	s0 =	sor.u32 s3, s0;
	s1 =	sshll.u32 s1, $0x11  }
0xbc: {  	s0 =	sor.u32 s1, s0  }
0xbd: {  	s0 =	sadd.s32 $0x8F2B, s0  }
0xbe: {  	[sflag:s0] =	ssyncadd.remote.s32 $0x1  }
0xbf: {  	_ =	sfence.sel $0xFFFF  }
0xc0: {  	[dreg:$0x0] =	wrdreg $0xFFFFFFFF;
	(pc) =	sbr.abs _section_cstart, $3  }
0xc1: {  	[dreg:$0x1] =	wrdreg $0xFFFFFFFF  }
0xc2: {  	_ =	task.clear_ibuf [dreg:s7], $0x2FFFF;
	_ =	strace $0x9FFFFFFF  }
0xc3: {  	(tm) =	ssettm $0x7FFFFFFF  }
tec
execute0_lowered:
.L_overlay_start_1:
0x0: {  	(tag) =	ssettag $0x1  }
0x1: {  	s6 =	rddreg [dreg:$0x0]  }
0x2: {  	s7 =	rddreg [dreg:$0x1]  }
0x3: {  	s1 =	rddreg [dreg:$0x2];
	s2 =	srdreg.scid  }
0x4: {  	s0 =	rddreg [dreg:$0x3];
	s3 =	simm.s32 $0x0;
	s21 =	simm.s32 $0x80  }
0x5: {  	s22 =	simm.s32 $0x0;
	s8 =	sand.u32 $0x1, s2;
	s2 =	stileid.u32  }
0x6: {  	[smem:$0x7FF] =	sst s3;
	s5 =	sadd.s32 $0x2A00, s7;
	s16 =	sadd.s32 $0x2E00, s7  }
0x7: {  	s4 =	sshll.u32 s8, $0x4;
	_ =	strace $0x80000047;
	s11 =	smul.u32 $0x2800, s2  }
0x8: {  	s10 =	ssub.s32 $0x2, s8;
	s15 =	smul.u32 $0x28000, s8;
	s4 =	sor.u32 s2, s4  }
0x9: {  	s31 =	sshrl.u32 s10, $0x1;
	s9 =	smul.u32 $0x500, s4;
	s4 =	sadd.s32 $0x2C00, s7  }
0xa: {  	s17 =	ssub.s32 s10, s31;
	s7 =	sadd.s32 s11, s1;
	s12 =	sadd.s32 $0x800, s11  }
0xb: {  	s14 =	sadd.s32 $0x1000, s11;
	s18 =	sadd.s32 $0x1800, s11;
	s13 =	sadd.s32 s11, s15  }
0xc: {  	s19 =	sadd.s32 $0x2000, s11;
	s8 =	sadd.s32 s12, s1;
	s10 =	sadd.s32 s18, s1  }
0xd: {  	s12 =	sadd.s32 s15, s12;
	s13 =	sshrl.u32 s13, $0x3;
	s11 =	sadd.s32 s19, s1  }
0xe: {  	s18 =	sadd.s32 s15, s18;
	s17 =	smax.u32 s17, $0x1;
	s6 =	sadd.s32 s6, s9  }
0xf: {  	s9 =	sadd.s32 s14, s1;
	s20 =	sshrl.u32 s12, $0x3;
	s12 =	sadd.s32 s16, s13  }
0x10: {  	s14 =	sadd.s32 s15, s14;
	s15 =	sadd.s32 s15, s19;
	s18 =	sshrl.u32 s18, $0x3  }
0x11: {  	s13 =	sadd.s32 s16, s20;
	s14 =	sshrl.u32 s14, $0x3;
	s19 =	sshrl.u32 s15, $0x3  }
0x12: {  	s15 =	sadd.s32 s16, s18;
	s18 =	simm.s32 $0x1;
	s20 =	simm.s32 $0x3000  }
0x13: {  	s14 =	sadd.s32 s16, s14;
	s16 =	sadd.s32 s16, s19;
	s19 =	simm.s32 $0x2800  }
.LBB2_1:
0x14: {  	[tilespmem:s3], [sflag:$0x1] =	stream.linear.gather [hbm4b:s6+s3], $0x2800, $0x38;
	[tilespmem:$0x6000] =	vst v63  }
0x15: {  	_ =	swait.ge [sflag:s18], $0x2800  }
0x16: {  	[sflag:s18] =	ssyncset.done $0x0  }
0x17: {  	[sflag:s18] =	ssyncadd.s32 $0xFFFFD800  }
0x18: {  	[tilespmem:s19], [sflag:$0x1] =	stream.linear.gather [hbm4b:s4+s3], $0x800, $0x38;
	[tilespmem:$0x6000] =	vst v63  }
0x19: {  	_ =	swait.ge [sflag:s18], $0x800  }
0x1a: {  	[sflag:s18] =	ssyncset.done $0x0  }
0x1b: {  	[sflag:s18] =	ssyncadd.s32 $0xFFFFF800  }
0x1c: {  	[tilespmem:s20], [sflag:$0x1] =	stream.linear.gather [hbm4b:s5+s3], $0x800, $0x38;
	[tilespmem:$0x6000] =	vst v63  }
0x1d: {  	_ =	swait.ge [sflag:s18], $0x800  }
0x1e: {  	[sflag:s18] =	ssyncset.done $0x0  }
0x1f: {  	[sflag:s18] =	ssyncadd.s32 $0xFFFFF800  }
0x20: {  	[spmem:s7] =	stream.linear.scatter [tilespmem:s20], [sflag:$0x1], $0x800, $0x38;
	[tilespmem:$0x6000] =	vst v63  }
0x21: {  	_ =	swait.ge [sflag:s18], $0x800  }
0x22: {  	[sflag:s18] =	ssyncset.done $0x0  }
0x23: {  	[sflag:s18] =	ssyncadd.s32 $0xFFFFF800  }
0x24: {  	[spmem:s8] =	stream.linear.scatter [tilespmem:s20], [sflag:$0x1], $0x800, $0x38;
	[tilespmem:$0x6000] =	vst v63  }
0x25: {  	_ =	swait.ge [sflag:s18], $0x800  }
0x26: {  	[sflag:s18] =	ssyncset.done $0x0  }
0x27: {  	[sflag:s18] =	ssyncadd.s32 $0xFFFFF800  }
0x28: {  	[spmem:s9] =	stream.linear.scatter [tilespmem:s20], [sflag:$0x1], $0x800, $0x38;
	[tilespmem:$0x6000] =	vst v63  }
0x29: {  	_ =	swait.ge [sflag:s18], $0x800  }
0x2a: {  	[sflag:s18] =	ssyncset.done $0x0  }
0x2b: {  	[sflag:s18] =	ssyncadd.s32 $0xFFFFF800  }
0x2c: {  	[spmem:s10] =	stream.linear.scatter [tilespmem:s20], [sflag:$0x1], $0x800, $0x38;
	[tilespmem:$0x6000] =	vst v63  }
0x2d: {  	_ =	swait.ge [sflag:s18], $0x800  }
0x2e: {  	[sflag:s18] =	ssyncset.done $0x0  }
0x2f: {  	[sflag:s18] =	ssyncadd.s32 $0xFFFFF800  }
0x30: {  	[spmem:s11] =	stream.linear.scatter [tilespmem:s20], [sflag:$0x1], $0x800, $0x38;
	[tilespmem:$0x6000] =	vst v63  }
0x31: {  	_ =	swait.ge [sflag:s18], $0x800  }
0x32: {  	[sflag:s18] =	ssyncset.done $0x0  }
0x33: {  	[sflag:s18] =	ssyncadd.s32 $0xFFFFF800  }
0x34: {  	s23 =	simm.s32 $0x0;
	[bflag:$0x0] =	sbarrier.arrive $0xFFFF  }
0x35: {  	[spmem:s1] =	stream.indirect.scatter.add.f32 [tilespmem:s19], [sflag:$0x1], $0x10, s23, s21, $0xb8;
	[tilespmem:$0x6000] =	vst v63  }
0x36: {  	_ =	swait.ge [sflag:s18], $0x800  }
0x37: {  	s23 =	simm.s32 $0x200;
	[sflag:s18] =	ssyncset.done $0x0  }
.LBB2_2:
0x38: {  	s24 =	sshra.s32 s23, $0x2;
	[sflag:s18] =	ssyncadd.s32 $0xFFFFF800;
	p0 =	sne.s32 s23, $0x9E00  }
0x39: {  	[spmem:s1] =	stream.indirect.scatter.add.f32 [tilespmem:s19], [sflag:$0x1], $0x10, s24, s21, $0xb8;
	[tilespmem:$0x6000] =	vst v63  }
.Ltmp0:
0x3a: {  	_ = 	snop;
	(pc) =	sbr.rel @p0 .LBB2_2-.Ltmp0, $4  }
0x3b: {  	_ = 	snop  }
0x3c: {  	s23 =	sadd.s32 $0x200, s23  }
0x3d: {  	_ =	swait.ge [sflag:s18], $0x800  }
0x3e: {  	[sflag:s18] =	ssyncset.done $0x0  }
0x3f: {  	[sflag:s18] =	ssyncadd.s32 $0xFFFFF800  }
0x40: {  	[bflag:$0x0] =	sbarrier.arrive $0xFFFF  }
0x41: {  	[tilespmem:s20], [sflag:$0x1] =	stream.linear.gather [spmem:s7], $0x800, $0x38;
	[tilespmem:$0x6000] =	vst v63  }
0x42: {  	_ =	swait.ge [sflag:s18], $0x800  }
0x43: {  	[sflag:s18] =	ssyncset.done $0x0  }
0x44: {  	[sflag:s18] =	ssyncadd.s32 $0xFFFFF800  }
0x45: {  	[hbm4b:s12+s3] =	stream.linear.scatter [tilespmem:s20], [sflag:$0x1], $0x800, $0x38;
	[tilespmem:$0x6000] =	vst v63  }
0x46: {  	_ =	swait.ge [sflag:s18], $0x800  }
0x47: {  	[sflag:s18] =	ssyncset.done $0x0  }
0x48: {  	[sflag:s18] =	ssyncadd.s32 $0xFFFFF800  }
0x49: {  	[tilespmem:s20], [sflag:$0x1] =	stream.linear.gather [spmem:s8], $0x800, $0x38;
	[tilespmem:$0x6000] =	vst v63  }
0x4a: {  	_ =	swait.ge [sflag:s18], $0x800  }
0x4b: {  	[sflag:s18] =	ssyncset.done $0x0  }
0x4c: {  	[sflag:s18] =	ssyncadd.s32 $0xFFFFF800  }
0x4d: {  	[hbm4b:s13+s3] =	stream.linear.scatter [tilespmem:s20], [sflag:$0x1], $0x800, $0x38;
	[tilespmem:$0x6000] =	vst v63  }
0x4e: {  	_ =	swait.ge [sflag:s18], $0x800  }
0x4f: {  	[sflag:s18] =	ssyncset.done $0x0  }
0x50: {  	[sflag:s18] =	ssyncadd.s32 $0xFFFFF800  }
0x51: {  	[tilespmem:s20], [sflag:$0x1] =	stream.linear.gather [spmem:s9], $0x800, $0x38;
	[tilespmem:$0x6000] =	vst v63  }
0x52: {  	_ =	swait.ge [sflag:s18], $0x800  }
0x53: {  	[sflag:s18] =	ssyncset.done $0x0  }
0x54: {  	[sflag:s18] =	ssyncadd.s32 $0xFFFFF800  }
0x55: {  	[hbm4b:s14+s3] =	stream.linear.scatter [tilespmem:s20], [sflag:$0x1], $0x800, $0x38;
	[tilespmem:$0x6000] =	vst v63  }
0x56: {  	_ =	swait.ge [sflag:s18], $0x800  }
0x57: {  	[sflag:s18] =	ssyncset.done $0x0  }
0x58: {  	[sflag:s18] =	ssyncadd.s32 $0xFFFFF800  }
0x59: {  	[tilespmem:s20], [sflag:$0x1] =	stream.linear.gather [spmem:s10], $0x800, $0x38;
	[tilespmem:$0x6000] =	vst v63  }
0x5a: {  	_ =	swait.ge [sflag:s18], $0x800  }
0x5b: {  	[sflag:s18] =	ssyncset.done $0x0  }
0x5c: {  	[sflag:s18] =	ssyncadd.s32 $0xFFFFF800  }
0x5d: {  	[hbm4b:s15+s3] =	stream.linear.scatter [tilespmem:s20], [sflag:$0x1], $0x800, $0x38;
	[tilespmem:$0x6000] =	vst v63  }
0x5e: {  	_ =	swait.ge [sflag:s18], $0x800  }
0x5f: {  	[sflag:s18] =	ssyncset.done $0x0  }
0x60: {  	[sflag:s18] =	ssyncadd.s32 $0xFFFFF800  }
0x61: {  	[tilespmem:s20], [sflag:$0x1] =	stream.linear.gather [spmem:s11], $0x800, $0x38;
	[tilespmem:$0x6000] =	vst v63  }
0x62: {  	s22 =	sadd.s32 $0x1, s22;
	_ =	swait.ge [sflag:s18], $0x800  }
0x63: {  	p0 =	sne.s32 s22, s17;
	[sflag:s18] =	ssyncset.done $0x0  }
.Ltmp1:
0x64: {  	[sflag:s18] =	ssyncadd.s32 $0xFFFFF800;
	(pc) =	sbr.rel @p0 .LBB2_1-.Ltmp1, $4  }
0x65: {  	[hbm4b:s16+s3] =	stream.linear.scatter [tilespmem:s20], [sflag:$0x1], $0x800, $0x38;
	[tilespmem:$0x6000] =	vst v63  }
0x66: {  	_ =	swait.ge [sflag:s18], $0x800  }
0x67: {  	[sflag:s18] =	ssyncset.done $0x0  }
0x68: {  	[sflag:s18] =	ssyncadd.s32 $0xFFFFF800  }
0x69: {  	_ =	sfence.sel $0x180000  }
0x6a: {  	[bflag:$0x0] =	sbarrier.arrive $0xFFFF  }
0x6b: {  	p0 =	sne.s32 s2, $0x0;
	_ =	strace $0x90000047  }
0x6c: {  	s0 =	sadd.s32 @!p0 $0x100000, s0;
	[bflag:$0x2] =	sbarrier.arrive $0xFFFF  }
0x6d: {  	[sflag:s0] =	ssyncadd.tile.s32 @!p0 $0x1;
	_ =	shalt  }
.Lfunc_end2:
_tile_overlayer_lowered:
.L_overlay_start_2:
0x6e: {  	(tag) =	ssettag $0x2  }
0x6f: {  	s0 =	rddreg [dreg:$0x0];
	s2 =	stileid.u32  }
0x70: {  	s1 =	rddreg [dreg:$0x1];
	p0 =	sne.s32 s2, $0x0  }
0x71: {  	s3 =	rddreg [dreg:$0x2];
	[bflag:$0x3] =	sbarrier.arrive $0xFFFF;
	s2 =	simm.s32 @!p0 $0x1C01  }
0x72: {  	[timem:s3], [sflag:s2] =	dma.local @!p0 [hbm:s0], s1  }
0x73: {  	s0 =	simm.s32 @!p0 $0x1  }
0x74: {  	_ =	swait.ge @!p0 [sflag:s0], s1  }
0x75: {  	s1 =	ssub.s32 @!p0 $0x0, s1;
	[sflag:s0] =	ssyncset.done @!p0 $0x0  }
0x76: {  	[sflag:s0] =	ssyncadd.s32 @!p0 s1  }
0x77: {  	[bflag:$0x3] =	sbarrier.arrive $0xFFFF  }
0x78: {  	_ =	shalt  }

</sc_bundles>
